<compile_context>
chip_gen: v7x
topology: tpu7x:2x2x1
jax: 0.10.2.dev20260603
libtpu: 0.0.44.dev20260713+nightly
codegen_flags: <defaults>
</compile_context>

<pallas_src>
import functools

import jax
import jax.numpy as jnp
from jax import lax
from jax.experimental import pallas as pl
from jax.experimental.pallas import tpu as pltpu
from jax.experimental.pallas import tpu_sc as plsc

N = 10000
E = 320000
D = 128
OUT = 128
CAT = D * 2 * 3

NC = 2
NS = 16
LANES = 16

NPAD = 10240
ROWS_PER_TILE = NPAD // NS
CHUNK = 128
NCH = 160
IB = 16
NB = NCH // IB
EPAD = NS * NCH * CHUNK
DUMMY = NPAD - 1

_mesh = functools.partial(
    plsc.VectorSubcoreMesh,
    core_axis_name="c", subcore_axis_name="s",
    num_cores=NC, num_subcores=NS,
)



def _sc_degrees(src_r, dst_r):

    @functools.partial(
        pl.kernel,
        out_type=(jax.ShapeDtypeStruct((NPAD,), jnp.float32),
                  jax.ShapeDtypeStruct((NPAD,), jnp.float32)),
        mesh=_mesh(),
        scratch_types=[
            pltpu.VMEM((NCH, CHUNK), jnp.int32),
            pltpu.VMEM((CHUNK,), jnp.float32),
            pltpu.VMEM((ROWS_PER_TILE,), jnp.float32),
            pltpu.VMEM_SHARED((NPAD,), jnp.float32),
        ],
    )
    def k(src_hbm, dst_hbm, dego_hbm, degi_hbm, idx_v, ones_v, zer_v, acc_sh):
        c = lax.axis_index("c")
        s = lax.axis_index("s")

        def fill(ref, n, val):
            def body(i, _):
                ref[pl.ds(i * LANES, LANES)] = jnp.full((LANES,), val, jnp.float32)
                return 0
            lax.fori_loop(0, n // LANES, body, 0)

        fill(ones_v, CHUNK, 1.0)
        fill(zer_v, ROWS_PER_TILE, 0.0)

        def side(idx_hbm, out_hbm):
            pltpu.sync_copy(idx_hbm.at[s], idx_v)
            pltpu.sync_copy(zer_v, acc_sh.at[pl.ds(s * ROWS_PER_TILE, ROWS_PER_TILE)])
            plsc.subcore_barrier()

            def body(j, _):
                pltpu.sync_copy(ones_v, acc_sh.at[idx_v.at[j]], add=True)
                return 0
            lax.fori_loop(0, NCH, body, 0)
            plsc.subcore_barrier()
            sl = pl.ds(s * ROWS_PER_TILE, ROWS_PER_TILE)
            pltpu.sync_copy(acc_sh.at[sl], out_hbm.at[sl])

        @pl.when(c == 0)
        def _():
            side(src_hbm, dego_hbm)

        @pl.when(c == 1)
        def _():
            side(dst_hbm, degi_hbm)

    return k(src_r, dst_r)


def _sc_hop(ta, tb, src_r, dst_r):

    @functools.partial(
        pl.kernel,
        out_type=(jax.ShapeDtypeStruct((NPAD, D), jnp.float32),
                  jax.ShapeDtypeStruct((NPAD, D), jnp.float32)),
        mesh=_mesh(),
        scratch_types=[
            pltpu.VMEM((IB, CHUNK), jnp.int32),
            pltpu.VMEM((IB, CHUNK), jnp.int32),
            pltpu.VMEM((CHUNK, D), jnp.float32),
            pltpu.VMEM((CHUNK, D), jnp.float32),
            pltpu.SemaphoreType.DMA,
            pltpu.SemaphoreType.DMA,
            pltpu.SemaphoreType.DMA,
            pltpu.SemaphoreType.DMA,
            pltpu.VMEM_SHARED((NPAD, D), jnp.float32),
        ],
    )
    def k(ta_hbm, tb_hbm, src_hbm, dst_hbm, outf_hbm, outr_hbm,
          idxg_v, idxs_v, rows_a, rows_b, sem_a, sem_b, sem_sa, sem_sb, acc_sh):
        c = lax.axis_index("c")
        s = lax.axis_index("s")

        def side(table, out, gslab, sslab):
            def zbody(i, _):
                for jj in range(D // LANES):
                    rows_a[i, pl.ds(jj * LANES, LANES)] = jnp.zeros((LANES,), jnp.float32)
                return 0
            lax.fori_loop(0, CHUNK, zbody, 0)
            for r in range(ROWS_PER_TILE // CHUNK):
                pltpu.sync_copy(
                    rows_a, acc_sh.at[pl.ds(s * ROWS_PER_TILE + r * CHUNK, CHUNK)])
            plsc.subcore_barrier()

            def gath(j, buf, sem):
                pltpu.async_copy(table.at[idxg_v.at[j]], buf, sem)

            def scat(j, buf, sem):
                pltpu.make_async_copy(table.at[idxg_v.at[j]], buf, sem).wait()
                pltpu.sync_copy(buf, acc_sh.at[idxs_v.at[j]], add=True)

            def blk(nb, _):
                pltpu.sync_copy(gslab.at[s, pl.ds(nb * IB, IB)], idxg_v)
                pltpu.sync_copy(sslab.at[s, pl.ds(nb * IB, IB)], idxs_v)
                gath(0, rows_a, sem_a)

                def pair(p, _):
                    gath(2 * p + 1, rows_b, sem_b)
                    scat(2 * p, rows_a, sem_a)
                    gath(2 * p + 2, rows_a, sem_a)
                    scat(2 * p + 1, rows_b, sem_b)
                    return 0
                lax.fori_loop(0, IB // 2 - 1, pair, 0)
                gath(IB - 1, rows_b, sem_b)
                scat(IB - 2, rows_a, sem_a)
                scat(IB - 1, rows_b, sem_b)
                return 0
            lax.fori_loop(0, NB, blk, 0)
            plsc.subcore_barrier()
            sl = pl.ds(s * ROWS_PER_TILE, ROWS_PER_TILE)
            pltpu.sync_copy(acc_sh.at[sl], out.at[sl])

        @pl.when(c == 0)
        def _():
            side(ta_hbm, outf_hbm, src_hbm, dst_hbm)

        @pl.when(c == 1)
        def _():
            side(tb_hbm, outr_hbm, dst_hbm, src_hbm)

    return k(ta, tb, src_r, dst_r)



_BLK = 512


def _row_spec():
    return pl.BlockSpec((_BLK, D), lambda i: (i, 0))


def _deg_spec():
    return pl.BlockSpec((_BLK, 1), lambda i: (i, 0))


def _tc_scale_pre(x_pad, dego, degi):
    def body(x_ref, do_ref, di_ref, ta_ref, tb_ref):
        a = lax.rsqrt(jnp.maximum(do_ref[...], 1.0))
        b = lax.rsqrt(jnp.maximum(di_ref[...], 1.0))
        x = x_ref[...]
        ta_ref[...] = x * a
        tb_ref[...] = x * b

    return pl.pallas_call(
        body,
        grid=(NPAD // _BLK,),
        in_specs=[_row_spec(), _deg_spec(), _deg_spec()],
        out_specs=[_row_spec(), _row_spec()],
        out_shape=[jax.ShapeDtypeStruct((NPAD, D), jnp.float32)] * 2,
    )(x_pad, dego, degi)


def _tc_scale_mid(raw1, raw1r, dego, degi):
    def body(r1_ref, r1r_ref, do_ref, di_ref, t1_ref, t1r_ref):
        a = lax.rsqrt(jnp.maximum(do_ref[...], 1.0))
        b = lax.rsqrt(jnp.maximum(di_ref[...], 1.0))
        ab = a * b
        t1_ref[...] = r1_ref[...] * ab
        t1r_ref[...] = r1r_ref[...] * ab

    return pl.pallas_call(
        body,
        grid=(NPAD // _BLK,),
        in_specs=[_row_spec(), _row_spec(), _deg_spec(), _deg_spec()],
        out_specs=[_row_spec(), _row_spec()],
        out_shape=[jax.ShapeDtypeStruct((NPAD, D), jnp.float32)] * 2,
    )(raw1, raw1r, dego, degi)


def _tc_final(x_pad, raw1, raw2, raw1r, raw2r, dego, degi, Wt, bias):
    def body(x_ref, r1_ref, r2_ref, r1r_ref, r2r_ref, do_ref, di_ref,
             wt_ref, b_ref, o_ref):
        a = lax.rsqrt(jnp.maximum(do_ref[...], 1.0))
        b = lax.rsqrt(jnp.maximum(di_ref[...], 1.0))
        wt = wt_ref[...]
        f32 = jnp.float32
        hi = lax.Precision.HIGHEST

        def dot(u, v):
            return jnp.dot(u, v, preferred_element_type=f32, precision=hi)

        acc = dot(x_ref[...], wt[0:D] + wt[3 * D:4 * D])
        acc += dot(r1_ref[...] * b, wt[D:2 * D])
        acc += dot(r2_ref[...] * b, wt[2 * D:3 * D])
        acc += dot(r1r_ref[...] * a, wt[4 * D:5 * D])
        acc += dot(r2r_ref[...] * a, wt[5 * D:6 * D])
        o_ref[...] = acc + b_ref[...]

    return pl.pallas_call(
        body,
        grid=(NPAD // _BLK,),
        in_specs=[_row_spec(), _row_spec(), _row_spec(), _row_spec(), _row_spec(),
                  _deg_spec(), _deg_spec(),
                  pl.BlockSpec((CAT, OUT), lambda i: (0, 0)),
                  pl.BlockSpec((1, OUT), lambda i: (0, 0))],
        out_specs=_row_spec(),
        out_shape=jax.ShapeDtypeStruct((NPAD, D), jnp.float32),
    )(x_pad, raw1, raw2, raw1r, raw2r, dego, degi, Wt, bias)



def kernel(feature, edge_index, W, b):
    src = edge_index[0]
    dst = edge_index[1]
    pad = jnp.full((EPAD - E,), DUMMY, jnp.int32)
    src_r = jnp.concatenate([src, pad]).reshape(NS, NCH, CHUNK)
    dst_r = jnp.concatenate([dst, pad]).reshape(NS, NCH, CHUNK)
    x_pad = jnp.pad(feature, ((0, NPAD - N), (0, 0)))

    dego, degi = _sc_degrees(src_r, dst_r)
    dego = dego.reshape(NPAD, 1)
    degi = degi.reshape(NPAD, 1)

    ta, tb = _tc_scale_pre(x_pad, dego, degi)
    raw1, raw1r = _sc_hop(ta, tb, src_r, dst_r)
    t1, t1r = _tc_scale_mid(raw1, raw1r, dego, degi)
    raw2, raw2r = _sc_hop(t1, t1r, src_r, dst_r)

    out_pad = _tc_final(x_pad, raw1, raw2, raw1r, raw2r, dego, degi,
                        W.T, b.reshape(1, OUT))
    return out_pad[:N]

# --- scband reference (transcript-rebuilt; emitter-appended) ---
"""Pipeline reference for scband-lgcndirected-67336497266900 (READ-ONLY COPY).

The authoritative reference and input builder live on the scoring server;
editing this copy changes nothing except your own understanding.
"""

import jax, jax.numpy as jnp
import numpy as np

N = 10000
E = 320000
D = 128
K = 2
OUT = 128
CAT = D * 2 * (K + 1)


def setup_inputs(seed: int = 0) -> dict:
    key = jax.random.key(seed)
    k1, k2, k3 = jax.random.split(key, 3)
    feature = jax.random.normal(k1, (N, D), dtype=jnp.float32)
    edge_index = jax.random.randint(k2, (2, E), 0, N, dtype=jnp.int32)
    # torch.nn.Linear(input_size*2*(K+1), output_size): weight [out, in], bias [out]
    bound = 1.0 / np.sqrt(CAT)
    W = jax.random.uniform(k3, (OUT, CAT), dtype=jnp.float32, minval=-bound, maxval=bound)
    b = jnp.zeros((OUT,), dtype=jnp.float32)
    return {"feature": feature, "edge_index": edge_index, "W": W, "b": b}


def _prop_hops(x, src, dst):
    # DirectedUnweighted: LightGCN-style K-hop propagation along directed edges,
    # normalized by sqrt(out-degree of src) * sqrt(in-degree of dst).
    ones = jnp.ones(src.shape[0], dtype=x.dtype)
    deg_out = jax.ops.segment_sum(ones, src, num_segments=N)
    deg_in = jax.ops.segment_sum(ones, dst, num_segments=N)
    norm = 1.0 / jnp.sqrt(jnp.maximum(deg_out[src], 1.0) * jnp.maximum(deg_in[dst], 1.0))
    hops = [x]
    h = x
    for _ in range(K):
        msg = h[src] * norm[:, None]
        h = jax.ops.segment_sum(msg, dst, num_segments=N)
        hops.append(h)
    return hops


def reference(feature, edge_index, W, b):
    src = edge_index[0]
    dst = edge_index[1]
    hs_fwd = _prop_hops(feature, src, dst)   # along edge direction
    hs_rev = _prop_hops(feature, dst, src)   # against edge direction
    z = jnp.concatenate(hs_fwd + hs_rev, axis=1)  # [N, D*2*(K+1)]
    out = z @ W.T + b
    return out

if __name__ == "__main__":
    import jax
    _d = setup_inputs()
    print(jax.jit(kernel)(*tuple(_d.values())))

</pallas_src>

<mosaic_0001>
#map = affine_map<(d0, d1) -> (0, 0, 0)>
#map1 = affine_map<(d0, d1) -> (0)>
module attributes {stable_mosaic.version = 14 : i64} {
  func.func @k(%arg0: i32, %arg1: i32, %arg2: memref<16x160x128xi32, #tpu.memory_space<hbm>>, %arg3: memref<16x160x128xi32, #tpu.memory_space<hbm>>, %arg4: memref<10240xf32, #tpu.memory_space<hbm>>, %arg5: memref<10240xf32, #tpu.memory_space<hbm>>, %arg6: memref<160x128xi32, #tpu.memory_space<vmem>>, %arg7: memref<128xf32, #tpu.memory_space<vmem>>, %arg8: memref<640xf32, #tpu.memory_space<vmem>>, %arg9: memref<10240xf32, #tpu.memory_space<vmem_shared>>) attributes {dimension_semantics = [#tpu.dimension_semantics<core_parallel>, #tpu.dimension_semantics<subcore_parallel>], iteration_bounds = array<i64: 2, 16>, scalar_prefetch = 0 : i64, scratch_operands = 4 : i64, tpu.core_type = #tpu.core_type<sc_vector_subcore>, window_params = [{transform_indices = #map}, {transform_indices = #map}, {transform_indices = #map1}, {transform_indices = #map1}]} {
    %scan3A = arith.constant 0 : i32
    %scan3A_0 = arith.constant 0 : i32
    %scan3A_1 = arith.constant 8 : i32
    %scan3A_2 = arith.addi %scan3A_0, %scan3A_1 : i32
    %scan3A_3 = arith.constant 1 : i32
    %scan3A_4 = scf.for %scan3A_20 = %scan3A_0 to %scan3A_2 step %scan3A_3 iter_args(%scan3A_21 = %scan3A) -> (i32)  : i32 {
      %broadcast_in_dim3A = arith.constant 1.000000e+00 : f32
      %broadcast_in_dim3A_22 = vector.broadcast %broadcast_in_dim3A : f32 to vector<16xf32>
      %mul3A = arith.constant 16 : i32
      %mul3A_23 = arith.muli %scan3A_20, %mul3A : i32
      %swap3A = arith.index_cast %mul3A_23 : i32 to index
      %swap3A_24 = tpu.vector_load %arg7[%swap3A] {strides = array<i32>} : memref<128xf32, #tpu.memory_space<vmem>>, vector<16xf32>,
      %swap3A_25 = vector.shape_cast %swap3A_24 : vector<16xf32> to vector<16xf32>
      %swap3A_26 = vector.shape_cast %broadcast_in_dim3A_22 : vector<16xf32> to vector<16xf32>
      tpu.vector_store %arg7[%swap3A], %swap3A_26 {strides = array<i32>} : memref<128xf32, #tpu.memory_space<vmem>>, vector<16xf32>,
      %scan3A_27 = arith.constant 0 : i32
      scf.yield %scan3A_27 : i32
    }
    %scan3A_5 = arith.constant 8 : i32
    %scan3A_6 = arith.constant 0 : i32
    %scan3A_7 = arith.constant 0 : i32
    %scan3A_8 = arith.constant 40 : i32
    %scan3A_9 = arith.addi %scan3A_7, %scan3A_8 : i32
    %scan3A_10 = arith.constant 1 : i32
    %scan3A_11 = scf.for %scan3A_20 = %scan3A_7 to %scan3A_9 step %scan3A_10 iter_args(%scan3A_21 = %scan3A_6) -> (i32)  : i32 {
      %broadcast_in_dim3A = arith.constant 0.000000e+00 : f32
      %broadcast_in_dim3A_22 = vector.broadcast %broadcast_in_dim3A : f32 to vector<16xf32>
      %mul3A = arith.constant 16 : i32
      %mul3A_23 = arith.muli %scan3A_20, %mul3A : i32
      %swap3A = arith.index_cast %mul3A_23 : i32 to index
      %swap3A_24 = tpu.vector_load %arg8[%swap3A] {strides = array<i32>} : memref<640xf32, #tpu.memory_space<vmem>>, vector<16xf32>,
      %swap3A_25 = vector.shape_cast %swap3A_24 : vector<16xf32> to vector<16xf32>
      %swap3A_26 = vector.shape_cast %broadcast_in_dim3A_22 : vector<16xf32> to vector<16xf32>
      tpu.vector_store %arg8[%swap3A], %swap3A_26 {strides = array<i32>} : memref<640xf32, #tpu.memory_space<vmem>>, vector<16xf32>,
      %scan3A_27 = arith.constant 0 : i32
      scf.yield %scan3A_27 : i32
    }
    %scan3A_12 = arith.constant 40 : i32
    %eq3A = arith.constant 0 : i32
    %eq3A_13 = arith.cmpi eq, %arg0, %eq3A : i32
    %convert_element_type3A = arith.extui %eq3A_13 : i1 to i32
    %cond3A = arith.constant 0 : i32
    %cond3A_14 = arith.cmpi ne, %convert_element_type3A, %cond3A : i32
    scf.if %cond3A_14 {
      "tpu.region"() ({
        %run_scoped3A = tpu.sem_alloc : memref<!tpu.dma_semaphore, #tpu.memory_space<semaphore_mem>>
        %dma_start3A = arith.constant 0 : i32
        %dma_start3A_31 = arith.constant 0 : i32
        %dma_start3A_32 = tpu.memref_slice %arg2[%arg1, %dma_start3A, %dma_start3A_31] : memref<16x160x128xi32, #tpu.memory_space<hbm>> -> memref<1x160x128xi32, #tpu.memory_space<hbm>>
        %dma_start3A_33 = tpu.memref_squeeze %dma_start3A_32 : memref<1x160x128xi32, #tpu.memory_space<hbm>> -> memref<160x128xi32, #tpu.memory_space<hbm>>
        %dma_start3A_34 = arith.constant 0 : i32
        %dma_start3A_35 = arith.constant 0 : i32
        %dma_start3A_36 = tpu.memref_slice %arg2[%arg1, %dma_start3A_34, %dma_start3A_35] : memref<16x160x128xi32, #tpu.memory_space<hbm>> -> memref<1x160x128xi32, #tpu.memory_space<hbm>>
        %dma_start3A_37 = tpu.memref_squeeze %dma_start3A_36 : memref<1x160x128xi32, #tpu.memory_space<hbm>> -> memref<160x128xi32, #tpu.memory_space<hbm>>
        tpu.enqueue_dma source(%dma_start3A_37 : memref<160x128xi32, #tpu.memory_space<hbm>>) target(%arg6 : memref<160x128xi32, #tpu.memory_space<vmem>>) target_semaphore(%run_scoped3A : memref<!tpu.dma_semaphore, #tpu.memory_space<semaphore_mem>>)
        %dma_wait3A = arith.constant 0 : i32
        %dma_wait3A_38 = arith.constant 0 : i32
        %dma_wait3A_39 = tpu.memref_slice %arg2[%arg1, %dma_wait3A, %dma_wait3A_38] : memref<16x160x128xi32, #tpu.memory_space<hbm>> -> memref<1x160x128xi32, #tpu.memory_space<hbm>>
        %dma_wait3A_40 = tpu.memref_squeeze %dma_wait3A_39 : memref<1x160x128xi32, #tpu.memory_space<hbm>> -> memref<160x128xi32, #tpu.memory_space<hbm>>
        %dma_wait3A_41 = arith.constant 0 : i32
        %dma_wait3A_42 = arith.constant 0 : i32
        %dma_wait3A_43 = tpu.memref_slice %arg2[%arg1, %dma_wait3A_41, %dma_wait3A_42] : memref<16x160x128xi32, #tpu.memory_space<hbm>> -> memref<1x160x128xi32, #tpu.memory_space<hbm>>
        %dma_wait3A_44 = tpu.memref_squeeze %dma_wait3A_43 : memref<1x160x128xi32, #tpu.memory_space<hbm>> -> memref<160x128xi32, #tpu.memory_space<hbm>>
        tpu.wait_dma2 semaphore(%run_scoped3A : memref<!tpu.dma_semaphore, #tpu.memory_space<semaphore_mem>>) src(%dma_wait3A_44 : memref<160x128xi32, #tpu.memory_space<hbm>>) dst(%arg6 : memref<160x128xi32, #tpu.memory_space<vmem>>)
        tpu.yield
      }) : () -> ()
      %mul3A = arith.constant 640 : i32
      %mul3A_20 = arith.muli %arg1, %mul3A : i32
      "tpu.region"() ({
        %run_scoped3A = tpu.sem_alloc : memref<!tpu.dma_semaphore, #tpu.memory_space<semaphore_mem>>
        %dma_start3A = tpu.memref_slice %arg9[%mul3A_20] : memref<10240xf32, #tpu.memory_space<vmem_shared>> -> memref<640xf32, #tpu.memory_space<vmem_shared>>
        %dma_start3A_31 = tpu.memref_slice %arg9[%mul3A_20] : memref<10240xf32, #tpu.memory_space<vmem_shared>> -> memref<640xf32, #tpu.memory_space<vmem_shared>>
        tpu.enqueue_dma source(%arg8 : memref<640xf32, #tpu.memory_space<vmem>>) target(%dma_start3A_31 : memref<640xf32, #tpu.memory_space<vmem_shared>>) target_semaphore(%run_scoped3A : memref<!tpu.dma_semaphore, #tpu.memory_space<semaphore_mem>>)
        %dma_wait3A = tpu.memref_slice %arg9[%mul3A_20] : memref<10240xf32, #tpu.memory_space<vmem_shared>> -> memref<640xf32, #tpu.memory_space<vmem_shared>>
        %dma_wait3A_32 = tpu.memref_slice %arg9[%mul3A_20] : memref<10240xf32, #tpu.memory_space<vmem_shared>> -> memref<640xf32, #tpu.memory_space<vmem_shared>>
        tpu.wait_dma2 semaphore(%run_scoped3A : memref<!tpu.dma_semaphore, #tpu.memory_space<semaphore_mem>>) src(%arg8 : memref<640xf32, #tpu.memory_space<vmem>>) dst(%dma_wait3A_32 : memref<640xf32, #tpu.memory_space<vmem_shared>>)
        tpu.yield
      }) : () -> ()
      %barrier3A = arith.constant 0 : index
      tpu.barrier barrier_id(%barrier3A)
      %scan3A_21 = arith.constant 0 : i32
      %scan3A_22 = arith.constant 0 : i32
      %scan3A_23 = arith.constant 160 : i32
      %scan3A_24 = arith.addi %scan3A_22, %scan3A_23 : i32
      %scan3A_25 = arith.constant 1 : i32
      %scan3A_26 = scf.for %scan3A_31 = %scan3A_22 to %scan3A_24 step %scan3A_25 iter_args(%scan3A_32 = %scan3A_21) -> (i32)  : i32 {
        "tpu.region"() ({
          %run_scoped3A = tpu.sem_alloc : memref<!tpu.dma_semaphore, #tpu.memory_space<semaphore_mem>>
          %dma_start3A = arith.constant 0 : i32
          %dma_start3A_34 = tpu.memref_slice %arg6[%scan3A_31, %dma_start3A] : memref<160x128xi32, #tpu.memory_space<vmem>> -> memref<1x128xi32, #tpu.memory_space<vmem>>
          %dma_start3A_35 = tpu.memref_squeeze %dma_start3A_34 : memref<1x128xi32, #tpu.memory_space<vmem>> -> memref<128xi32, #tpu.memory_space<vmem>>
          %dma_start3A_36 = arith.constant 0 : i32
          %dma_start3A_37 = tpu.memref_slice %arg9[%dma_start3A_36] : memref<10240xf32, #tpu.memory_space<vmem_shared>> -> memref<10240xf32, #tpu.memory_space<vmem_shared>>
          tpu.enqueue_indirect_dma source(%arg7 : memref<128xf32, #tpu.memory_space<vmem>>) target(%dma_start3A_37 : memref<10240xf32, #tpu.memory_space<vmem_shared>>) offsets(%dma_start3A_35 : memref<128xi32, #tpu.memory_space<vmem>>) semaphore(%run_scoped3A : memref<!tpu.dma_semaphore, #tpu.memory_space<semaphore_mem>>) {add = true}
          %dma_wait3A = arith.constant 0 : i32
          %dma_wait3A_38 = tpu.memref_slice %arg6[%scan3A_31, %dma_wait3A] : memref<160x128xi32, #tpu.memory_space<vmem>> -> memref<1x128xi32, #tpu.memory_space<vmem>>
          %dma_wait3A_39 = tpu.memref_squeeze %dma_wait3A_38 : memref<1x128xi32, #tpu.memory_space<vmem>> -> memref<128xi32, #tpu.memory_space<vmem>>
          %dma_wait3A_40 = arith.constant 0 : i32
          %dma_wait3A_41 = tpu.memref_slice %arg9[%dma_wait3A_40] : memref<10240xf32, #tpu.memory_space<vmem_shared>> -> memref<10240xf32, #tpu.memory_space<vmem_shared>>
          tpu.wait_indirect_dma semaphore(%run_scoped3A : memref<!tpu.dma_semaphore, #tpu.memory_space<semaphore_mem>>) src(%arg7 : memref<128xf32, #tpu.memory_space<vmem>>) dst(%dma_wait3A_41 : memref<10240xf32, #tpu.memory_space<vmem_shared>>)
          tpu.yield
        }) : () -> ()
        %scan3A_33 = arith.constant 0 : i32
        scf.yield %scan3A_33 : i32
      }
      %scan3A_27 = arith.constant 160 : i32
      %barrier3A_28 = arith.constant 0 : index
      tpu.barrier barrier_id(%barrier3A_28)
      %mul3A_29 = arith.constant 640 : i32
      %mul3A_30 = arith.muli %arg1, %mul3A_29 : i32
      "tpu.region"() ({
        %run_scoped3A = tpu.sem_alloc : memref<!tpu.dma_semaphore, #tpu.memory_space<semaphore_mem>>
        %dma_start3A = tpu.memref_slice %arg4[%mul3A_30] : memref<10240xf32, #tpu.memory_space<hbm>> -> memref<640xf32, #tpu.memory_space<hbm>>
        %dma_start3A_31 = tpu.memref_slice %arg9[%mul3A_30] : memref<10240xf32, #tpu.memory_space<vmem_shared>> -> memref<640xf32, #tpu.memory_space<vmem_shared>>
        tpu.enqueue_dma source(%dma_start3A_31 : memref<640xf32, #tpu.memory_space<vmem_shared>>) target(%dma_start3A : memref<640xf32, #tpu.memory_space<hbm>>) target_semaphore(%run_scoped3A : memref<!tpu.dma_semaphore, #tpu.memory_space<semaphore_mem>>)
        %dma_wait3A = tpu.memref_slice %arg4[%mul3A_30] : memref<10240xf32, #tpu.memory_space<hbm>> -> memref<640xf32, #tpu.memory_space<hbm>>
        %dma_wait3A_32 = tpu.memref_slice %arg9[%mul3A_30] : memref<10240xf32, #tpu.memory_space<vmem_shared>> -> memref<640xf32, #tpu.memory_space<vmem_shared>>
        tpu.wait_dma2 semaphore(%run_scoped3A : memref<!tpu.dma_semaphore, #tpu.memory_space<semaphore_mem>>) src(%dma_wait3A_32 : memref<640xf32, #tpu.memory_space<vmem_shared>>) dst(%dma_wait3A : memref<640xf32, #tpu.memory_space<hbm>>)
        tpu.yield
      }) : () -> ()
    } else {
    }
    %eq3A_15 = arith.constant 1 : i32
    %eq3A_16 = arith.cmpi eq, %arg0, %eq3A_15 : i32
    %convert_element_type3A_17 = arith.extui %eq3A_16 : i1 to i32
    %cond3A_18 = arith.constant 0 : i32
    %cond3A_19 = arith.cmpi ne, %convert_element_type3A_17, %cond3A_18 : i32
    scf.if %cond3A_19 {
      "tpu.region"() ({
        %run_scoped3A = tpu.sem_alloc : memref<!tpu.dma_semaphore, #tpu.memory_space<semaphore_mem>>
        %dma_start3A = arith.constant 0 : i32
        %dma_start3A_31 = arith.constant 0 : i32
        %dma_start3A_32 = tpu.memref_slice %arg3[%arg1, %dma_start3A, %dma_start3A_31] : memref<16x160x128xi32, #tpu.memory_space<hbm>> -> memref<1x160x128xi32, #tpu.memory_space<hbm>>
        %dma_start3A_33 = tpu.memref_squeeze %dma_start3A_32 : memref<1x160x128xi32, #tpu.memory_space<hbm>> -> memref<160x128xi32, #tpu.memory_space<hbm>>
        %dma_start3A_34 = arith.constant 0 : i32
        %dma_start3A_35 = arith.constant 0 : i32
        %dma_start3A_36 = tpu.memref_slice %arg3[%arg1, %dma_start3A_34, %dma_start3A_35] : memref<16x160x128xi32, #tpu.memory_space<hbm>> -> memref<1x160x128xi32, #tpu.memory_space<hbm>>
        %dma_start3A_37 = tpu.memref_squeeze %dma_start3A_36 : memref<1x160x128xi32, #tpu.memory_space<hbm>> -> memref<160x128xi32, #tpu.memory_space<hbm>>
        tpu.enqueue_dma source(%dma_start3A_37 : memref<160x128xi32, #tpu.memory_space<hbm>>) target(%arg6 : memref<160x128xi32, #tpu.memory_space<vmem>>) target_semaphore(%run_scoped3A : memref<!tpu.dma_semaphore, #tpu.memory_space<semaphore_mem>>)
        %dma_wait3A = arith.constant 0 : i32
        %dma_wait3A_38 = arith.constant 0 : i32
        %dma_wait3A_39 = tpu.memref_slice %arg3[%arg1, %dma_wait3A, %dma_wait3A_38] : memref<16x160x128xi32, #tpu.memory_space<hbm>> -> memref<1x160x128xi32, #tpu.memory_space<hbm>>
        %dma_wait3A_40 = tpu.memref_squeeze %dma_wait3A_39 : memref<1x160x128xi32, #tpu.memory_space<hbm>> -> memref<160x128xi32, #tpu.memory_space<hbm>>
        %dma_wait3A_41 = arith.constant 0 : i32
        %dma_wait3A_42 = arith.constant 0 : i32
        %dma_wait3A_43 = tpu.memref_slice %arg3[%arg1, %dma_wait3A_41, %dma_wait3A_42] : memref<16x160x128xi32, #tpu.memory_space<hbm>> -> memref<1x160x128xi32, #tpu.memory_space<hbm>>
        %dma_wait3A_44 = tpu.memref_squeeze %dma_wait3A_43 : memref<1x160x128xi32, #tpu.memory_space<hbm>> -> memref<160x128xi32, #tpu.memory_space<hbm>>
        tpu.wait_dma2 semaphore(%run_scoped3A : memref<!tpu.dma_semaphore, #tpu.memory_space<semaphore_mem>>) src(%dma_wait3A_44 : memref<160x128xi32, #tpu.memory_space<hbm>>) dst(%arg6 : memref<160x128xi32, #tpu.memory_space<vmem>>)
        tpu.yield
      }) : () -> ()
      %mul3A = arith.constant 640 : i32
      %mul3A_20 = arith.muli %arg1, %mul3A : i32
      "tpu.region"() ({
        %run_scoped3A = tpu.sem_alloc : memref<!tpu.dma_semaphore, #tpu.memory_space<semaphore_mem>>
        %dma_start3A = tpu.memref_slice %arg9[%mul3A_20] : memref<10240xf32, #tpu.memory_space<vmem_shared>> -> memref<640xf32, #tpu.memory_space<vmem_shared>>
        %dma_start3A_31 = tpu.memref_slice %arg9[%mul3A_20] : memref<10240xf32, #tpu.memory_space<vmem_shared>> -> memref<640xf32, #tpu.memory_space<vmem_shared>>
        tpu.enqueue_dma source(%arg8 : memref<640xf32, #tpu.memory_space<vmem>>) target(%dma_start3A_31 : memref<640xf32, #tpu.memory_space<vmem_shared>>) target_semaphore(%run_scoped3A : memref<!tpu.dma_semaphore, #tpu.memory_space<semaphore_mem>>)
        %dma_wait3A = tpu.memref_slice %arg9[%mul3A_20] : memref<10240xf32, #tpu.memory_space<vmem_shared>> -> memref<640xf32, #tpu.memory_space<vmem_shared>>
        %dma_wait3A_32 = tpu.memref_slice %arg9[%mul3A_20] : memref<10240xf32, #tpu.memory_space<vmem_shared>> -> memref<640xf32, #tpu.memory_space<vmem_shared>>
        tpu.wait_dma2 semaphore(%run_scoped3A : memref<!tpu.dma_semaphore, #tpu.memory_space<semaphore_mem>>) src(%arg8 : memref<640xf32, #tpu.memory_space<vmem>>) dst(%dma_wait3A_32 : memref<640xf32, #tpu.memory_space<vmem_shared>>)
        tpu.yield
      }) : () -> ()
      %barrier3A = arith.constant 0 : index
      tpu.barrier barrier_id(%barrier3A)
      %scan3A_21 = arith.constant 0 : i32
      %scan3A_22 = arith.constant 0 : i32
      %scan3A_23 = arith.constant 160 : i32
      %scan3A_24 = arith.addi %scan3A_22, %scan3A_23 : i32
      %scan3A_25 = arith.constant 1 : i32
      %scan3A_26 = scf.for %scan3A_31 = %scan3A_22 to %scan3A_24 step %scan3A_25 iter_args(%scan3A_32 = %scan3A_21) -> (i32)  : i32 {
        "tpu.region"() ({
          %run_scoped3A = tpu.sem_alloc : memref<!tpu.dma_semaphore, #tpu.memory_space<semaphore_mem>>
          %dma_start3A = arith.constant 0 : i32
          %dma_start3A_34 = tpu.memref_slice %arg6[%scan3A_31, %dma_start3A] : memref<160x128xi32, #tpu.memory_space<vmem>> -> memref<1x128xi32, #tpu.memory_space<vmem>>
          %dma_start3A_35 = tpu.memref_squeeze %dma_start3A_34 : memref<1x128xi32, #tpu.memory_space<vmem>> -> memref<128xi32, #tpu.memory_space<vmem>>
          %dma_start3A_36 = arith.constant 0 : i32
          %dma_start3A_37 = tpu.memref_slice %arg9[%dma_start3A_36] : memref<10240xf32, #tpu.memory_space<vmem_shared>> -> memref<10240xf32, #tpu.memory_space<vmem_shared>>
          tpu.enqueue_indirect_dma source(%arg7 : memref<128xf32, #tpu.memory_space<vmem>>) target(%dma_start3A_37 : memref<10240xf32, #tpu.memory_space<vmem_shared>>) offsets(%dma_start3A_35 : memref<128xi32, #tpu.memory_space<vmem>>) semaphore(%run_scoped3A : memref<!tpu.dma_semaphore, #tpu.memory_space<semaphore_mem>>) {add = true}
          %dma_wait3A = arith.constant 0 : i32
          %dma_wait3A_38 = tpu.memref_slice %arg6[%scan3A_31, %dma_wait3A] : memref<160x128xi32, #tpu.memory_space<vmem>> -> memref<1x128xi32, #tpu.memory_space<vmem>>
          %dma_wait3A_39 = tpu.memref_squeeze %dma_wait3A_38 : memref<1x128xi32, #tpu.memory_space<vmem>> -> memref<128xi32, #tpu.memory_space<vmem>>
          %dma_wait3A_40 = arith.constant 0 : i32
          %dma_wait3A_41 = tpu.memref_slice %arg9[%dma_wait3A_40] : memref<10240xf32, #tpu.memory_space<vmem_shared>> -> memref<10240xf32, #tpu.memory_space<vmem_shared>>
          tpu.wait_indirect_dma semaphore(%run_scoped3A : memref<!tpu.dma_semaphore, #tpu.memory_space<semaphore_mem>>) src(%arg7 : memref<128xf32, #tpu.memory_space<vmem>>) dst(%dma_wait3A_41 : memref<10240xf32, #tpu.memory_space<vmem_shared>>)
          tpu.yield
        }) : () -> ()
        %scan3A_33 = arith.constant 0 : i32
        scf.yield %scan3A_33 : i32
      }
      %scan3A_27 = arith.constant 160 : i32
      %barrier3A_28 = arith.constant 0 : index
      tpu.barrier barrier_id(%barrier3A_28)
      %mul3A_29 = arith.constant 640 : i32
      %mul3A_30 = arith.muli %arg1, %mul3A_29 : i32
      "tpu.region"() ({
        %run_scoped3A = tpu.sem_alloc : memref<!tpu.dma_semaphore, #tpu.memory_space<semaphore_mem>>
        %dma_start3A = tpu.memref_slice %arg5[%mul3A_30] : memref<10240xf32, #tpu.memory_space<hbm>> -> memref<640xf32, #tpu.memory_space<hbm>>
        %dma_start3A_31 = tpu.memref_slice %arg9[%mul3A_30] : memref<10240xf32, #tpu.memory_space<vmem_shared>> -> memref<640xf32, #tpu.memory_space<vmem_shared>>
        tpu.enqueue_dma source(%dma_start3A_31 : memref<640xf32, #tpu.memory_space<vmem_shared>>) target(%dma_start3A : memref<640xf32, #tpu.memory_space<hbm>>) target_semaphore(%run_scoped3A : memref<!tpu.dma_semaphore, #tpu.memory_space<semaphore_mem>>)
        %dma_wait3A = tpu.memref_slice %arg5[%mul3A_30] : memref<10240xf32, #tpu.memory_space<hbm>> -> memref<640xf32, #tpu.memory_space<hbm>>
        %dma_wait3A_32 = tpu.memref_slice %arg9[%mul3A_30] : memref<10240xf32, #tpu.memory_space<vmem_shared>> -> memref<640xf32, #tpu.memory_space<vmem_shared>>
        tpu.wait_dma2 semaphore(%run_scoped3A : memref<!tpu.dma_semaphore, #tpu.memory_space<semaphore_mem>>) src(%dma_wait3A_32 : memref<640xf32, #tpu.memory_space<vmem_shared>>) dst(%dma_wait3A : memref<640xf32, #tpu.memory_space<hbm>>)
        tpu.yield
      }) : () -> ()
    } else {
    }
    return
  }
}

#map = affine_map<(d0, d1) -> (0, 0)>
#map1 = affine_map<(d0, d1) -> (0, 0, 0)>
module attributes {stable_mosaic.version = 14 : i64} {
  func.func @k(%arg0: i32, %arg1: i32, %arg2: memref<10240x128xf32, #tpu.memory_space<hbm>>, %arg3: memref<10240x128xf32, #tpu.memory_space<hbm>>, %arg4: memref<16x160x128xi32, #tpu.memory_space<hbm>>, %arg5: memref<16x160x128xi32, #tpu.memory_space<hbm>>, %arg6: memref<10240x128xf32, #tpu.memory_space<hbm>>, %arg7: memref<10240x128xf32, #tpu.memory_space<hbm>>, %arg8: memref<16x128xi32, #tpu.memory_space<vmem>>, %arg9: memref<16x128xi32, #tpu.memory_space<vmem>>, %arg10: memref<128x128xf32, #tpu.memory_space<vmem>>, %arg11: memref<128x128xf32, #tpu.memory_space<vmem>>, %arg12: memref<!tpu.dma_semaphore, #tpu.memory_space<semaphore_mem>>, %arg13: memref<!tpu.dma_semaphore, #tpu.memory_space<semaphore_mem>>, %arg14: memref<!tpu.dma_semaphore, #tpu.memory_space<semaphore_mem>>, %arg15: memref<!tpu.dma_semaphore, #tpu.memory_space<semaphore_mem>>, %arg16: memref<10240x128xf32, #tpu.memory_space<vmem_shared>>) attributes {dimension_semantics = [#tpu.dimension_semantics<core_parallel>, #tpu.dimension_semantics<subcore_parallel>], iteration_bounds = array<i64: 2, 16>, scalar_prefetch = 0 : i64, scratch_operands = 9 : i64, tpu.core_type = #tpu.core_type<sc_vector_subcore>, window_params = [{transform_indices = #map}, {transform_indices = #map}, {transform_indices = #map1}, {transform_indices = #map1}, {transform_indices = #map}, {transform_indices = #map}]} {
    %eq3A = arith.constant 0 : i32
    %eq3A_0 = arith.cmpi eq, %arg0, %eq3A : i32
    %convert_element_type3A = arith.extui %eq3A_0 : i1 to i32
    %cond3A = arith.constant 0 : i32
    %cond3A_1 = arith.cmpi ne, %convert_element_type3A, %cond3A : i32
    scf.if %cond3A_1 {
      %scan3A = arith.constant 0 : i32
      %scan3A_7 = arith.constant 0 : i32
      %scan3A_8 = arith.constant 128 : i32
      %scan3A_9 = arith.addi %scan3A_7, %scan3A_8 : i32
      %scan3A_10 = arith.constant 1 : i32
      %scan3A_11 = scf.for %scan3A_41 = %scan3A_7 to %scan3A_9 step %scan3A_10 iter_args(%scan3A_42 = %scan3A) -> (i32)  : i32 {
        %broadcast_in_dim3A = arith.constant 0.000000e+00 : f32
        %broadcast_in_dim3A_43 = vector.broadcast %broadcast_in_dim3A : f32 to vector<16xf32>
        %swap3A = arith.index_cast %scan3A_41 : i32 to index
        %swap3A_44 = arith.constant 0 : index
        %swap3A_45 = tpu.vector_load %arg10[%swap3A, %swap3A_44] {strides = array<i32>} : memref<128x128xf32, #tpu.memory_space<vmem>>, vector<1x16xf32>,
        %swap3A_46 = vector.shape_cast %swap3A_45 : vector<1x16xf32> to vector<16xf32>
        %swap3A_47 = vector.shape_cast %broadcast_in_dim3A_43 : vector<16xf32> to vector<1x16xf32>
        tpu.vector_store %arg10[%swap3A, %swap3A_44], %swap3A_47 {strides = array<i32>} : memref<128x128xf32, #tpu.memory_space<vmem>>, vector<1x16xf32>,
        %broadcast_in_dim3A_48 = arith.constant 0.000000e+00 : f32
        %broadcast_in_dim3A_49 = vector.broadcast %broadcast_in_dim3A_48 : f32 to vector<16xf32>
        %swap3A_50 = arith.index_cast %scan3A_41 : i32 to index
        %swap3A_51 = arith.constant 16 : index
        %swap3A_52 = tpu.vector_load %arg10[%swap3A_50, %swap3A_51] {strides = array<i32>} : memref<128x128xf32, #tpu.memory_space<vmem>>, vector<1x16xf32>,
        %swap3A_53 = vector.shape_cast %swap3A_52 : vector<1x16xf32> to vector<16xf32>
        %swap3A_54 = vector.shape_cast %broadcast_in_dim3A_49 : vector<16xf32> to vector<1x16xf32>
        tpu.vector_store %arg10[%swap3A_50, %swap3A_51], %swap3A_54 {strides = array<i32>} : memref<128x128xf32, #tpu.memory_space<vmem>>, vector<1x16xf32>,
        %broadcast_in_dim3A_55 = arith.constant 0.000000e+00 : f32
        %broadcast_in_dim3A_56 = vector.broadcast %broadcast_in_dim3A_55 : f32 to vector<16xf32>
        %swap3A_57 = arith.index_cast %scan3A_41 : i32 to index
        %swap3A_58 = arith.constant 32 : index
        %swap3A_59 = tpu.vector_load %arg10[%swap3A_57, %swap3A_58] {strides = array<i32>} : memref<128x128xf32, #tpu.memory_space<vmem>>, vector<1x16xf32>,
        %swap3A_60 = vector.shape_cast %swap3A_59 : vector<1x16xf32> to vector<16xf32>
        %swap3A_61 = vector.shape_cast %broadcast_in_dim3A_56 : vector<16xf32> to vector<1x16xf32>
        tpu.vector_store %arg10[%swap3A_57, %swap3A_58], %swap3A_61 {strides = array<i32>} : memref<128x128xf32, #tpu.memory_space<vmem>>, vector<1x16xf32>,
        %broadcast_in_dim3A_62 = arith.constant 0.000000e+00 : f32
        %broadcast_in_dim3A_63 = vector.broadcast %broadcast_in_dim3A_62 : f32 to vector<16xf32>
        %swap3A_64 = arith.index_cast %scan3A_41 : i32 to index
        %swap3A_65 = arith.constant 48 : index
        %swap3A_66 = tpu.vector_load %arg10[%swap3A_64, %swap3A_65] {strides = array<i32>} : memref<128x128xf32, #tpu.memory_space<vmem>>, vector<1x16xf32>,
        %swap3A_67 = vector.shape_cast %swap3A_66 : vector<1x16xf32> to vector<16xf32>
        %swap3A_68 = vector.shape_cast %broadcast_in_dim3A_63 : vector<16xf32> to vector<1x16xf32>
        tpu.vector_store %arg10[%swap3A_64, %swap3A_65], %swap3A_68 {strides = array<i32>} : memref<128x128xf32, #tpu.memory_space<vmem>>, vector<1x16xf32>,
        %broadcast_in_dim3A_69 = arith.constant 0.000000e+00 : f32
        %broadcast_in_dim3A_70 = vector.broadcast %broadcast_in_dim3A_69 : f32 to vector<16xf32>
        %swap3A_71 = arith.index_cast %scan3A_41 : i32 to index
        %swap3A_72 = arith.constant 64 : index
        %swap3A_73 = tpu.vector_load %arg10[%swap3A_71, %swap3A_72] {strides = array<i32>} : memref<128x128xf32, #tpu.memory_space<vmem>>, vector<1x16xf32>,
        %swap3A_74 = vector.shape_cast %swap3A_73 : vector<1x16xf32> to vector<16xf32>
        %swap3A_75 = vector.shape_cast %broadcast_in_dim3A_70 : vector<16xf32> to vector<1x16xf32>
        tpu.vector_store %arg10[%swap3A_71, %swap3A_72], %swap3A_75 {strides = array<i32>} : memref<128x128xf32, #tpu.memory_space<vmem>>, vector<1x16xf32>,
        %broadcast_in_dim3A_76 = arith.constant 0.000000e+00 : f32
        %broadcast_in_dim3A_77 = vector.broadcast %broadcast_in_dim3A_76 : f32 to vector<16xf32>
        %swap3A_78 = arith.index_cast %scan3A_41 : i32 to index
        %swap3A_79 = arith.constant 80 : index
        %swap3A_80 = tpu.vector_load %arg10[%swap3A_78, %swap3A_79] {strides = array<i32>} : memref<128x128xf32, #tpu.memory_space<vmem>>, vector<1x16xf32>,
        %swap3A_81 = vector.shape_cast %swap3A_80 : vector<1x16xf32> to vector<16xf32>
        %swap3A_82 = vector.shape_cast %broadcast_in_dim3A_77 : vector<16xf32> to vector<1x16xf32>
        tpu.vector_store %arg10[%swap3A_78, %swap3A_79], %swap3A_82 {strides = array<i32>} : memref<128x128xf32, #tpu.memory_space<vmem>>, vector<1x16xf32>,
        %broadcast_in_dim3A_83 = arith.constant 0.000000e+00 : f32
        %broadcast_in_dim3A_84 = vector.broadcast %broadcast_in_dim3A_83 : f32 to vector<16xf32>
        %swap3A_85 = arith.index_cast %scan3A_41 : i32 to index
        %swap3A_86 = arith.constant 96 : index
        %swap3A_87 = tpu.vector_load %arg10[%swap3A_85, %swap3A_86] {strides = array<i32>} : memref<128x128xf32, #tpu.memory_space<vmem>>, vector<1x16xf32>,
        %swap3A_88 = vector.shape_cast %swap3A_87 : vector<1x16xf32> to vector<16xf32>
        %swap3A_89 = vector.shape_cast %broadcast_in_dim3A_84 : vector<16xf32> to vector<1x16xf32>
        tpu.vector_store %arg10[%swap3A_85, %swap3A_86], %swap3A_89 {strides = array<i32>} : memref<128x128xf32, #tpu.memory_space<vmem>>, vector<1x16xf32>,
        %broadcast_in_dim3A_90 = arith.constant 0.000000e+00 : f32
        %broadcast_in_dim3A_91 = vector.broadcast %broadcast_in_dim3A_90 : f32 to vector<16xf32>
        %swap3A_92 = arith.index_cast %scan3A_41 : i32 to index
        %swap3A_93 = arith.constant 112 : index
        %swap3A_94 = tpu.vector_load %arg10[%swap3A_92, %swap3A_93] {strides = array<i32>} : memref<128x128xf32, #tpu.memory_space<vmem>>, vector<1x16xf32>,
        %swap3A_95 = vector.shape_cast %swap3A_94 : vector<1x16xf32> to vector<16xf32>
        %swap3A_96 = vector.shape_cast %broadcast_in_dim3A_91 : vector<16xf32> to vector<1x16xf32>
        tpu.vector_store %arg10[%swap3A_92, %swap3A_93], %swap3A_96 {strides = array<i32>} : memref<128x128xf32, #tpu.memory_space<vmem>>, vector<1x16xf32>,
        %scan3A_97 = arith.constant 0 : i32
        scf.yield %scan3A_97 : i32
      }
      %scan3A_12 = arith.constant 128 : i32
      %mul3A = arith.constant 640 : i32
      %mul3A_13 = arith.muli %arg1, %mul3A : i32
      %add3A = arith.constant 0 : i32
      %add3A_14 = arith.addi %mul3A_13, %add3A : i32
      "tpu.region"() ({
        %run_scoped3A = tpu.sem_alloc : memref<!tpu.dma_semaphore, #tpu.memory_space<semaphore_mem>>
        %dma_start3A = arith.constant 0 : i32
        %dma_start3A_41 = tpu.memref_slice %arg16[%add3A_14, %dma_start3A] : memref<10240x128xf32, #tpu.memory_space<vmem_shared>> -> memref<128x128xf32, #tpu.memory_space<vmem_shared>>
        %dma_start3A_42 = arith.constant 0 : i32
        %dma_start3A_43 = tpu.memref_slice %arg16[%add3A_14, %dma_start3A_42] : memref<10240x128xf32, #tpu.memory_space<vmem_shared>> -> memref<128x128xf32, #tpu.memory_space<vmem_shared>>
        tpu.enqueue_dma source(%arg10 : memref<128x128xf32, #tpu.memory_space<vmem>>) target(%dma_start3A_43 : memref<128x128xf32, #tpu.memory_space<vmem_shared>>) target_semaphore(%run_scoped3A : memref<!tpu.dma_semaphore, #tpu.memory_space<semaphore_mem>>)
        %dma_wait3A = arith.constant 0 : i32
        %dma_wait3A_44 = tpu.memref_slice %arg16[%add3A_14, %dma_wait3A] : memref<10240x128xf32, #tpu.memory_space<vmem_shared>> -> memref<128x128xf32, #tpu.memory_space<vmem_shared>>
        %dma_wait3A_45 = arith.constant 0 : i32
        %dma_wait3A_46 = tpu.memref_slice %arg16[%add3A_14, %dma_wait3A_45] : memref<10240x128xf32, #tpu.memory_space<vmem_shared>> -> memref<128x128xf32, #tpu.memory_space<vmem_shared>>
        tpu.wait_dma2 semaphore(%run_scoped3A : memref<!tpu.dma_semaphore, #tpu.memory_space<semaphore_mem>>) src(%arg10 : memref<128x128xf32, #tpu.memory_space<vmem>>) dst(%dma_wait3A_46 : memref<128x128xf32, #tpu.memory_space<vmem_shared>>)
        tpu.yield
      }) : () -> ()
      %mul3A_15 = arith.constant 640 : i32
      %mul3A_16 = arith.muli %arg1, %mul3A_15 : i32
      %add3A_17 = arith.constant 128 : i32
      %add3A_18 = arith.addi %mul3A_16, %add3A_17 : i32
      "tpu.region"() ({
        %run_scoped3A = tpu.sem_alloc : memref<!tpu.dma_semaphore, #tpu.memory_space<semaphore_mem>>
        %dma_start3A = arith.constant 0 : i32
        %dma_start3A_41 = tpu.memref_slice %arg16[%add3A_18, %dma_start3A] : memref<10240x128xf32, #tpu.memory_space<vmem_shared>> -> memref<128x128xf32, #tpu.memory_space<vmem_shared>>
        %dma_start3A_42 = arith.constant 0 : i32
        %dma_start3A_43 = tpu.memref_slice %arg16[%add3A_18, %dma_start3A_42] : memref<10240x128xf32, #tpu.memory_space<vmem_shared>> -> memref<128x128xf32, #tpu.memory_space<vmem_shared>>
        tpu.enqueue_dma source(%arg10 : memref<128x128xf32, #tpu.memory_space<vmem>>) target(%dma_start3A_43 : memref<128x128xf32, #tpu.memory_space<vmem_shared>>) target_semaphore(%run_scoped3A : memref<!tpu.dma_semaphore, #tpu.memory_space<semaphore_mem>>)
        %dma_wait3A = arith.constant 0 : i32
        %dma_wait3A_44 = tpu.memref_slice %arg16[%add3A_18, %dma_wait3A] : memref<10240x128xf32, #tpu.memory_space<vmem_shared>> -> memref<128x128xf32, #tpu.memory_space<vmem_shared>>
        %dma_wait3A_45 = arith.constant 0 : i32
        %dma_wait3A_46 = tpu.memref_slice %arg16[%add3A_18, %dma_wait3A_45] : memref<10240x128xf32, #tpu.memory_space<vmem_shared>> -> memref<128x128xf32, #tpu.memory_space<vmem_shared>>
        tpu.wait_dma2 semaphore(%run_scoped3A : memref<!tpu.dma_semaphore, #tpu.memory_space<semaphore_mem>>) src(%arg10 : memref<128x128xf32, #tpu.memory_space<vmem>>) dst(%dma_wait3A_46 : memref<128x128xf32, #tpu.memory_space<vmem_shared>>)
        tpu.yield
      }) : () -> ()
      %mul3A_19 = arith.constant 640 : i32
      %mul3A_20 = arith.muli %arg1, %mul3A_19 : i32
      %add3A_21 = arith.constant 256 : i32
      %add3A_22 = arith.addi %mul3A_20, %add3A_21 : i32
      "tpu.region"() ({
        %run_scoped3A = tpu.sem_alloc : memref<!tpu.dma_semaphore, #tpu.memory_space<semaphore_mem>>
        %dma_start3A = arith.constant 0 : i32
        %dma_start3A_41 = tpu.memref_slice %arg16[%add3A_22, %dma_start3A] : memref<10240x128xf32, #tpu.memory_space<vmem_shared>> -> memref<128x128xf32, #tpu.memory_space<vmem_shared>>
        %dma_start3A_42 = arith.constant 0 : i32
        %dma_start3A_43 = tpu.memref_slice %arg16[%add3A_22, %dma_start3A_42] : memref<10240x128xf32, #tpu.memory_space<vmem_shared>> -> memref<128x128xf32, #tpu.memory_space<vmem_shared>>
        tpu.enqueue_dma source(%arg10 : memref<128x128xf32, #tpu.memory_space<vmem>>) target(%dma_start3A_43 : memref<128x128xf32, #tpu.memory_space<vmem_shared>>) target_semaphore(%run_scoped3A : memref<!tpu.dma_semaphore, #tpu.memory_space<semaphore_mem>>)
        %dma_wait3A = arith.constant 0 : i32
        %dma_wait3A_44 = tpu.memref_slice %arg16[%add3A_22, %dma_wait3A] : memref<10240x128xf32, #tpu.memory_space<vmem_shared>> -> memref<128x128xf32, #tpu.memory_space<vmem_shared>>
        %dma_wait3A_45 = arith.constant 0 : i32
        %dma_wait3A_46 = tpu.memref_slice %arg16[%add3A_22, %dma_wait3A_45] : memref<10240x128xf32, #tpu.memory_space<vmem_shared>> -> memref<128x128xf32, #tpu.memory_space<vmem_shared>>
        tpu.wait_dma2 semaphore(%run_scoped3A : memref<!tpu.dma_semaphore, #tpu.memory_space<semaphore_mem>>) src(%arg10 : memref<128x128xf32, #tpu.memory_space<vmem>>) dst(%dma_wait3A_46 : memref<128x128xf32, #tpu.memory_space<vmem_shared>>)
        tpu.yield
      }) : () -> ()
      %mul3A_23 = arith.constant 640 : i32
      %mul3A_24 = arith.muli %arg1, %mul3A_23 : i32
      %add3A_25 = arith.constant 384 : i32
      %add3A_26 = arith.addi %mul3A_24, %add3A_25 : i32
      "tpu.region"() ({
        %run_scoped3A = tpu.sem_alloc : memref<!tpu.dma_semaphore, #tpu.memory_space<semaphore_mem>>
        %dma_start3A = arith.constant 0 : i32
        %dma_start3A_41 = tpu.memref_slice %arg16[%add3A_26, %dma_start3A] : memref<10240x128xf32, #tpu.memory_space<vmem_shared>> -> memref<128x128xf32, #tpu.memory_space<vmem_shared>>
        %dma_start3A_42 = arith.constant 0 : i32
        %dma_start3A_43 = tpu.memref_slice %arg16[%add3A_26, %dma_start3A_42] : memref<10240x128xf32, #tpu.memory_space<vmem_shared>> -> memref<128x128xf32, #tpu.memory_space<vmem_shared>>
        tpu.enqueue_dma source(%arg10 : memref<128x128xf32, #tpu.memory_space<vmem>>) target(%dma_start3A_43 : memref<128x128xf32, #tpu.memory_space<vmem_shared>>) target_semaphore(%run_scoped3A : memref<!tpu.dma_semaphore, #tpu.memory_space<semaphore_mem>>)
        %dma_wait3A = arith.constant 0 : i32
        %dma_wait3A_44 = tpu.memref_slice %arg16[%add3A_26, %dma_wait3A] : memref<10240x128xf32, #tpu.memory_space<vmem_shared>> -> memref<128x128xf32, #tpu.memory_space<vmem_shared>>
        %dma_wait3A_45 = arith.constant 0 : i32
        %dma_wait3A_46 = tpu.memref_slice %arg16[%add3A_26, %dma_wait3A_45] : memref<10240x128xf32, #tpu.memory_space<vmem_shared>> -> memref<128x128xf32, #tpu.memory_space<vmem_shared>>
        tpu.wait_dma2 semaphore(%run_scoped3A : memref<!tpu.dma_semaphore, #tpu.memory_space<semaphore_mem>>) src(%arg10 : memref<128x128xf32, #tpu.memory_space<vmem>>) dst(%dma_wait3A_46 : memref<128x128xf32, #tpu.memory_space<vmem_shared>>)
        tpu.yield
      }) : () -> ()
      %mul3A_27 = arith.constant 640 : i32
      %mul3A_28 = arith.muli %arg1, %mul3A_27 : i32
      %add3A_29 = arith.constant 512 : i32
      %add3A_30 = arith.addi %mul3A_28, %add3A_29 : i32
      "tpu.region"() ({
        %run_scoped3A = tpu.sem_alloc : memref<!tpu.dma_semaphore, #tpu.memory_space<semaphore_mem>>
        %dma_start3A = arith.constant 0 : i32
        %dma_start3A_41 = tpu.memref_slice %arg16[%add3A_30, %dma_start3A] : memref<10240x128xf32, #tpu.memory_space<vmem_shared>> -> memref<128x128xf32, #tpu.memory_space<vmem_shared>>
        %dma_start3A_42 = arith.constant 0 : i32
        %dma_start3A_43 = tpu.memref_slice %arg16[%add3A_30, %dma_start3A_42] : memref<10240x128xf32, #tpu.memory_space<vmem_shared>> -> memref<128x128xf32, #tpu.memory_space<vmem_shared>>
        tpu.enqueue_dma source(%arg10 : memref<128x128xf32, #tpu.memory_space<vmem>>) target(%dma_start3A_43 : memref<128x128xf32, #tpu.memory_space<vmem_shared>>) target_semaphore(%run_scoped3A : memref<!tpu.dma_semaphore, #tpu.memory_space<semaphore_mem>>)
        %dma_wait3A = arith.constant 0 : i32
        %dma_wait3A_44 = tpu.memref_slice %arg16[%add3A_30, %dma_wait3A] : memref<10240x128xf32, #tpu.memory_space<vmem_shared>> -> memref<128x128xf32, #tpu.memory_space<vmem_shared>>
        %dma_wait3A_45 = arith.constant 0 : i32
        %dma_wait3A_46 = tpu.memref_slice %arg16[%add3A_30, %dma_wait3A_45] : memref<10240x128xf32, #tpu.memory_space<vmem_shared>> -> memref<128x128xf32, #tpu.memory_space<vmem_shared>>
        tpu.wait_dma2 semaphore(%run_scoped3A : memref<!tpu.dma_semaphore, #tpu.memory_space<semaphore_mem>>) src(%arg10 : memref<128x128xf32, #tpu.memory_space<vmem>>) dst(%dma_wait3A_46 : memref<128x128xf32, #tpu.memory_space<vmem_shared>>)
        tpu.yield
      }) : () -> ()
      %barrier3A = arith.constant 0 : index
      tpu.barrier barrier_id(%barrier3A)
      %scan3A_31 = arith.constant 0 : i32
      %scan3A_32 = arith.constant 0 : i32
      %scan3A_33 = arith.constant 10 : i32
      %scan3A_34 = arith.addi %scan3A_32, %scan3A_33 : i32
      %scan3A_35 = arith.constant 1 : i32
      %scan3A_36 = scf.for %scan3A_41 = %scan3A_32 to %scan3A_34 step %scan3A_35 iter_args(%scan3A_42 = %scan3A_31) -> (i32)  : i32 {
        %mul3A_43 = arith.constant 16 : i32
        %mul3A_44 = arith.muli %scan3A_41, %mul3A_43 : i32
        "tpu.region"() ({
          %run_scoped3A_82 = tpu.sem_alloc : memref<!tpu.dma_semaphore, #tpu.memory_space<semaphore_mem>>
          %dma_start3A_83 = arith.constant 0 : i32
          %dma_start3A_84 = tpu.memref_slice %arg4[%arg1, %mul3A_44, %dma_start3A_83] : memref<16x160x128xi32, #tpu.memory_space<hbm>> -> memref<1x16x128xi32, #tpu.memory_space<hbm>>
          %dma_start3A_85 = tpu.memref_squeeze %dma_start3A_84 : memref<1x16x128xi32, #tpu.memory_space<hbm>> -> memref<16x128xi32, #tpu.memory_space<hbm>>
          %dma_start3A_86 = arith.constant 0 : i32
          %dma_start3A_87 = tpu.memref_slice %arg4[%arg1, %mul3A_44, %dma_start3A_86] : memref<16x160x128xi32, #tpu.memory_space<hbm>> -> memref<1x16x128xi32, #tpu.memory_space<hbm>>
          %dma_start3A_88 = tpu.memref_squeeze %dma_start3A_87 : memref<1x16x128xi32, #tpu.memory_space<hbm>> -> memref<16x128xi32, #tpu.memory_space<hbm>>
          tpu.enqueue_dma source(%dma_start3A_88 : memref<16x128xi32, #tpu.memory_space<hbm>>) target(%arg8 : memref<16x128xi32, #tpu.memory_space<vmem>>) target_semaphore(%run_scoped3A_82 : memref<!tpu.dma_semaphore, #tpu.memory_space<semaphore_mem>>)
          %dma_wait3A_89 = arith.constant 0 : i32
          %dma_wait3A_90 = tpu.memref_slice %arg4[%arg1, %mul3A_44, %dma_wait3A_89] : memref<16x160x128xi32, #tpu.memory_space<hbm>> -> memref<1x16x128xi32, #tpu.memory_space<hbm>>
          %dma_wait3A_91 = tpu.memref_squeeze %dma_wait3A_90 : memref<1x16x128xi32, #tpu.memory_space<hbm>> -> memref<16x128xi32, #tpu.memory_space<hbm>>
          %dma_wait3A_92 = arith.constant 0 : i32
          %dma_wait3A_93 = tpu.memref_slice %arg4[%arg1, %mul3A_44, %dma_wait3A_92] : memref<16x160x128xi32, #tpu.memory_space<hbm>> -> memref<1x16x128xi32, #tpu.memory_space<hbm>>
          %dma_wait3A_94 = tpu.memref_squeeze %dma_wait3A_93 : memref<1x16x128xi32, #tpu.memory_space<hbm>> -> memref<16x128xi32, #tpu.memory_space<hbm>>
          tpu.wait_dma2 semaphore(%run_scoped3A_82 : memref<!tpu.dma_semaphore, #tpu.memory_space<semaphore_mem>>) src(%dma_wait3A_94 : memref<16x128xi32, #tpu.memory_space<hbm>>) dst(%arg8 : memref<16x128xi32, #tpu.memory_space<vmem>>)
          tpu.yield
        }) : () -> ()
        %mul3A_45 = arith.constant 16 : i32
        %mul3A_46 = arith.muli %scan3A_41, %mul3A_45 : i32
        "tpu.region"() ({
          %run_scoped3A_82 = tpu.sem_alloc : memref<!tpu.dma_semaphore, #tpu.memory_space<semaphore_mem>>
          %dma_start3A_83 = arith.constant 0 : i32
          %dma_start3A_84 = tpu.memref_slice %arg5[%arg1, %mul3A_46, %dma_start3A_83] : memref<16x160x128xi32, #tpu.memory_space<hbm>> -> memref<1x16x128xi32, #tpu.memory_space<hbm>>
          %dma_start3A_85 = tpu.memref_squeeze %dma_start3A_84 : memref<1x16x128xi32, #tpu.memory_space<hbm>> -> memref<16x128xi32, #tpu.memory_space<hbm>>
          %dma_start3A_86 = arith.constant 0 : i32
          %dma_start3A_87 = tpu.memref_slice %arg5[%arg1, %mul3A_46, %dma_start3A_86] : memref<16x160x128xi32, #tpu.memory_space<hbm>> -> memref<1x16x128xi32, #tpu.memory_space<hbm>>
          %dma_start3A_88 = tpu.memref_squeeze %dma_start3A_87 : memref<1x16x128xi32, #tpu.memory_space<hbm>> -> memref<16x128xi32, #tpu.memory_space<hbm>>
          tpu.enqueue_dma source(%dma_start3A_88 : memref<16x128xi32, #tpu.memory_space<hbm>>) target(%arg9 : memref<16x128xi32, #tpu.memory_space<vmem>>) target_semaphore(%run_scoped3A_82 : memref<!tpu.dma_semaphore, #tpu.memory_space<semaphore_mem>>)
          %dma_wait3A_89 = arith.constant 0 : i32
          %dma_wait3A_90 = tpu.memref_slice %arg5[%arg1, %mul3A_46, %dma_wait3A_89] : memref<16x160x128xi32, #tpu.memory_space<hbm>> -> memref<1x16x128xi32, #tpu.memory_space<hbm>>
          %dma_wait3A_91 = tpu.memref_squeeze %dma_wait3A_90 : memref<1x16x128xi32, #tpu.memory_space<hbm>> -> memref<16x128xi32, #tpu.memory_space<hbm>>
          %dma_wait3A_92 = arith.constant 0 : i32
          %dma_wait3A_93 = tpu.memref_slice %arg5[%arg1, %mul3A_46, %dma_wait3A_92] : memref<16x160x128xi32, #tpu.memory_space<hbm>> -> memref<1x16x128xi32, #tpu.memory_space<hbm>>
          %dma_wait3A_94 = tpu.memref_squeeze %dma_wait3A_93 : memref<1x16x128xi32, #tpu.memory_space<hbm>> -> memref<16x128xi32, #tpu.memory_space<hbm>>
          tpu.wait_dma2 semaphore(%run_scoped3A_82 : memref<!tpu.dma_semaphore, #tpu.memory_space<semaphore_mem>>) src(%dma_wait3A_94 : memref<16x128xi32, #tpu.memory_space<hbm>>) dst(%arg9 : memref<16x128xi32, #tpu.memory_space<vmem>>)
          tpu.yield
        }) : () -> ()
        %dma_start3A = arith.constant 0 : i32
        %dma_start3A_47 = arith.constant 0 : i32
        %dma_start3A_48 = tpu.memref_slice %arg8[%dma_start3A, %dma_start3A_47] : memref<16x128xi32, #tpu.memory_space<vmem>> -> memref<1x128xi32, #tpu.memory_space<vmem>>
        %dma_start3A_49 = tpu.memref_squeeze %dma_start3A_48 : memref<1x128xi32, #tpu.memory_space<vmem>> -> memref<128xi32, #tpu.memory_space<vmem>>
        %dma_start3A_50 = arith.constant 0 : i32
        %dma_start3A_51 = arith.constant 0 : i32
        %dma_start3A_52 = tpu.memref_slice %arg2[%dma_start3A_50, %dma_start3A_51] : memref<10240x128xf32, #tpu.memory_space<hbm>> -> memref<10240x128xf32, #tpu.memory_space<hbm>>
        tpu.enqueue_indirect_dma source(%dma_start3A_52 : memref<10240x128xf32, #tpu.memory_space<hbm>>) target(%arg10 : memref<128x128xf32, #tpu.memory_space<vmem>>) offsets(%dma_start3A_49 : memref<128xi32, #tpu.memory_space<vmem>>) semaphore(%arg12 : memref<!tpu.dma_semaphore, #tpu.memory_space<semaphore_mem>>)
        %scan3A_53 = arith.constant 0 : i32
        %scan3A_54 = arith.constant 0 : i32
        %scan3A_55 = arith.constant 7 : i32
        %scan3A_56 = arith.addi %scan3A_54, %scan3A_55 : i32
        %scan3A_57 = arith.constant 1 : i32
        %scan3A_58 = scf.for %scan3A_82 = %scan3A_54 to %scan3A_56 step %scan3A_57 iter_args(%scan3A_83 = %scan3A_53) -> (i32)  : i32 {
          %mul3A_84 = arith.constant 2 : i32
          %mul3A_85 = arith.muli %mul3A_84, %scan3A_82 : i32
          %add3A_86 = arith.constant 1 : i32
          %add3A_87 = arith.addi %mul3A_85, %add3A_86 : i32
          %dma_start3A_88 = arith.constant 0 : i32
          %dma_start3A_89 = tpu.memref_slice %arg8[%add3A_87, %dma_start3A_88] : memref<16x128xi32, #tpu.memory_space<vmem>> -> memref<1x128xi32, #tpu.memory_space<vmem>>
          %dma_start3A_90 = tpu.memref_squeeze %dma_start3A_89 : memref<1x128xi32, #tpu.memory_space<vmem>> -> memref<128xi32, #tpu.memory_space<vmem>>
          %dma_start3A_91 = arith.constant 0 : i32
          %dma_start3A_92 = arith.constant 0 : i32
          %dma_start3A_93 = tpu.memref_slice %arg2[%dma_start3A_91, %dma_start3A_92] : memref<10240x128xf32, #tpu.memory_space<hbm>> -> memref<10240x128xf32, #tpu.memory_space<hbm>>
          tpu.enqueue_indirect_dma source(%dma_start3A_93 : memref<10240x128xf32, #tpu.memory_space<hbm>>) target(%arg11 : memref<128x128xf32, #tpu.memory_space<vmem>>) offsets(%dma_start3A_90 : memref<128xi32, #tpu.memory_space<vmem>>) semaphore(%arg13 : memref<!tpu.dma_semaphore, #tpu.memory_space<semaphore_mem>>)
          %mul3A_94 = arith.constant 2 : i32
          %mul3A_95 = arith.muli %mul3A_94, %scan3A_82 : i32
          %dma_wait3A_96 = arith.constant 0 : i32
          %dma_wait3A_97 = tpu.memref_slice %arg8[%mul3A_95, %dma_wait3A_96] : memref<16x128xi32, #tpu.memory_space<vmem>> -> memref<1x128xi32, #tpu.memory_space<vmem>>
          %dma_wait3A_98 = tpu.memref_squeeze %dma_wait3A_97 : memref<1x128xi32, #tpu.memory_space<vmem>> -> memref<128xi32, #tpu.memory_space<vmem>>
          %dma_wait3A_99 = arith.constant 0 : i32
          %dma_wait3A_100 = arith.constant 0 : i32
          %dma_wait3A_101 = tpu.memref_slice %arg2[%dma_wait3A_99, %dma_wait3A_100] : memref<10240x128xf32, #tpu.memory_space<hbm>> -> memref<10240x128xf32, #tpu.memory_space<hbm>>
          tpu.wait_indirect_dma semaphore(%arg12 : memref<!tpu.dma_semaphore, #tpu.memory_space<semaphore_mem>>) src(%dma_wait3A_101 : memref<10240x128xf32, #tpu.memory_space<hbm>>) dst(%arg10 : memref<128x128xf32, #tpu.memory_space<vmem>>)
          "tpu.region"() ({
            %run_scoped3A_123 = tpu.sem_alloc : memref<!tpu.dma_semaphore, #tpu.memory_space<semaphore_mem>>
            %dma_start3A_124 = arith.constant 0 : i32
            %dma_start3A_125 = tpu.memref_slice %arg9[%mul3A_95, %dma_start3A_124] : memref<16x128xi32, #tpu.memory_space<vmem>> -> memref<1x128xi32, #tpu.memory_space<vmem>>
            %dma_start3A_126 = tpu.memref_squeeze %dma_start3A_125 : memref<1x128xi32, #tpu.memory_space<vmem>> -> memref<128xi32, #tpu.memory_space<vmem>>
            %dma_start3A_127 = arith.constant 0 : i32
            %dma_start3A_128 = arith.constant 0 : i32
            %dma_start3A_129 = tpu.memref_slice %arg16[%dma_start3A_127, %dma_start3A_128] : memref<10240x128xf32, #tpu.memory_space<vmem_shared>> -> memref<10240x128xf32, #tpu.memory_space<vmem_shared>>
            tpu.enqueue_indirect_dma source(%arg10 : memref<128x128xf32, #tpu.memory_space<vmem>>) target(%dma_start3A_129 : memref<10240x128xf32, #tpu.memory_space<vmem_shared>>) offsets(%dma_start3A_126 : memref<128xi32, #tpu.memory_space<vmem>>) semaphore(%run_scoped3A_123 : memref<!tpu.dma_semaphore, #tpu.memory_space<semaphore_mem>>) {add = true}
            %dma_wait3A_130 = arith.constant 0 : i32
            %dma_wait3A_131 = tpu.memref_slice %arg9[%mul3A_95, %dma_wait3A_130] : memref<16x128xi32, #tpu.memory_space<vmem>> -> memref<1x128xi32, #tpu.memory_space<vmem>>
            %dma_wait3A_132 = tpu.memref_squeeze %dma_wait3A_131 : memref<1x128xi32, #tpu.memory_space<vmem>> -> memref<128xi32, #tpu.memory_space<vmem>>
            %dma_wait3A_133 = arith.constant 0 : i32
            %dma_wait3A_134 = arith.constant 0 : i32
            %dma_wait3A_135 = tpu.memref_slice %arg16[%dma_wait3A_133, %dma_wait3A_134] : memref<10240x128xf32, #tpu.memory_space<vmem_shared>> -> memref<10240x128xf32, #tpu.memory_space<vmem_shared>>
            tpu.wait_indirect_dma semaphore(%run_scoped3A_123 : memref<!tpu.dma_semaphore, #tpu.memory_space<semaphore_mem>>) src(%arg10 : memref<128x128xf32, #tpu.memory_space<vmem>>) dst(%dma_wait3A_135 : memref<10240x128xf32, #tpu.memory_space<vmem_shared>>)
            tpu.yield
          }) : () -> ()
          %mul3A_102 = arith.constant 2 : i32
          %mul3A_103 = arith.muli %mul3A_102, %scan3A_82 : i32
          %add3A_104 = arith.constant 2 : i32
          %add3A_105 = arith.addi %mul3A_103, %add3A_104 : i32
          %dma_start3A_106 = arith.constant 0 : i32
          %dma_start3A_107 = tpu.memref_slice %arg8[%add3A_105, %dma_start3A_106] : memref<16x128xi32, #tpu.memory_space<vmem>> -> memref<1x128xi32, #tpu.memory_space<vmem>>
          %dma_start3A_108 = tpu.memref_squeeze %dma_start3A_107 : memref<1x128xi32, #tpu.memory_space<vmem>> -> memref<128xi32, #tpu.memory_space<vmem>>
          %dma_start3A_109 = arith.constant 0 : i32
          %dma_start3A_110 = arith.constant 0 : i32
          %dma_start3A_111 = tpu.memref_slice %arg2[%dma_start3A_109, %dma_start3A_110] : memref<10240x128xf32, #tpu.memory_space<hbm>> -> memref<10240x128xf32, #tpu.memory_space<hbm>>
          tpu.enqueue_indirect_dma source(%dma_start3A_111 : memref<10240x128xf32, #tpu.memory_space<hbm>>) target(%arg10 : memref<128x128xf32, #tpu.memory_space<vmem>>) offsets(%dma_start3A_108 : memref<128xi32, #tpu.memory_space<vmem>>) semaphore(%arg12 : memref<!tpu.dma_semaphore, #tpu.memory_space<semaphore_mem>>)
          %mul3A_112 = arith.constant 2 : i32
          %mul3A_113 = arith.muli %mul3A_112, %scan3A_82 : i32
          %add3A_114 = arith.constant 1 : i32
          %add3A_115 = arith.addi %mul3A_113, %add3A_114 : i32
          %dma_wait3A_116 = arith.constant 0 : i32
          %dma_wait3A_117 = tpu.memref_slice %arg8[%add3A_115, %dma_wait3A_116] : memref<16x128xi32, #tpu.memory_space<vmem>> -> memref<1x128xi32, #tpu.memory_space<vmem>>
          %dma_wait3A_118 = tpu.memref_squeeze %dma_wait3A_117 : memref<1x128xi32, #tpu.memory_space<vmem>> -> memref<128xi32, #tpu.memory_space<vmem>>
          %dma_wait3A_119 = arith.constant 0 : i32
          %dma_wait3A_120 = arith.constant 0 : i32
          %dma_wait3A_121 = tpu.memref_slice %arg2[%dma_wait3A_119, %dma_wait3A_120] : memref<10240x128xf32, #tpu.memory_space<hbm>> -> memref<10240x128xf32, #tpu.memory_space<hbm>>
          tpu.wait_indirect_dma semaphore(%arg13 : memref<!tpu.dma_semaphore, #tpu.memory_space<semaphore_mem>>) src(%dma_wait3A_121 : memref<10240x128xf32, #tpu.memory_space<hbm>>) dst(%arg11 : memref<128x128xf32, #tpu.memory_space<vmem>>)
          "tpu.region"() ({
            %run_scoped3A_123 = tpu.sem_alloc : memref<!tpu.dma_semaphore, #tpu.memory_space<semaphore_mem>>
            %dma_start3A_124 = arith.constant 0 : i32
            %dma_start3A_125 = tpu.memref_slice %arg9[%add3A_115, %dma_start3A_124] : memref<16x128xi32, #tpu.memory_space<vmem>> -> memref<1x128xi32, #tpu.memory_space<vmem>>
            %dma_start3A_126 = tpu.memref_squeeze %dma_start3A_125 : memref<1x128xi32, #tpu.memory_space<vmem>> -> memref<128xi32, #tpu.memory_space<vmem>>
            %dma_start3A_127 = arith.constant 0 : i32
            %dma_start3A_128 = arith.constant 0 : i32
            %dma_start3A_129 = tpu.memref_slice %arg16[%dma_start3A_127, %dma_start3A_128] : memref<10240x128xf32, #tpu.memory_space<vmem_shared>> -> memref<10240x128xf32, #tpu.memory_space<vmem_shared>>
            tpu.enqueue_indirect_dma source(%arg11 : memref<128x128xf32, #tpu.memory_space<vmem>>) target(%dma_start3A_129 : memref<10240x128xf32, #tpu.memory_space<vmem_shared>>) offsets(%dma_start3A_126 : memref<128xi32, #tpu.memory_space<vmem>>) semaphore(%run_scoped3A_123 : memref<!tpu.dma_semaphore, #tpu.memory_space<semaphore_mem>>) {add = true}
            %dma_wait3A_130 = arith.constant 0 : i32
            %dma_wait3A_131 = tpu.memref_slice %arg9[%add3A_115, %dma_wait3A_130] : memref<16x128xi32, #tpu.memory_space<vmem>> -> memref<1x128xi32, #tpu.memory_space<vmem>>
            %dma_wait3A_132 = tpu.memref_squeeze %dma_wait3A_131 : memref<1x128xi32, #tpu.memory_space<vmem>> -> memref<128xi32, #tpu.memory_space<vmem>>
            %dma_wait3A_133 = arith.constant 0 : i32
            %dma_wait3A_134 = arith.constant 0 : i32
            %dma_wait3A_135 = tpu.memref_slice %arg16[%dma_wait3A_133, %dma_wait3A_134] : memref<10240x128xf32, #tpu.memory_space<vmem_shared>> -> memref<10240x128xf32, #tpu.memory_space<vmem_shared>>
            tpu.wait_indirect_dma semaphore(%run_scoped3A_123 : memref<!tpu.dma_semaphore, #tpu.memory_space<semaphore_mem>>) src(%arg11 : memref<128x128xf32, #tpu.memory_space<vmem>>) dst(%dma_wait3A_135 : memref<10240x128xf32, #tpu.memory_space<vmem_shared>>)
            tpu.yield
          }) : () -> ()
          %scan3A_122 = arith.constant 0 : i32
          scf.yield %scan3A_122 : i32
        }
        %scan3A_59 = arith.constant 7 : i32
        %dma_start3A_60 = arith.constant 15 : i32
        %dma_start3A_61 = arith.constant 0 : i32
        %dma_start3A_62 = tpu.memref_slice %arg8[%dma_start3A_60, %dma_start3A_61] : memref<16x128xi32, #tpu.memory_space<vmem>> -> memref<1x128xi32, #tpu.memory_space<vmem>>
        %dma_start3A_63 = tpu.memref_squeeze %dma_start3A_62 : memref<1x128xi32, #tpu.memory_space<vmem>> -> memref<128xi32, #tpu.memory_space<vmem>>
        %dma_start3A_64 = arith.constant 0 : i32
        %dma_start3A_65 = arith.constant 0 : i32
        %dma_start3A_66 = tpu.memref_slice %arg2[%dma_start3A_64, %dma_start3A_65] : memref<10240x128xf32, #tpu.memory_space<hbm>> -> memref<10240x128xf32, #tpu.memory_space<hbm>>
        tpu.enqueue_indirect_dma source(%dma_start3A_66 : memref<10240x128xf32, #tpu.memory_space<hbm>>) target(%arg11 : memref<128x128xf32, #tpu.memory_space<vmem>>) offsets(%dma_start3A_63 : memref<128xi32, #tpu.memory_space<vmem>>) semaphore(%arg13 : memref<!tpu.dma_semaphore, #tpu.memory_space<semaphore_mem>>)
        %dma_wait3A = arith.constant 14 : i32
        %dma_wait3A_67 = arith.constant 0 : i32
        %dma_wait3A_68 = tpu.memref_slice %arg8[%dma_wait3A, %dma_wait3A_67] : memref<16x128xi32, #tpu.memory_space<vmem>> -> memref<1x128xi32, #tpu.memory_space<vmem>>
        %dma_wait3A_69 = tpu.memref_squeeze %dma_wait3A_68 : memref<1x128xi32, #tpu.memory_space<vmem>> -> memref<128xi32, #tpu.memory_space<vmem>>
        %dma_wait3A_70 = arith.constant 0 : i32
        %dma_wait3A_71 = arith.constant 0 : i32
        %dma_wait3A_72 = tpu.memref_slice %arg2[%dma_wait3A_70, %dma_wait3A_71] : memref<10240x128xf32, #tpu.memory_space<hbm>> -> memref<10240x128xf32, #tpu.memory_space<hbm>>
        tpu.wait_indirect_dma semaphore(%arg12 : memref<!tpu.dma_semaphore, #tpu.memory_space<semaphore_mem>>) src(%dma_wait3A_72 : memref<10240x128xf32, #tpu.memory_space<hbm>>) dst(%arg10 : memref<128x128xf32, #tpu.memory_space<vmem>>)
        %run_scoped3A = arith.constant 14 : i32
        "tpu.region"() ({
          %run_scoped3A_82 = tpu.sem_alloc : memref<!tpu.dma_semaphore, #tpu.memory_space<semaphore_mem>>
          %dma_start3A_83 = arith.constant 0 : i32
          %dma_start3A_84 = tpu.memref_slice %arg9[%run_scoped3A, %dma_start3A_83] : memref<16x128xi32, #tpu.memory_space<vmem>> -> memref<1x128xi32, #tpu.memory_space<vmem>>
          %dma_start3A_85 = tpu.memref_squeeze %dma_start3A_84 : memref<1x128xi32, #tpu.memory_space<vmem>> -> memref<128xi32, #tpu.memory_space<vmem>>
          %dma_start3A_86 = arith.constant 0 : i32
          %dma_start3A_87 = arith.constant 0 : i32
          %dma_start3A_88 = tpu.memref_slice %arg16[%dma_start3A_86, %dma_start3A_87] : memref<10240x128xf32, #tpu.memory_space<vmem_shared>> -> memref<10240x128xf32, #tpu.memory_space<vmem_shared>>
          tpu.enqueue_indirect_dma source(%arg10 : memref<128x128xf32, #tpu.memory_space<vmem>>) target(%dma_start3A_88 : memref<10240x128xf32, #tpu.memory_space<vmem_shared>>) offsets(%dma_start3A_85 : memref<128xi32, #tpu.memory_space<vmem>>) semaphore(%run_scoped3A_82 : memref<!tpu.dma_semaphore, #tpu.memory_space<semaphore_mem>>) {add = true}
          %dma_wait3A_89 = arith.constant 0 : i32
          %dma_wait3A_90 = tpu.memref_slice %arg9[%run_scoped3A, %dma_wait3A_89] : memref<16x128xi32, #tpu.memory_space<vmem>> -> memref<1x128xi32, #tpu.memory_space<vmem>>
          %dma_wait3A_91 = tpu.memref_squeeze %dma_wait3A_90 : memref<1x128xi32, #tpu.memory_space<vmem>> -> memref<128xi32, #tpu.memory_space<vmem>>
          %dma_wait3A_92 = arith.constant 0 : i32
          %dma_wait3A_93 = arith.constant 0 : i32
          %dma_wait3A_94 = tpu.memref_slice %arg16[%dma_wait3A_92, %dma_wait3A_93] : memref<10240x128xf32, #tpu.memory_space<vmem_shared>> -> memref<10240x128xf32, #tpu.memory_space<vmem_shared>>
          tpu.wait_indirect_dma semaphore(%run_scoped3A_82 : memref<!tpu.dma_semaphore, #tpu.memory_space<semaphore_mem>>) src(%arg10 : memref<128x128xf32, #tpu.memory_space<vmem>>) dst(%dma_wait3A_94 : memref<10240x128xf32, #tpu.memory_space<vmem_shared>>)
          tpu.yield
        }) : () -> ()
        %dma_wait3A_73 = arith.constant 15 : i32
        %dma_wait3A_74 = arith.constant 0 : i32
        %dma_wait3A_75 = tpu.memref_slice %arg8[%dma_wait3A_73, %dma_wait3A_74] : memref<16x128xi32, #tpu.memory_space<vmem>> -> memref<1x128xi32, #tpu.memory_space<vmem>>
        %dma_wait3A_76 = tpu.memref_squeeze %dma_wait3A_75 : memref<1x128xi32, #tpu.memory_space<vmem>> -> memref<128xi32, #tpu.memory_space<vmem>>
        %dma_wait3A_77 = arith.constant 0 : i32
        %dma_wait3A_78 = arith.constant 0 : i32
        %dma_wait3A_79 = tpu.memref_slice %arg2[%dma_wait3A_77, %dma_wait3A_78] : memref<10240x128xf32, #tpu.memory_space<hbm>> -> memref<10240x128xf32, #tpu.memory_space<hbm>>
        tpu.wait_indirect_dma semaphore(%arg13 : memref<!tpu.dma_semaphore, #tpu.memory_space<semaphore_mem>>) src(%dma_wait3A_79 : memref<10240x128xf32, #tpu.memory_space<hbm>>) dst(%arg11 : memref<128x128xf32, #tpu.memory_space<vmem>>)
        %run_scoped3A_80 = arith.constant 15 : i32
        "tpu.region"() ({
          %run_scoped3A_82 = tpu.sem_alloc : memref<!tpu.dma_semaphore, #tpu.memory_space<semaphore_mem>>
          %dma_start3A_83 = arith.constant 0 : i32
          %dma_start3A_84 = tpu.memref_slice %arg9[%run_scoped3A_80, %dma_start3A_83] : memref<16x128xi32, #tpu.memory_space<vmem>> -> memref<1x128xi32, #tpu.memory_space<vmem>>
          %dma_start3A_85 = tpu.memref_squeeze %dma_start3A_84 : memref<1x128xi32, #tpu.memory_space<vmem>> -> memref<128xi32, #tpu.memory_space<vmem>>
          %dma_start3A_86 = arith.constant 0 : i32
          %dma_start3A_87 = arith.constant 0 : i32
          %dma_start3A_88 = tpu.memref_slice %arg16[%dma_start3A_86, %dma_start3A_87] : memref<10240x128xf32, #tpu.memory_space<vmem_shared>> -> memref<10240x128xf32, #tpu.memory_space<vmem_shared>>
          tpu.enqueue_indirect_dma source(%arg11 : memref<128x128xf32, #tpu.memory_space<vmem>>) target(%dma_start3A_88 : memref<10240x128xf32, #tpu.memory_space<vmem_shared>>) offsets(%dma_start3A_85 : memref<128xi32, #tpu.memory_space<vmem>>) semaphore(%run_scoped3A_82 : memref<!tpu.dma_semaphore, #tpu.memory_space<semaphore_mem>>) {add = true}
          %dma_wait3A_89 = arith.constant 0 : i32
          %dma_wait3A_90 = tpu.memref_slice %arg9[%run_scoped3A_80, %dma_wait3A_89] : memref<16x128xi32, #tpu.memory_space<vmem>> -> memref<1x128xi32, #tpu.memory_space<vmem>>
          %dma_wait3A_91 = tpu.memref_squeeze %dma_wait3A_90 : memref<1x128xi32, #tpu.memory_space<vmem>> -> memref<128xi32, #tpu.memory_space<vmem>>
          %dma_wait3A_92 = arith.constant 0 : i32
          %dma_wait3A_93 = arith.constant 0 : i32
          %dma_wait3A_94 = tpu.memref_slice %arg16[%dma_wait3A_92, %dma_wait3A_93] : memref<10240x128xf32, #tpu.memory_space<vmem_shared>> -> memref<10240x128xf32, #tpu.memory_space<vmem_shared>>
          tpu.wait_indirect_dma semaphore(%run_scoped3A_82 : memref<!tpu.dma_semaphore, #tpu.memory_space<semaphore_mem>>) src(%arg11 : memref<128x128xf32, #tpu.memory_space<vmem>>) dst(%dma_wait3A_94 : memref<10240x128xf32, #tpu.memory_space<vmem_shared>>)
          tpu.yield
        }) : () -> ()
        %scan3A_81 = arith.constant 0 : i32
        scf.yield %scan3A_81 : i32
      }
      %scan3A_37 = arith.constant 10 : i32
      %barrier3A_38 = arith.constant 0 : index
      tpu.barrier barrier_id(%barrier3A_38)
      %mul3A_39 = arith.constant 640 : i32
      %mul3A_40 = arith.muli %arg1, %mul3A_39 : i32
      "tpu.region"() ({
        %run_scoped3A = tpu.sem_alloc : memref<!tpu.dma_semaphore, #tpu.memory_space<semaphore_mem>>
        %dma_start3A = arith.constant 0 : i32
        %dma_start3A_41 = tpu.memref_slice %arg6[%mul3A_40, %dma_start3A] : memref<10240x128xf32, #tpu.memory_space<hbm>> -> memref<640x128xf32, #tpu.memory_space<hbm>>
        %dma_start3A_42 = arith.constant 0 : i32
        %dma_start3A_43 = tpu.memref_slice %arg16[%mul3A_40, %dma_start3A_42] : memref<10240x128xf32, #tpu.memory_space<vmem_shared>> -> memref<640x128xf32, #tpu.memory_space<vmem_shared>>
        tpu.enqueue_dma source(%dma_start3A_43 : memref<640x128xf32, #tpu.memory_space<vmem_shared>>) target(%dma_start3A_41 : memref<640x128xf32, #tpu.memory_space<hbm>>) target_semaphore(%run_scoped3A : memref<!tpu.dma_semaphore, #tpu.memory_space<semaphore_mem>>)
        %dma_wait3A = arith.constant 0 : i32
        %dma_wait3A_44 = tpu.memref_slice %arg6[%mul3A_40, %dma_wait3A] : memref<10240x128xf32, #tpu.memory_space<hbm>> -> memref<640x128xf32, #tpu.memory_space<hbm>>
        %dma_wait3A_45 = arith.constant 0 : i32
        %dma_wait3A_46 = tpu.memref_slice %arg16[%mul3A_40, %dma_wait3A_45] : memref<10240x128xf32, #tpu.memory_space<vmem_shared>> -> memref<640x128xf32, #tpu.memory_space<vmem_shared>>
        tpu.wait_dma2 semaphore(%run_scoped3A : memref<!tpu.dma_semaphore, #tpu.memory_space<semaphore_mem>>) src(%dma_wait3A_46 : memref<640x128xf32, #tpu.memory_space<vmem_shared>>) dst(%dma_wait3A_44 : memref<640x128xf32, #tpu.memory_space<hbm>>)
        tpu.yield
      }) : () -> ()
    } else {
    }
    %eq3A_2 = arith.constant 1 : i32
    %eq3A_3 = arith.cmpi eq, %arg0, %eq3A_2 : i32
    %convert_element_type3A_4 = arith.extui %eq3A_3 : i1 to i32
    %cond3A_5 = arith.constant 0 : i32
    %cond3A_6 = arith.cmpi ne, %convert_element_type3A_4, %cond3A_5 : i32
    scf.if %cond3A_6 {
      %scan3A = arith.constant 0 : i32
      %scan3A_7 = arith.constant 0 : i32
      %scan3A_8 = arith.constant 128 : i32
      %scan3A_9 = arith.addi %scan3A_7, %scan3A_8 : i32
      %scan3A_10 = arith.constant 1 : i32
      %scan3A_11 = scf.for %scan3A_41 = %scan3A_7 to %scan3A_9 step %scan3A_10 iter_args(%scan3A_42 = %scan3A) -> (i32)  : i32 {
        %broadcast_in_dim3A = arith.constant 0.000000e+00 : f32
        %broadcast_in_dim3A_43 = vector.broadcast %broadcast_in_dim3A : f32 to vector<16xf32>
        %swap3A = arith.index_cast %scan3A_41 : i32 to index
        %swap3A_44 = arith.constant 0 : index
        %swap3A_45 = tpu.vector_load %arg10[%swap3A, %swap3A_44] {strides = array<i32>} : memref<128x128xf32, #tpu.memory_space<vmem>>, vector<1x16xf32>,
        %swap3A_46 = vector.shape_cast %swap3A_45 : vector<1x16xf32> to vector<16xf32>
        %swap3A_47 = vector.shape_cast %broadcast_in_dim3A_43 : vector<16xf32> to vector<1x16xf32>
        tpu.vector_store %arg10[%swap3A, %swap3A_44], %swap3A_47 {strides = array<i32>} : memref<128x128xf32, #tpu.memory_space<vmem>>, vector<1x16xf32>,
        %broadcast_in_dim3A_48 = arith.constant 0.000000e+00 : f32
        %broadcast_in_dim3A_49 = vector.broadcast %broadcast_in_dim3A_48 : f32 to vector<16xf32>
        %swap3A_50 = arith.index_cast %scan3A_41 : i32 to index
        %swap3A_51 = arith.constant 16 : index
        %swap3A_52 = tpu.vector_load %arg10[%swap3A_50, %swap3A_51] {strides = array<i32>} : memref<128x128xf32, #tpu.memory_space<vmem>>, vector<1x16xf32>,
        %swap3A_53 = vector.shape_cast %swap3A_52 : vector<1x16xf32> to vector<16xf32>
        %swap3A_54 = vector.shape_cast %broadcast_in_dim3A_49 : vector<16xf32> to vector<1x16xf32>
        tpu.vector_store %arg10[%swap3A_50, %swap3A_51], %swap3A_54 {strides = array<i32>} : memref<128x128xf32, #tpu.memory_space<vmem>>, vector<1x16xf32>,
        %broadcast_in_dim3A_55 = arith.constant 0.000000e+00 : f32
        %broadcast_in_dim3A_56 = vector.broadcast %broadcast_in_dim3A_55 : f32 to vector<16xf32>
        %swap3A_57 = arith.index_cast %scan3A_41 : i32 to index
        %swap3A_58 = arith.constant 32 : index
        %swap3A_59 = tpu.vector_load %arg10[%swap3A_57, %swap3A_58] {strides = array<i32>} : memref<128x128xf32, #tpu.memory_space<vmem>>, vector<1x16xf32>,
        %swap3A_60 = vector.shape_cast %swap3A_59 : vector<1x16xf32> to vector<16xf32>
        %swap3A_61 = vector.shape_cast %broadcast_in_dim3A_56 : vector<16xf32> to vector<1x16xf32>
        tpu.vector_store %arg10[%swap3A_57, %swap3A_58], %swap3A_61 {strides = array<i32>} : memref<128x128xf32, #tpu.memory_space<vmem>>, vector<1x16xf32>,
        %broadcast_in_dim3A_62 = arith.constant 0.000000e+00 : f32
        %broadcast_in_dim3A_63 = vector.broadcast %broadcast_in_dim3A_62 : f32 to vector<16xf32>
        %swap3A_64 = arith.index_cast %scan3A_41 : i32 to index
        %swap3A_65 = arith.constant 48 : index
        %swap3A_66 = tpu.vector_load %arg10[%swap3A_64, %swap3A_65] {strides = array<i32>} : memref<128x128xf32, #tpu.memory_space<vmem>>, vector<1x16xf32>,
        %swap3A_67 = vector.shape_cast %swap3A_66 : vector<1x16xf32> to vector<16xf32>
        %swap3A_68 = vector.shape_cast %broadcast_in_dim3A_63 : vector<16xf32> to vector<1x16xf32>
        tpu.vector_store %arg10[%swap3A_64, %swap3A_65], %swap3A_68 {strides = array<i32>} : memref<128x128xf32, #tpu.memory_space<vmem>>, vector<1x16xf32>,
        %broadcast_in_dim3A_69 = arith.constant 0.000000e+00 : f32
        %broadcast_in_dim3A_70 = vector.broadcast %broadcast_in_dim3A_69 : f32 to vector<16xf32>
        %swap3A_71 = arith.index_cast %scan3A_41 : i32 to index
        %swap3A_72 = arith.constant 64 : index
        %swap3A_73 = tpu.vector_load %arg10[%swap3A_71, %swap3A_72] {strides = array<i32>} : memref<128x128xf32, #tpu.memory_space<vmem>>, vector<1x16xf32>,
        %swap3A_74 = vector.shape_cast %swap3A_73 : vector<1x16xf32> to vector<16xf32>
        %swap3A_75 = vector.shape_cast %broadcast_in_dim3A_70 : vector<16xf32> to vector<1x16xf32>
        tpu.vector_store %arg10[%swap3A_71, %swap3A_72], %swap3A_75 {strides = array<i32>} : memref<128x128xf32, #tpu.memory_space<vmem>>, vector<1x16xf32>,
        %broadcast_in_dim3A_76 = arith.constant 0.000000e+00 : f32
        %broadcast_in_dim3A_77 = vector.broadcast %broadcast_in_dim3A_76 : f32 to vector<16xf32>
        %swap3A_78 = arith.index_cast %scan3A_41 : i32 to index
        %swap3A_79 = arith.constant 80 : index
        %swap3A_80 = tpu.vector_load %arg10[%swap3A_78, %swap3A_79] {strides = array<i32>} : memref<128x128xf32, #tpu.memory_space<vmem>>, vector<1x16xf32>,
        %swap3A_81 = vector.shape_cast %swap3A_80 : vector<1x16xf32> to vector<16xf32>
        %swap3A_82 = vector.shape_cast %broadcast_in_dim3A_77 : vector<16xf32> to vector<1x16xf32>
        tpu.vector_store %arg10[%swap3A_78, %swap3A_79], %swap3A_82 {strides = array<i32>} : memref<128x128xf32, #tpu.memory_space<vmem>>, vector<1x16xf32>,
        %broadcast_in_dim3A_83 = arith.constant 0.000000e+00 : f32
        %broadcast_in_dim3A_84 = vector.broadcast %broadcast_in_dim3A_83 : f32 to vector<16xf32>
        %swap3A_85 = arith.index_cast %scan3A_41 : i32 to index
        %swap3A_86 = arith.constant 96 : index
        %swap3A_87 = tpu.vector_load %arg10[%swap3A_85, %swap3A_86] {strides = array<i32>} : memref<128x128xf32, #tpu.memory_space<vmem>>, vector<1x16xf32>,
        %swap3A_88 = vector.shape_cast %swap3A_87 : vector<1x16xf32> to vector<16xf32>
        %swap3A_89 = vector.shape_cast %broadcast_in_dim3A_84 : vector<16xf32> to vector<1x16xf32>
        tpu.vector_store %arg10[%swap3A_85, %swap3A_86], %swap3A_89 {strides = array<i32>} : memref<128x128xf32, #tpu.memory_space<vmem>>, vector<1x16xf32>,
        %broadcast_in_dim3A_90 = arith.constant 0.000000e+00 : f32
        %broadcast_in_dim3A_91 = vector.broadcast %broadcast_in_dim3A_90 : f32 to vector<16xf32>
        %swap3A_92 = arith.index_cast %scan3A_41 : i32 to index
        %swap3A_93 = arith.constant 112 : index
        %swap3A_94 = tpu.vector_load %arg10[%swap3A_92, %swap3A_93] {strides = array<i32>} : memref<128x128xf32, #tpu.memory_space<vmem>>, vector<1x16xf32>,
        %swap3A_95 = vector.shape_cast %swap3A_94 : vector<1x16xf32> to vector<16xf32>
        %swap3A_96 = vector.shape_cast %broadcast_in_dim3A_91 : vector<16xf32> to vector<1x16xf32>
        tpu.vector_store %arg10[%swap3A_92, %swap3A_93], %swap3A_96 {strides = array<i32>} : memref<128x128xf32, #tpu.memory_space<vmem>>, vector<1x16xf32>,
        %scan3A_97 = arith.constant 0 : i32
        scf.yield %scan3A_97 : i32
      }
      %scan3A_12 = arith.constant 128 : i32
      %mul3A = arith.constant 640 : i32
      %mul3A_13 = arith.muli %arg1, %mul3A : i32
      %add3A = arith.constant 0 : i32
      %add3A_14 = arith.addi %mul3A_13, %add3A : i32
      "tpu.region"() ({
        %run_scoped3A = tpu.sem_alloc : memref<!tpu.dma_semaphore, #tpu.memory_space<semaphore_mem>>
        %dma_start3A = arith.constant 0 : i32
        %dma_start3A_41 = tpu.memref_slice %arg16[%add3A_14, %dma_start3A] : memref<10240x128xf32, #tpu.memory_space<vmem_shared>> -> memref<128x128xf32, #tpu.memory_space<vmem_shared>>
        %dma_start3A_42 = arith.constant 0 : i32
        %dma_start3A_43 = tpu.memref_slice %arg16[%add3A_14, %dma_start3A_42] : memref<10240x128xf32, #tpu.memory_space<vmem_shared>> -> memref<128x128xf32, #tpu.memory_space<vmem_shared>>
        tpu.enqueue_dma source(%arg10 : memref<128x128xf32, #tpu.memory_space<vmem>>) target(%dma_start3A_43 : memref<128x128xf32, #tpu.memory_space<vmem_shared>>) target_semaphore(%run_scoped3A : memref<!tpu.dma_semaphore, #tpu.memory_space<semaphore_mem>>)
        %dma_wait3A = arith.constant 0 : i32
        %dma_wait3A_44 = tpu.memref_slice %arg16[%add3A_14, %dma_wait3A] : memref<10240x128xf32, #tpu.memory_space<vmem_shared>> -> memref<128x128xf32, #tpu.memory_space<vmem_shared>>
        %dma_wait3A_45 = arith.constant 0 : i32
        %dma_wait3A_46 = tpu.memref_slice %arg16[%add3A_14, %dma_wait3A_45] : memref<10240x128xf32, #tpu.memory_space<vmem_shared>> -> memref<128x128xf32, #tpu.memory_space<vmem_shared>>
        tpu.wait_dma2 semaphore(%run_scoped3A : memref<!tpu.dma_semaphore, #tpu.memory_space<semaphore_mem>>) src(%arg10 : memref<128x128xf32, #tpu.memory_space<vmem>>) dst(%dma_wait3A_46 : memref<128x128xf32, #tpu.memory_space<vmem_shared>>)
        tpu.yield
      }) : () -> ()
      %mul3A_15 = arith.constant 640 : i32
      %mul3A_16 = arith.muli %arg1, %mul3A_15 : i32
      %add3A_17 = arith.constant 128 : i32
      %add3A_18 = arith.addi %mul3A_16, %add3A_17 : i32
      "tpu.region"() ({
        %run_scoped3A = tpu.sem_alloc : memref<!tpu.dma_semaphore, #tpu.memory_space<semaphore_mem>>
        %dma_start3A = arith.constant 0 : i32
        %dma_start3A_41 = tpu.memref_slice %arg16[%add3A_18, %dma_start3A] : memref<10240x128xf32, #tpu.memory_space<vmem_shared>> -> memref<128x128xf32, #tpu.memory_space<vmem_shared>>
        %dma_start3A_42 = arith.constant 0 : i32
        %dma_start3A_43 = tpu.memref_slice %arg16[%add3A_18, %dma_start3A_42] : memref<10240x128xf32, #tpu.memory_space<vmem_shared>> -> memref<128x128xf32, #tpu.memory_space<vmem_shared>>
        tpu.enqueue_dma source(%arg10 : memref<128x128xf32, #tpu.memory_space<vmem>>) target(%dma_start3A_43 : memref<128x128xf32, #tpu.memory_space<vmem_shared>>) target_semaphore(%run_scoped3A : memref<!tpu.dma_semaphore, #tpu.memory_space<semaphore_mem>>)
        %dma_wait3A = arith.constant 0 : i32
        %dma_wait3A_44 = tpu.memref_slice %arg16[%add3A_18, %dma_wait3A] : memref<10240x128xf32, #tpu.memory_space<vmem_shared>> -> memref<128x128xf32, #tpu.memory_space<vmem_shared>>
        %dma_wait3A_45 = arith.constant 0 : i32
        %dma_wait3A_46 = tpu.memref_slice %arg16[%add3A_18, %dma_wait3A_45] : memref<10240x128xf32, #tpu.memory_space<vmem_shared>> -> memref<128x128xf32, #tpu.memory_space<vmem_shared>>
        tpu.wait_dma2 semaphore(%run_scoped3A : memref<!tpu.dma_semaphore, #tpu.memory_space<semaphore_mem>>) src(%arg10 : memref<128x128xf32, #tpu.memory_space<vmem>>) dst(%dma_wait3A_46 : memref<128x128xf32, #tpu.memory_space<vmem_shared>>)
        tpu.yield
      }) : () -> ()
      %mul3A_19 = arith.constant 640 : i32
      %mul3A_20 = arith.muli %arg1, %mul3A_19 : i32
      %add3A_21 = arith.constant 256 : i32
      %add3A_22 = arith.addi %mul3A_20, %add3A_21 : i32
      "tpu.region"() ({
        %run_scoped3A = tpu.sem_alloc : memref<!tpu.dma_semaphore, #tpu.memory_space<semaphore_mem>>
        %dma_start3A = arith.constant 0 : i32
        %dma_start3A_41 = tpu.memref_slice %arg16[%add3A_22, %dma_start3A] : memref<10240x128xf32, #tpu.memory_space<vmem_shared>> -> memref<128x128xf32, #tpu.memory_space<vmem_shared>>
        %dma_start3A_42 = arith.constant 0 : i32
        %dma_start3A_43 = tpu.memref_slice %arg16[%add3A_22, %dma_start3A_42] : memref<10240x128xf32, #tpu.memory_space<vmem_shared>> -> memref<128x128xf32, #tpu.memory_space<vmem_shared>>
        tpu.enqueue_dma source(%arg10 : memref<128x128xf32, #tpu.memory_space<vmem>>) target(%dma_start3A_43 : memref<128x128xf32, #tpu.memory_space<vmem_shared>>) target_semaphore(%run_scoped3A : memref<!tpu.dma_semaphore, #tpu.memory_space<semaphore_mem>>)
        %dma_wait3A = arith.constant 0 : i32
        %dma_wait3A_44 = tpu.memref_slice %arg16[%add3A_22, %dma_wait3A] : memref<10240x128xf32, #tpu.memory_space<vmem_shared>> -> memref<128x128xf32, #tpu.memory_space<vmem_shared>>
        %dma_wait3A_45 = arith.constant 0 : i32
        %dma_wait3A_46 = tpu.memref_slice %arg16[%add3A_22, %dma_wait3A_45] : memref<10240x128xf32, #tpu.memory_space<vmem_shared>> -> memref<128x128xf32, #tpu.memory_space<vmem_shared>>
        tpu.wait_dma2 semaphore(%run_scoped3A : memref<!tpu.dma_semaphore, #tpu.memory_space<semaphore_mem>>) src(%arg10 : memref<128x128xf32, #tpu.memory_space<vmem>>) dst(%dma_wait3A_46 : memref<128x128xf32, #tpu.memory_space<vmem_shared>>)
        tpu.yield
      }) : () -> ()
      %mul3A_23 = arith.constant 640 : i32
      %mul3A_24 = arith.muli %arg1, %mul3A_23 : i32
      %add3A_25 = arith.constant 384 : i32
      %add3A_26 = arith.addi %mul3A_24, %add3A_25 : i32
      "tpu.region"() ({
        %run_scoped3A = tpu.sem_alloc : memref<!tpu.dma_semaphore, #tpu.memory_space<semaphore_mem>>
        %dma_start3A = arith.constant 0 : i32
        %dma_start3A_41 = tpu.memref_slice %arg16[%add3A_26, %dma_start3A] : memref<10240x128xf32, #tpu.memory_space<vmem_shared>> -> memref<128x128xf32, #tpu.memory_space<vmem_shared>>
        %dma_start3A_42 = arith.constant 0 : i32
        %dma_start3A_43 = tpu.memref_slice %arg16[%add3A_26, %dma_start3A_42] : memref<10240x128xf32, #tpu.memory_space<vmem_shared>> -> memref<128x128xf32, #tpu.memory_space<vmem_shared>>
        tpu.enqueue_dma source(%arg10 : memref<128x128xf32, #tpu.memory_space<vmem>>) target(%dma_start3A_43 : memref<128x128xf32, #tpu.memory_space<vmem_shared>>) target_semaphore(%run_scoped3A : memref<!tpu.dma_semaphore, #tpu.memory_space<semaphore_mem>>)
        %dma_wait3A = arith.constant 0 : i32
        %dma_wait3A_44 = tpu.memref_slice %arg16[%add3A_26, %dma_wait3A] : memref<10240x128xf32, #tpu.memory_space<vmem_shared>> -> memref<128x128xf32, #tpu.memory_space<vmem_shared>>
        %dma_wait3A_45 = arith.constant 0 : i32
        %dma_wait3A_46 = tpu.memref_slice %arg16[%add3A_26, %dma_wait3A_45] : memref<10240x128xf32, #tpu.memory_space<vmem_shared>> -> memref<128x128xf32, #tpu.memory_space<vmem_shared>>
        tpu.wait_dma2 semaphore(%run_scoped3A : memref<!tpu.dma_semaphore, #tpu.memory_space<semaphore_mem>>) src(%arg10 : memref<128x128xf32, #tpu.memory_space<vmem>>) dst(%dma_wait3A_46 : memref<128x128xf32, #tpu.memory_space<vmem_shared>>)
        tpu.yield
      }) : () -> ()
      %mul3A_27 = arith.constant 640 : i32
      %mul3A_28 = arith.muli %arg1, %mul3A_27 : i32
      %add3A_29 = arith.constant 512 : i32
      %add3A_30 = arith.addi %mul3A_28, %add3A_29 : i32
      "tpu.region"() ({
        %run_scoped3A = tpu.sem_alloc : memref<!tpu.dma_semaphore, #tpu.memory_space<semaphore_mem>>
        %dma_start3A = arith.constant 0 : i32
        %dma_start3A_41 = tpu.memref_slice %arg16[%add3A_30, %dma_start3A] : memref<10240x128xf32, #tpu.memory_space<vmem_shared>> -> memref<128x128xf32, #tpu.memory_space<vmem_shared>>
        %dma_start3A_42 = arith.constant 0 : i32
        %dma_start3A_43 = tpu.memref_slice %arg16[%add3A_30, %dma_start3A_42] : memref<10240x128xf32, #tpu.memory_space<vmem_shared>> -> memref<128x128xf32, #tpu.memory_space<vmem_shared>>
        tpu.enqueue_dma source(%arg10 : memref<128x128xf32, #tpu.memory_space<vmem>>) target(%dma_start3A_43 : memref<128x128xf32, #tpu.memory_space<vmem_shared>>) target_semaphore(%run_scoped3A : memref<!tpu.dma_semaphore, #tpu.memory_space<semaphore_mem>>)
        %dma_wait3A = arith.constant 0 : i32
        %dma_wait3A_44 = tpu.memref_slice %arg16[%add3A_30, %dma_wait3A] : memref<10240x128xf32, #tpu.memory_space<vmem_shared>> -> memref<128x128xf32, #tpu.memory_space<vmem_shared>>
        %dma_wait3A_45 = arith.constant 0 : i32
        %dma_wait3A_46 = tpu.memref_slice %arg16[%add3A_30, %dma_wait3A_45] : memref<10240x128xf32, #tpu.memory_space<vmem_shared>> -> memref<128x128xf32, #tpu.memory_space<vmem_shared>>
        tpu.wait_dma2 semaphore(%run_scoped3A : memref<!tpu.dma_semaphore, #tpu.memory_space<semaphore_mem>>) src(%arg10 : memref<128x128xf32, #tpu.memory_space<vmem>>) dst(%dma_wait3A_46 : memref<128x128xf32, #tpu.memory_space<vmem_shared>>)
        tpu.yield
      }) : () -> ()
      %barrier3A = arith.constant 0 : index
      tpu.barrier barrier_id(%barrier3A)
      %scan3A_31 = arith.constant 0 : i32
      %scan3A_32 = arith.constant 0 : i32
      %scan3A_33 = arith.constant 10 : i32
      %scan3A_34 = arith.addi %scan3A_32, %scan3A_33 : i32
      %scan3A_35 = arith.constant 1 : i32
      %scan3A_36 = scf.for %scan3A_41 = %scan3A_32 to %scan3A_34 step %scan3A_35 iter_args(%scan3A_42 = %scan3A_31) -> (i32)  : i32 {
        %mul3A_43 = arith.constant 16 : i32
        %mul3A_44 = arith.muli %scan3A_41, %mul3A_43 : i32
        "tpu.region"() ({
          %run_scoped3A_82 = tpu.sem_alloc : memref<!tpu.dma_semaphore, #tpu.memory_space<semaphore_mem>>
          %dma_start3A_83 = arith.constant 0 : i32
          %dma_start3A_84 = tpu.memref_slice %arg5[%arg1, %mul3A_44, %dma_start3A_83] : memref<16x160x128xi32, #tpu.memory_space<hbm>> -> memref<1x16x128xi32, #tpu.memory_space<hbm>>
          %dma_start3A_85 = tpu.memref_squeeze %dma_start3A_84 : memref<1x16x128xi32, #tpu.memory_space<hbm>> -> memref<16x128xi32, #tpu.memory_space<hbm>>
          %dma_start3A_86 = arith.constant 0 : i32
          %dma_start3A_87 = tpu.memref_slice %arg5[%arg1, %mul3A_44, %dma_start3A_86] : memref<16x160x128xi32, #tpu.memory_space<hbm>> -> memref<1x16x128xi32, #tpu.memory_space<hbm>>
          %dma_start3A_88 = tpu.memref_squeeze %dma_start3A_87 : memref<1x16x128xi32, #tpu.memory_space<hbm>> -> memref<16x128xi32, #tpu.memory_space<hbm>>
          tpu.enqueue_dma source(%dma_start3A_88 : memref<16x128xi32, #tpu.memory_space<hbm>>) target(%arg8 : memref<16x128xi32, #tpu.memory_space<vmem>>) target_semaphore(%run_scoped3A_82 : memref<!tpu.dma_semaphore, #tpu.memory_space<semaphore_mem>>)
          %dma_wait3A_89 = arith.constant 0 : i32
          %dma_wait3A_90 = tpu.memref_slice %arg5[%arg1, %mul3A_44, %dma_wait3A_89] : memref<16x160x128xi32, #tpu.memory_space<hbm>> -> memref<1x16x128xi32, #tpu.memory_space<hbm>>
          %dma_wait3A_91 = tpu.memref_squeeze %dma_wait3A_90 : memref<1x16x128xi32, #tpu.memory_space<hbm>> -> memref<16x128xi32, #tpu.memory_space<hbm>>
          %dma_wait3A_92 = arith.constant 0 : i32
          %dma_wait3A_93 = tpu.memref_slice %arg5[%arg1, %mul3A_44, %dma_wait3A_92] : memref<16x160x128xi32, #tpu.memory_space<hbm>> -> memref<1x16x128xi32, #tpu.memory_space<hbm>>
          %dma_wait3A_94 = tpu.memref_squeeze %dma_wait3A_93 : memref<1x16x128xi32, #tpu.memory_space<hbm>> -> memref<16x128xi32, #tpu.memory_space<hbm>>
          tpu.wait_dma2 semaphore(%run_scoped3A_82 : memref<!tpu.dma_semaphore, #tpu.memory_space<semaphore_mem>>) src(%dma_wait3A_94 : memref<16x128xi32, #tpu.memory_space<hbm>>) dst(%arg8 : memref<16x128xi32, #tpu.memory_space<vmem>>)
          tpu.yield
        }) : () -> ()
        %mul3A_45 = arith.constant 16 : i32
        %mul3A_46 = arith.muli %scan3A_41, %mul3A_45 : i32
        "tpu.region"() ({
          %run_scoped3A_82 = tpu.sem_alloc : memref<!tpu.dma_semaphore, #tpu.memory_space<semaphore_mem>>
          %dma_start3A_83 = arith.constant 0 : i32
          %dma_start3A_84 = tpu.memref_slice %arg4[%arg1, %mul3A_46, %dma_start3A_83] : memref<16x160x128xi32, #tpu.memory_space<hbm>> -> memref<1x16x128xi32, #tpu.memory_space<hbm>>
          %dma_start3A_85 = tpu.memref_squeeze %dma_start3A_84 : memref<1x16x128xi32, #tpu.memory_space<hbm>> -> memref<16x128xi32, #tpu.memory_space<hbm>>
          %dma_start3A_86 = arith.constant 0 : i32
          %dma_start3A_87 = tpu.memref_slice %arg4[%arg1, %mul3A_46, %dma_start3A_86] : memref<16x160x128xi32, #tpu.memory_space<hbm>> -> memref<1x16x128xi32, #tpu.memory_space<hbm>>
          %dma_start3A_88 = tpu.memref_squeeze %dma_start3A_87 : memref<1x16x128xi32, #tpu.memory_space<hbm>> -> memref<16x128xi32, #tpu.memory_space<hbm>>
          tpu.enqueue_dma source(%dma_start3A_88 : memref<16x128xi32, #tpu.memory_space<hbm>>) target(%arg9 : memref<16x128xi32, #tpu.memory_space<vmem>>) target_semaphore(%run_scoped3A_82 : memref<!tpu.dma_semaphore, #tpu.memory_space<semaphore_mem>>)
          %dma_wait3A_89 = arith.constant 0 : i32
          %dma_wait3A_90 = tpu.memref_slice %arg4[%arg1, %mul3A_46, %dma_wait3A_89] : memref<16x160x128xi32, #tpu.memory_space<hbm>> -> memref<1x16x128xi32, #tpu.memory_space<hbm>>
          %dma_wait3A_91 = tpu.memref_squeeze %dma_wait3A_90 : memref<1x16x128xi32, #tpu.memory_space<hbm>> -> memref<16x128xi32, #tpu.memory_space<hbm>>
          %dma_wait3A_92 = arith.constant 0 : i32
          %dma_wait3A_93 = tpu.memref_slice %arg4[%arg1, %mul3A_46, %dma_wait3A_92] : memref<16x160x128xi32, #tpu.memory_space<hbm>> -> memref<1x16x128xi32, #tpu.memory_space<hbm>>
          %dma_wait3A_94 = tpu.memref_squeeze %dma_wait3A_93 : memref<1x16x128xi32, #tpu.memory_space<hbm>> -> memref<16x128xi32, #tpu.memory_space<hbm>>
          tpu.wait_dma2 semaphore(%run_scoped3A_82 : memref<!tpu.dma_semaphore, #tpu.memory_space<semaphore_mem>>) src(%dma_wait3A_94 : memref<16x128xi32, #tpu.memory_space<hbm>>) dst(%arg9 : memref<16x128xi32, #tpu.memory_space<vmem>>)
          tpu.yield
        }) : () -> ()
        %dma_start3A = arith.constant 0 : i32
        %dma_start3A_47 = arith.constant 0 : i32
        %dma_start3A_48 = tpu.memref_slice %arg8[%dma_start3A, %dma_start3A_47] : memref<16x128xi32, #tpu.memory_space<vmem>> -> memref<1x128xi32, #tpu.memory_space<vmem>>
        %dma_start3A_49 = tpu.memref_squeeze %dma_start3A_48 : memref<1x128xi32, #tpu.memory_space<vmem>> -> memref<128xi32, #tpu.memory_space<vmem>>
        %dma_start3A_50 = arith.constant 0 : i32
        %dma_start3A_51 = arith.constant 0 : i32
        %dma_start3A_52 = tpu.memref_slice %arg3[%dma_start3A_50, %dma_start3A_51] : memref<10240x128xf32, #tpu.memory_space<hbm>> -> memref<10240x128xf32, #tpu.memory_space<hbm>>
        tpu.enqueue_indirect_dma source(%dma_start3A_52 : memref<10240x128xf32, #tpu.memory_space<hbm>>) target(%arg10 : memref<128x128xf32, #tpu.memory_space<vmem>>) offsets(%dma_start3A_49 : memref<128xi32, #tpu.memory_space<vmem>>) semaphore(%arg12 : memref<!tpu.dma_semaphore, #tpu.memory_space<semaphore_mem>>)
        %scan3A_53 = arith.constant 0 : i32
        %scan3A_54 = arith.constant 0 : i32
        %scan3A_55 = arith.constant 7 : i32
        %scan3A_56 = arith.addi %scan3A_54, %scan3A_55 : i32
        %scan3A_57 = arith.constant 1 : i32
        %scan3A_58 = scf.for %scan3A_82 = %scan3A_54 to %scan3A_56 step %scan3A_57 iter_args(%scan3A_83 = %scan3A_53) -> (i32)  : i32 {
          %mul3A_84 = arith.constant 2 : i32
          %mul3A_85 = arith.muli %mul3A_84, %scan3A_82 : i32
          %add3A_86 = arith.constant 1 : i32
          %add3A_87 = arith.addi %mul3A_85, %add3A_86 : i32
          %dma_start3A_88 = arith.constant 0 : i32
          %dma_start3A_89 = tpu.memref_slice %arg8[%add3A_87, %dma_start3A_88] : memref<16x128xi32, #tpu.memory_space<vmem>> -> memref<1x128xi32, #tpu.memory_space<vmem>>
          %dma_start3A_90 = tpu.memref_squeeze %dma_start3A_89 : memref<1x128xi32, #tpu.memory_space<vmem>> -> memref<128xi32, #tpu.memory_space<vmem>>
          %dma_start3A_91 = arith.constant 0 : i32
          %dma_start3A_92 = arith.constant 0 : i32
          %dma_start3A_93 = tpu.memref_slice %arg3[%dma_start3A_91, %dma_start3A_92] : memref<10240x128xf32, #tpu.memory_space<hbm>> -> memref<10240x128xf32, #tpu.memory_space<hbm>>
          tpu.enqueue_indirect_dma source(%dma_start3A_93 : memref<10240x128xf32, #tpu.memory_space<hbm>>) target(%arg11 : memref<128x128xf32, #tpu.memory_space<vmem>>) offsets(%dma_start3A_90 : memref<128xi32, #tpu.memory_space<vmem>>) semaphore(%arg13 : memref<!tpu.dma_semaphore, #tpu.memory_space<semaphore_mem>>)
          %mul3A_94 = arith.constant 2 : i32
          %mul3A_95 = arith.muli %mul3A_94, %scan3A_82 : i32
          %dma_wait3A_96 = arith.constant 0 : i32
          %dma_wait3A_97 = tpu.memref_slice %arg8[%mul3A_95, %dma_wait3A_96] : memref<16x128xi32, #tpu.memory_space<vmem>> -> memref<1x128xi32, #tpu.memory_space<vmem>>
          %dma_wait3A_98 = tpu.memref_squeeze %dma_wait3A_97 : memref<1x128xi32, #tpu.memory_space<vmem>> -> memref<128xi32, #tpu.memory_space<vmem>>
          %dma_wait3A_99 = arith.constant 0 : i32
          %dma_wait3A_100 = arith.constant 0 : i32
          %dma_wait3A_101 = tpu.memref_slice %arg3[%dma_wait3A_99, %dma_wait3A_100] : memref<10240x128xf32, #tpu.memory_space<hbm>> -> memref<10240x128xf32, #tpu.memory_space<hbm>>
          tpu.wait_indirect_dma semaphore(%arg12 : memref<!tpu.dma_semaphore, #tpu.memory_space<semaphore_mem>>) src(%dma_wait3A_101 : memref<10240x128xf32, #tpu.memory_space<hbm>>) dst(%arg10 : memref<128x128xf32, #tpu.memory_space<vmem>>)
          "tpu.region"() ({
            %run_scoped3A_123 = tpu.sem_alloc : memref<!tpu.dma_semaphore, #tpu.memory_space<semaphore_mem>>
            %dma_start3A_124 = arith.constant 0 : i32
            %dma_start3A_125 = tpu.memref_slice %arg9[%mul3A_95, %dma_start3A_124] : memref<16x128xi32, #tpu.memory_space<vmem>> -> memref<1x128xi32, #tpu.memory_space<vmem>>
            %dma_start3A_126 = tpu.memref_squeeze %dma_start3A_125 : memref<1x128xi32, #tpu.memory_space<vmem>> -> memref<128xi32, #tpu.memory_space<vmem>>
            %dma_start3A_127 = arith.constant 0 : i32
            %dma_start3A_128 = arith.constant 0 : i32
            %dma_start3A_129 = tpu.memref_slice %arg16[%dma_start3A_127, %dma_start3A_128] : memref<10240x128xf32, #tpu.memory_space<vmem_shared>> -> memref<10240x128xf32, #tpu.memory_space<vmem_shared>>
            tpu.enqueue_indirect_dma source(%arg10 : memref<128x128xf32, #tpu.memory_space<vmem>>) target(%dma_start3A_129 : memref<10240x128xf32, #tpu.memory_space<vmem_shared>>) offsets(%dma_start3A_126 : memref<128xi32, #tpu.memory_space<vmem>>) semaphore(%run_scoped3A_123 : memref<!tpu.dma_semaphore, #tpu.memory_space<semaphore_mem>>) {add = true}
            %dma_wait3A_130 = arith.constant 0 : i32
            %dma_wait3A_131 = tpu.memref_slice %arg9[%mul3A_95, %dma_wait3A_130] : memref<16x128xi32, #tpu.memory_space<vmem>> -> memref<1x128xi32, #tpu.memory_space<vmem>>
            %dma_wait3A_132 = tpu.memref_squeeze %dma_wait3A_131 : memref<1x128xi32, #tpu.memory_space<vmem>> -> memref<128xi32, #tpu.memory_space<vmem>>
            %dma_wait3A_133 = arith.constant 0 : i32
            %dma_wait3A_134 = arith.constant 0 : i32
            %dma_wait3A_135 = tpu.memref_slice %arg16[%dma_wait3A_133, %dma_wait3A_134] : memref<10240x128xf32, #tpu.memory_space<vmem_shared>> -> memref<10240x128xf32, #tpu.memory_space<vmem_shared>>
            tpu.wait_indirect_dma semaphore(%run_scoped3A_123 : memref<!tpu.dma_semaphore, #tpu.memory_space<semaphore_mem>>) src(%arg10 : memref<128x128xf32, #tpu.memory_space<vmem>>) dst(%dma_wait3A_135 : memref<10240x128xf32, #tpu.memory_space<vmem_shared>>)
            tpu.yield
          }) : () -> ()
          %mul3A_102 = arith.constant 2 : i32
          %mul3A_103 = arith.muli %mul3A_102, %scan3A_82 : i32
          %add3A_104 = arith.constant 2 : i32
          %add3A_105 = arith.addi %mul3A_103, %add3A_104 : i32
          %dma_start3A_106 = arith.constant 0 : i32
          %dma_start3A_107 = tpu.memref_slice %arg8[%add3A_105, %dma_start3A_106] : memref<16x128xi32, #tpu.memory_space<vmem>> -> memref<1x128xi32, #tpu.memory_space<vmem>>
          %dma_start3A_108 = tpu.memref_squeeze %dma_start3A_107 : memref<1x128xi32, #tpu.memory_space<vmem>> -> memref<128xi32, #tpu.memory_space<vmem>>
          %dma_start3A_109 = arith.constant 0 : i32
          %dma_start3A_110 = arith.constant 0 : i32
          %dma_start3A_111 = tpu.memref_slice %arg3[%dma_start3A_109, %dma_start3A_110] : memref<10240x128xf32, #tpu.memory_space<hbm>> -> memref<10240x128xf32, #tpu.memory_space<hbm>>
          tpu.enqueue_indirect_dma source(%dma_start3A_111 : memref<10240x128xf32, #tpu.memory_space<hbm>>) target(%arg10 : memref<128x128xf32, #tpu.memory_space<vmem>>) offsets(%dma_start3A_108 : memref<128xi32, #tpu.memory_space<vmem>>) semaphore(%arg12 : memref<!tpu.dma_semaphore, #tpu.memory_space<semaphore_mem>>)
          %mul3A_112 = arith.constant 2 : i32
          %mul3A_113 = arith.muli %mul3A_112, %scan3A_82 : i32
          %add3A_114 = arith.constant 1 : i32
          %add3A_115 = arith.addi %mul3A_113, %add3A_114 : i32
          %dma_wait3A_116 = arith.constant 0 : i32
          %dma_wait3A_117 = tpu.memref_slice %arg8[%add3A_115, %dma_wait3A_116] : memref<16x128xi32, #tpu.memory_space<vmem>> -> memref<1x128xi32, #tpu.memory_space<vmem>>
          %dma_wait3A_118 = tpu.memref_squeeze %dma_wait3A_117 : memref<1x128xi32, #tpu.memory_space<vmem>> -> memref<128xi32, #tpu.memory_space<vmem>>
          %dma_wait3A_119 = arith.constant 0 : i32
          %dma_wait3A_120 = arith.constant 0 : i32
          %dma_wait3A_121 = tpu.memref_slice %arg3[%dma_wait3A_119, %dma_wait3A_120] : memref<10240x128xf32, #tpu.memory_space<hbm>> -> memref<10240x128xf32, #tpu.memory_space<hbm>>
          tpu.wait_indirect_dma semaphore(%arg13 : memref<!tpu.dma_semaphore, #tpu.memory_space<semaphore_mem>>) src(%dma_wait3A_121 : memref<10240x128xf32, #tpu.memory_space<hbm>>) dst(%arg11 : memref<128x128xf32, #tpu.memory_space<vmem>>)
          "tpu.region"() ({
            %run_scoped3A_123 = tpu.sem_alloc : memref<!tpu.dma_semaphore, #tpu.memory_space<semaphore_mem>>
            %dma_start3A_124 = arith.constant 0 : i32
            %dma_start3A_125 = tpu.memref_slice %arg9[%add3A_115, %dma_start3A_124] : memref<16x128xi32, #tpu.memory_space<vmem>> -> memref<1x128xi32, #tpu.memory_space<vmem>>
            %dma_start3A_126 = tpu.memref_squeeze %dma_start3A_125 : memref<1x128xi32, #tpu.memory_space<vmem>> -> memref<128xi32, #tpu.memory_space<vmem>>
            %dma_start3A_127 = arith.constant 0 : i32
            %dma_start3A_128 = arith.constant 0 : i32
            %dma_start3A_129 = tpu.memref_slice %arg16[%dma_start3A_127, %dma_start3A_128] : memref<10240x128xf32, #tpu.memory_space<vmem_shared>> -> memref<10240x128xf32, #tpu.memory_space<vmem_shared>>
            tpu.enqueue_indirect_dma source(%arg11 : memref<128x128xf32, #tpu.memory_space<vmem>>) target(%dma_start3A_129 : memref<10240x128xf32, #tpu.memory_space<vmem_shared>>) offsets(%dma_start3A_126 : memref<128xi32, #tpu.memory_space<vmem>>) semaphore(%run_scoped3A_123 : memref<!tpu.dma_semaphore, #tpu.memory_space<semaphore_mem>>) {add = true}
            %dma_wait3A_130 = arith.constant 0 : i32
            %dma_wait3A_131 = tpu.memref_slice %arg9[%add3A_115, %dma_wait3A_130] : memref<16x128xi32, #tpu.memory_space<vmem>> -> memref<1x128xi32, #tpu.memory_space<vmem>>
            %dma_wait3A_132 = tpu.memref_squeeze %dma_wait3A_131 : memref<1x128xi32, #tpu.memory_space<vmem>> -> memref<128xi32, #tpu.memory_space<vmem>>
            %dma_wait3A_133 = arith.constant 0 : i32
            %dma_wait3A_134 = arith.constant 0 : i32
            %dma_wait3A_135 = tpu.memref_slice %arg16[%dma_wait3A_133, %dma_wait3A_134] : memref<10240x128xf32, #tpu.memory_space<vmem_shared>> -> memref<10240x128xf32, #tpu.memory_space<vmem_shared>>
            tpu.wait_indirect_dma semaphore(%run_scoped3A_123 : memref<!tpu.dma_semaphore, #tpu.memory_space<semaphore_mem>>) src(%arg11 : memref<128x128xf32, #tpu.memory_space<vmem>>) dst(%dma_wait3A_135 : memref<10240x128xf32, #tpu.memory_space<vmem_shared>>)
            tpu.yield
          }) : () -> ()
          %scan3A_122 = arith.constant 0 : i32
          scf.yield %scan3A_122 : i32
        }
        %scan3A_59 = arith.constant 7 : i32
        %dma_start3A_60 = arith.constant 15 : i32
        %dma_start3A_61 = arith.constant 0 : i32
        %dma_start3A_62 = tpu.memref_slice %arg8[%dma_start3A_60, %dma_start3A_61] : memref<16x128xi32, #tpu.memory_space<vmem>> -> memref<1x128xi32, #tpu.memory_space<vmem>>
        %dma_start3A_63 = tpu.memref_squeeze %dma_start3A_62 : memref<1x128xi32, #tpu.memory_space<vmem>> -> memref<128xi32, #tpu.memory_space<vmem>>
        %dma_start3A_64 = arith.constant 0 : i32
        %dma_start3A_65 = arith.constant 0 : i32
        %dma_start3A_66 = tpu.memref_slice %arg3[%dma_start3A_64, %dma_start3A_65] : memref<10240x128xf32, #tpu.memory_space<hbm>> -> memref<10240x128xf32, #tpu.memory_space<hbm>>
        tpu.enqueue_indirect_dma source(%dma_start3A_66 : memref<10240x128xf32, #tpu.memory_space<hbm>>) target(%arg11 : memref<128x128xf32, #tpu.memory_space<vmem>>) offsets(%dma_start3A_63 : memref<128xi32, #tpu.memory_space<vmem>>) semaphore(%arg13 : memref<!tpu.dma_semaphore, #tpu.memory_space<semaphore_mem>>)
        %dma_wait3A = arith.constant 14 : i32
        %dma_wait3A_67 = arith.constant 0 : i32
        %dma_wait3A_68 = tpu.memref_slice %arg8[%dma_wait3A, %dma_wait3A_67] : memref<16x128xi32, #tpu.memory_space<vmem>> -> memref<1x128xi32, #tpu.memory_space<vmem>>
        %dma_wait3A_69 = tpu.memref_squeeze %dma_wait3A_68 : memref<1x128xi32, #tpu.memory_space<vmem>> -> memref<128xi32, #tpu.memory_space<vmem>>
        %dma_wait3A_70 = arith.constant 0 : i32
        %dma_wait3A_71 = arith.constant 0 : i32
        %dma_wait3A_72 = tpu.memref_slice %arg3[%dma_wait3A_70, %dma_wait3A_71] : memref<10240x128xf32, #tpu.memory_space<hbm>> -> memref<10240x128xf32, #tpu.memory_space<hbm>>
        tpu.wait_indirect_dma semaphore(%arg12 : memref<!tpu.dma_semaphore, #tpu.memory_space<semaphore_mem>>) src(%dma_wait3A_72 : memref<10240x128xf32, #tpu.memory_space<hbm>>) dst(%arg10 : memref<128x128xf32, #tpu.memory_space<vmem>>)
        %run_scoped3A = arith.constant 14 : i32
        "tpu.region"() ({
          %run_scoped3A_82 = tpu.sem_alloc : memref<!tpu.dma_semaphore, #tpu.memory_space<semaphore_mem>>
          %dma_start3A_83 = arith.constant 0 : i32
          %dma_start3A_84 = tpu.memref_slice %arg9[%run_scoped3A, %dma_start3A_83] : memref<16x128xi32, #tpu.memory_space<vmem>> -> memref<1x128xi32, #tpu.memory_space<vmem>>
          %dma_start3A_85 = tpu.memref_squeeze %dma_start3A_84 : memref<1x128xi32, #tpu.memory_space<vmem>> -> memref<128xi32, #tpu.memory_space<vmem>>
          %dma_start3A_86 = arith.constant 0 : i32
          %dma_start3A_87 = arith.constant 0 : i32
          %dma_start3A_88 = tpu.memref_slice %arg16[%dma_start3A_86, %dma_start3A_87] : memref<10240x128xf32, #tpu.memory_space<vmem_shared>> -> memref<10240x128xf32, #tpu.memory_space<vmem_shared>>
          tpu.enqueue_indirect_dma source(%arg10 : memref<128x128xf32, #tpu.memory_space<vmem>>) target(%dma_start3A_88 : memref<10240x128xf32, #tpu.memory_space<vmem_shared>>) offsets(%dma_start3A_85 : memref<128xi32, #tpu.memory_space<vmem>>) semaphore(%run_scoped3A_82 : memref<!tpu.dma_semaphore, #tpu.memory_space<semaphore_mem>>) {add = true}
          %dma_wait3A_89 = arith.constant 0 : i32
          %dma_wait3A_90 = tpu.memref_slice %arg9[%run_scoped3A, %dma_wait3A_89] : memref<16x128xi32, #tpu.memory_space<vmem>> -> memref<1x128xi32, #tpu.memory_space<vmem>>
          %dma_wait3A_91 = tpu.memref_squeeze %dma_wait3A_90 : memref<1x128xi32, #tpu.memory_space<vmem>> -> memref<128xi32, #tpu.memory_space<vmem>>
          %dma_wait3A_92 = arith.constant 0 : i32
          %dma_wait3A_93 = arith.constant 0 : i32
          %dma_wait3A_94 = tpu.memref_slice %arg16[%dma_wait3A_92, %dma_wait3A_93] : memref<10240x128xf32, #tpu.memory_space<vmem_shared>> -> memref<10240x128xf32, #tpu.memory_space<vmem_shared>>
          tpu.wait_indirect_dma semaphore(%run_scoped3A_82 : memref<!tpu.dma_semaphore, #tpu.memory_space<semaphore_mem>>) src(%arg10 : memref<128x128xf32, #tpu.memory_space<vmem>>) dst(%dma_wait3A_94 : memref<10240x128xf32, #tpu.memory_space<vmem_shared>>)
          tpu.yield
        }) : () -> ()
        %dma_wait3A_73 = arith.constant 15 : i32
        %dma_wait3A_74 = arith.constant 0 : i32
        %dma_wait3A_75 = tpu.memref_slice %arg8[%dma_wait3A_73, %dma_wait3A_74] : memref<16x128xi32, #tpu.memory_space<vmem>> -> memref<1x128xi32, #tpu.memory_space<vmem>>
        %dma_wait3A_76 = tpu.memref_squeeze %dma_wait3A_75 : memref<1x128xi32, #tpu.memory_space<vmem>> -> memref<128xi32, #tpu.memory_space<vmem>>
        %dma_wait3A_77 = arith.constant 0 : i32
        %dma_wait3A_78 = arith.constant 0 : i32
        %dma_wait3A_79 = tpu.memref_slice %arg3[%dma_wait3A_77, %dma_wait3A_78] : memref<10240x128xf32, #tpu.memory_space<hbm>> -> memref<10240x128xf32, #tpu.memory_space<hbm>>
        tpu.wait_indirect_dma semaphore(%arg13 : memref<!tpu.dma_semaphore, #tpu.memory_space<semaphore_mem>>) src(%dma_wait3A_79 : memref<10240x128xf32, #tpu.memory_space<hbm>>) dst(%arg11 : memref<128x128xf32, #tpu.memory_space<vmem>>)
        %run_scoped3A_80 = arith.constant 15 : i32
        "tpu.region"() ({
          %run_scoped3A_82 = tpu.sem_alloc : memref<!tpu.dma_semaphore, #tpu.memory_space<semaphore_mem>>
          %dma_start3A_83 = arith.constant 0 : i32
          %dma_start3A_84 = tpu.memref_slice %arg9[%run_scoped3A_80, %dma_start3A_83] : memref<16x128xi32, #tpu.memory_space<vmem>> -> memref<1x128xi32, #tpu.memory_space<vmem>>
          %dma_start3A_85 = tpu.memref_squeeze %dma_start3A_84 : memref<1x128xi32, #tpu.memory_space<vmem>> -> memref<128xi32, #tpu.memory_space<vmem>>
          %dma_start3A_86 = arith.constant 0 : i32
          %dma_start3A_87 = arith.constant 0 : i32
          %dma_start3A_88 = tpu.memref_slice %arg16[%dma_start3A_86, %dma_start3A_87] : memref<10240x128xf32, #tpu.memory_space<vmem_shared>> -> memref<10240x128xf32, #tpu.memory_space<vmem_shared>>
          tpu.enqueue_indirect_dma source(%arg11 : memref<128x128xf32, #tpu.memory_space<vmem>>) target(%dma_start3A_88 : memref<10240x128xf32, #tpu.memory_space<vmem_shared>>) offsets(%dma_start3A_85 : memref<128xi32, #tpu.memory_space<vmem>>) semaphore(%run_scoped3A_82 : memref<!tpu.dma_semaphore, #tpu.memory_space<semaphore_mem>>) {add = true}
          %dma_wait3A_89 = arith.constant 0 : i32
          %dma_wait3A_90 = tpu.memref_slice %arg9[%run_scoped3A_80, %dma_wait3A_89] : memref<16x128xi32, #tpu.memory_space<vmem>> -> memref<1x128xi32, #tpu.memory_space<vmem>>
          %dma_wait3A_91 = tpu.memref_squeeze %dma_wait3A_90 : memref<1x128xi32, #tpu.memory_space<vmem>> -> memref<128xi32, #tpu.memory_space<vmem>>
          %dma_wait3A_92 = arith.constant 0 : i32
          %dma_wait3A_93 = arith.constant 0 : i32
          %dma_wait3A_94 = tpu.memref_slice %arg16[%dma_wait3A_92, %dma_wait3A_93] : memref<10240x128xf32, #tpu.memory_space<vmem_shared>> -> memref<10240x128xf32, #tpu.memory_space<vmem_shared>>
          tpu.wait_indirect_dma semaphore(%run_scoped3A_82 : memref<!tpu.dma_semaphore, #tpu.memory_space<semaphore_mem>>) src(%arg11 : memref<128x128xf32, #tpu.memory_space<vmem>>) dst(%dma_wait3A_94 : memref<10240x128xf32, #tpu.memory_space<vmem_shared>>)
          tpu.yield
        }) : () -> ()
        %scan3A_81 = arith.constant 0 : i32
        scf.yield %scan3A_81 : i32
      }
      %scan3A_37 = arith.constant 10 : i32
      %barrier3A_38 = arith.constant 0 : index
      tpu.barrier barrier_id(%barrier3A_38)
      %mul3A_39 = arith.constant 640 : i32
      %mul3A_40 = arith.muli %arg1, %mul3A_39 : i32
      "tpu.region"() ({
        %run_scoped3A = tpu.sem_alloc : memref<!tpu.dma_semaphore, #tpu.memory_space<semaphore_mem>>
        %dma_start3A = arith.constant 0 : i32
        %dma_start3A_41 = tpu.memref_slice %arg7[%mul3A_40, %dma_start3A] : memref<10240x128xf32, #tpu.memory_space<hbm>> -> memref<640x128xf32, #tpu.memory_space<hbm>>
        %dma_start3A_42 = arith.constant 0 : i32
        %dma_start3A_43 = tpu.memref_slice %arg16[%mul3A_40, %dma_start3A_42] : memref<10240x128xf32, #tpu.memory_space<vmem_shared>> -> memref<640x128xf32, #tpu.memory_space<vmem_shared>>
        tpu.enqueue_dma source(%dma_start3A_43 : memref<640x128xf32, #tpu.memory_space<vmem_shared>>) target(%dma_start3A_41 : memref<640x128xf32, #tpu.memory_space<hbm>>) target_semaphore(%run_scoped3A : memref<!tpu.dma_semaphore, #tpu.memory_space<semaphore_mem>>)
        %dma_wait3A = arith.constant 0 : i32
        %dma_wait3A_44 = tpu.memref_slice %arg7[%mul3A_40, %dma_wait3A] : memref<10240x128xf32, #tpu.memory_space<hbm>> -> memref<640x128xf32, #tpu.memory_space<hbm>>
        %dma_wait3A_45 = arith.constant 0 : i32
        %dma_wait3A_46 = tpu.memref_slice %arg16[%mul3A_40, %dma_wait3A_45] : memref<10240x128xf32, #tpu.memory_space<vmem_shared>> -> memref<640x128xf32, #tpu.memory_space<vmem_shared>>
        tpu.wait_dma2 semaphore(%run_scoped3A : memref<!tpu.dma_semaphore, #tpu.memory_space<semaphore_mem>>) src(%dma_wait3A_46 : memref<640x128xf32, #tpu.memory_space<vmem_shared>>) dst(%dma_wait3A_44 : memref<640x128xf32, #tpu.memory_space<hbm>>)
        tpu.yield
      }) : () -> ()
    } else {
    }
    return
  }
}

#map = affine_map<(d0, d1) -> (0, 0)>
#map1 = affine_map<(d0, d1) -> (0, 0, 0)>
module attributes {stable_mosaic.version = 14 : i64} {
  func.func @k(%arg0: i32, %arg1: i32, %arg2: memref<10240x128xf32, #tpu.memory_space<hbm>>, %arg3: memref<10240x128xf32, #tpu.memory_space<hbm>>, %arg4: memref<16x160x128xi32, #tpu.memory_space<hbm>>, %arg5: memref<16x160x128xi32, #tpu.memory_space<hbm>>, %arg6: memref<10240x128xf32, #tpu.memory_space<hbm>>, %arg7: memref<10240x128xf32, #tpu.memory_space<hbm>>, %arg8: memref<16x128xi32, #tpu.memory_space<vmem>>, %arg9: memref<16x128xi32, #tpu.memory_space<vmem>>, %arg10: memref<128x128xf32, #tpu.memory_space<vmem>>, %arg11: memref<128x128xf32, #tpu.memory_space<vmem>>, %arg12: memref<!tpu.dma_semaphore, #tpu.memory_space<semaphore_mem>>, %arg13: memref<!tpu.dma_semaphore, #tpu.memory_space<semaphore_mem>>, %arg14: memref<!tpu.dma_semaphore, #tpu.memory_space<semaphore_mem>>, %arg15: memref<!tpu.dma_semaphore, #tpu.memory_space<semaphore_mem>>, %arg16: memref<10240x128xf32, #tpu.memory_space<vmem_shared>>) attributes {dimension_semantics = [#tpu.dimension_semantics<core_parallel>, #tpu.dimension_semantics<subcore_parallel>], iteration_bounds = array<i64: 2, 16>, scalar_prefetch = 0 : i64, scratch_operands = 9 : i64, tpu.core_type = #tpu.core_type<sc_vector_subcore>, window_params = [{transform_indices = #map}, {transform_indices = #map}, {transform_indices = #map1}, {transform_indices = #map1}, {transform_indices = #map}, {transform_indices = #map}]} {
    %eq3A = arith.constant 0 : i32
    %eq3A_0 = arith.cmpi eq, %arg0, %eq3A : i32
    %convert_element_type3A = arith.extui %eq3A_0 : i1 to i32
    %cond3A = arith.constant 0 : i32
    %cond3A_1 = arith.cmpi ne, %convert_element_type3A, %cond3A : i32
    scf.if %cond3A_1 {
      %scan3A = arith.constant 0 : i32
      %scan3A_7 = arith.constant 0 : i32
      %scan3A_8 = arith.constant 128 : i32
      %scan3A_9 = arith.addi %scan3A_7, %scan3A_8 : i32
      %scan3A_10 = arith.constant 1 : i32
      %scan3A_11 = scf.for %scan3A_41 = %scan3A_7 to %scan3A_9 step %scan3A_10 iter_args(%scan3A_42 = %scan3A) -> (i32)  : i32 {
        %broadcast_in_dim3A = arith.constant 0.000000e+00 : f32
        %broadcast_in_dim3A_43 = vector.broadcast %broadcast_in_dim3A : f32 to vector<16xf32>
        %swap3A = arith.index_cast %scan3A_41 : i32 to index
        %swap3A_44 = arith.constant 0 : index
        %swap3A_45 = tpu.vector_load %arg10[%swap3A, %swap3A_44] {strides = array<i32>} : memref<128x128xf32, #tpu.memory_space<vmem>>, vector<1x16xf32>,
        %swap3A_46 = vector.shape_cast %swap3A_45 : vector<1x16xf32> to vector<16xf32>
        %swap3A_47 = vector.shape_cast %broadcast_in_dim3A_43 : vector<16xf32> to vector<1x16xf32>
        tpu.vector_store %arg10[%swap3A, %swap3A_44], %swap3A_47 {strides = array<i32>} : memref<128x128xf32, #tpu.memory_space<vmem>>, vector<1x16xf32>,
        %broadcast_in_dim3A_48 = arith.constant 0.000000e+00 : f32
        %broadcast_in_dim3A_49 = vector.broadcast %broadcast_in_dim3A_48 : f32 to vector<16xf32>
        %swap3A_50 = arith.index_cast %scan3A_41 : i32 to index
        %swap3A_51 = arith.constant 16 : index
        %swap3A_52 = tpu.vector_load %arg10[%swap3A_50, %swap3A_51] {strides = array<i32>} : memref<128x128xf32, #tpu.memory_space<vmem>>, vector<1x16xf32>,
        %swap3A_53 = vector.shape_cast %swap3A_52 : vector<1x16xf32> to vector<16xf32>
        %swap3A_54 = vector.shape_cast %broadcast_in_dim3A_49 : vector<16xf32> to vector<1x16xf32>
        tpu.vector_store %arg10[%swap3A_50, %swap3A_51], %swap3A_54 {strides = array<i32>} : memref<128x128xf32, #tpu.memory_space<vmem>>, vector<1x16xf32>,
        %broadcast_in_dim3A_55 = arith.constant 0.000000e+00 : f32
        %broadcast_in_dim3A_56 = vector.broadcast %broadcast_in_dim3A_55 : f32 to vector<16xf32>
        %swap3A_57 = arith.index_cast %scan3A_41 : i32 to index
        %swap3A_58 = arith.constant 32 : index
        %swap3A_59 = tpu.vector_load %arg10[%swap3A_57, %swap3A_58] {strides = array<i32>} : memref<128x128xf32, #tpu.memory_space<vmem>>, vector<1x16xf32>,
        %swap3A_60 = vector.shape_cast %swap3A_59 : vector<1x16xf32> to vector<16xf32>
        %swap3A_61 = vector.shape_cast %broadcast_in_dim3A_56 : vector<16xf32> to vector<1x16xf32>
        tpu.vector_store %arg10[%swap3A_57, %swap3A_58], %swap3A_61 {strides = array<i32>} : memref<128x128xf32, #tpu.memory_space<vmem>>, vector<1x16xf32>,
        %broadcast_in_dim3A_62 = arith.constant 0.000000e+00 : f32
        %broadcast_in_dim3A_63 = vector.broadcast %broadcast_in_dim3A_62 : f32 to vector<16xf32>
        %swap3A_64 = arith.index_cast %scan3A_41 : i32 to index
        %swap3A_65 = arith.constant 48 : index
        %swap3A_66 = tpu.vector_load %arg10[%swap3A_64, %swap3A_65] {strides = array<i32>} : memref<128x128xf32, #tpu.memory_space<vmem>>, vector<1x16xf32>,
        %swap3A_67 = vector.shape_cast %swap3A_66 : vector<1x16xf32> to vector<16xf32>
        %swap3A_68 = vector.shape_cast %broadcast_in_dim3A_63 : vector<16xf32> to vector<1x16xf32>
        tpu.vector_store %arg10[%swap3A_64, %swap3A_65], %swap3A_68 {strides = array<i32>} : memref<128x128xf32, #tpu.memory_space<vmem>>, vector<1x16xf32>,
        %broadcast_in_dim3A_69 = arith.constant 0.000000e+00 : f32
        %broadcast_in_dim3A_70 = vector.broadcast %broadcast_in_dim3A_69 : f32 to vector<16xf32>
        %swap3A_71 = arith.index_cast %scan3A_41 : i32 to index
        %swap3A_72 = arith.constant 64 : index
        %swap3A_73 = tpu.vector_load %arg10[%swap3A_71, %swap3A_72] {strides = array<i32>} : memref<128x128xf32, #tpu.memory_space<vmem>>, vector<1x16xf32>,
        %swap3A_74 = vector.shape_cast %swap3A_73 : vector<1x16xf32> to vector<16xf32>
        %swap3A_75 = vector.shape_cast %broadcast_in_dim3A_70 : vector<16xf32> to vector<1x16xf32>
        tpu.vector_store %arg10[%swap3A_71, %swap3A_72], %swap3A_75 {strides = array<i32>} : memref<128x128xf32, #tpu.memory_space<vmem>>, vector<1x16xf32>,
        %broadcast_in_dim3A_76 = arith.constant 0.000000e+00 : f32
        %broadcast_in_dim3A_77 = vector.broadcast %broadcast_in_dim3A_76 : f32 to vector<16xf32>
        %swap3A_78 = arith.index_cast %scan3A_41 : i32 to index
        %swap3A_79 = arith.constant 80 : index
        %swap3A_80 = tpu.vector_load %arg10[%swap3A_78, %swap3A_79] {strides = array<i32>} : memref<128x128xf32, #tpu.memory_space<vmem>>, vector<1x16xf32>,
        %swap3A_81 = vector.shape_cast %swap3A_80 : vector<1x16xf32> to vector<16xf32>
        %swap3A_82 = vector.shape_cast %broadcast_in_dim3A_77 : vector<16xf32> to vector<1x16xf32>
        tpu.vector_store %arg10[%swap3A_78, %swap3A_79], %swap3A_82 {strides = array<i32>} : memref<128x128xf32, #tpu.memory_space<vmem>>, vector<1x16xf32>,
        %broadcast_in_dim3A_83 = arith.constant 0.000000e+00 : f32
        %broadcast_in_dim3A_84 = vector.broadcast %broadcast_in_dim3A_83 : f32 to vector<16xf32>
        %swap3A_85 = arith.index_cast %scan3A_41 : i32 to index
        %swap3A_86 = arith.constant 96 : index
        %swap3A_87 = tpu.vector_load %arg10[%swap3A_85, %swap3A_86] {strides = array<i32>} : memref<128x128xf32, #tpu.memory_space<vmem>>, vector<1x16xf32>,
        %swap3A_88 = vector.shape_cast %swap3A_87 : vector<1x16xf32> to vector<16xf32>
        %swap3A_89 = vector.shape_cast %broadcast_in_dim3A_84 : vector<16xf32> to vector<1x16xf32>
        tpu.vector_store %arg10[%swap3A_85, %swap3A_86], %swap3A_89 {strides = array<i32>} : memref<128x128xf32, #tpu.memory_space<vmem>>, vector<1x16xf32>,
        %broadcast_in_dim3A_90 = arith.constant 0.000000e+00 : f32
        %broadcast_in_dim3A_91 = vector.broadcast %broadcast_in_dim3A_90 : f32 to vector<16xf32>
        %swap3A_92 = arith.index_cast %scan3A_41 : i32 to index
        %swap3A_93 = arith.constant 112 : index
        %swap3A_94 = tpu.vector_load %arg10[%swap3A_92, %swap3A_93] {strides = array<i32>} : memref<128x128xf32, #tpu.memory_space<vmem>>, vector<1x16xf32>,
        %swap3A_95 = vector.shape_cast %swap3A_94 : vector<1x16xf32> to vector<16xf32>
        %swap3A_96 = vector.shape_cast %broadcast_in_dim3A_91 : vector<16xf32> to vector<1x16xf32>
        tpu.vector_store %arg10[%swap3A_92, %swap3A_93], %swap3A_96 {strides = array<i32>} : memref<128x128xf32, #tpu.memory_space<vmem>>, vector<1x16xf32>,
        %scan3A_97 = arith.constant 0 : i32
        scf.yield %scan3A_97 : i32
      }
      %scan3A_12 = arith.constant 128 : i32
      %mul3A = arith.constant 640 : i32
      %mul3A_13 = arith.muli %arg1, %mul3A : i32
      %add3A = arith.constant 0 : i32
      %add3A_14 = arith.addi %mul3A_13, %add3A : i32
      "tpu.region"() ({
        %run_scoped3A = tpu.sem_alloc : memref<!tpu.dma_semaphore, #tpu.memory_space<semaphore_mem>>
        %dma_start3A = arith.constant 0 : i32
        %dma_start3A_41 = tpu.memref_slice %arg16[%add3A_14, %dma_start3A] : memref<10240x128xf32, #tpu.memory_space<vmem_shared>> -> memref<128x128xf32, #tpu.memory_space<vmem_shared>>
        %dma_start3A_42 = arith.constant 0 : i32
        %dma_start3A_43 = tpu.memref_slice %arg16[%add3A_14, %dma_start3A_42] : memref<10240x128xf32, #tpu.memory_space<vmem_shared>> -> memref<128x128xf32, #tpu.memory_space<vmem_shared>>
        tpu.enqueue_dma source(%arg10 : memref<128x128xf32, #tpu.memory_space<vmem>>) target(%dma_start3A_43 : memref<128x128xf32, #tpu.memory_space<vmem_shared>>) target_semaphore(%run_scoped3A : memref<!tpu.dma_semaphore, #tpu.memory_space<semaphore_mem>>)
        %dma_wait3A = arith.constant 0 : i32
        %dma_wait3A_44 = tpu.memref_slice %arg16[%add3A_14, %dma_wait3A] : memref<10240x128xf32, #tpu.memory_space<vmem_shared>> -> memref<128x128xf32, #tpu.memory_space<vmem_shared>>
        %dma_wait3A_45 = arith.constant 0 : i32
        %dma_wait3A_46 = tpu.memref_slice %arg16[%add3A_14, %dma_wait3A_45] : memref<10240x128xf32, #tpu.memory_space<vmem_shared>> -> memref<128x128xf32, #tpu.memory_space<vmem_shared>>
        tpu.wait_dma2 semaphore(%run_scoped3A : memref<!tpu.dma_semaphore, #tpu.memory_space<semaphore_mem>>) src(%arg10 : memref<128x128xf32, #tpu.memory_space<vmem>>) dst(%dma_wait3A_46 : memref<128x128xf32, #tpu.memory_space<vmem_shared>>)
        tpu.yield
      }) : () -> ()
      %mul3A_15 = arith.constant 640 : i32
      %mul3A_16 = arith.muli %arg1, %mul3A_15 : i32
      %add3A_17 = arith.constant 128 : i32
      %add3A_18 = arith.addi %mul3A_16, %add3A_17 : i32
      "tpu.region"() ({
        %run_scoped3A = tpu.sem_alloc : memref<!tpu.dma_semaphore, #tpu.memory_space<semaphore_mem>>
        %dma_start3A = arith.constant 0 : i32
        %dma_start3A_41 = tpu.memref_slice %arg16[%add3A_18, %dma_start3A] : memref<10240x128xf32, #tpu.memory_space<vmem_shared>> -> memref<128x128xf32, #tpu.memory_space<vmem_shared>>
        %dma_start3A_42 = arith.constant 0 : i32
        %dma_start3A_43 = tpu.memref_slice %arg16[%add3A_18, %dma_start3A_42] : memref<10240x128xf32, #tpu.memory_space<vmem_shared>> -> memref<128x128xf32, #tpu.memory_space<vmem_shared>>
        tpu.enqueue_dma source(%arg10 : memref<128x128xf32, #tpu.memory_space<vmem>>) target(%dma_start3A_43 : memref<128x128xf32, #tpu.memory_space<vmem_shared>>) target_semaphore(%run_scoped3A : memref<!tpu.dma_semaphore, #tpu.memory_space<semaphore_mem>>)
        %dma_wait3A = arith.constant 0 : i32
        %dma_wait3A_44 = tpu.memref_slice %arg16[%add3A_18, %dma_wait3A] : memref<10240x128xf32, #tpu.memory_space<vmem_shared>> -> memref<128x128xf32, #tpu.memory_space<vmem_shared>>
        %dma_wait3A_45 = arith.constant 0 : i32
        %dma_wait3A_46 = tpu.memref_slice %arg16[%add3A_18, %dma_wait3A_45] : memref<10240x128xf32, #tpu.memory_space<vmem_shared>> -> memref<128x128xf32, #tpu.memory_space<vmem_shared>>
        tpu.wait_dma2 semaphore(%run_scoped3A : memref<!tpu.dma_semaphore, #tpu.memory_space<semaphore_mem>>) src(%arg10 : memref<128x128xf32, #tpu.memory_space<vmem>>) dst(%dma_wait3A_46 : memref<128x128xf32, #tpu.memory_space<vmem_shared>>)
        tpu.yield
      }) : () -> ()
      %mul3A_19 = arith.constant 640 : i32
      %mul3A_20 = arith.muli %arg1, %mul3A_19 : i32
      %add3A_21 = arith.constant 256 : i32
      %add3A_22 = arith.addi %mul3A_20, %add3A_21 : i32
      "tpu.region"() ({
        %run_scoped3A = tpu.sem_alloc : memref<!tpu.dma_semaphore, #tpu.memory_space<semaphore_mem>>
        %dma_start3A = arith.constant 0 : i32
        %dma_start3A_41 = tpu.memref_slice %arg16[%add3A_22, %dma_start3A] : memref<10240x128xf32, #tpu.memory_space<vmem_shared>> -> memref<128x128xf32, #tpu.memory_space<vmem_shared>>
        %dma_start3A_42 = arith.constant 0 : i32
        %dma_start3A_43 = tpu.memref_slice %arg16[%add3A_22, %dma_start3A_42] : memref<10240x128xf32, #tpu.memory_space<vmem_shared>> -> memref<128x128xf32, #tpu.memory_space<vmem_shared>>
        tpu.enqueue_dma source(%arg10 : memref<128x128xf32, #tpu.memory_space<vmem>>) target(%dma_start3A_43 : memref<128x128xf32, #tpu.memory_space<vmem_shared>>) target_semaphore(%run_scoped3A : memref<!tpu.dma_semaphore, #tpu.memory_space<semaphore_mem>>)
        %dma_wait3A = arith.constant 0 : i32
        %dma_wait3A_44 = tpu.memref_slice %arg16[%add3A_22, %dma_wait3A] : memref<10240x128xf32, #tpu.memory_space<vmem_shared>> -> memref<128x128xf32, #tpu.memory_space<vmem_shared>>
        %dma_wait3A_45 = arith.constant 0 : i32
        %dma_wait3A_46 = tpu.memref_slice %arg16[%add3A_22, %dma_wait3A_45] : memref<10240x128xf32, #tpu.memory_space<vmem_shared>> -> memref<128x128xf32, #tpu.memory_space<vmem_shared>>
        tpu.wait_dma2 semaphore(%run_scoped3A : memref<!tpu.dma_semaphore, #tpu.memory_space<semaphore_mem>>) src(%arg10 : memref<128x128xf32, #tpu.memory_space<vmem>>) dst(%dma_wait3A_46 : memref<128x128xf32, #tpu.memory_space<vmem_shared>>)
        tpu.yield
      }) : () -> ()
      %mul3A_23 = arith.constant 640 : i32
      %mul3A_24 = arith.muli %arg1, %mul3A_23 : i32
      %add3A_25 = arith.constant 384 : i32
      %add3A_26 = arith.addi %mul3A_24, %add3A_25 : i32
      "tpu.region"() ({
        %run_scoped3A = tpu.sem_alloc : memref<!tpu.dma_semaphore, #tpu.memory_space<semaphore_mem>>
        %dma_start3A = arith.constant 0 : i32
        %dma_start3A_41 = tpu.memref_slice %arg16[%add3A_26, %dma_start3A] : memref<10240x128xf32, #tpu.memory_space<vmem_shared>> -> memref<128x128xf32, #tpu.memory_space<vmem_shared>>
        %dma_start3A_42 = arith.constant 0 : i32
        %dma_start3A_43 = tpu.memref_slice %arg16[%add3A_26, %dma_start3A_42] : memref<10240x128xf32, #tpu.memory_space<vmem_shared>> -> memref<128x128xf32, #tpu.memory_space<vmem_shared>>
        tpu.enqueue_dma source(%arg10 : memref<128x128xf32, #tpu.memory_space<vmem>>) target(%dma_start3A_43 : memref<128x128xf32, #tpu.memory_space<vmem_shared>>) target_semaphore(%run_scoped3A : memref<!tpu.dma_semaphore, #tpu.memory_space<semaphore_mem>>)
        %dma_wait3A = arith.constant 0 : i32
        %dma_wait3A_44 = tpu.memref_slice %arg16[%add3A_26, %dma_wait3A] : memref<10240x128xf32, #tpu.memory_space<vmem_shared>> -> memref<128x128xf32, #tpu.memory_space<vmem_shared>>
        %dma_wait3A_45 = arith.constant 0 : i32
        %dma_wait3A_46 = tpu.memref_slice %arg16[%add3A_26, %dma_wait3A_45] : memref<10240x128xf32, #tpu.memory_space<vmem_shared>> -> memref<128x128xf32, #tpu.memory_space<vmem_shared>>
        tpu.wait_dma2 semaphore(%run_scoped3A : memref<!tpu.dma_semaphore, #tpu.memory_space<semaphore_mem>>) src(%arg10 : memref<128x128xf32, #tpu.memory_space<vmem>>) dst(%dma_wait3A_46 : memref<128x128xf32, #tpu.memory_space<vmem_shared>>)
        tpu.yield
      }) : () -> ()
      %mul3A_27 = arith.constant 640 : i32
      %mul3A_28 = arith.muli %arg1, %mul3A_27 : i32
      %add3A_29 = arith.constant 512 : i32
      %add3A_30 = arith.addi %mul3A_28, %add3A_29 : i32
      "tpu.region"() ({
        %run_scoped3A = tpu.sem_alloc : memref<!tpu.dma_semaphore, #tpu.memory_space<semaphore_mem>>
        %dma_start3A = arith.constant 0 : i32
        %dma_start3A_41 = tpu.memref_slice %arg16[%add3A_30, %dma_start3A] : memref<10240x128xf32, #tpu.memory_space<vmem_shared>> -> memref<128x128xf32, #tpu.memory_space<vmem_shared>>
        %dma_start3A_42 = arith.constant 0 : i32
        %dma_start3A_43 = tpu.memref_slice %arg16[%add3A_30, %dma_start3A_42] : memref<10240x128xf32, #tpu.memory_space<vmem_shared>> -> memref<128x128xf32, #tpu.memory_space<vmem_shared>>
        tpu.enqueue_dma source(%arg10 : memref<128x128xf32, #tpu.memory_space<vmem>>) target(%dma_start3A_43 : memref<128x128xf32, #tpu.memory_space<vmem_shared>>) target_semaphore(%run_scoped3A : memref<!tpu.dma_semaphore, #tpu.memory_space<semaphore_mem>>)
        %dma_wait3A = arith.constant 0 : i32
        %dma_wait3A_44 = tpu.memref_slice %arg16[%add3A_30, %dma_wait3A] : memref<10240x128xf32, #tpu.memory_space<vmem_shared>> -> memref<128x128xf32, #tpu.memory_space<vmem_shared>>
        %dma_wait3A_45 = arith.constant 0 : i32
        %dma_wait3A_46 = tpu.memref_slice %arg16[%add3A_30, %dma_wait3A_45] : memref<10240x128xf32, #tpu.memory_space<vmem_shared>> -> memref<128x128xf32, #tpu.memory_space<vmem_shared>>
        tpu.wait_dma2 semaphore(%run_scoped3A : memref<!tpu.dma_semaphore, #tpu.memory_space<semaphore_mem>>) src(%arg10 : memref<128x128xf32, #tpu.memory_space<vmem>>) dst(%dma_wait3A_46 : memref<128x128xf32, #tpu.memory_space<vmem_shared>>)
        tpu.yield
      }) : () -> ()
      %barrier3A = arith.constant 0 : index
      tpu.barrier barrier_id(%barrier3A)
      %scan3A_31 = arith.constant 0 : i32
      %scan3A_32 = arith.constant 0 : i32
      %scan3A_33 = arith.constant 10 : i32
      %scan3A_34 = arith.addi %scan3A_32, %scan3A_33 : i32
      %scan3A_35 = arith.constant 1 : i32
      %scan3A_36 = scf.for %scan3A_41 = %scan3A_32 to %scan3A_34 step %scan3A_35 iter_args(%scan3A_42 = %scan3A_31) -> (i32)  : i32 {
        %mul3A_43 = arith.constant 16 : i32
        %mul3A_44 = arith.muli %scan3A_41, %mul3A_43 : i32
        "tpu.region"() ({
          %run_scoped3A_82 = tpu.sem_alloc : memref<!tpu.dma_semaphore, #tpu.memory_space<semaphore_mem>>
          %dma_start3A_83 = arith.constant 0 : i32
          %dma_start3A_84 = tpu.memref_slice %arg4[%arg1, %mul3A_44, %dma_start3A_83] : memref<16x160x128xi32, #tpu.memory_space<hbm>> -> memref<1x16x128xi32, #tpu.memory_space<hbm>>
          %dma_start3A_85 = tpu.memref_squeeze %dma_start3A_84 : memref<1x16x128xi32, #tpu.memory_space<hbm>> -> memref<16x128xi32, #tpu.memory_space<hbm>>
          %dma_start3A_86 = arith.constant 0 : i32
          %dma_start3A_87 = tpu.memref_slice %arg4[%arg1, %mul3A_44, %dma_start3A_86] : memref<16x160x128xi32, #tpu.memory_space<hbm>> -> memref<1x16x128xi32, #tpu.memory_space<hbm>>
          %dma_start3A_88 = tpu.memref_squeeze %dma_start3A_87 : memref<1x16x128xi32, #tpu.memory_space<hbm>> -> memref<16x128xi32, #tpu.memory_space<hbm>>
          tpu.enqueue_dma source(%dma_start3A_88 : memref<16x128xi32, #tpu.memory_space<hbm>>) target(%arg8 : memref<16x128xi32, #tpu.memory_space<vmem>>) target_semaphore(%run_scoped3A_82 : memref<!tpu.dma_semaphore, #tpu.memory_space<semaphore_mem>>)
          %dma_wait3A_89 = arith.constant 0 : i32
          %dma_wait3A_90 = tpu.memref_slice %arg4[%arg1, %mul3A_44, %dma_wait3A_89] : memref<16x160x128xi32, #tpu.memory_space<hbm>> -> memref<1x16x128xi32, #tpu.memory_space<hbm>>
          %dma_wait3A_91 = tpu.memref_squeeze %dma_wait3A_90 : memref<1x16x128xi32, #tpu.memory_space<hbm>> -> memref<16x128xi32, #tpu.memory_space<hbm>>
          %dma_wait3A_92 = arith.constant 0 : i32
          %dma_wait3A_93 = tpu.memref_slice %arg4[%arg1, %mul3A_44, %dma_wait3A_92] : memref<16x160x128xi32, #tpu.memory_space<hbm>> -> memref<1x16x128xi32, #tpu.memory_space<hbm>>
          %dma_wait3A_94 = tpu.memref_squeeze %dma_wait3A_93 : memref<1x16x128xi32, #tpu.memory_space<hbm>> -> memref<16x128xi32, #tpu.memory_space<hbm>>
          tpu.wait_dma2 semaphore(%run_scoped3A_82 : memref<!tpu.dma_semaphore, #tpu.memory_space<semaphore_mem>>) src(%dma_wait3A_94 : memref<16x128xi32, #tpu.memory_space<hbm>>) dst(%arg8 : memref<16x128xi32, #tpu.memory_space<vmem>>)
          tpu.yield
        }) : () -> ()
        %mul3A_45 = arith.constant 16 : i32
        %mul3A_46 = arith.muli %scan3A_41, %mul3A_45 : i32
        "tpu.region"() ({
          %run_scoped3A_82 = tpu.sem_alloc : memref<!tpu.dma_semaphore, #tpu.memory_space<semaphore_mem>>
          %dma_start3A_83 = arith.constant 0 : i32
          %dma_start3A_84 = tpu.memref_slice %arg5[%arg1, %mul3A_46, %dma_start3A_83] : memref<16x160x128xi32, #tpu.memory_space<hbm>> -> memref<1x16x128xi32, #tpu.memory_space<hbm>>
          %dma_start3A_85 = tpu.memref_squeeze %dma_start3A_84 : memref<1x16x128xi32, #tpu.memory_space<hbm>> -> memref<16x128xi32, #tpu.memory_space<hbm>>
          %dma_start3A_86 = arith.constant 0 : i32
          %dma_start3A_87 = tpu.memref_slice %arg5[%arg1, %mul3A_46, %dma_start3A_86] : memref<16x160x128xi32, #tpu.memory_space<hbm>> -> memref<1x16x128xi32, #tpu.memory_space<hbm>>
          %dma_start3A_88 = tpu.memref_squeeze %dma_start3A_87 : memref<1x16x128xi32, #tpu.memory_space<hbm>> -> memref<16x128xi32, #tpu.memory_space<hbm>>
          tpu.enqueue_dma source(%dma_start3A_88 : memref<16x128xi32, #tpu.memory_space<hbm>>) target(%arg9 : memref<16x128xi32, #tpu.memory_space<vmem>>) target_semaphore(%run_scoped3A_82 : memref<!tpu.dma_semaphore, #tpu.memory_space<semaphore_mem>>)
          %dma_wait3A_89 = arith.constant 0 : i32
          %dma_wait3A_90 = tpu.memref_slice %arg5[%arg1, %mul3A_46, %dma_wait3A_89] : memref<16x160x128xi32, #tpu.memory_space<hbm>> -> memref<1x16x128xi32, #tpu.memory_space<hbm>>
          %dma_wait3A_91 = tpu.memref_squeeze %dma_wait3A_90 : memref<1x16x128xi32, #tpu.memory_space<hbm>> -> memref<16x128xi32, #tpu.memory_space<hbm>>
          %dma_wait3A_92 = arith.constant 0 : i32
          %dma_wait3A_93 = tpu.memref_slice %arg5[%arg1, %mul3A_46, %dma_wait3A_92] : memref<16x160x128xi32, #tpu.memory_space<hbm>> -> memref<1x16x128xi32, #tpu.memory_space<hbm>>
          %dma_wait3A_94 = tpu.memref_squeeze %dma_wait3A_93 : memref<1x16x128xi32, #tpu.memory_space<hbm>> -> memref<16x128xi32, #tpu.memory_space<hbm>>
          tpu.wait_dma2 semaphore(%run_scoped3A_82 : memref<!tpu.dma_semaphore, #tpu.memory_space<semaphore_mem>>) src(%dma_wait3A_94 : memref<16x128xi32, #tpu.memory_space<hbm>>) dst(%arg9 : memref<16x128xi32, #tpu.memory_space<vmem>>)
          tpu.yield
        }) : () -> ()
        %dma_start3A = arith.constant 0 : i32
        %dma_start3A_47 = arith.constant 0 : i32
        %dma_start3A_48 = tpu.memref_slice %arg8[%dma_start3A, %dma_start3A_47] : memref<16x128xi32, #tpu.memory_space<vmem>> -> memref<1x128xi32, #tpu.memory_space<vmem>>
        %dma_start3A_49 = tpu.memref_squeeze %dma_start3A_48 : memref<1x128xi32, #tpu.memory_space<vmem>> -> memref<128xi32, #tpu.memory_space<vmem>>
        %dma_start3A_50 = arith.constant 0 : i32
        %dma_start3A_51 = arith.constant 0 : i32
        %dma_start3A_52 = tpu.memref_slice %arg2[%dma_start3A_50, %dma_start3A_51] : memref<10240x128xf32, #tpu.memory_space<hbm>> -> memref<10240x128xf32, #tpu.memory_space<hbm>>
        tpu.enqueue_indirect_dma source(%dma_start3A_52 : memref<10240x128xf32, #tpu.memory_space<hbm>>) target(%arg10 : memref<128x128xf32, #tpu.memory_space<vmem>>) offsets(%dma_start3A_49 : memref<128xi32, #tpu.memory_space<vmem>>) semaphore(%arg12 : memref<!tpu.dma_semaphore, #tpu.memory_space<semaphore_mem>>)
        %scan3A_53 = arith.constant 0 : i32
        %scan3A_54 = arith.constant 0 : i32
        %scan3A_55 = arith.constant 7 : i32
        %scan3A_56 = arith.addi %scan3A_54, %scan3A_55 : i32
        %scan3A_57 = arith.constant 1 : i32
        %scan3A_58 = scf.for %scan3A_82 = %scan3A_54 to %scan3A_56 step %scan3A_57 iter_args(%scan3A_83 = %scan3A_53) -> (i32)  : i32 {
          %mul3A_84 = arith.constant 2 : i32
          %mul3A_85 = arith.muli %mul3A_84, %scan3A_82 : i32
          %add3A_86 = arith.constant 1 : i32
          %add3A_87 = arith.addi %mul3A_85, %add3A_86 : i32
          %dma_start3A_88 = arith.constant 0 : i32
          %dma_start3A_89 = tpu.memref_slice %arg8[%add3A_87, %dma_start3A_88] : memref<16x128xi32, #tpu.memory_space<vmem>> -> memref<1x128xi32, #tpu.memory_space<vmem>>
          %dma_start3A_90 = tpu.memref_squeeze %dma_start3A_89 : memref<1x128xi32, #tpu.memory_space<vmem>> -> memref<128xi32, #tpu.memory_space<vmem>>
          %dma_start3A_91 = arith.constant 0 : i32
          %dma_start3A_92 = arith.constant 0 : i32
          %dma_start3A_93 = tpu.memref_slice %arg2[%dma_start3A_91, %dma_start3A_92] : memref<10240x128xf32, #tpu.memory_space<hbm>> -> memref<10240x128xf32, #tpu.memory_space<hbm>>
          tpu.enqueue_indirect_dma source(%dma_start3A_93 : memref<10240x128xf32, #tpu.memory_space<hbm>>) target(%arg11 : memref<128x128xf32, #tpu.memory_space<vmem>>) offsets(%dma_start3A_90 : memref<128xi32, #tpu.memory_space<vmem>>) semaphore(%arg13 : memref<!tpu.dma_semaphore, #tpu.memory_space<semaphore_mem>>)
          %mul3A_94 = arith.constant 2 : i32
          %mul3A_95 = arith.muli %mul3A_94, %scan3A_82 : i32
          %dma_wait3A_96 = arith.constant 0 : i32
          %dma_wait3A_97 = tpu.memref_slice %arg8[%mul3A_95, %dma_wait3A_96] : memref<16x128xi32, #tpu.memory_space<vmem>> -> memref<1x128xi32, #tpu.memory_space<vmem>>
          %dma_wait3A_98 = tpu.memref_squeeze %dma_wait3A_97 : memref<1x128xi32, #tpu.memory_space<vmem>> -> memref<128xi32, #tpu.memory_space<vmem>>
          %dma_wait3A_99 = arith.constant 0 : i32
          %dma_wait3A_100 = arith.constant 0 : i32
          %dma_wait3A_101 = tpu.memref_slice %arg2[%dma_wait3A_99, %dma_wait3A_100] : memref<10240x128xf32, #tpu.memory_space<hbm>> -> memref<10240x128xf32, #tpu.memory_space<hbm>>
          tpu.wait_indirect_dma semaphore(%arg12 : memref<!tpu.dma_semaphore, #tpu.memory_space<semaphore_mem>>) src(%dma_wait3A_101 : memref<10240x128xf32, #tpu.memory_space<hbm>>) dst(%arg10 : memref<128x128xf32, #tpu.memory_space<vmem>>)
          "tpu.region"() ({
            %run_scoped3A_123 = tpu.sem_alloc : memref<!tpu.dma_semaphore, #tpu.memory_space<semaphore_mem>>
            %dma_start3A_124 = arith.constant 0 : i32
            %dma_start3A_125 = tpu.memref_slice %arg9[%mul3A_95, %dma_start3A_124] : memref<16x128xi32, #tpu.memory_space<vmem>> -> memref<1x128xi32, #tpu.memory_space<vmem>>
            %dma_start3A_126 = tpu.memref_squeeze %dma_start3A_125 : memref<1x128xi32, #tpu.memory_space<vmem>> -> memref<128xi32, #tpu.memory_space<vmem>>
            %dma_start3A_127 = arith.constant 0 : i32
            %dma_start3A_128 = arith.constant 0 : i32
            %dma_start3A_129 = tpu.memref_slice %arg16[%dma_start3A_127, %dma_start3A_128] : memref<10240x128xf32, #tpu.memory_space<vmem_shared>> -> memref<10240x128xf32, #tpu.memory_space<vmem_shared>>
            tpu.enqueue_indirect_dma source(%arg10 : memref<128x128xf32, #tpu.memory_space<vmem>>) target(%dma_start3A_129 : memref<10240x128xf32, #tpu.memory_space<vmem_shared>>) offsets(%dma_start3A_126 : memref<128xi32, #tpu.memory_space<vmem>>) semaphore(%run_scoped3A_123 : memref<!tpu.dma_semaphore, #tpu.memory_space<semaphore_mem>>) {add = true}
            %dma_wait3A_130 = arith.constant 0 : i32
            %dma_wait3A_131 = tpu.memref_slice %arg9[%mul3A_95, %dma_wait3A_130] : memref<16x128xi32, #tpu.memory_space<vmem>> -> memref<1x128xi32, #tpu.memory_space<vmem>>
            %dma_wait3A_132 = tpu.memref_squeeze %dma_wait3A_131 : memref<1x128xi32, #tpu.memory_space<vmem>> -> memref<128xi32, #tpu.memory_space<vmem>>
            %dma_wait3A_133 = arith.constant 0 : i32
            %dma_wait3A_134 = arith.constant 0 : i32
            %dma_wait3A_135 = tpu.memref_slice %arg16[%dma_wait3A_133, %dma_wait3A_134] : memref<10240x128xf32, #tpu.memory_space<vmem_shared>> -> memref<10240x128xf32, #tpu.memory_space<vmem_shared>>
            tpu.wait_indirect_dma semaphore(%run_scoped3A_123 : memref<!tpu.dma_semaphore, #tpu.memory_space<semaphore_mem>>) src(%arg10 : memref<128x128xf32, #tpu.memory_space<vmem>>) dst(%dma_wait3A_135 : memref<10240x128xf32, #tpu.memory_space<vmem_shared>>)
            tpu.yield
          }) : () -> ()
          %mul3A_102 = arith.constant 2 : i32
          %mul3A_103 = arith.muli %mul3A_102, %scan3A_82 : i32
          %add3A_104 = arith.constant 2 : i32
          %add3A_105 = arith.addi %mul3A_103, %add3A_104 : i32
          %dma_start3A_106 = arith.constant 0 : i32
          %dma_start3A_107 = tpu.memref_slice %arg8[%add3A_105, %dma_start3A_106] : memref<16x128xi32, #tpu.memory_space<vmem>> -> memref<1x128xi32, #tpu.memory_space<vmem>>
          %dma_start3A_108 = tpu.memref_squeeze %dma_start3A_107 : memref<1x128xi32, #tpu.memory_space<vmem>> -> memref<128xi32, #tpu.memory_space<vmem>>
          %dma_start3A_109 = arith.constant 0 : i32
          %dma_start3A_110 = arith.constant 0 : i32
          %dma_start3A_111 = tpu.memref_slice %arg2[%dma_start3A_109, %dma_start3A_110] : memref<10240x128xf32, #tpu.memory_space<hbm>> -> memref<10240x128xf32, #tpu.memory_space<hbm>>
          tpu.enqueue_indirect_dma source(%dma_start3A_111 : memref<10240x128xf32, #tpu.memory_space<hbm>>) target(%arg10 : memref<128x128xf32, #tpu.memory_space<vmem>>) offsets(%dma_start3A_108 : memref<128xi32, #tpu.memory_space<vmem>>) semaphore(%arg12 : memref<!tpu.dma_semaphore, #tpu.memory_space<semaphore_mem>>)
          %mul3A_112 = arith.constant 2 : i32
          %mul3A_113 = arith.muli %mul3A_112, %scan3A_82 : i32
          %add3A_114 = arith.constant 1 : i32
          %add3A_115 = arith.addi %mul3A_113, %add3A_114 : i32
          %dma_wait3A_116 = arith.constant 0 : i32
          %dma_wait3A_117 = tpu.memref_slice %arg8[%add3A_115, %dma_wait3A_116] : memref<16x128xi32, #tpu.memory_space<vmem>> -> memref<1x128xi32, #tpu.memory_space<vmem>>
          %dma_wait3A_118 = tpu.memref_squeeze %dma_wait3A_117 : memref<1x128xi32, #tpu.memory_space<vmem>> -> memref<128xi32, #tpu.memory_space<vmem>>
          %dma_wait3A_119 = arith.constant 0 : i32
          %dma_wait3A_120 = arith.constant 0 : i32
          %dma_wait3A_121 = tpu.memref_slice %arg2[%dma_wait3A_119, %dma_wait3A_120] : memref<10240x128xf32, #tpu.memory_space<hbm>> -> memref<10240x128xf32, #tpu.memory_space<hbm>>
          tpu.wait_indirect_dma semaphore(%arg13 : memref<!tpu.dma_semaphore, #tpu.memory_space<semaphore_mem>>) src(%dma_wait3A_121 : memref<10240x128xf32, #tpu.memory_space<hbm>>) dst(%arg11 : memref<128x128xf32, #tpu.memory_space<vmem>>)
          "tpu.region"() ({
            %run_scoped3A_123 = tpu.sem_alloc : memref<!tpu.dma_semaphore, #tpu.memory_space<semaphore_mem>>
            %dma_start3A_124 = arith.constant 0 : i32
            %dma_start3A_125 = tpu.memref_slice %arg9[%add3A_115, %dma_start3A_124] : memref<16x128xi32, #tpu.memory_space<vmem>> -> memref<1x128xi32, #tpu.memory_space<vmem>>
            %dma_start3A_126 = tpu.memref_squeeze %dma_start3A_125 : memref<1x128xi32, #tpu.memory_space<vmem>> -> memref<128xi32, #tpu.memory_space<vmem>>
            %dma_start3A_127 = arith.constant 0 : i32
            %dma_start3A_128 = arith.constant 0 : i32
            %dma_start3A_129 = tpu.memref_slice %arg16[%dma_start3A_127, %dma_start3A_128] : memref<10240x128xf32, #tpu.memory_space<vmem_shared>> -> memref<10240x128xf32, #tpu.memory_space<vmem_shared>>
            tpu.enqueue_indirect_dma source(%arg11 : memref<128x128xf32, #tpu.memory_space<vmem>>) target(%dma_start3A_129 : memref<10240x128xf32, #tpu.memory_space<vmem_shared>>) offsets(%dma_start3A_126 : memref<128xi32, #tpu.memory_space<vmem>>) semaphore(%run_scoped3A_123 : memref<!tpu.dma_semaphore, #tpu.memory_space<semaphore_mem>>) {add = true}
            %dma_wait3A_130 = arith.constant 0 : i32
            %dma_wait3A_131 = tpu.memref_slice %arg9[%add3A_115, %dma_wait3A_130] : memref<16x128xi32, #tpu.memory_space<vmem>> -> memref<1x128xi32, #tpu.memory_space<vmem>>
            %dma_wait3A_132 = tpu.memref_squeeze %dma_wait3A_131 : memref<1x128xi32, #tpu.memory_space<vmem>> -> memref<128xi32, #tpu.memory_space<vmem>>
            %dma_wait3A_133 = arith.constant 0 : i32
            %dma_wait3A_134 = arith.constant 0 : i32
            %dma_wait3A_135 = tpu.memref_slice %arg16[%dma_wait3A_133, %dma_wait3A_134] : memref<10240x128xf32, #tpu.memory_space<vmem_shared>> -> memref<10240x128xf32, #tpu.memory_space<vmem_shared>>
            tpu.wait_indirect_dma semaphore(%run_scoped3A_123 : memref<!tpu.dma_semaphore, #tpu.memory_space<semaphore_mem>>) src(%arg11 : memref<128x128xf32, #tpu.memory_space<vmem>>) dst(%dma_wait3A_135 : memref<10240x128xf32, #tpu.memory_space<vmem_shared>>)
            tpu.yield
          }) : () -> ()
          %scan3A_122 = arith.constant 0 : i32
          scf.yield %scan3A_122 : i32
        }
        %scan3A_59 = arith.constant 7 : i32
        %dma_start3A_60 = arith.constant 15 : i32
        %dma_start3A_61 = arith.constant 0 : i32
        %dma_start3A_62 = tpu.memref_slice %arg8[%dma_start3A_60, %dma_start3A_61] : memref<16x128xi32, #tpu.memory_space<vmem>> -> memref<1x128xi32, #tpu.memory_space<vmem>>
        %dma_start3A_63 = tpu.memref_squeeze %dma_start3A_62 : memref<1x128xi32, #tpu.memory_space<vmem>> -> memref<128xi32, #tpu.memory_space<vmem>>
        %dma_start3A_64 = arith.constant 0 : i32
        %dma_start3A_65 = arith.constant 0 : i32
        %dma_start3A_66 = tpu.memref_slice %arg2[%dma_start3A_64, %dma_start3A_65] : memref<10240x128xf32, #tpu.memory_space<hbm>> -> memref<10240x128xf32, #tpu.memory_space<hbm>>
        tpu.enqueue_indirect_dma source(%dma_start3A_66 : memref<10240x128xf32, #tpu.memory_space<hbm>>) target(%arg11 : memref<128x128xf32, #tpu.memory_space<vmem>>) offsets(%dma_start3A_63 : memref<128xi32, #tpu.memory_space<vmem>>) semaphore(%arg13 : memref<!tpu.dma_semaphore, #tpu.memory_space<semaphore_mem>>)
        %dma_wait3A = arith.constant 14 : i32
        %dma_wait3A_67 = arith.constant 0 : i32
        %dma_wait3A_68 = tpu.memref_slice %arg8[%dma_wait3A, %dma_wait3A_67] : memref<16x128xi32, #tpu.memory_space<vmem>> -> memref<1x128xi32, #tpu.memory_space<vmem>>
        %dma_wait3A_69 = tpu.memref_squeeze %dma_wait3A_68 : memref<1x128xi32, #tpu.memory_space<vmem>> -> memref<128xi32, #tpu.memory_space<vmem>>
        %dma_wait3A_70 = arith.constant 0 : i32
        %dma_wait3A_71 = arith.constant 0 : i32
        %dma_wait3A_72 = tpu.memref_slice %arg2[%dma_wait3A_70, %dma_wait3A_71] : memref<10240x128xf32, #tpu.memory_space<hbm>> -> memref<10240x128xf32, #tpu.memory_space<hbm>>
        tpu.wait_indirect_dma semaphore(%arg12 : memref<!tpu.dma_semaphore, #tpu.memory_space<semaphore_mem>>) src(%dma_wait3A_72 : memref<10240x128xf32, #tpu.memory_space<hbm>>) dst(%arg10 : memref<128x128xf32, #tpu.memory_space<vmem>>)
        %run_scoped3A = arith.constant 14 : i32
        "tpu.region"() ({
          %run_scoped3A_82 = tpu.sem_alloc : memref<!tpu.dma_semaphore, #tpu.memory_space<semaphore_mem>>
          %dma_start3A_83 = arith.constant 0 : i32
          %dma_start3A_84 = tpu.memref_slice %arg9[%run_scoped3A, %dma_start3A_83] : memref<16x128xi32, #tpu.memory_space<vmem>> -> memref<1x128xi32, #tpu.memory_space<vmem>>
          %dma_start3A_85 = tpu.memref_squeeze %dma_start3A_84 : memref<1x128xi32, #tpu.memory_space<vmem>> -> memref<128xi32, #tpu.memory_space<vmem>>
          %dma_start3A_86 = arith.constant 0 : i32
          %dma_start3A_87 = arith.constant 0 : i32
          %dma_start3A_88 = tpu.memref_slice %arg16[%dma_start3A_86, %dma_start3A_87] : memref<10240x128xf32, #tpu.memory_space<vmem_shared>> -> memref<10240x128xf32, #tpu.memory_space<vmem_shared>>
          tpu.enqueue_indirect_dma source(%arg10 : memref<128x128xf32, #tpu.memory_space<vmem>>) target(%dma_start3A_88 : memref<10240x128xf32, #tpu.memory_space<vmem_shared>>) offsets(%dma_start3A_85 : memref<128xi32, #tpu.memory_space<vmem>>) semaphore(%run_scoped3A_82 : memref<!tpu.dma_semaphore, #tpu.memory_space<semaphore_mem>>) {add = true}
          %dma_wait3A_89 = arith.constant 0 : i32
          %dma_wait3A_90 = tpu.memref_slice %arg9[%run_scoped3A, %dma_wait3A_89] : memref<16x128xi32, #tpu.memory_space<vmem>> -> memref<1x128xi32, #tpu.memory_space<vmem>>
          %dma_wait3A_91 = tpu.memref_squeeze %dma_wait3A_90 : memref<1x128xi32, #tpu.memory_space<vmem>> -> memref<128xi32, #tpu.memory_space<vmem>>
          %dma_wait3A_92 = arith.constant 0 : i32
          %dma_wait3A_93 = arith.constant 0 : i32
          %dma_wait3A_94 = tpu.memref_slice %arg16[%dma_wait3A_92, %dma_wait3A_93] : memref<10240x128xf32, #tpu.memory_space<vmem_shared>> -> memref<10240x128xf32, #tpu.memory_space<vmem_shared>>
          tpu.wait_indirect_dma semaphore(%run_scoped3A_82 : memref<!tpu.dma_semaphore, #tpu.memory_space<semaphore_mem>>) src(%arg10 : memref<128x128xf32, #tpu.memory_space<vmem>>) dst(%dma_wait3A_94 : memref<10240x128xf32, #tpu.memory_space<vmem_shared>>)
          tpu.yield
        }) : () -> ()
        %dma_wait3A_73 = arith.constant 15 : i32
        %dma_wait3A_74 = arith.constant 0 : i32
        %dma_wait3A_75 = tpu.memref_slice %arg8[%dma_wait3A_73, %dma_wait3A_74] : memref<16x128xi32, #tpu.memory_space<vmem>> -> memref<1x128xi32, #tpu.memory_space<vmem>>
        %dma_wait3A_76 = tpu.memref_squeeze %dma_wait3A_75 : memref<1x128xi32, #tpu.memory_space<vmem>> -> memref<128xi32, #tpu.memory_space<vmem>>
        %dma_wait3A_77 = arith.constant 0 : i32
        %dma_wait3A_78 = arith.constant 0 : i32
        %dma_wait3A_79 = tpu.memref_slice %arg2[%dma_wait3A_77, %dma_wait3A_78] : memref<10240x128xf32, #tpu.memory_space<hbm>> -> memref<10240x128xf32, #tpu.memory_space<hbm>>
        tpu.wait_indirect_dma semaphore(%arg13 : memref<!tpu.dma_semaphore, #tpu.memory_space<semaphore_mem>>) src(%dma_wait3A_79 : memref<10240x128xf32, #tpu.memory_space<hbm>>) dst(%arg11 : memref<128x128xf32, #tpu.memory_space<vmem>>)
        %run_scoped3A_80 = arith.constant 15 : i32
        "tpu.region"() ({
          %run_scoped3A_82 = tpu.sem_alloc : memref<!tpu.dma_semaphore, #tpu.memory_space<semaphore_mem>>
          %dma_start3A_83 = arith.constant 0 : i32
          %dma_start3A_84 = tpu.memref_slice %arg9[%run_scoped3A_80, %dma_start3A_83] : memref<16x128xi32, #tpu.memory_space<vmem>> -> memref<1x128xi32, #tpu.memory_space<vmem>>
          %dma_start3A_85 = tpu.memref_squeeze %dma_start3A_84 : memref<1x128xi32, #tpu.memory_space<vmem>> -> memref<128xi32, #tpu.memory_space<vmem>>
          %dma_start3A_86 = arith.constant 0 : i32
          %dma_start3A_87 = arith.constant 0 : i32
          %dma_start3A_88 = tpu.memref_slice %arg16[%dma_start3A_86, %dma_start3A_87] : memref<10240x128xf32, #tpu.memory_space<vmem_shared>> -> memref<10240x128xf32, #tpu.memory_space<vmem_shared>>
          tpu.enqueue_indirect_dma source(%arg11 : memref<128x128xf32, #tpu.memory_space<vmem>>) target(%dma_start3A_88 : memref<10240x128xf32, #tpu.memory_space<vmem_shared>>) offsets(%dma_start3A_85 : memref<128xi32, #tpu.memory_space<vmem>>) semaphore(%run_scoped3A_82 : memref<!tpu.dma_semaphore, #tpu.memory_space<semaphore_mem>>) {add = true}
          %dma_wait3A_89 = arith.constant 0 : i32
          %dma_wait3A_90 = tpu.memref_slice %arg9[%run_scoped3A_80, %dma_wait3A_89] : memref<16x128xi32, #tpu.memory_space<vmem>> -> memref<1x128xi32, #tpu.memory_space<vmem>>
          %dma_wait3A_91 = tpu.memref_squeeze %dma_wait3A_90 : memref<1x128xi32, #tpu.memory_space<vmem>> -> memref<128xi32, #tpu.memory_space<vmem>>
          %dma_wait3A_92 = arith.constant 0 : i32
          %dma_wait3A_93 = arith.constant 0 : i32
          %dma_wait3A_94 = tpu.memref_slice %arg16[%dma_wait3A_92, %dma_wait3A_93] : memref<10240x128xf32, #tpu.memory_space<vmem_shared>> -> memref<10240x128xf32, #tpu.memory_space<vmem_shared>>
          tpu.wait_indirect_dma semaphore(%run_scoped3A_82 : memref<!tpu.dma_semaphore, #tpu.memory_space<semaphore_mem>>) src(%arg11 : memref<128x128xf32, #tpu.memory_space<vmem>>) dst(%dma_wait3A_94 : memref<10240x128xf32, #tpu.memory_space<vmem_shared>>)
          tpu.yield
        }) : () -> ()
        %scan3A_81 = arith.constant 0 : i32
        scf.yield %scan3A_81 : i32
      }
      %scan3A_37 = arith.constant 10 : i32
      %barrier3A_38 = arith.constant 0 : index
      tpu.barrier barrier_id(%barrier3A_38)
      %mul3A_39 = arith.constant 640 : i32
      %mul3A_40 = arith.muli %arg1, %mul3A_39 : i32
      "tpu.region"() ({
        %run_scoped3A = tpu.sem_alloc : memref<!tpu.dma_semaphore, #tpu.memory_space<semaphore_mem>>
        %dma_start3A = arith.constant 0 : i32
        %dma_start3A_41 = tpu.memref_slice %arg6[%mul3A_40, %dma_start3A] : memref<10240x128xf32, #tpu.memory_space<hbm>> -> memref<640x128xf32, #tpu.memory_space<hbm>>
        %dma_start3A_42 = arith.constant 0 : i32
        %dma_start3A_43 = tpu.memref_slice %arg16[%mul3A_40, %dma_start3A_42] : memref<10240x128xf32, #tpu.memory_space<vmem_shared>> -> memref<640x128xf32, #tpu.memory_space<vmem_shared>>
        tpu.enqueue_dma source(%dma_start3A_43 : memref<640x128xf32, #tpu.memory_space<vmem_shared>>) target(%dma_start3A_41 : memref<640x128xf32, #tpu.memory_space<hbm>>) target_semaphore(%run_scoped3A : memref<!tpu.dma_semaphore, #tpu.memory_space<semaphore_mem>>)
        %dma_wait3A = arith.constant 0 : i32
        %dma_wait3A_44 = tpu.memref_slice %arg6[%mul3A_40, %dma_wait3A] : memref<10240x128xf32, #tpu.memory_space<hbm>> -> memref<640x128xf32, #tpu.memory_space<hbm>>
        %dma_wait3A_45 = arith.constant 0 : i32
        %dma_wait3A_46 = tpu.memref_slice %arg16[%mul3A_40, %dma_wait3A_45] : memref<10240x128xf32, #tpu.memory_space<vmem_shared>> -> memref<640x128xf32, #tpu.memory_space<vmem_shared>>
        tpu.wait_dma2 semaphore(%run_scoped3A : memref<!tpu.dma_semaphore, #tpu.memory_space<semaphore_mem>>) src(%dma_wait3A_46 : memref<640x128xf32, #tpu.memory_space<vmem_shared>>) dst(%dma_wait3A_44 : memref<640x128xf32, #tpu.memory_space<hbm>>)
        tpu.yield
      }) : () -> ()
    } else {
    }
    %eq3A_2 = arith.constant 1 : i32
    %eq3A_3 = arith.cmpi eq, %arg0, %eq3A_2 : i32
    %convert_element_type3A_4 = arith.extui %eq3A_3 : i1 to i32
    %cond3A_5 = arith.constant 0 : i32
    %cond3A_6 = arith.cmpi ne, %convert_element_type3A_4, %cond3A_5 : i32
    scf.if %cond3A_6 {
      %scan3A = arith.constant 0 : i32
      %scan3A_7 = arith.constant 0 : i32
      %scan3A_8 = arith.constant 128 : i32
      %scan3A_9 = arith.addi %scan3A_7, %scan3A_8 : i32
      %scan3A_10 = arith.constant 1 : i32
      %scan3A_11 = scf.for %scan3A_41 = %scan3A_7 to %scan3A_9 step %scan3A_10 iter_args(%scan3A_42 = %scan3A) -> (i32)  : i32 {
        %broadcast_in_dim3A = arith.constant 0.000000e+00 : f32
        %broadcast_in_dim3A_43 = vector.broadcast %broadcast_in_dim3A : f32 to vector<16xf32>
        %swap3A = arith.index_cast %scan3A_41 : i32 to index
        %swap3A_44 = arith.constant 0 : index
        %swap3A_45 = tpu.vector_load %arg10[%swap3A, %swap3A_44] {strides = array<i32>} : memref<128x128xf32, #tpu.memory_space<vmem>>, vector<1x16xf32>,
        %swap3A_46 = vector.shape_cast %swap3A_45 : vector<1x16xf32> to vector<16xf32>
        %swap3A_47 = vector.shape_cast %broadcast_in_dim3A_43 : vector<16xf32> to vector<1x16xf32>
        tpu.vector_store %arg10[%swap3A, %swap3A_44], %swap3A_47 {strides = array<i32>} : memref<128x128xf32, #tpu.memory_space<vmem>>, vector<1x16xf32>,
        %broadcast_in_dim3A_48 = arith.constant 0.000000e+00 : f32
        %broadcast_in_dim3A_49 = vector.broadcast %broadcast_in_dim3A_48 : f32 to vector<16xf32>
        %swap3A_50 = arith.index_cast %scan3A_41 : i32 to index
        %swap3A_51 = arith.constant 16 : index
        %swap3A_52 = tpu.vector_load %arg10[%swap3A_50, %swap3A_51] {strides = array<i32>} : memref<128x128xf32, #tpu.memory_space<vmem>>, vector<1x16xf32>,
        %swap3A_53 = vector.shape_cast %swap3A_52 : vector<1x16xf32> to vector<16xf32>
        %swap3A_54 = vector.shape_cast %broadcast_in_dim3A_49 : vector<16xf32> to vector<1x16xf32>
        tpu.vector_store %arg10[%swap3A_50, %swap3A_51], %swap3A_54 {strides = array<i32>} : memref<128x128xf32, #tpu.memory_space<vmem>>, vector<1x16xf32>,
        %broadcast_in_dim3A_55 = arith.constant 0.000000e+00 : f32
        %broadcast_in_dim3A_56 = vector.broadcast %broadcast_in_dim3A_55 : f32 to vector<16xf32>
        %swap3A_57 = arith.index_cast %scan3A_41 : i32 to index
        %swap3A_58 = arith.constant 32 : index
        %swap3A_59 = tpu.vector_load %arg10[%swap3A_57, %swap3A_58] {strides = array<i32>} : memref<128x128xf32, #tpu.memory_space<vmem>>, vector<1x16xf32>,
        %swap3A_60 = vector.shape_cast %swap3A_59 : vector<1x16xf32> to vector<16xf32>
        %swap3A_61 = vector.shape_cast %broadcast_in_dim3A_56 : vector<16xf32> to vector<1x16xf32>
        tpu.vector_store %arg10[%swap3A_57, %swap3A_58], %swap3A_61 {strides = array<i32>} : memref<128x128xf32, #tpu.memory_space<vmem>>, vector<1x16xf32>,
        %broadcast_in_dim3A_62 = arith.constant 0.000000e+00 : f32
        %broadcast_in_dim3A_63 = vector.broadcast %broadcast_in_dim3A_62 : f32 to vector<16xf32>
        %swap3A_64 = arith.index_cast %scan3A_41 : i32 to index
        %swap3A_65 = arith.constant 48 : index
        %swap3A_66 = tpu.vector_load %arg10[%swap3A_64, %swap3A_65] {strides = array<i32>} : memref<128x128xf32, #tpu.memory_space<vmem>>, vector<1x16xf32>,
        %swap3A_67 = vector.shape_cast %swap3A_66 : vector<1x16xf32> to vector<16xf32>
        %swap3A_68 = vector.shape_cast %broadcast_in_dim3A_63 : vector<16xf32> to vector<1x16xf32>
        tpu.vector_store %arg10[%swap3A_64, %swap3A_65], %swap3A_68 {strides = array<i32>} : memref<128x128xf32, #tpu.memory_space<vmem>>, vector<1x16xf32>,
        %broadcast_in_dim3A_69 = arith.constant 0.000000e+00 : f32
        %broadcast_in_dim3A_70 = vector.broadcast %broadcast_in_dim3A_69 : f32 to vector<16xf32>
        %swap3A_71 = arith.index_cast %scan3A_41 : i32 to index
        %swap3A_72 = arith.constant 64 : index
        %swap3A_73 = tpu.vector_load %arg10[%swap3A_71, %swap3A_72] {strides = array<i32>} : memref<128x128xf32, #tpu.memory_space<vmem>>, vector<1x16xf32>,
        %swap3A_74 = vector.shape_cast %swap3A_73 : vector<1x16xf32> to vector<16xf32>
        %swap3A_75 = vector.shape_cast %broadcast_in_dim3A_70 : vector<16xf32> to vector<1x16xf32>
        tpu.vector_store %arg10[%swap3A_71, %swap3A_72], %swap3A_75 {strides = array<i32>} : memref<128x128xf32, #tpu.memory_space<vmem>>, vector<1x16xf32>,
        %broadcast_in_dim3A_76 = arith.constant 0.000000e+00 : f32
        %broadcast_in_dim3A_77 = vector.broadcast %broadcast_in_dim3A_76 : f32 to vector<16xf32>
        %swap3A_78 = arith.index_cast %scan3A_41 : i32 to index
        %swap3A_79 = arith.constant 80 : index
        %swap3A_80 = tpu.vector_load %arg10[%swap3A_78, %swap3A_79] {strides = array<i32>} : memref<128x128xf32, #tpu.memory_space<vmem>>, vector<1x16xf32>,
        %swap3A_81 = vector.shape_cast %swap3A_80 : vector<1x16xf32> to vector<16xf32>
        %swap3A_82 = vector.shape_cast %broadcast_in_dim3A_77 : vector<16xf32> to vector<1x16xf32>
        tpu.vector_store %arg10[%swap3A_78, %swap3A_79], %swap3A_82 {strides = array<i32>} : memref<128x128xf32, #tpu.memory_space<vmem>>, vector<1x16xf32>,
        %broadcast_in_dim3A_83 = arith.constant 0.000000e+00 : f32
        %broadcast_in_dim3A_84 = vector.broadcast %broadcast_in_dim3A_83 : f32 to vector<16xf32>
        %swap3A_85 = arith.index_cast %scan3A_41 : i32 to index
        %swap3A_86 = arith.constant 96 : index
        %swap3A_87 = tpu.vector_load %arg10[%swap3A_85, %swap3A_86] {strides = array<i32>} : memref<128x128xf32, #tpu.memory_space<vmem>>, vector<1x16xf32>,
        %swap3A_88 = vector.shape_cast %swap3A_87 : vector<1x16xf32> to vector<16xf32>
        %swap3A_89 = vector.shape_cast %broadcast_in_dim3A_84 : vector<16xf32> to vector<1x16xf32>
        tpu.vector_store %arg10[%swap3A_85, %swap3A_86], %swap3A_89 {strides = array<i32>} : memref<128x128xf32, #tpu.memory_space<vmem>>, vector<1x16xf32>,
        %broadcast_in_dim3A_90 = arith.constant 0.000000e+00 : f32
        %broadcast_in_dim3A_91 = vector.broadcast %broadcast_in_dim3A_90 : f32 to vector<16xf32>
        %swap3A_92 = arith.index_cast %scan3A_41 : i32 to index
        %swap3A_93 = arith.constant 112 : index
        %swap3A_94 = tpu.vector_load %arg10[%swap3A_92, %swap3A_93] {strides = array<i32>} : memref<128x128xf32, #tpu.memory_space<vmem>>, vector<1x16xf32>,
        %swap3A_95 = vector.shape_cast %swap3A_94 : vector<1x16xf32> to vector<16xf32>
        %swap3A_96 = vector.shape_cast %broadcast_in_dim3A_91 : vector<16xf32> to vector<1x16xf32>
        tpu.vector_store %arg10[%swap3A_92, %swap3A_93], %swap3A_96 {strides = array<i32>} : memref<128x128xf32, #tpu.memory_space<vmem>>, vector<1x16xf32>,
        %scan3A_97 = arith.constant 0 : i32
        scf.yield %scan3A_97 : i32
      }
      %scan3A_12 = arith.constant 128 : i32
      %mul3A = arith.constant 640 : i32
      %mul3A_13 = arith.muli %arg1, %mul3A : i32
      %add3A = arith.constant 0 : i32
      %add3A_14 = arith.addi %mul3A_13, %add3A : i32
      "tpu.region"() ({
        %run_scoped3A = tpu.sem_alloc : memref<!tpu.dma_semaphore, #tpu.memory_space<semaphore_mem>>
        %dma_start3A = arith.constant 0 : i32
        %dma_start3A_41 = tpu.memref_slice %arg16[%add3A_14, %dma_start3A] : memref<10240x128xf32, #tpu.memory_space<vmem_shared>> -> memref<128x128xf32, #tpu.memory_space<vmem_shared>>
        %dma_start3A_42 = arith.constant 0 : i32
        %dma_start3A_43 = tpu.memref_slice %arg16[%add3A_14, %dma_start3A_42] : memref<10240x128xf32, #tpu.memory_space<vmem_shared>> -> memref<128x128xf32, #tpu.memory_space<vmem_shared>>
        tpu.enqueue_dma source(%arg10 : memref<128x128xf32, #tpu.memory_space<vmem>>) target(%dma_start3A_43 : memref<128x128xf32, #tpu.memory_space<vmem_shared>>) target_semaphore(%run_scoped3A : memref<!tpu.dma_semaphore, #tpu.memory_space<semaphore_mem>>)
        %dma_wait3A = arith.constant 0 : i32
        %dma_wait3A_44 = tpu.memref_slice %arg16[%add3A_14, %dma_wait3A] : memref<10240x128xf32, #tpu.memory_space<vmem_shared>> -> memref<128x128xf32, #tpu.memory_space<vmem_shared>>
        %dma_wait3A_45 = arith.constant 0 : i32
        %dma_wait3A_46 = tpu.memref_slice %arg16[%add3A_14, %dma_wait3A_45] : memref<10240x128xf32, #tpu.memory_space<vmem_shared>> -> memref<128x128xf32, #tpu.memory_space<vmem_shared>>
        tpu.wait_dma2 semaphore(%run_scoped3A : memref<!tpu.dma_semaphore, #tpu.memory_space<semaphore_mem>>) src(%arg10 : memref<128x128xf32, #tpu.memory_space<vmem>>) dst(%dma_wait3A_46 : memref<128x128xf32, #tpu.memory_space<vmem_shared>>)
        tpu.yield
      }) : () -> ()
      %mul3A_15 = arith.constant 640 : i32
      %mul3A_16 = arith.muli %arg1, %mul3A_15 : i32
      %add3A_17 = arith.constant 128 : i32
      %add3A_18 = arith.addi %mul3A_16, %add3A_17 : i32
      "tpu.region"() ({
        %run_scoped3A = tpu.sem_alloc : memref<!tpu.dma_semaphore, #tpu.memory_space<semaphore_mem>>
        %dma_start3A = arith.constant 0 : i32
        %dma_start3A_41 = tpu.memref_slice %arg16[%add3A_18, %dma_start3A] : memref<10240x128xf32, #tpu.memory_space<vmem_shared>> -> memref<128x128xf32, #tpu.memory_space<vmem_shared>>
        %dma_start3A_42 = arith.constant 0 : i32
        %dma_start3A_43 = tpu.memref_slice %arg16[%add3A_18, %dma_start3A_42] : memref<10240x128xf32, #tpu.memory_space<vmem_shared>> -> memref<128x128xf32, #tpu.memory_space<vmem_shared>>
        tpu.enqueue_dma source(%arg10 : memref<128x128xf32, #tpu.memory_space<vmem>>) target(%dma_start3A_43 : memref<128x128xf32, #tpu.memory_space<vmem_shared>>) target_semaphore(%run_scoped3A : memref<!tpu.dma_semaphore, #tpu.memory_space<semaphore_mem>>)
        %dma_wait3A = arith.constant 0 : i32
        %dma_wait3A_44 = tpu.memref_slice %arg16[%add3A_18, %dma_wait3A] : memref<10240x128xf32, #tpu.memory_space<vmem_shared>> -> memref<128x128xf32, #tpu.memory_space<vmem_shared>>
        %dma_wait3A_45 = arith.constant 0 : i32
        %dma_wait3A_46 = tpu.memref_slice %arg16[%add3A_18, %dma_wait3A_45] : memref<10240x128xf32, #tpu.memory_space<vmem_shared>> -> memref<128x128xf32, #tpu.memory_space<vmem_shared>>
        tpu.wait_dma2 semaphore(%run_scoped3A : memref<!tpu.dma_semaphore, #tpu.memory_space<semaphore_mem>>) src(%arg10 : memref<128x128xf32, #tpu.memory_space<vmem>>) dst(%dma_wait3A_46 : memref<128x128xf32, #tpu.memory_space<vmem_shared>>)
        tpu.yield
      }) : () -> ()
      %mul3A_19 = arith.constant 640 : i32
      %mul3A_20 = arith.muli %arg1, %mul3A_19 : i32
      %add3A_21 = arith.constant 256 : i32
      %add3A_22 = arith.addi %mul3A_20, %add3A_21 : i32
      "tpu.region"() ({
        %run_scoped3A = tpu.sem_alloc : memref<!tpu.dma_semaphore, #tpu.memory_space<semaphore_mem>>
        %dma_start3A = arith.constant 0 : i32
        %dma_start3A_41 = tpu.memref_slice %arg16[%add3A_22, %dma_start3A] : memref<10240x128xf32, #tpu.memory_space<vmem_shared>> -> memref<128x128xf32, #tpu.memory_space<vmem_shared>>
        %dma_start3A_42 = arith.constant 0 : i32
        %dma_start3A_43 = tpu.memref_slice %arg16[%add3A_22, %dma_start3A_42] : memref<10240x128xf32, #tpu.memory_space<vmem_shared>> -> memref<128x128xf32, #tpu.memory_space<vmem_shared>>
        tpu.enqueue_dma source(%arg10 : memref<128x128xf32, #tpu.memory_space<vmem>>) target(%dma_start3A_43 : memref<128x128xf32, #tpu.memory_space<vmem_shared>>) target_semaphore(%run_scoped3A : memref<!tpu.dma_semaphore, #tpu.memory_space<semaphore_mem>>)
        %dma_wait3A = arith.constant 0 : i32
        %dma_wait3A_44 = tpu.memref_slice %arg16[%add3A_22, %dma_wait3A] : memref<10240x128xf32, #tpu.memory_space<vmem_shared>> -> memref<128x128xf32, #tpu.memory_space<vmem_shared>>
        %dma_wait3A_45 = arith.constant 0 : i32
        %dma_wait3A_46 = tpu.memref_slice %arg16[%add3A_22, %dma_wait3A_45] : memref<10240x128xf32, #tpu.memory_space<vmem_shared>> -> memref<128x128xf32, #tpu.memory_space<vmem_shared>>
        tpu.wait_dma2 semaphore(%run_scoped3A : memref<!tpu.dma_semaphore, #tpu.memory_space<semaphore_mem>>) src(%arg10 : memref<128x128xf32, #tpu.memory_space<vmem>>) dst(%dma_wait3A_46 : memref<128x128xf32, #tpu.memory_space<vmem_shared>>)
        tpu.yield
      }) : () -> ()
      %mul3A_23 = arith.constant 640 : i32
      %mul3A_24 = arith.muli %arg1, %mul3A_23 : i32
      %add3A_25 = arith.constant 384 : i32
      %add3A_26 = arith.addi %mul3A_24, %add3A_25 : i32
      "tpu.region"() ({
        %run_scoped3A = tpu.sem_alloc : memref<!tpu.dma_semaphore, #tpu.memory_space<semaphore_mem>>
        %dma_start3A = arith.constant 0 : i32
        %dma_start3A_41 = tpu.memref_slice %arg16[%add3A_26, %dma_start3A] : memref<10240x128xf32, #tpu.memory_space<vmem_shared>> -> memref<128x128xf32, #tpu.memory_space<vmem_shared>>
        %dma_start3A_42 = arith.constant 0 : i32
        %dma_start3A_43 = tpu.memref_slice %arg16[%add3A_26, %dma_start3A_42] : memref<10240x128xf32, #tpu.memory_space<vmem_shared>> -> memref<128x128xf32, #tpu.memory_space<vmem_shared>>
        tpu.enqueue_dma source(%arg10 : memref<128x128xf32, #tpu.memory_space<vmem>>) target(%dma_start3A_43 : memref<128x128xf32, #tpu.memory_space<vmem_shared>>) target_semaphore(%run_scoped3A : memref<!tpu.dma_semaphore, #tpu.memory_space<semaphore_mem>>)
        %dma_wait3A = arith.constant 0 : i32
        %dma_wait3A_44 = tpu.memref_slice %arg16[%add3A_26, %dma_wait3A] : memref<10240x128xf32, #tpu.memory_space<vmem_shared>> -> memref<128x128xf32, #tpu.memory_space<vmem_shared>>
        %dma_wait3A_45 = arith.constant 0 : i32
        %dma_wait3A_46 = tpu.memref_slice %arg16[%add3A_26, %dma_wait3A_45] : memref<10240x128xf32, #tpu.memory_space<vmem_shared>> -> memref<128x128xf32, #tpu.memory_space<vmem_shared>>
        tpu.wait_dma2 semaphore(%run_scoped3A : memref<!tpu.dma_semaphore, #tpu.memory_space<semaphore_mem>>) src(%arg10 : memref<128x128xf32, #tpu.memory_space<vmem>>) dst(%dma_wait3A_46 : memref<128x128xf32, #tpu.memory_space<vmem_shared>>)
        tpu.yield
      }) : () -> ()
      %mul3A_27 = arith.constant 640 : i32
      %mul3A_28 = arith.muli %arg1, %mul3A_27 : i32
      %add3A_29 = arith.constant 512 : i32
      %add3A_30 = arith.addi %mul3A_28, %add3A_29 : i32
      "tpu.region"() ({
        %run_scoped3A = tpu.sem_alloc : memref<!tpu.dma_semaphore, #tpu.memory_space<semaphore_mem>>
        %dma_start3A = arith.constant 0 : i32
        %dma_start3A_41 = tpu.memref_slice %arg16[%add3A_30, %dma_start3A] : memref<10240x128xf32, #tpu.memory_space<vmem_shared>> -> memref<128x128xf32, #tpu.memory_space<vmem_shared>>
        %dma_start3A_42 = arith.constant 0 : i32
        %dma_start3A_43 = tpu.memref_slice %arg16[%add3A_30, %dma_start3A_42] : memref<10240x128xf32, #tpu.memory_space<vmem_shared>> -> memref<128x128xf32, #tpu.memory_space<vmem_shared>>
        tpu.enqueue_dma source(%arg10 : memref<128x128xf32, #tpu.memory_space<vmem>>) target(%dma_start3A_43 : memref<128x128xf32, #tpu.memory_space<vmem_shared>>) target_semaphore(%run_scoped3A : memref<!tpu.dma_semaphore, #tpu.memory_space<semaphore_mem>>)
        %dma_wait3A = arith.constant 0 : i32
        %dma_wait3A_44 = tpu.memref_slice %arg16[%add3A_30, %dma_wait3A] : memref<10240x128xf32, #tpu.memory_space<vmem_shared>> -> memref<128x128xf32, #tpu.memory_space<vmem_shared>>
        %dma_wait3A_45 = arith.constant 0 : i32
        %dma_wait3A_46 = tpu.memref_slice %arg16[%add3A_30, %dma_wait3A_45] : memref<10240x128xf32, #tpu.memory_space<vmem_shared>> -> memref<128x128xf32, #tpu.memory_space<vmem_shared>>
        tpu.wait_dma2 semaphore(%run_scoped3A : memref<!tpu.dma_semaphore, #tpu.memory_space<semaphore_mem>>) src(%arg10 : memref<128x128xf32, #tpu.memory_space<vmem>>) dst(%dma_wait3A_46 : memref<128x128xf32, #tpu.memory_space<vmem_shared>>)
        tpu.yield
      }) : () -> ()
      %barrier3A = arith.constant 0 : index
      tpu.barrier barrier_id(%barrier3A)
      %scan3A_31 = arith.constant 0 : i32
      %scan3A_32 = arith.constant 0 : i32
      %scan3A_33 = arith.constant 10 : i32
      %scan3A_34 = arith.addi %scan3A_32, %scan3A_33 : i32
      %scan3A_35 = arith.constant 1 : i32
      %scan3A_36 = scf.for %scan3A_41 = %scan3A_32 to %scan3A_34 step %scan3A_35 iter_args(%scan3A_42 = %scan3A_31) -> (i32)  : i32 {
        %mul3A_43 = arith.constant 16 : i32
        %mul3A_44 = arith.muli %scan3A_41, %mul3A_43 : i32
        "tpu.region"() ({
          %run_scoped3A_82 = tpu.sem_alloc : memref<!tpu.dma_semaphore, #tpu.memory_space<semaphore_mem>>
          %dma_start3A_83 = arith.constant 0 : i32
          %dma_start3A_84 = tpu.memref_slice %arg5[%arg1, %mul3A_44, %dma_start3A_83] : memref<16x160x128xi32, #tpu.memory_space<hbm>> -> memref<1x16x128xi32, #tpu.memory_space<hbm>>
          %dma_start3A_85 = tpu.memref_squeeze %dma_start3A_84 : memref<1x16x128xi32, #tpu.memory_space<hbm>> -> memref<16x128xi32, #tpu.memory_space<hbm>>
          %dma_start3A_86 = arith.constant 0 : i32
          %dma_start3A_87 = tpu.memref_slice %arg5[%arg1, %mul3A_44, %dma_start3A_86] : memref<16x160x128xi32, #tpu.memory_space<hbm>> -> memref<1x16x128xi32, #tpu.memory_space<hbm>>
          %dma_start3A_88 = tpu.memref_squeeze %dma_start3A_87 : memref<1x16x128xi32, #tpu.memory_space<hbm>> -> memref<16x128xi32, #tpu.memory_space<hbm>>
          tpu.enqueue_dma source(%dma_start3A_88 : memref<16x128xi32, #tpu.memory_space<hbm>>) target(%arg8 : memref<16x128xi32, #tpu.memory_space<vmem>>) target_semaphore(%run_scoped3A_82 : memref<!tpu.dma_semaphore, #tpu.memory_space<semaphore_mem>>)
          %dma_wait3A_89 = arith.constant 0 : i32
          %dma_wait3A_90 = tpu.memref_slice %arg5[%arg1, %mul3A_44, %dma_wait3A_89] : memref<16x160x128xi32, #tpu.memory_space<hbm>> -> memref<1x16x128xi32, #tpu.memory_space<hbm>>
          %dma_wait3A_91 = tpu.memref_squeeze %dma_wait3A_90 : memref<1x16x128xi32, #tpu.memory_space<hbm>> -> memref<16x128xi32, #tpu.memory_space<hbm>>
          %dma_wait3A_92 = arith.constant 0 : i32
          %dma_wait3A_93 = tpu.memref_slice %arg5[%arg1, %mul3A_44, %dma_wait3A_92] : memref<16x160x128xi32, #tpu.memory_space<hbm>> -> memref<1x16x128xi32, #tpu.memory_space<hbm>>
          %dma_wait3A_94 = tpu.memref_squeeze %dma_wait3A_93 : memref<1x16x128xi32, #tpu.memory_space<hbm>> -> memref<16x128xi32, #tpu.memory_space<hbm>>
          tpu.wait_dma2 semaphore(%run_scoped3A_82 : memref<!tpu.dma_semaphore, #tpu.memory_space<semaphore_mem>>) src(%dma_wait3A_94 : memref<16x128xi32, #tpu.memory_space<hbm>>) dst(%arg8 : memref<16x128xi32, #tpu.memory_space<vmem>>)
          tpu.yield
        }) : () -> ()
        %mul3A_45 = arith.constant 16 : i32
        %mul3A_46 = arith.muli %scan3A_41, %mul3A_45 : i32
        "tpu.region"() ({
          %run_scoped3A_82 = tpu.sem_alloc : memref<!tpu.dma_semaphore, #tpu.memory_space<semaphore_mem>>
          %dma_start3A_83 = arith.constant 0 : i32
          %dma_start3A_84 = tpu.memref_slice %arg4[%arg1, %mul3A_46, %dma_start3A_83] : memref<16x160x128xi32, #tpu.memory_space<hbm>> -> memref<1x16x128xi32, #tpu.memory_space<hbm>>
          %dma_start3A_85 = tpu.memref_squeeze %dma_start3A_84 : memref<1x16x128xi32, #tpu.memory_space<hbm>> -> memref<16x128xi32, #tpu.memory_space<hbm>>
          %dma_start3A_86 = arith.constant 0 : i32
          %dma_start3A_87 = tpu.memref_slice %arg4[%arg1, %mul3A_46, %dma_start3A_86] : memref<16x160x128xi32, #tpu.memory_space<hbm>> -> memref<1x16x128xi32, #tpu.memory_space<hbm>>
          %dma_start3A_88 = tpu.memref_squeeze %dma_start3A_87 : memref<1x16x128xi32, #tpu.memory_space<hbm>> -> memref<16x128xi32, #tpu.memory_space<hbm>>
          tpu.enqueue_dma source(%dma_start3A_88 : memref<16x128xi32, #tpu.memory_space<hbm>>) target(%arg9 : memref<16x128xi32, #tpu.memory_space<vmem>>) target_semaphore(%run_scoped3A_82 : memref<!tpu.dma_semaphore, #tpu.memory_space<semaphore_mem>>)
          %dma_wait3A_89 = arith.constant 0 : i32
          %dma_wait3A_90 = tpu.memref_slice %arg4[%arg1, %mul3A_46, %dma_wait3A_89] : memref<16x160x128xi32, #tpu.memory_space<hbm>> -> memref<1x16x128xi32, #tpu.memory_space<hbm>>
          %dma_wait3A_91 = tpu.memref_squeeze %dma_wait3A_90 : memref<1x16x128xi32, #tpu.memory_space<hbm>> -> memref<16x128xi32, #tpu.memory_space<hbm>>
          %dma_wait3A_92 = arith.constant 0 : i32
          %dma_wait3A_93 = tpu.memref_slice %arg4[%arg1, %mul3A_46, %dma_wait3A_92] : memref<16x160x128xi32, #tpu.memory_space<hbm>> -> memref<1x16x128xi32, #tpu.memory_space<hbm>>
          %dma_wait3A_94 = tpu.memref_squeeze %dma_wait3A_93 : memref<1x16x128xi32, #tpu.memory_space<hbm>> -> memref<16x128xi32, #tpu.memory_space<hbm>>
          tpu.wait_dma2 semaphore(%run_scoped3A_82 : memref<!tpu.dma_semaphore, #tpu.memory_space<semaphore_mem>>) src(%dma_wait3A_94 : memref<16x128xi32, #tpu.memory_space<hbm>>) dst(%arg9 : memref<16x128xi32, #tpu.memory_space<vmem>>)
          tpu.yield
        }) : () -> ()
        %dma_start3A = arith.constant 0 : i32
        %dma_start3A_47 = arith.constant 0 : i32
        %dma_start3A_48 = tpu.memref_slice %arg8[%dma_start3A, %dma_start3A_47] : memref<16x128xi32, #tpu.memory_space<vmem>> -> memref<1x128xi32, #tpu.memory_space<vmem>>
        %dma_start3A_49 = tpu.memref_squeeze %dma_start3A_48 : memref<1x128xi32, #tpu.memory_space<vmem>> -> memref<128xi32, #tpu.memory_space<vmem>>
        %dma_start3A_50 = arith.constant 0 : i32
        %dma_start3A_51 = arith.constant 0 : i32
        %dma_start3A_52 = tpu.memref_slice %arg3[%dma_start3A_50, %dma_start3A_51] : memref<10240x128xf32, #tpu.memory_space<hbm>> -> memref<10240x128xf32, #tpu.memory_space<hbm>>
        tpu.enqueue_indirect_dma source(%dma_start3A_52 : memref<10240x128xf32, #tpu.memory_space<hbm>>) target(%arg10 : memref<128x128xf32, #tpu.memory_space<vmem>>) offsets(%dma_start3A_49 : memref<128xi32, #tpu.memory_space<vmem>>) semaphore(%arg12 : memref<!tpu.dma_semaphore, #tpu.memory_space<semaphore_mem>>)
        %scan3A_53 = arith.constant 0 : i32
        %scan3A_54 = arith.constant 0 : i32
        %scan3A_55 = arith.constant 7 : i32
        %scan3A_56 = arith.addi %scan3A_54, %scan3A_55 : i32
        %scan3A_57 = arith.constant 1 : i32
        %scan3A_58 = scf.for %scan3A_82 = %scan3A_54 to %scan3A_56 step %scan3A_57 iter_args(%scan3A_83 = %scan3A_53) -> (i32)  : i32 {
          %mul3A_84 = arith.constant 2 : i32
          %mul3A_85 = arith.muli %mul3A_84, %scan3A_82 : i32
          %add3A_86 = arith.constant 1 : i32
          %add3A_87 = arith.addi %mul3A_85, %add3A_86 : i32
          %dma_start3A_88 = arith.constant 0 : i32
          %dma_start3A_89 = tpu.memref_slice %arg8[%add3A_87, %dma_start3A_88] : memref<16x128xi32, #tpu.memory_space<vmem>> -> memref<1x128xi32, #tpu.memory_space<vmem>>
          %dma_start3A_90 = tpu.memref_squeeze %dma_start3A_89 : memref<1x128xi32, #tpu.memory_space<vmem>> -> memref<128xi32, #tpu.memory_space<vmem>>
          %dma_start3A_91 = arith.constant 0 : i32
          %dma_start3A_92 = arith.constant 0 : i32
          %dma_start3A_93 = tpu.memref_slice %arg3[%dma_start3A_91, %dma_start3A_92] : memref<10240x128xf32, #tpu.memory_space<hbm>> -> memref<10240x128xf32, #tpu.memory_space<hbm>>
          tpu.enqueue_indirect_dma source(%dma_start3A_93 : memref<10240x128xf32, #tpu.memory_space<hbm>>) target(%arg11 : memref<128x128xf32, #tpu.memory_space<vmem>>) offsets(%dma_start3A_90 : memref<128xi32, #tpu.memory_space<vmem>>) semaphore(%arg13 : memref<!tpu.dma_semaphore, #tpu.memory_space<semaphore_mem>>)
          %mul3A_94 = arith.constant 2 : i32
          %mul3A_95 = arith.muli %mul3A_94, %scan3A_82 : i32
          %dma_wait3A_96 = arith.constant 0 : i32
          %dma_wait3A_97 = tpu.memref_slice %arg8[%mul3A_95, %dma_wait3A_96] : memref<16x128xi32, #tpu.memory_space<vmem>> -> memref<1x128xi32, #tpu.memory_space<vmem>>
          %dma_wait3A_98 = tpu.memref_squeeze %dma_wait3A_97 : memref<1x128xi32, #tpu.memory_space<vmem>> -> memref<128xi32, #tpu.memory_space<vmem>>
          %dma_wait3A_99 = arith.constant 0 : i32
          %dma_wait3A_100 = arith.constant 0 : i32
          %dma_wait3A_101 = tpu.memref_slice %arg3[%dma_wait3A_99, %dma_wait3A_100] : memref<10240x128xf32, #tpu.memory_space<hbm>> -> memref<10240x128xf32, #tpu.memory_space<hbm>>
          tpu.wait_indirect_dma semaphore(%arg12 : memref<!tpu.dma_semaphore, #tpu.memory_space<semaphore_mem>>) src(%dma_wait3A_101 : memref<10240x128xf32, #tpu.memory_space<hbm>>) dst(%arg10 : memref<128x128xf32, #tpu.memory_space<vmem>>)
          "tpu.region"() ({
            %run_scoped3A_123 = tpu.sem_alloc : memref<!tpu.dma_semaphore, #tpu.memory_space<semaphore_mem>>
            %dma_start3A_124 = arith.constant 0 : i32
            %dma_start3A_125 = tpu.memref_slice %arg9[%mul3A_95, %dma_start3A_124] : memref<16x128xi32, #tpu.memory_space<vmem>> -> memref<1x128xi32, #tpu.memory_space<vmem>>
            %dma_start3A_126 = tpu.memref_squeeze %dma_start3A_125 : memref<1x128xi32, #tpu.memory_space<vmem>> -> memref<128xi32, #tpu.memory_space<vmem>>
            %dma_start3A_127 = arith.constant 0 : i32
            %dma_start3A_128 = arith.constant 0 : i32
            %dma_start3A_129 = tpu.memref_slice %arg16[%dma_start3A_127, %dma_start3A_128] : memref<10240x128xf32, #tpu.memory_space<vmem_shared>> -> memref<10240x128xf32, #tpu.memory_space<vmem_shared>>
            tpu.enqueue_indirect_dma source(%arg10 : memref<128x128xf32, #tpu.memory_space<vmem>>) target(%dma_start3A_129 : memref<10240x128xf32, #tpu.memory_space<vmem_shared>>) offsets(%dma_start3A_126 : memref<128xi32, #tpu.memory_space<vmem>>) semaphore(%run_scoped3A_123 : memref<!tpu.dma_semaphore, #tpu.memory_space<semaphore_mem>>) {add = true}
            %dma_wait3A_130 = arith.constant 0 : i32
            %dma_wait3A_131 = tpu.memref_slice %arg9[%mul3A_95, %dma_wait3A_130] : memref<16x128xi32, #tpu.memory_space<vmem>> -> memref<1x128xi32, #tpu.memory_space<vmem>>
            %dma_wait3A_132 = tpu.memref_squeeze %dma_wait3A_131 : memref<1x128xi32, #tpu.memory_space<vmem>> -> memref<128xi32, #tpu.memory_space<vmem>>
            %dma_wait3A_133 = arith.constant 0 : i32
            %dma_wait3A_134 = arith.constant 0 : i32
            %dma_wait3A_135 = tpu.memref_slice %arg16[%dma_wait3A_133, %dma_wait3A_134] : memref<10240x128xf32, #tpu.memory_space<vmem_shared>> -> memref<10240x128xf32, #tpu.memory_space<vmem_shared>>
            tpu.wait_indirect_dma semaphore(%run_scoped3A_123 : memref<!tpu.dma_semaphore, #tpu.memory_space<semaphore_mem>>) src(%arg10 : memref<128x128xf32, #tpu.memory_space<vmem>>) dst(%dma_wait3A_135 : memref<10240x128xf32, #tpu.memory_space<vmem_shared>>)
            tpu.yield
          }) : () -> ()
          %mul3A_102 = arith.constant 2 : i32
          %mul3A_103 = arith.muli %mul3A_102, %scan3A_82 : i32
          %add3A_104 = arith.constant 2 : i32
          %add3A_105 = arith.addi %mul3A_103, %add3A_104 : i32
          %dma_start3A_106 = arith.constant 0 : i32
          %dma_start3A_107 = tpu.memref_slice %arg8[%add3A_105, %dma_start3A_106] : memref<16x128xi32, #tpu.memory_space<vmem>> -> memref<1x128xi32, #tpu.memory_space<vmem>>
          %dma_start3A_108 = tpu.memref_squeeze %dma_start3A_107 : memref<1x128xi32, #tpu.memory_space<vmem>> -> memref<128xi32, #tpu.memory_space<vmem>>
          %dma_start3A_109 = arith.constant 0 : i32
          %dma_start3A_110 = arith.constant 0 : i32
          %dma_start3A_111 = tpu.memref_slice %arg3[%dma_start3A_109, %dma_start3A_110] : memref<10240x128xf32, #tpu.memory_space<hbm>> -> memref<10240x128xf32, #tpu.memory_space<hbm>>
          tpu.enqueue_indirect_dma source(%dma_start3A_111 : memref<10240x128xf32, #tpu.memory_space<hbm>>) target(%arg10 : memref<128x128xf32, #tpu.memory_space<vmem>>) offsets(%dma_start3A_108 : memref<128xi32, #tpu.memory_space<vmem>>) semaphore(%arg12 : memref<!tpu.dma_semaphore, #tpu.memory_space<semaphore_mem>>)
          %mul3A_112 = arith.constant 2 : i32
          %mul3A_113 = arith.muli %mul3A_112, %scan3A_82 : i32
          %add3A_114 = arith.constant 1 : i32
          %add3A_115 = arith.addi %mul3A_113, %add3A_114 : i32
          %dma_wait3A_116 = arith.constant 0 : i32
          %dma_wait3A_117 = tpu.memref_slice %arg8[%add3A_115, %dma_wait3A_116] : memref<16x128xi32, #tpu.memory_space<vmem>> -> memref<1x128xi32, #tpu.memory_space<vmem>>
          %dma_wait3A_118 = tpu.memref_squeeze %dma_wait3A_117 : memref<1x128xi32, #tpu.memory_space<vmem>> -> memref<128xi32, #tpu.memory_space<vmem>>
          %dma_wait3A_119 = arith.constant 0 : i32
          %dma_wait3A_120 = arith.constant 0 : i32
          %dma_wait3A_121 = tpu.memref_slice %arg3[%dma_wait3A_119, %dma_wait3A_120] : memref<10240x128xf32, #tpu.memory_space<hbm>> -> memref<10240x128xf32, #tpu.memory_space<hbm>>
          tpu.wait_indirect_dma semaphore(%arg13 : memref<!tpu.dma_semaphore, #tpu.memory_space<semaphore_mem>>) src(%dma_wait3A_121 : memref<10240x128xf32, #tpu.memory_space<hbm>>) dst(%arg11 : memref<128x128xf32, #tpu.memory_space<vmem>>)
          "tpu.region"() ({
            %run_scoped3A_123 = tpu.sem_alloc : memref<!tpu.dma_semaphore, #tpu.memory_space<semaphore_mem>>
            %dma_start3A_124 = arith.constant 0 : i32
            %dma_start3A_125 = tpu.memref_slice %arg9[%add3A_115, %dma_start3A_124] : memref<16x128xi32, #tpu.memory_space<vmem>> -> memref<1x128xi32, #tpu.memory_space<vmem>>
            %dma_start3A_126 = tpu.memref_squeeze %dma_start3A_125 : memref<1x128xi32, #tpu.memory_space<vmem>> -> memref<128xi32, #tpu.memory_space<vmem>>
            %dma_start3A_127 = arith.constant 0 : i32
            %dma_start3A_128 = arith.constant 0 : i32
            %dma_start3A_129 = tpu.memref_slice %arg16[%dma_start3A_127, %dma_start3A_128] : memref<10240x128xf32, #tpu.memory_space<vmem_shared>> -> memref<10240x128xf32, #tpu.memory_space<vmem_shared>>
            tpu.enqueue_indirect_dma source(%arg11 : memref<128x128xf32, #tpu.memory_space<vmem>>) target(%dma_start3A_129 : memref<10240x128xf32, #tpu.memory_space<vmem_shared>>) offsets(%dma_start3A_126 : memref<128xi32, #tpu.memory_space<vmem>>) semaphore(%run_scoped3A_123 : memref<!tpu.dma_semaphore, #tpu.memory_space<semaphore_mem>>) {add = true}
            %dma_wait3A_130 = arith.constant 0 : i32
            %dma_wait3A_131 = tpu.memref_slice %arg9[%add3A_115, %dma_wait3A_130] : memref<16x128xi32, #tpu.memory_space<vmem>> -> memref<1x128xi32, #tpu.memory_space<vmem>>
            %dma_wait3A_132 = tpu.memref_squeeze %dma_wait3A_131 : memref<1x128xi32, #tpu.memory_space<vmem>> -> memref<128xi32, #tpu.memory_space<vmem>>
            %dma_wait3A_133 = arith.constant 0 : i32
            %dma_wait3A_134 = arith.constant 0 : i32
            %dma_wait3A_135 = tpu.memref_slice %arg16[%dma_wait3A_133, %dma_wait3A_134] : memref<10240x128xf32, #tpu.memory_space<vmem_shared>> -> memref<10240x128xf32, #tpu.memory_space<vmem_shared>>
            tpu.wait_indirect_dma semaphore(%run_scoped3A_123 : memref<!tpu.dma_semaphore, #tpu.memory_space<semaphore_mem>>) src(%arg11 : memref<128x128xf32, #tpu.memory_space<vmem>>) dst(%dma_wait3A_135 : memref<10240x128xf32, #tpu.memory_space<vmem_shared>>)
            tpu.yield
          }) : () -> ()
          %scan3A_122 = arith.constant 0 : i32
          scf.yield %scan3A_122 : i32
        }
        %scan3A_59 = arith.constant 7 : i32
        %dma_start3A_60 = arith.constant 15 : i32
        %dma_start3A_61 = arith.constant 0 : i32
        %dma_start3A_62 = tpu.memref_slice %arg8[%dma_start3A_60, %dma_start3A_61] : memref<16x128xi32, #tpu.memory_space<vmem>> -> memref<1x128xi32, #tpu.memory_space<vmem>>
        %dma_start3A_63 = tpu.memref_squeeze %dma_start3A_62 : memref<1x128xi32, #tpu.memory_space<vmem>> -> memref<128xi32, #tpu.memory_space<vmem>>
        %dma_start3A_64 = arith.constant 0 : i32
        %dma_start3A_65 = arith.constant 0 : i32
        %dma_start3A_66 = tpu.memref_slice %arg3[%dma_start3A_64, %dma_start3A_65] : memref<10240x128xf32, #tpu.memory_space<hbm>> -> memref<10240x128xf32, #tpu.memory_space<hbm>>
        tpu.enqueue_indirect_dma source(%dma_start3A_66 : memref<10240x128xf32, #tpu.memory_space<hbm>>) target(%arg11 : memref<128x128xf32, #tpu.memory_space<vmem>>) offsets(%dma_start3A_63 : memref<128xi32, #tpu.memory_space<vmem>>) semaphore(%arg13 : memref<!tpu.dma_semaphore, #tpu.memory_space<semaphore_mem>>)
        %dma_wait3A = arith.constant 14 : i32
        %dma_wait3A_67 = arith.constant 0 : i32
        %dma_wait3A_68 = tpu.memref_slice %arg8[%dma_wait3A, %dma_wait3A_67] : memref<16x128xi32, #tpu.memory_space<vmem>> -> memref<1x128xi32, #tpu.memory_space<vmem>>
        %dma_wait3A_69 = tpu.memref_squeeze %dma_wait3A_68 : memref<1x128xi32, #tpu.memory_space<vmem>> -> memref<128xi32, #tpu.memory_space<vmem>>
        %dma_wait3A_70 = arith.constant 0 : i32
        %dma_wait3A_71 = arith.constant 0 : i32
        %dma_wait3A_72 = tpu.memref_slice %arg3[%dma_wait3A_70, %dma_wait3A_71] : memref<10240x128xf32, #tpu.memory_space<hbm>> -> memref<10240x128xf32, #tpu.memory_space<hbm>>
        tpu.wait_indirect_dma semaphore(%arg12 : memref<!tpu.dma_semaphore, #tpu.memory_space<semaphore_mem>>) src(%dma_wait3A_72 : memref<10240x128xf32, #tpu.memory_space<hbm>>) dst(%arg10 : memref<128x128xf32, #tpu.memory_space<vmem>>)
        %run_scoped3A = arith.constant 14 : i32
        "tpu.region"() ({
          %run_scoped3A_82 = tpu.sem_alloc : memref<!tpu.dma_semaphore, #tpu.memory_space<semaphore_mem>>
          %dma_start3A_83 = arith.constant 0 : i32
          %dma_start3A_84 = tpu.memref_slice %arg9[%run_scoped3A, %dma_start3A_83] : memref<16x128xi32, #tpu.memory_space<vmem>> -> memref<1x128xi32, #tpu.memory_space<vmem>>
          %dma_start3A_85 = tpu.memref_squeeze %dma_start3A_84 : memref<1x128xi32, #tpu.memory_space<vmem>> -> memref<128xi32, #tpu.memory_space<vmem>>
          %dma_start3A_86 = arith.constant 0 : i32
          %dma_start3A_87 = arith.constant 0 : i32
          %dma_start3A_88 = tpu.memref_slice %arg16[%dma_start3A_86, %dma_start3A_87] : memref<10240x128xf32, #tpu.memory_space<vmem_shared>> -> memref<10240x128xf32, #tpu.memory_space<vmem_shared>>
          tpu.enqueue_indirect_dma source(%arg10 : memref<128x128xf32, #tpu.memory_space<vmem>>) target(%dma_start3A_88 : memref<10240x128xf32, #tpu.memory_space<vmem_shared>>) offsets(%dma_start3A_85 : memref<128xi32, #tpu.memory_space<vmem>>) semaphore(%run_scoped3A_82 : memref<!tpu.dma_semaphore, #tpu.memory_space<semaphore_mem>>) {add = true}
          %dma_wait3A_89 = arith.constant 0 : i32
          %dma_wait3A_90 = tpu.memref_slice %arg9[%run_scoped3A, %dma_wait3A_89] : memref<16x128xi32, #tpu.memory_space<vmem>> -> memref<1x128xi32, #tpu.memory_space<vmem>>
          %dma_wait3A_91 = tpu.memref_squeeze %dma_wait3A_90 : memref<1x128xi32, #tpu.memory_space<vmem>> -> memref<128xi32, #tpu.memory_space<vmem>>
          %dma_wait3A_92 = arith.constant 0 : i32
          %dma_wait3A_93 = arith.constant 0 : i32
          %dma_wait3A_94 = tpu.memref_slice %arg16[%dma_wait3A_92, %dma_wait3A_93] : memref<10240x128xf32, #tpu.memory_space<vmem_shared>> -> memref<10240x128xf32, #tpu.memory_space<vmem_shared>>
          tpu.wait_indirect_dma semaphore(%run_scoped3A_82 : memref<!tpu.dma_semaphore, #tpu.memory_space<semaphore_mem>>) src(%arg10 : memref<128x128xf32, #tpu.memory_space<vmem>>) dst(%dma_wait3A_94 : memref<10240x128xf32, #tpu.memory_space<vmem_shared>>)
          tpu.yield
        }) : () -> ()
        %dma_wait3A_73 = arith.constant 15 : i32
        %dma_wait3A_74 = arith.constant 0 : i32
        %dma_wait3A_75 = tpu.memref_slice %arg8[%dma_wait3A_73, %dma_wait3A_74] : memref<16x128xi32, #tpu.memory_space<vmem>> -> memref<1x128xi32, #tpu.memory_space<vmem>>
        %dma_wait3A_76 = tpu.memref_squeeze %dma_wait3A_75 : memref<1x128xi32, #tpu.memory_space<vmem>> -> memref<128xi32, #tpu.memory_space<vmem>>
        %dma_wait3A_77 = arith.constant 0 : i32
        %dma_wait3A_78 = arith.constant 0 : i32
        %dma_wait3A_79 = tpu.memref_slice %arg3[%dma_wait3A_77, %dma_wait3A_78] : memref<10240x128xf32, #tpu.memory_space<hbm>> -> memref<10240x128xf32, #tpu.memory_space<hbm>>
        tpu.wait_indirect_dma semaphore(%arg13 : memref<!tpu.dma_semaphore, #tpu.memory_space<semaphore_mem>>) src(%dma_wait3A_79 : memref<10240x128xf32, #tpu.memory_space<hbm>>) dst(%arg11 : memref<128x128xf32, #tpu.memory_space<vmem>>)
        %run_scoped3A_80 = arith.constant 15 : i32
        "tpu.region"() ({
          %run_scoped3A_82 = tpu.sem_alloc : memref<!tpu.dma_semaphore, #tpu.memory_space<semaphore_mem>>
          %dma_start3A_83 = arith.constant 0 : i32
          %dma_start3A_84 = tpu.memref_slice %arg9[%run_scoped3A_80, %dma_start3A_83] : memref<16x128xi32, #tpu.memory_space<vmem>> -> memref<1x128xi32, #tpu.memory_space<vmem>>
          %dma_start3A_85 = tpu.memref_squeeze %dma_start3A_84 : memref<1x128xi32, #tpu.memory_space<vmem>> -> memref<128xi32, #tpu.memory_space<vmem>>
          %dma_start3A_86 = arith.constant 0 : i32
          %dma_start3A_87 = arith.constant 0 : i32
          %dma_start3A_88 = tpu.memref_slice %arg16[%dma_start3A_86, %dma_start3A_87] : memref<10240x128xf32, #tpu.memory_space<vmem_shared>> -> memref<10240x128xf32, #tpu.memory_space<vmem_shared>>
          tpu.enqueue_indirect_dma source(%arg11 : memref<128x128xf32, #tpu.memory_space<vmem>>) target(%dma_start3A_88 : memref<10240x128xf32, #tpu.memory_space<vmem_shared>>) offsets(%dma_start3A_85 : memref<128xi32, #tpu.memory_space<vmem>>) semaphore(%run_scoped3A_82 : memref<!tpu.dma_semaphore, #tpu.memory_space<semaphore_mem>>) {add = true}
          %dma_wait3A_89 = arith.constant 0 : i32
          %dma_wait3A_90 = tpu.memref_slice %arg9[%run_scoped3A_80, %dma_wait3A_89] : memref<16x128xi32, #tpu.memory_space<vmem>> -> memref<1x128xi32, #tpu.memory_space<vmem>>
          %dma_wait3A_91 = tpu.memref_squeeze %dma_wait3A_90 : memref<1x128xi32, #tpu.memory_space<vmem>> -> memref<128xi32, #tpu.memory_space<vmem>>
          %dma_wait3A_92 = arith.constant 0 : i32
          %dma_wait3A_93 = arith.constant 0 : i32
          %dma_wait3A_94 = tpu.memref_slice %arg16[%dma_wait3A_92, %dma_wait3A_93] : memref<10240x128xf32, #tpu.memory_space<vmem_shared>> -> memref<10240x128xf32, #tpu.memory_space<vmem_shared>>
          tpu.wait_indirect_dma semaphore(%run_scoped3A_82 : memref<!tpu.dma_semaphore, #tpu.memory_space<semaphore_mem>>) src(%arg11 : memref<128x128xf32, #tpu.memory_space<vmem>>) dst(%dma_wait3A_94 : memref<10240x128xf32, #tpu.memory_space<vmem_shared>>)
          tpu.yield
        }) : () -> ()
        %scan3A_81 = arith.constant 0 : i32
        scf.yield %scan3A_81 : i32
      }
      %scan3A_37 = arith.constant 10 : i32
      %barrier3A_38 = arith.constant 0 : index
      tpu.barrier barrier_id(%barrier3A_38)
      %mul3A_39 = arith.constant 640 : i32
      %mul3A_40 = arith.muli %arg1, %mul3A_39 : i32
      "tpu.region"() ({
        %run_scoped3A = tpu.sem_alloc : memref<!tpu.dma_semaphore, #tpu.memory_space<semaphore_mem>>
        %dma_start3A = arith.constant 0 : i32
        %dma_start3A_41 = tpu.memref_slice %arg7[%mul3A_40, %dma_start3A] : memref<10240x128xf32, #tpu.memory_space<hbm>> -> memref<640x128xf32, #tpu.memory_space<hbm>>
        %dma_start3A_42 = arith.constant 0 : i32
        %dma_start3A_43 = tpu.memref_slice %arg16[%mul3A_40, %dma_start3A_42] : memref<10240x128xf32, #tpu.memory_space<vmem_shared>> -> memref<640x128xf32, #tpu.memory_space<vmem_shared>>
        tpu.enqueue_dma source(%dma_start3A_43 : memref<640x128xf32, #tpu.memory_space<vmem_shared>>) target(%dma_start3A_41 : memref<640x128xf32, #tpu.memory_space<hbm>>) target_semaphore(%run_scoped3A : memref<!tpu.dma_semaphore, #tpu.memory_space<semaphore_mem>>)
        %dma_wait3A = arith.constant 0 : i32
        %dma_wait3A_44 = tpu.memref_slice %arg7[%mul3A_40, %dma_wait3A] : memref<10240x128xf32, #tpu.memory_space<hbm>> -> memref<640x128xf32, #tpu.memory_space<hbm>>
        %dma_wait3A_45 = arith.constant 0 : i32
        %dma_wait3A_46 = tpu.memref_slice %arg16[%mul3A_40, %dma_wait3A_45] : memref<10240x128xf32, #tpu.memory_space<vmem_shared>> -> memref<640x128xf32, #tpu.memory_space<vmem_shared>>
        tpu.wait_dma2 semaphore(%run_scoped3A : memref<!tpu.dma_semaphore, #tpu.memory_space<semaphore_mem>>) src(%dma_wait3A_46 : memref<640x128xf32, #tpu.memory_space<vmem_shared>>) dst(%dma_wait3A_44 : memref<640x128xf32, #tpu.memory_space<hbm>>)
        tpu.yield
      }) : () -> ()
    } else {
    }
    return
  }
}

module attributes {stable_mosaic.version = 14 : i64} {
  func.func @body(%arg0: i32, %arg1: memref<512x128xf32, #tpu.memory_space<vmem>>, %arg2: memref<512x1xf32, #tpu.memory_space<vmem>>, %arg3: memref<512x1xf32, #tpu.memory_space<vmem>>, %arg4: memref<512x128xf32, #tpu.memory_space<vmem>>, %arg5: memref<512x128xf32, #tpu.memory_space<vmem>>) attributes {dimension_semantics = [#tpu.dimension_semantics<arbitrary>], iteration_bounds = array<i64: 20>, scalar_prefetch = 0 : i64, scratch_operands = 0 : i64, tpu.core_type = #tpu.core_type<tc>, window_params = [{transform_indices = @transform_0, window_bounds = array<i64: 512, 128>}, {transform_indices = @transform_1, window_bounds = array<i64: 512, 1>}, {transform_indices = @transform_2, window_bounds = array<i64: 512, 1>}, {transform_indices = @transform_3, window_bounds = array<i64: 512, 128>}, {transform_indices = @transform_4, window_bounds = array<i64: 512, 128>}]} {
    %get3A = arith.constant 0 : index
    %get3A_0 = arith.constant 0 : index
    %get3A_1 = vector.load %arg2[%get3A, %get3A_0] : memref<512x1xf32, #tpu.memory_space<vmem>>, vector<512x1xf32>
    %max3A = arith.constant 1.000000e+00 : f32
    %max3A_2 = vector.broadcast %max3A : f32 to vector<512x1xf32>
    %max3A_3 = arith.maximumf %get3A_1, %max3A_2 : vector<512x1xf32>
    %rsqrt3A = math.rsqrt %max3A_3 : vector<512x1xf32>
    %get3A_4 = arith.constant 0 : index
    %get3A_5 = arith.constant 0 : index
    %get3A_6 = vector.load %arg3[%get3A_4, %get3A_5] : memref<512x1xf32, #tpu.memory_space<vmem>>, vector<512x1xf32>
    %max3A_7 = arith.constant 1.000000e+00 : f32
    %max3A_8 = vector.broadcast %max3A_7 : f32 to vector<512x1xf32>
    %max3A_9 = arith.maximumf %get3A_6, %max3A_8 : vector<512x1xf32>
    %rsqrt3A_10 = math.rsqrt %max3A_9 : vector<512x1xf32>
    %get3A_11 = arith.constant 0 : index
    %get3A_12 = arith.constant 0 : index
    %get3A_13 = vector.load %arg1[%get3A_11, %get3A_12] : memref<512x128xf32, #tpu.memory_space<vmem>>, vector<512x128xf32>
    %mul3A = vector.broadcast %rsqrt3A : vector<512x1xf32> to vector<512x128xf32>
    %mul3A_14 = arith.mulf %get3A_13, %mul3A : vector<512x128xf32>
    %swap3A = arith.constant 0 : index
    %swap3A_15 = arith.constant 0 : index
    %swap3A_16 = vector.load %arg4[%swap3A, %swap3A_15] : memref<512x128xf32, #tpu.memory_space<vmem>>, vector<512x128xf32>
    tpu.vector_store %arg4[%swap3A, %swap3A_15], %mul3A_14 {strides = array<i32>} : memref<512x128xf32, #tpu.memory_space<vmem>>, vector<512x128xf32>,
    %mul3A_17 = vector.broadcast %rsqrt3A_10 : vector<512x1xf32> to vector<512x128xf32>
    %mul3A_18 = arith.mulf %get3A_13, %mul3A_17 : vector<512x128xf32>
    %swap3A_19 = arith.constant 0 : index
    %swap3A_20 = arith.constant 0 : index
    %swap3A_21 = vector.load %arg5[%swap3A_19, %swap3A_20] : memref<512x128xf32, #tpu.memory_space<vmem>>, vector<512x128xf32>
    tpu.vector_store %arg5[%swap3A_19, %swap3A_20], %mul3A_18 {strides = array<i32>} : memref<512x128xf32, #tpu.memory_space<vmem>>, vector<512x128xf32>,
    return
  }
  func.func @transform_0(%arg0: i32) -> (i32, i32) {
    %c0_i32 = arith.constant 0 : i32
    %c0_i32_0 = arith.constant 0 : i32
    return %arg0, %c0_i32 : i32, i32
  }
  func.func @transform_1(%arg0: i32) -> (i32, i32) {
    %c0_i32 = arith.constant 0 : i32
    %c0_i32_0 = arith.constant 0 : i32
    return %arg0, %c0_i32 : i32, i32
  }
  func.func @transform_2(%arg0: i32) -> (i32, i32) {
    %c0_i32 = arith.constant 0 : i32
    %c0_i32_0 = arith.constant 0 : i32
    return %arg0, %c0_i32 : i32, i32
  }
  func.func @transform_3(%arg0: i32) -> (i32, i32) {
    %c0_i32 = arith.constant 0 : i32
    %c0_i32_0 = arith.constant 0 : i32
    return %arg0, %c0_i32 : i32, i32
  }
  func.func @transform_4(%arg0: i32) -> (i32, i32) {
    %c0_i32 = arith.constant 0 : i32
    %c0_i32_0 = arith.constant 0 : i32
    return %arg0, %c0_i32 : i32, i32
  }
}

module attributes {stable_mosaic.version = 14 : i64} {
  func.func @body(%arg0: i32, %arg1: memref<512x128xf32, #tpu.memory_space<vmem>>, %arg2: memref<512x128xf32, #tpu.memory_space<vmem>>, %arg3: memref<512x1xf32, #tpu.memory_space<vmem>>, %arg4: memref<512x1xf32, #tpu.memory_space<vmem>>, %arg5: memref<512x128xf32, #tpu.memory_space<vmem>>, %arg6: memref<512x128xf32, #tpu.memory_space<vmem>>) attributes {dimension_semantics = [#tpu.dimension_semantics<arbitrary>], iteration_bounds = array<i64: 20>, scalar_prefetch = 0 : i64, scratch_operands = 0 : i64, tpu.core_type = #tpu.core_type<tc>, window_params = [{transform_indices = @transform_0, window_bounds = array<i64: 512, 128>}, {transform_indices = @transform_1, window_bounds = array<i64: 512, 128>}, {transform_indices = @transform_2, window_bounds = array<i64: 512, 1>}, {transform_indices = @transform_3, window_bounds = array<i64: 512, 1>}, {transform_indices = @transform_4, window_bounds = array<i64: 512, 128>}, {transform_indices = @transform_5, window_bounds = array<i64: 512, 128>}]} {
    %get3A = arith.constant 0 : index
    %get3A_0 = arith.constant 0 : index
    %get3A_1 = vector.load %arg3[%get3A, %get3A_0] : memref<512x1xf32, #tpu.memory_space<vmem>>, vector<512x1xf32>
    %max3A = arith.constant 1.000000e+00 : f32
    %max3A_2 = vector.broadcast %max3A : f32 to vector<512x1xf32>
    %max3A_3 = arith.maximumf %get3A_1, %max3A_2 : vector<512x1xf32>
    %rsqrt3A = math.rsqrt %max3A_3 : vector<512x1xf32>
    %get3A_4 = arith.constant 0 : index
    %get3A_5 = arith.constant 0 : index
    %get3A_6 = vector.load %arg4[%get3A_4, %get3A_5] : memref<512x1xf32, #tpu.memory_space<vmem>>, vector<512x1xf32>
    %max3A_7 = arith.constant 1.000000e+00 : f32
    %max3A_8 = vector.broadcast %max3A_7 : f32 to vector<512x1xf32>
    %max3A_9 = arith.maximumf %get3A_6, %max3A_8 : vector<512x1xf32>
    %rsqrt3A_10 = math.rsqrt %max3A_9 : vector<512x1xf32>
    %mul3A = arith.mulf %rsqrt3A, %rsqrt3A_10 : vector<512x1xf32>
    %get3A_11 = arith.constant 0 : index
    %get3A_12 = arith.constant 0 : index
    %get3A_13 = vector.load %arg1[%get3A_11, %get3A_12] : memref<512x128xf32, #tpu.memory_space<vmem>>, vector<512x128xf32>
    %mul3A_14 = vector.broadcast %mul3A : vector<512x1xf32> to vector<512x128xf32>
    %mul3A_15 = arith.mulf %get3A_13, %mul3A_14 : vector<512x128xf32>
    %swap3A = arith.constant 0 : index
    %swap3A_16 = arith.constant 0 : index
    %swap3A_17 = vector.load %arg5[%swap3A, %swap3A_16] : memref<512x128xf32, #tpu.memory_space<vmem>>, vector<512x128xf32>
    tpu.vector_store %arg5[%swap3A, %swap3A_16], %mul3A_15 {strides = array<i32>} : memref<512x128xf32, #tpu.memory_space<vmem>>, vector<512x128xf32>,
    %get3A_18 = arith.constant 0 : index
    %get3A_19 = arith.constant 0 : index
    %get3A_20 = vector.load %arg2[%get3A_18, %get3A_19] : memref<512x128xf32, #tpu.memory_space<vmem>>, vector<512x128xf32>
    %mul3A_21 = vector.broadcast %mul3A : vector<512x1xf32> to vector<512x128xf32>
    %mul3A_22 = arith.mulf %get3A_20, %mul3A_21 : vector<512x128xf32>
    %swap3A_23 = arith.constant 0 : index
    %swap3A_24 = arith.constant 0 : index
    %swap3A_25 = vector.load %arg6[%swap3A_23, %swap3A_24] : memref<512x128xf32, #tpu.memory_space<vmem>>, vector<512x128xf32>
    tpu.vector_store %arg6[%swap3A_23, %swap3A_24], %mul3A_22 {strides = array<i32>} : memref<512x128xf32, #tpu.memory_space<vmem>>, vector<512x128xf32>,
    return
  }
  func.func @transform_0(%arg0: i32) -> (i32, i32) {
    %c0_i32 = arith.constant 0 : i32
    %c0_i32_0 = arith.constant 0 : i32
    return %arg0, %c0_i32 : i32, i32
  }
  func.func @transform_1(%arg0: i32) -> (i32, i32) {
    %c0_i32 = arith.constant 0 : i32
    %c0_i32_0 = arith.constant 0 : i32
    return %arg0, %c0_i32 : i32, i32
  }
  func.func @transform_2(%arg0: i32) -> (i32, i32) {
    %c0_i32 = arith.constant 0 : i32
    %c0_i32_0 = arith.constant 0 : i32
    return %arg0, %c0_i32 : i32, i32
  }
  func.func @transform_3(%arg0: i32) -> (i32, i32) {
    %c0_i32 = arith.constant 0 : i32
    %c0_i32_0 = arith.constant 0 : i32
    return %arg0, %c0_i32 : i32, i32
  }
  func.func @transform_4(%arg0: i32) -> (i32, i32) {
    %c0_i32 = arith.constant 0 : i32
    %c0_i32_0 = arith.constant 0 : i32
    return %arg0, %c0_i32 : i32, i32
  }
  func.func @transform_5(%arg0: i32) -> (i32, i32) {
    %c0_i32 = arith.constant 0 : i32
    %c0_i32_0 = arith.constant 0 : i32
    return %arg0, %c0_i32 : i32, i32
  }
}

module attributes {stable_mosaic.version = 14 : i64} {
  func.func @body(%arg0: i32, %arg1: memref<512x128xf32, #tpu.memory_space<vmem>>, %arg2: memref<512x128xf32, #tpu.memory_space<vmem>>, %arg3: memref<512x128xf32, #tpu.memory_space<vmem>>, %arg4: memref<512x128xf32, #tpu.memory_space<vmem>>, %arg5: memref<512x128xf32, #tpu.memory_space<vmem>>, %arg6: memref<512x1xf32, #tpu.memory_space<vmem>>, %arg7: memref<512x1xf32, #tpu.memory_space<vmem>>, %arg8: memref<768x128xf32, #tpu.memory_space<vmem>>, %arg9: memref<1x128xf32, #tpu.memory_space<vmem>>, %arg10: memref<512x128xf32, #tpu.memory_space<vmem>>) attributes {dimension_semantics = [#tpu.dimension_semantics<arbitrary>], iteration_bounds = array<i64: 20>, scalar_prefetch = 0 : i64, scratch_operands = 0 : i64, tpu.core_type = #tpu.core_type<tc>, window_params = [{transform_indices = @transform_0, window_bounds = array<i64: 512, 128>}, {transform_indices = @transform_1, window_bounds = array<i64: 512, 128>}, {transform_indices = @transform_2, window_bounds = array<i64: 512, 128>}, {transform_indices = @transform_3, window_bounds = array<i64: 512, 128>}, {transform_indices = @transform_4, window_bounds = array<i64: 512, 128>}, {transform_indices = @transform_5, window_bounds = array<i64: 512, 1>}, {transform_indices = @transform_6, window_bounds = array<i64: 512, 1>}, {pipeline_mode = #tpu.pipeline_mode<synchronous>, transform_indices = @transform_7, window_bounds = array<i64: 768, 128>}, {pipeline_mode = #tpu.pipeline_mode<synchronous>, transform_indices = @transform_8, window_bounds = array<i64: 1, 128>}, {transform_indices = @transform_9, window_bounds = array<i64: 512, 128>}]} {
    %get3A = arith.constant 0 : index
    %get3A_0 = arith.constant 0 : index
    %get3A_1 = vector.load %arg6[%get3A, %get3A_0] : memref<512x1xf32, #tpu.memory_space<vmem>>, vector<512x1xf32>
    %max3A = arith.constant 1.000000e+00 : f32
    %max3A_2 = vector.broadcast %max3A : f32 to vector<512x1xf32>
    %max3A_3 = arith.maximumf %get3A_1, %max3A_2 : vector<512x1xf32>
    %rsqrt3A = math.rsqrt %max3A_3 : vector<512x1xf32>
    %get3A_4 = arith.constant 0 : index
    %get3A_5 = arith.constant 0 : index
    %get3A_6 = vector.load %arg7[%get3A_4, %get3A_5] : memref<512x1xf32, #tpu.memory_space<vmem>>, vector<512x1xf32>
    %max3A_7 = arith.constant 1.000000e+00 : f32
    %max3A_8 = vector.broadcast %max3A_7 : f32 to vector<512x1xf32>
    %max3A_9 = arith.maximumf %get3A_6, %max3A_8 : vector<512x1xf32>
    %rsqrt3A_10 = math.rsqrt %max3A_9 : vector<512x1xf32>
    %get3A_11 = arith.constant 0 : index
    %get3A_12 = arith.constant 0 : index
    %get3A_13 = vector.load %arg8[%get3A_11, %get3A_12] : memref<768x128xf32, #tpu.memory_space<vmem>>, vector<768x128xf32>
    %get3A_14 = arith.constant 0 : index
    %get3A_15 = arith.constant 0 : index
    %get3A_16 = vector.load %arg1[%get3A_14, %get3A_15] : memref<512x128xf32, #tpu.memory_space<vmem>>, vector<512x128xf32>
    %slice3A = vector.extract_strided_slice %get3A_13 {offsets = [0, 0], sizes = [128, 128], strides = [1, 1]} : vector<768x128xf32> to vector<128x128xf32>
    %slice3A_17 = vector.extract_strided_slice %get3A_13 {offsets = [384, 0], sizes = [128, 128], strides = [1, 1]} : vector<768x128xf32> to vector<128x128xf32>
    %add3A = arith.addf %slice3A, %slice3A_17 : vector<128x128xf32>
    %dot_general3A = arith.constant dense<0.000000e+00> : vector<512x128xf32>
    %dot_general3A_18 = tpu.matmul %get3A_16, %add3A, %dot_general3A {dimension_numbers = #tpu.dot_dimension_numbers<[1], [0], [0], [1], [0, 0, 1, 1], [], []>, precision = #tpu.contract_precision<fp32>, transpose_lhs_hint = false} : vector<512x128xf32>, vector<128x128xf32>, vector<512x128xf32> -> vector<512x128xf32>
    %get3A_19 = arith.constant 0 : index
    %get3A_20 = arith.constant 0 : index
    %get3A_21 = vector.load %arg2[%get3A_19, %get3A_20] : memref<512x128xf32, #tpu.memory_space<vmem>>, vector<512x128xf32>
    %mul3A = vector.broadcast %rsqrt3A_10 : vector<512x1xf32> to vector<512x128xf32>
    %mul3A_22 = arith.mulf %get3A_21, %mul3A : vector<512x128xf32>
    %slice3A_23 = vector.extract_strided_slice %get3A_13 {offsets = [128, 0], sizes = [128, 128], strides = [1, 1]} : vector<768x128xf32> to vector<128x128xf32>
    %dot_general3A_24 = arith.constant dense<0.000000e+00> : vector<512x128xf32>
    %dot_general3A_25 = tpu.matmul %mul3A_22, %slice3A_23, %dot_general3A_24 {dimension_numbers = #tpu.dot_dimension_numbers<[1], [0], [0], [1], [0, 0, 1, 1], [], []>, precision = #tpu.contract_precision<fp32>, transpose_lhs_hint = false} : vector<512x128xf32>, vector<128x128xf32>, vector<512x128xf32> -> vector<512x128xf32>
    %add3A_26 = arith.addf %dot_general3A_18, %dot_general3A_25 : vector<512x128xf32>
    %get3A_27 = arith.constant 0 : index
    %get3A_28 = arith.constant 0 : index
    %get3A_29 = vector.load %arg3[%get3A_27, %get3A_28] : memref<512x128xf32, #tpu.memory_space<vmem>>, vector<512x128xf32>
    %mul3A_30 = vector.broadcast %rsqrt3A_10 : vector<512x1xf32> to vector<512x128xf32>
    %mul3A_31 = arith.mulf %get3A_29, %mul3A_30 : vector<512x128xf32>
    %slice3A_32 = vector.extract_strided_slice %get3A_13 {offsets = [256, 0], sizes = [128, 128], strides = [1, 1]} : vector<768x128xf32> to vector<128x128xf32>
    %dot_general3A_33 = arith.constant dense<0.000000e+00> : vector<512x128xf32>
    %dot_general3A_34 = tpu.matmul %mul3A_31, %slice3A_32, %dot_general3A_33 {dimension_numbers = #tpu.dot_dimension_numbers<[1], [0], [0], [1], [0, 0, 1, 1], [], []>, precision = #tpu.contract_precision<fp32>, transpose_lhs_hint = false} : vector<512x128xf32>, vector<128x128xf32>, vector<512x128xf32> -> vector<512x128xf32>
    %add3A_35 = arith.addf %add3A_26, %dot_general3A_34 : vector<512x128xf32>
    %get3A_36 = arith.constant 0 : index
    %get3A_37 = arith.constant 0 : index
    %get3A_38 = vector.load %arg4[%get3A_36, %get3A_37] : memref<512x128xf32, #tpu.memory_space<vmem>>, vector<512x128xf32>
    %mul3A_39 = vector.broadcast %rsqrt3A : vector<512x1xf32> to vector<512x128xf32>
    %mul3A_40 = arith.mulf %get3A_38, %mul3A_39 : vector<512x128xf32>
    %slice3A_41 = vector.extract_strided_slice %get3A_13 {offsets = [512, 0], sizes = [128, 128], strides = [1, 1]} : vector<768x128xf32> to vector<128x128xf32>
    %dot_general3A_42 = arith.constant dense<0.000000e+00> : vector<512x128xf32>
    %dot_general3A_43 = tpu.matmul %mul3A_40, %slice3A_41, %dot_general3A_42 {dimension_numbers = #tpu.dot_dimension_numbers<[1], [0], [0], [1], [0, 0, 1, 1], [], []>, precision = #tpu.contract_precision<fp32>, transpose_lhs_hint = false} : vector<512x128xf32>, vector<128x128xf32>, vector<512x128xf32> -> vector<512x128xf32>
    %add3A_44 = arith.addf %add3A_35, %dot_general3A_43 : vector<512x128xf32>
    %get3A_45 = arith.constant 0 : index
    %get3A_46 = arith.constant 0 : index
    %get3A_47 = vector.load %arg5[%get3A_45, %get3A_46] : memref<512x128xf32, #tpu.memory_space<vmem>>, vector<512x128xf32>
    %mul3A_48 = vector.broadcast %rsqrt3A : vector<512x1xf32> to vector<512x128xf32>
    %mul3A_49 = arith.mulf %get3A_47, %mul3A_48 : vector<512x128xf32>
    %slice3A_50 = vector.extract_strided_slice %get3A_13 {offsets = [640, 0], sizes = [128, 128], strides = [1, 1]} : vector<768x128xf32> to vector<128x128xf32>
    %dot_general3A_51 = arith.constant dense<0.000000e+00> : vector<512x128xf32>
    %dot_general3A_52 = tpu.matmul %mul3A_49, %slice3A_50, %dot_general3A_51 {dimension_numbers = #tpu.dot_dimension_numbers<[1], [0], [0], [1], [0, 0, 1, 1], [], []>, precision = #tpu.contract_precision<fp32>, transpose_lhs_hint = false} : vector<512x128xf32>, vector<128x128xf32>, vector<512x128xf32> -> vector<512x128xf32>
    %add3A_53 = arith.addf %add3A_44, %dot_general3A_52 : vector<512x128xf32>
    %get3A_54 = arith.constant 0 : index
    %get3A_55 = arith.constant 0 : index
    %get3A_56 = vector.load %arg9[%get3A_54, %get3A_55] : memref<1x128xf32, #tpu.memory_space<vmem>>, vector<1x128xf32>
    %add3A_57 = vector.broadcast %get3A_56 : vector<1x128xf32> to vector<512x128xf32>
    %add3A_58 = arith.addf %add3A_53, %add3A_57 : vector<512x128xf32>
    %swap3A = arith.constant 0 : index
    %swap3A_59 = arith.constant 0 : index
    %swap3A_60 = vector.load %arg10[%swap3A, %swap3A_59] : memref<512x128xf32, #tpu.memory_space<vmem>>, vector<512x128xf32>
    tpu.vector_store %arg10[%swap3A, %swap3A_59], %add3A_58 {strides = array<i32>} : memref<512x128xf32, #tpu.memory_space<vmem>>, vector<512x128xf32>,
    return
  }
  func.func @transform_0(%arg0: i32) -> (i32, i32) {
    %c0_i32 = arith.constant 0 : i32
    %c0_i32_0 = arith.constant 0 : i32
    return %arg0, %c0_i32 : i32, i32
  }
  func.func @transform_1(%arg0: i32) -> (i32, i32) {
    %c0_i32 = arith.constant 0 : i32
    %c0_i32_0 = arith.constant 0 : i32
    return %arg0, %c0_i32 : i32, i32
  }
  func.func @transform_2(%arg0: i32) -> (i32, i32) {
    %c0_i32 = arith.constant 0 : i32
    %c0_i32_0 = arith.constant 0 : i32
    return %arg0, %c0_i32 : i32, i32
  }
  func.func @transform_3(%arg0: i32) -> (i32, i32) {
    %c0_i32 = arith.constant 0 : i32
    %c0_i32_0 = arith.constant 0 : i32
    return %arg0, %c0_i32 : i32, i32
  }
  func.func @transform_4(%arg0: i32) -> (i32, i32) {
    %c0_i32 = arith.constant 0 : i32
    %c0_i32_0 = arith.constant 0 : i32
    return %arg0, %c0_i32 : i32, i32
  }
  func.func @transform_5(%arg0: i32) -> (i32, i32) {
    %c0_i32 = arith.constant 0 : i32
    %c0_i32_0 = arith.constant 0 : i32
    return %arg0, %c0_i32 : i32, i32
  }
  func.func @transform_6(%arg0: i32) -> (i32, i32) {
    %c0_i32 = arith.constant 0 : i32
    %c0_i32_0 = arith.constant 0 : i32
    return %arg0, %c0_i32 : i32, i32
  }
  func.func @transform_7(%arg0: i32) -> (i32, i32) {
    %c0_i32 = arith.constant 0 : i32
    %c0_i32_0 = arith.constant 0 : i32
    %c0_i32_1 = arith.constant 0 : i32
    return %c0_i32, %c0_i32_0 : i32, i32
  }
  func.func @transform_8(%arg0: i32) -> (i32, i32) {
    %c0_i32 = arith.constant 0 : i32
    %c0_i32_0 = arith.constant 0 : i32
    %c0_i32_1 = arith.constant 0 : i32
    return %c0_i32, %c0_i32_0 : i32, i32
  }
  func.func @transform_9(%arg0: i32) -> (i32, i32) {
    %c0_i32 = arith.constant 0 : i32
    %c0_i32_0 = arith.constant 0 : i32
    return %arg0, %c0_i32 : i32, i32
  }
}

</mosaic_0001>

<sc_bundles>
// kernel: kernel.11.cloned.1.call-start
scs
__scs_entry_jumppad:
0x0: {  	(pc) =	sbr.rel $0x88, $3  }
0x1: {  	(tag) =	ssettag $0x0;
	lr =	simm.s32 $0x1  }
0x2: {  	[smem:$0x3F9D] =	sst lr;
	_ =	strace $0xD0000000  }
0x3: {  	_ = 	snop  }
0x4: {  	_ = 	snop  }
0x5: {  	_ = 	snop  }
0x6: {  	_ = 	snop  }
0x7: {  	_ = 	snop  }
__scs_overlays_trampoline_lowered:
0x8: {  	[smem:$0x3FAC] =	sst s0  }
0x9: {  	[smem:$0x3FAD] =	sst s1  }
0xa: {  	[smem:$0x3FAE] =	sst s2  }
0xb: {  	[smem:$0x3FAF] =	sst s3  }
0xc: {  	[smem:$0x3FB0] =	sst s4  }
0xd: {  	[smem:$0x3FB1] =	sst s5  }
0xe: {  	[smem:$0x3FB2] =	sst s6  }
0xf: {  	[smem:$0x3FB3] =	sst s7  }
0x10: {  	[smem:$0x3FB4] =	sst s8  }
0x11: {  	[smem:$0x3FB5] =	sst s9;
	s0 =	simm.s32 @!p0 $0x0  }
0x12: {  	s1 =	sld [smem:$0x3F9B];
	s0 =	simm.s32 @p0 $0x1  }
0x13: {  	[smem:$0x3FB6] =	sst s0;
	s0 =	simm.s32 @!p1 $0x0  }
0x14: {  	s2 =	sld [smem:$0x3F9A];
	s0 =	simm.s32 @p1 $0x1  }
0x15: {  	[smem:$0x3FB7] =	sst s0;
	s0 =	simm.s32 @!p2 $0x0  }
0x16: {  	s3 =	sld [smem:$0x3FDB];
	s0 =	simm.s32 @p2 $0x1  }
0x17: {  	s4 =	simm.s32 $0x1BF5;
	[smem:$0x3FB9] =	sst s0  }
0x18: {  	s0 =	sld [smem:$0x3F9C];
	_ =	swait.ge [sflag:s4], $0x0  }
0x19: {  	s7 =	sld [smem:$0x3F9D]  }
0x1a: {  	s8 =	sadd.s32 $0xFFFFE003, lr  }
0x1b: {  	s9 =	sadd.s32 $0xFFFFFEF7, lr;
	s5 =	simm.s32 $0xFFFFFFFF;
	p2 =	slt.u32 s8, $0xFFFFF086  }
0x1c: {  	p1 =	slt.u32 s9, $0xF7A;
	s5 =	simm.s32 @!p2 $0x0  }
0x1d: {  	s5 =	simm.s32 @p1 $0x1;
	p0 =	seq.s32 s7, s2  }
0x1e: {  	s7 =	smul.u32 @!p0 $0xF7A, s2;
	p2 =	seq.s32 @!p0 s5, $0x0  }
0x1f: {  	s9 =	smul.u32 $0xF7A, s1;
	s8 =	simm.s32 @!p0 $0x1BF5;
	p2 =	por !p2, p0  }
0x20: {  	[sflag:s8] =	ssyncset.s32 @!p0 $0xFFFFF086;
	s6 =	sadd.s32 @!p0 s3, s7;
	s7 =	simm.s32 @!p0 $0x108  }
0x21: {  	s3 =	sadd.s32 s3, s9;
	s6 =	sadd.s32 @!p0 $0x88, s6;
	s7 =	simm.s32 @p2 $0x1082  }
0x22: {  	[simem:s7], [sflag:s8] =	dma.local @!p0 [hbm:s6], $0xF7A  }
0x23: {  	s9 =	sor.u32 $0xD0000000, s2;
	s6 =	simm.s32 $0x108;
	_ =	swait.ge @!p0 [sflag:s8], $0x0  }
0x24: {  	s3 =	sadd.s32 $0x88, s3;
	s6 =	simm.s32 @!p1 $0x1082;
	[sflag:s4] =	ssyncset.s32 $0xFFFFF086  }
0x25: {  	[simem:s6], [sflag:s4] =	dma.local [hbm:s3], $0xF7A  }
0x26: {  	[smem:$0x3F9D] =	sst s1;
	(tag) =	ssettag s2;
	_ =	strace s9  }
0x27: {  	s1 =	sld [smem:$0x3FAD]  }
0x28: {  	s2 =	sld [smem:$0x3FAE]  }
0x29: {  	s4 =	sld [smem:$0x3FB0]  }
0x2a: {  	p0 =	seq.s32 s5, $0x0;
	s5 =	sld [smem:$0x3FB1]  }
0x2b: {  	s6 =	sld [smem:$0x3FB2]  }
0x2c: {  	s7 =	sld [smem:$0x3FB3]  }
0x2d: {  	s3 =	simm.s32 $0x108;
	s8 =	sld [smem:$0x3FB4]  }
0x2e: {  	s3 =	simm.s32 @!p0 $0x1082;
	s9 =	sld [smem:$0x3FB5]  }
0x2f: {  	lr =	sadd.s32 s0, s3;
	s0 =	sld [smem:$0x3FAC]  }
0x30: {  	s3 =	sld [smem:$0x3FAF]  }
0x31: {  	[smem:$0x3FB8] =	sst s10  }
0x32: {  	s10 =	sld [smem:$0x3FB6];
	_ =	sdelay $0x3  }
0x33: {  	p0 =	seq.s32 s10, $0x1;
	s10 =	sld [smem:$0x3FB8];
	_ =	sdelay $0x3  }
0x34: {  	[smem:$0x3FB8] =	sst s10  }
0x35: {  	s10 =	sld [smem:$0x3FB7];
	_ =	sdelay $0x3  }
0x36: {  	p1 =	seq.s32 s10, $0x1;
	s10 =	sld [smem:$0x3FB8];
	_ =	sdelay $0x3  }
0x37: {  	[smem:$0x3FB8] =	sst s10  }
0x38: {  	s10 =	sld [smem:$0x3FB9]  }
0x39: {  	_ = 	snop;
	(pc) =	sbr.ind lr, $3  }
0x3a: {  	_ = 	snop  }
0x3b: {  	_ = 	snop  }
0x3c: {  	p2 =	seq.s32 s10, $0x1;
	s10 =	sld [smem:$0x3FB8]  }
0x3d: {  	_ =	shalt  }
0x3e: {  	_ =	shalt  }
0x3f: {  	_ =	shalt  }
0x40: {  	_ =	shalt  }
0x41: {  	_ =	shalt  }
0x42: {  	_ =	shalt  }
0x43: {  	_ =	shalt  }
0x44: {  	_ =	shalt  }
0x45: {  	_ =	shalt  }
0x46: {  	_ =	shalt  }
0x47: {  	_ =	shalt  }
0x48: {  	_ =	shalt  }
0x49: {  	_ =	shalt  }
0x4a: {  	_ =	shalt  }
0x4b: {  	_ =	shalt  }
0x4c: {  	_ =	shalt  }
0x4d: {  	_ =	shalt  }
0x4e: {  	_ =	shalt  }
0x4f: {  	_ =	shalt  }
0x50: {  	_ =	shalt  }
0x51: {  	_ =	shalt  }
0x52: {  	_ =	shalt  }
0x53: {  	_ =	shalt  }
0x54: {  	_ =	shalt  }
0x55: {  	_ =	shalt  }
0x56: {  	_ =	shalt  }
0x57: {  	_ =	shalt  }
0x58: {  	_ =	shalt  }
0x59: {  	_ =	shalt  }
0x5a: {  	_ =	shalt  }
0x5b: {  	_ =	shalt  }
0x5c: {  	_ =	shalt  }
0x5d: {  	_ =	shalt  }
0x5e: {  	_ =	shalt  }
0x5f: {  	_ =	shalt  }
0x60: {  	_ =	shalt  }
0x61: {  	_ =	shalt  }
0x62: {  	_ =	shalt  }
0x63: {  	_ =	shalt  }
0x64: {  	_ =	shalt  }
0x65: {  	_ =	shalt  }
0x66: {  	_ =	shalt  }
0x67: {  	_ =	shalt  }
0x68: {  	_ =	shalt  }
0x69: {  	_ =	shalt  }
0x6a: {  	_ =	shalt  }
0x6b: {  	_ =	shalt  }
0x6c: {  	_ =	shalt  }
0x6d: {  	_ =	shalt  }
0x6e: {  	_ =	shalt  }
0x6f: {  	_ =	shalt  }
0x70: {  	_ =	shalt  }
0x71: {  	_ =	shalt  }
0x72: {  	_ =	shalt  }
0x73: {  	_ =	shalt  }
0x74: {  	_ =	shalt  }
0x75: {  	_ =	shalt  }
0x76: {  	_ =	shalt  }
0x77: {  	_ =	shalt  }
0x78: {  	_ =	shalt  }
0x79: {  	_ =	shalt  }
0x7a: {  	_ =	shalt  }
0x7b: {  	_ =	shalt  }
0x7c: {  	_ =	shalt  }
0x7d: {  	_ =	shalt  }
0x7e: {  	_ =	shalt  }
0x7f: {  	_ =	shalt  }
0x80: {  	_ =	shalt  }
0x81: {  	_ =	shalt  }
0x82: {  	_ =	shalt  }
0x83: {  	_ =	shalt  }
0x84: {  	_ =	shalt  }
0x85: {  	_ =	shalt  }
0x86: {  	_ =	shalt  }
0x87: {  	_ =	shalt  }
.Lfunc_end0:
.L_simem_size_0:
called_computation.1_lowered:
.L_overlay_start_0:
0x88: {  	s2 =	sld [smem:$0x3FD9]  }
0x89: {  	s3 =	sld [smem:$0x3FFE];
	_ =	sdelay $0x1  }
0x8a: {  	s1 =	srdreg.scid  }
0x8b: {  	s0 =	sand.u32 $0x1, s1  }
0x8c: {  	s17 =	sshll.u32 s0, $0xA;
	s2 =	sadd.s32 s3, s2  }
0x8d: {  	s2 =	sadd.s32 s2, s17  }
0x8e: {  	[smem:$0x3FC4] =	sst s2  }
0x8f: {  	_ = 	snop  }
0x90: {  	s2 =	sld [smem:$0x3FD0];
	(tm) =	ssettm $0x1  }
0x91: {  	s18 =	sld [smem:$0x3FFB];
	_ =	sdelay $0x3  }
0x92: {  	_ =	strace s18  }
0x93: {  	s3 =	sld [smem:$0x3FFC];
	_ =	sdelay $0x3  }
0x94: {  	_ =	strace s3  }
0x95: {  	s3 =	sld [smem:$0x3FFD];
	_ =	sdelay $0x3  }
0x96: {  	_ =	strace s3  }
0x97: {  	_ =	strace $0x8FFFFFFF  }
0x98: {  	s19 =	sld [smem:$0x3FDB];
	_ =	sdelay $0x1  }
0x99: {  	s4 =	simm.s32 $_scs_section_size  }
0x9a: {  	s5 =	simm.s32 $_size__tile_overlayer_lowered;
	s6 =	simm.s32 $_tile_overlayer_lowered  }
0x9b: {  	s22 =	simm.s32 $0x1BFF;
	s21 =	sshll.u32 s6, $0x1;
	s3 =	sadd.s32 s4, s19  }
0x9c: {  	s7 =	simm.s32 $0x0;
	s20 =	sshll.u32 s5, $0x1;
	s5 =	sadd.s32 s21, s3  }
0x9d: {  	[timem:s7], [sflag:s22] =	dma.local [hbm:s5], s20  }
0x9e: {  	_ =	swait.ge [sflag:s22], s20  }
0x9f: {  	s4 =	ssub.s32 $0x0, s20;
	[sflag:s22] =	ssyncset.done $0x0  }
0xa0: {  	[sflag:s22] =	ssyncadd.s32 s4;
	_ =	sdelay $0x1  }
0xa1: {  	s23 =	simm.s32 $0x1B8B  }
0xa2: {  	_ =	swait.ge [sflag:s23], $0x1  }
0xa3: {  	[sflag:s23] =	ssyncset.done $0x0  }
0xa4: {  	s25 =	simm.s32 $0x1B8E;
	s24 =	sld [smem:$0x3FFE];
	[sflag:s23] =	ssyncadd.s32 $0xFFFFFFFF  }
0xa5: {  	s26 =	simm.s32 $execute0_lowered;
	[smem:$0x3FD2] =	sst s25  }
0xa6: {  	s5 =	sshll.u32 s26, $0x1;
	_ =	strace $0x80000049;
	[dreg:$0x1] =	wrdreg $0xFFFFFFFF  }
0xa7: {  	s28 =	simm.s32 $_size_execute0_lowered;
	s3 =	sadd.s32 s3, s5;
	[dreg:$0x0] =	wrdreg $0x0  }
0xa8: {  	s5 =	sshll.u32 s28, $0x1;
	[dreg:$0x2] =	wrdreg s3  }
0xa9: {  	[dreg:$0x3] =	wrdreg s5  }
0xaa: {  	[dreg:$0x4] =	wrdreg $0xC0  }
0xab: {  	_ =	task [dreg:s7], $0x5FFFF  }
0xac: {  	[dreg:$0x1] =	wrdreg $0xFFFFFFFF  }
0xad: {  	[dreg:$0x0] =	wrdreg $0x60  }
0xae: {  	[dreg:$0x2] =	wrdreg s24  }
0xaf: {  	[dreg:$0x3] =	wrdreg s2  }
0xb0: {  	[dreg:$0x4] =	wrdreg $0x90000  }
0xb1: {  	[dreg:$0x5] =	wrdreg $0x9  }
0xb2: {  	_ =	task.clear_ibuf [dreg:s7], $0x6FFFF;
	_ =	strace $0x90000049  }
0xb3: {  	s29 =	simm.s32 $0x9;
	_ =	strace $0x8000004B  }
0xb4: {  	_ =	swait.ge [sflag:s29], $0x1  }
0xb5: {  	[sflag:s29] =	ssyncadd.s32 $0xFFFFFFFF  }
0xb6: {  	_ =	strace $0x9000004B  }
0xb7: {  	_ =	sfence  }
0xb8: {  	s30 =	sld [smem:$0x0];
	_ =	sdelay $0x2  }
0xb9: {  	s31 =	sshll.u32 s1, $0xD;
	s1 =	sshrl.u32 s1, $0x2  }
0xba: {  	s3 =	sand.u32 $0x4000, s31;
	s1 =	sadd.s32 s1, s30  }
0xbb: {  	s0 =	sor.u32 s3, s0;
	s1 =	sshll.u32 s1, $0x11  }
0xbc: {  	s0 =	sor.u32 s1, s0  }
0xbd: {  	s0 =	sadd.s32 $0x8F2B, s0  }
0xbe: {  	[sflag:s0] =	ssyncadd.remote.s32 $0x1  }
0xbf: {  	_ =	sfence.sel $0xFFFF  }
0xc0: {  	[dreg:$0x0] =	wrdreg $0xFFFFFFFF;
	(pc) =	sbr.abs _section_cstart, $3  }
0xc1: {  	[dreg:$0x1] =	wrdreg $0xFFFFFFFF  }
0xc2: {  	_ =	task.clear_ibuf [dreg:s7], $0x2FFFF;
	_ =	strace $0x9FFFFFFF  }
0xc3: {  	(tm) =	ssettm $0x7FFFFFFF  }
tec
execute0_lowered:
.L_overlay_start_1:
0x0: {  	(tag) =	ssettag $0x1  }
0x1: {  	s0 =	rddreg [dreg:$0x0]  }
0x2: {  	s2 =	rddreg [dreg:$0x1]  }
0x3: {  	s1 =	rddreg [dreg:$0x2];
	s3 =	simm.s32 $0x0;
	s11 =	stileid.u32  }
0x4: {  	s7 =	srdreg.scid;
	s17 =	simm.s32 $0x1000;
	s18 =	simm.s32 $0x3  }
0x5: {  	s19 =	simm.s32 $0x800;
	s13 =	simm.s32 $0x100;
	s14 =	simm.s32 $0x200  }
0x6: {  	s28 =	simm.s32 $0x300;
	s29 =	simm.s32 $0xA80;
	s30 =	simm.s32 $0x380  }
0x7: {  	s31 =	simm.s32 $0x0;
	[smem:$0x7FF] =	sst s3;
	s6 =	smul.u32 $0xA00, s11  }
0x8: {  	s4 =	sadd.s32 $0x5DE00, s0;
	s5 =	sadd.s32 $0x85E00, s0;
	s8 =	smul.u32 $0x50000, s11  }
0x9: {  	s7 =	sand.u32 $0x1, s7;
	s10 =	sadd.s32 $0xADE00, s0;
	s26 =	smul.u32 $0x2800, s11  }
0xa: {  	s11 =	simm.s32 $0x180;
	_ =	strace $0x8000004A;
	[dreg:$0x4] =	wrdreg s10  }
0xb: {  	s20 =	ssub.s32 $0x2, s7;
	p0 =	seq.s32 s7, $0x1;
	s7 =	simm.s32 $0xB80  }
0xc: {  	s9 =	sadd.s32 s6, s0;
	s0 =	sadd.s32 $0xD5E00, s0;
	s21 =	sshrl.u32 s20, $0x1  }
0xd: {  	s8 =	sshrl.u32 s8, $0x2;
	[dreg:$0xb] =	wrdreg s26;
	s16 =	sadd.s32 s6, s2  }
0xe: {  	s26 =	simm.s32 $0xA00;
	s6 =	simm.s32 $0x400;
	s2 =	simm.s32 $0x480  }
0xf: {  	[dreg:$0x5] =	wrdreg s0;
	s0 =	ssub.s32 s20, s21;
	s12 =	sadd.s32 s8, s1  }
0x10: {  	s15 =	sadd.s32 $0x3200, s9;
	s22 =	sadd.s32 $0x4000, s12;
	[dreg:$0x6] =	wrdreg s12  }
0x11: {  	s20 =	simm.s32 $0x80;
	s23 =	sadd.s32 $0x8000, s12;
	[dreg:$0x7] =	wrdreg s22  }
.Ltmp0:
0x12: {  	s24 =	sadd.s32 $0xC000, s12;
	[dreg:$0x8] =	wrdreg s23;
	(pc) =	sbr.rel .LBB2_1-.Ltmp0, $4  }
0x13: {  	s21 =	simm.s32 $0x5000;
	s25 =	sadd.s32 $0x10000, s12;
	[dreg:$0x9] =	wrdreg s24  }
0x14: {  	s8 =	simm.s32 $0x900;
	s0 =	smax.u32 s0, $0x1;
	[dreg:$0xa] =	wrdreg s25  }
0x15: {  	[dreg:$0xc] =	wrdreg s0;
	s22 =	simm.s32 $0x1;
	s24 =	simm.s32 $0x2  }
0x16: {  	v0 =	vimm.f32 $0.0e+00;
	s23 =	simm.s32 $0x980;
	s25 =	simm.s32 $0x280;
	s0 =	simm.s32 $0xB00  }
.LBB2_9:
0x17: {  	s10 =	sadd.s32 s9, s15;
	[sflag:s18] =	ssyncadd.s32 $0xFFFFC000  }
0x18: {  	[tilespmem:s3], [sflag:$0x3] =	stream.linear.gather [hbm4b:s10+s3], $0x800, $0x38;
	[tilespmem:$0x1D000] =	vst v63  }
0x19: {  	_ =	swait.ge [sflag:s18], $0x800  }
0x1a: {  	[sflag:s18] =	ssyncset.done $0x0  }
0x1b: {  	s11 =	sadd.s32 s9, s16;
	[sflag:s18] =	ssyncadd.s32 $0xFFFFF800  }
0x1c: {  	[tilespmem:s19], [sflag:$0x3] =	stream.linear.gather [hbm4b:s11+s3], $0x800, $0x38;
	[tilespmem:$0x1D000] =	vst v63  }
0x1d: {  	_ =	swait.ge [sflag:s18], $0x800  }
0x1e: {  	[sflag:s18] =	ssyncset.done $0x0  }
0x1f: {  	[sflag:s18] =	ssyncadd.s32 $0xFFFFF800  }
0x20: {  	[tilespmem:s17], [sflag:$0x1] =	stream.indirect.gather [hbm4b:s5+s20], $0x80, s3, s20, $0xb8;
	[tilespmem:$0x1D000] =	vst v63  }
0x21: {  	_ = 	snop  }
0x22: {  	[tilespmem:s21], [sflag:$0x2] =	stream.indirect.gather [hbm4b:s5+s20], $0x80, s20, s20, $0xb8;
	[tilespmem:$0x1D000] =	vst v63  }
0x23: {  	_ =	swait.ge [sflag:s22], $0x4000  }
0x24: {  	[sflag:s22] =	ssyncset.done $0x0  }
0x25: {  	[sflag:s22] =	ssyncadd.s32 $0xFFFFC000  }
0x26: {  	[spmem:s1] =	stream.indirect.scatter.add.f32 [tilespmem:s17], [sflag:$0x3], $0x80, s19, s20, $0xb8;
	[tilespmem:$0x1D000] =	vst v63  }
0x27: {  	_ =	swait.ge [sflag:s18], $0x4000  }
0x28: {  	[sflag:s18] =	ssyncset.done $0x0  }
0x29: {  	[sflag:s18] =	ssyncadd.s32 $0xFFFFC000  }
0x2a: {  	[tilespmem:s17], [sflag:$0x1] =	stream.indirect.gather [hbm4b:s5+s20], $0x80, s13, s20, $0xb8;
	[tilespmem:$0x1D000] =	vst v63  }
0x2b: {  	_ =	swait.ge [sflag:s24], $0x4000  }
0x2c: {  	[sflag:s24] =	ssyncset.done $0x0  }
0x2d: {  	[sflag:s24] =	ssyncadd.s32 $0xFFFFC000  }
0x2e: {  	[spmem:s1] =	stream.indirect.scatter.add.f32 [tilespmem:s21], [sflag:$0x3], $0x80, s12, s20, $0xb8;
	[tilespmem:$0x1D000] =	vst v63  }
0x2f: {  	_ =	swait.ge [sflag:s18], $0x4000  }
0x30: {  	[sflag:s18] =	ssyncset.done $0x0  }
0x31: {  	[sflag:s18] =	ssyncadd.s32 $0xFFFFC000  }
0x32: {  	[tilespmem:s21], [sflag:$0x2] =	stream.indirect.gather [hbm4b:s5+s20], $0x80, s14, s20, $0xb8;
	[tilespmem:$0x1D000] =	vst v63  }
0x33: {  	_ =	swait.ge [sflag:s22], $0x4000  }
0x34: {  	[sflag:s22] =	ssyncset.done $0x0  }
0x35: {  	[sflag:s22] =	ssyncadd.s32 $0xFFFFC000  }
0x36: {  	[spmem:s1] =	stream.indirect.scatter.add.f32 [tilespmem:s17], [sflag:$0x3], $0x80, s8, s20, $0xb8;
	[tilespmem:$0x1D000] =	vst v63  }
0x37: {  	_ =	swait.ge [sflag:s18], $0x4000  }
0x38: {  	[sflag:s18] =	ssyncset.done $0x0  }
0x39: {  	[sflag:s18] =	ssyncadd.s32 $0xFFFFC000  }
0x3a: {  	[tilespmem:s17], [sflag:$0x1] =	stream.indirect.gather [hbm4b:s5+s20], $0x80, s23, s20, $0xb8;
	[tilespmem:$0x1D000] =	vst v63  }
0x3b: {  	_ =	swait.ge [sflag:s24], $0x4000  }
0x3c: {  	[sflag:s24] =	ssyncset.done $0x0  }
0x3d: {  	[sflag:s24] =	ssyncadd.s32 $0xFFFFC000  }
0x3e: {  	[spmem:s1] =	stream.indirect.scatter.add.f32 [tilespmem:s21], [sflag:$0x3], $0x80, s25, s20, $0xb8;
	[tilespmem:$0x1D000] =	vst v63  }
0x3f: {  	_ =	swait.ge [sflag:s18], $0x4000  }
0x40: {  	[sflag:s18] =	ssyncset.done $0x0  }
0x41: {  	[sflag:s18] =	ssyncadd.s32 $0xFFFFC000  }
0x42: {  	[tilespmem:s21], [sflag:$0x2] =	stream.indirect.gather [hbm4b:s5+s20], $0x80, s26, s20, $0xb8;
	[tilespmem:$0x1D000] =	vst v63  }
0x43: {  	_ =	swait.ge [sflag:s22], $0x4000  }
0x44: {  	[sflag:s22] =	ssyncset.done $0x0  }
0x45: {  	[sflag:s22] =	ssyncadd.s32 $0xFFFFC000  }
0x46: {  	[spmem:s1] =	stream.indirect.scatter.add.f32 [tilespmem:s17], [sflag:$0x3], $0x80, s28, s20, $0xb8;
	[tilespmem:$0x1D000] =	vst v63  }
0x47: {  	_ =	swait.ge [sflag:s18], $0x4000  }
0x48: {  	[sflag:s18] =	ssyncset.done $0x0  }
0x49: {  	[sflag:s18] =	ssyncadd.s32 $0xFFFFC000  }
0x4a: {  	[tilespmem:s17], [sflag:$0x1] =	stream.indirect.gather [hbm4b:s5+s20], $0x80, s29, s20, $0xb8;
	[tilespmem:$0x1D000] =	vst v63  }
0x4b: {  	_ =	swait.ge [sflag:s24], $0x4000  }
0x4c: {  	[sflag:s24] =	ssyncset.done $0x0  }
0x4d: {  	[sflag:s24] =	ssyncadd.s32 $0xFFFFC000  }
0x4e: {  	[spmem:s1] =	stream.indirect.scatter.add.f32 [tilespmem:s21], [sflag:$0x3], $0x80, s30, s20, $0xb8;
	[tilespmem:$0x1D000] =	vst v63  }
0x4f: {  	_ =	swait.ge [sflag:s18], $0x4000  }
0x50: {  	[sflag:s18] =	ssyncset.done $0x0  }
0x51: {  	[sflag:s18] =	ssyncadd.s32 $0xFFFFC000  }
0x52: {  	[tilespmem:s21], [sflag:$0x2] =	stream.indirect.gather [hbm4b:s5+s20], $0x80, s31, s20, $0xb8;
	[tilespmem:$0x1D000] =	vst v63  }
0x53: {  	_ =	swait.ge [sflag:s22], $0x4000  }
0x54: {  	[sflag:s22] =	ssyncset.done $0x0  }
0x55: {  	[sflag:s22] =	ssyncadd.s32 $0xFFFFC000  }
0x56: {  	[spmem:s1] =	stream.indirect.scatter.add.f32 [tilespmem:s17], [sflag:$0x3], $0x80, s0, s20, $0xb8;
	[tilespmem:$0x1D000] =	vst v63  }
0x57: {  	_ =	swait.ge [sflag:s18], $0x4000  }
0x58: {  	[sflag:s18] =	ssyncset.done $0x0  }
0x59: {  	[sflag:s18] =	ssyncadd.s32 $0xFFFFC000  }
0x5a: {  	[tilespmem:s17], [sflag:$0x1] =	stream.indirect.gather [hbm4b:s5+s20], $0x80, s6, s20, $0xb8;
	[tilespmem:$0x1D000] =	vst v63  }
0x5b: {  	_ =	swait.ge [sflag:s24], $0x4000  }
0x5c: {  	[sflag:s24] =	ssyncset.done $0x0  }
0x5d: {  	[sflag:s24] =	ssyncadd.s32 $0xFFFFC000  }
0x5e: {  	[spmem:s1] =	stream.indirect.scatter.add.f32 [tilespmem:s21], [sflag:$0x3], $0x80, s7, s20, $0xb8;
	[tilespmem:$0x1D000] =	vst v63  }
0x5f: {  	_ =	swait.ge [sflag:s18], $0x4000  }
0x60: {  	[sflag:s18] =	ssyncset.done $0x0  }
0x61: {  	[sflag:s18] =	ssyncadd.s32 $0xFFFFC000  }
0x62: {  	[tilespmem:s21], [sflag:$0x2] =	stream.indirect.gather [hbm4b:s5+s20], $0x80, s2, s20, $0xb8;
	[tilespmem:$0x1D000] =	vst v63  }
0x63: {  	_ =	swait.ge [sflag:s22], $0x4000  }
0x64: {  	[sflag:s22] =	ssyncset.done $0x0  }
0x65: {  	s25 =	simm.s32 $0xC00;
	[sflag:s22] =	ssyncadd.s32 $0xFFFFC000  }
0x66: {  	[spmem:s1] =	stream.indirect.scatter.add.f32 [tilespmem:s17], [sflag:$0x3], $0x80, s25, s20, $0xb8;
	[tilespmem:$0x1D000] =	vst v63  }
0x67: {  	_ =	swait.ge [sflag:s18], $0x4000  }
0x68: {  	[sflag:s18] =	ssyncset.done $0x0  }
0x69: {  	s26 =	simm.s32 $0x500;
	[sflag:s18] =	ssyncadd.s32 $0xFFFFC000  }
0x6a: {  	[tilespmem:s17], [sflag:$0x1] =	stream.indirect.gather [hbm4b:s5+s20], $0x80, s26, s20, $0xb8;
	[tilespmem:$0x1D000] =	vst v63  }
0x6b: {  	_ =	swait.ge [sflag:s24], $0x4000  }
0x6c: {  	[sflag:s24] =	ssyncset.done $0x0  }
0x6d: {  	s2 =	simm.s32 $0xC80;
	[sflag:s24] =	ssyncadd.s32 $0xFFFFC000  }
0x6e: {  	[spmem:s1] =	stream.indirect.scatter.add.f32 [tilespmem:s21], [sflag:$0x3], $0x80, s2, s20, $0xb8;
	[tilespmem:$0x1D000] =	vst v63  }
0x6f: {  	_ =	swait.ge [sflag:s18], $0x4000  }
0x70: {  	[sflag:s18] =	ssyncset.done $0x0  }
0x71: {  	s6 =	simm.s32 $0x580;
	[sflag:s18] =	ssyncadd.s32 $0xFFFFC000  }
0x72: {  	[tilespmem:s21], [sflag:$0x2] =	stream.indirect.gather [hbm4b:s5+s20], $0x80, s6, s20, $0xb8;
	[tilespmem:$0x1D000] =	vst v63  }
0x73: {  	_ =	swait.ge [sflag:s22], $0x4000  }
0x74: {  	[sflag:s22] =	ssyncset.done $0x0  }
0x75: {  	s7 =	simm.s32 $0xD00;
	[sflag:s22] =	ssyncadd.s32 $0xFFFFC000  }
0x76: {  	[spmem:s1] =	stream.indirect.scatter.add.f32 [tilespmem:s17], [sflag:$0x3], $0x80, s7, s20, $0xb8;
	[tilespmem:$0x1D000] =	vst v63  }
0x77: {  	_ =	swait.ge [sflag:s18], $0x4000  }
0x78: {  	[sflag:s18] =	ssyncset.done $0x0  }
0x79: {  	s8 =	simm.s32 $0x600;
	[sflag:s18] =	ssyncadd.s32 $0xFFFFC000  }
0x7a: {  	[tilespmem:s17], [sflag:$0x1] =	stream.indirect.gather [hbm4b:s5+s20], $0x80, s8, s20, $0xb8;
	[tilespmem:$0x1D000] =	vst v63  }
0x7b: {  	_ =	swait.ge [sflag:s24], $0x4000  }
0x7c: {  	[sflag:s24] =	ssyncset.done $0x0  }
0x7d: {  	s9 =	simm.s32 $0xD80;
	[sflag:s24] =	ssyncadd.s32 $0xFFFFC000  }
0x7e: {  	[spmem:s1] =	stream.indirect.scatter.add.f32 [tilespmem:s21], [sflag:$0x3], $0x80, s9, s20, $0xb8;
	[tilespmem:$0x1D000] =	vst v63  }
0x7f: {  	_ =	swait.ge [sflag:s18], $0x4000  }
0x80: {  	[sflag:s18] =	ssyncset.done $0x0  }
0x81: {  	s10 =	simm.s32 $0x680;
	[sflag:s18] =	ssyncadd.s32 $0xFFFFC000  }
0x82: {  	[tilespmem:s21], [sflag:$0x2] =	stream.indirect.gather [hbm4b:s5+s20], $0x80, s10, s20, $0xb8;
	[tilespmem:$0x1D000] =	vst v63  }
0x83: {  	_ =	swait.ge [sflag:s22], $0x4000  }
0x84: {  	[sflag:s22] =	ssyncset.done $0x0  }
0x85: {  	s11 =	simm.s32 $0xE00;
	[sflag:s22] =	ssyncadd.s32 $0xFFFFC000  }
0x86: {  	[spmem:s1] =	stream.indirect.scatter.add.f32 [tilespmem:s17], [sflag:$0x3], $0x80, s11, s20, $0xb8;
	[tilespmem:$0x1D000] =	vst v63  }
0x87: {  	_ =	swait.ge [sflag:s18], $0x4000  }
0x88: {  	[sflag:s18] =	ssyncset.done $0x0  }
0x89: {  	s12 =	simm.s32 $0x700;
	[sflag:s18] =	ssyncadd.s32 $0xFFFFC000  }
0x8a: {  	[tilespmem:s17], [sflag:$0x1] =	stream.indirect.gather [hbm4b:s5+s20], $0x80, s12, s20, $0xb8;
	[tilespmem:$0x1D000] =	vst v63  }
0x8b: {  	_ =	swait.ge [sflag:s24], $0x4000  }
0x8c: {  	[sflag:s24] =	ssyncset.done $0x0  }
0x8d: {  	s14 =	simm.s32 $0xE80;
	[sflag:s24] =	ssyncadd.s32 $0xFFFFC000  }
0x8e: {  	[spmem:s1] =	stream.indirect.scatter.add.f32 [tilespmem:s21], [sflag:$0x3], $0x80, s14, s20, $0xb8;
	[tilespmem:$0x1D000] =	vst v63  }
0x8f: {  	_ =	swait.ge [sflag:s18], $0x4000  }
0x90: {  	[sflag:s18] =	ssyncset.done $0x0  }
0x91: {  	s23 =	simm.s32 $0x780;
	[sflag:s18] =	ssyncadd.s32 $0xFFFFC000  }
0x92: {  	[tilespmem:s21], [sflag:$0x2] =	stream.indirect.gather [hbm4b:s5+s20], $0x80, s23, s20, $0xb8;
	[tilespmem:$0x1D000] =	vst v63  }
0x93: {  	_ =	swait.ge [sflag:s22], $0x4000  }
0x94: {  	[sflag:s22] =	ssyncset.done $0x0  }
0x95: {  	s25 =	simm.s32 $0xF00;
	[sflag:s22] =	ssyncadd.s32 $0xFFFFC000  }
0x96: {  	[spmem:s1] =	stream.indirect.scatter.add.f32 [tilespmem:s17], [sflag:$0x3], $0x80, s25, s20, $0xb8;
	[tilespmem:$0x1D000] =	vst v63  }
0x97: {  	_ =	swait.ge [sflag:s18], $0x4000  }
0x98: {  	s28 =	simm.s32 $0x300;
	[sflag:s18] =	ssyncset.done $0x0  }
0x99: {  	s29 =	simm.s32 $0xA80;
	s30 =	simm.s32 $0x380;
	[sflag:s18] =	ssyncadd.s32 $0xFFFFC000  }
0x9a: {  	s0 =	simm.s32 $0xB00;
	s26 =	simm.s32 $0xF80;
	_ =	swait.ge [sflag:s24], $0x4000  }
0x9b: {  	s2 =	simm.s32 $0x480;
	s6 =	simm.s32 $0x400;
	[sflag:s24] =	ssyncset.done $0x0  }
0x9c: {  	s7 =	simm.s32 $0xB80;
	s8 =	simm.s32 $0x900;
	[sflag:s24] =	ssyncadd.s32 $0xFFFFC000  }
0x9d: {  	[spmem:s1] =	stream.indirect.scatter.add.f32 [tilespmem:s21], [sflag:$0x3], $0x80, s26, s20, $0xb8;
	[tilespmem:$0x1D000] =	vst v63  }
0x9e: {  	s14 =	simm.s32 $0x200;
	s23 =	simm.s32 $0x980;
	_ =	swait.ge [sflag:s18], $0x4000  }
0x9f: {  	s25 =	simm.s32 $0x280;
	[sflag:s18] =	ssyncset.done $0x0;
	s9 =	rddreg [dreg:$0x5]  }
0xa0: {  	s26 =	simm.s32 $0xA00;
	s31 =	rddreg [dreg:$0xd];
	[sflag:s18] =	ssyncadd.s32 $0xFFFFC000  }
.LBB2_10:
0xa1: {  	s10 =	rddreg [dreg:$0xb];
	s12 =	stileid.u32;
	[bflag:$0x0] =	sbarrier.arrive $0xFFFF  }
0xa2: {  	s9 =	sadd.s32 s9, s10;
	s10 =	sshll.u32 s12, $0x6;
	s12 =	rddreg [dreg:$0x6]  }
0xa3: {  	s10 =	sor.u32 $0x1C03, s10;
	s11 =	sshrl.u32 s12, $0x3  }
0xa4: {  	[hbm:s9], [sflag:s10] =	dma.local [spmem:s11], $0x2800  }
0xa5: {  	_ =	swait.ge [sflag:s18], $0x2800  }
0xa6: {  	s31 =	sadd.s32 $0x1, s31;
	s11 =	rddreg [dreg:$0xc]  }
0xa7: {  	p1 =	sne.s32 s31, s11  }
.Ltmp1:
0xa8: {  	_ = 	snop;
	(pc) =	sbr.rel @!p1 .LBB2_11-.Ltmp1, $3  }
0xa9: {  	_ =	sdelay $0x1  }
0xaa: {  	[sflag:s18] =	ssyncset.done $0x0  }
0xab: {  	[sflag:s18] =	ssyncadd.s32 $0xFFFFD800;
	s11 =	simm.s32 $0x180  }
.LBB2_1:
.Ltmp2:
0xac: {  	(pc) =	sbr.rel @!p0 .LBB2_2-.Ltmp2, $2  }
0xad: {  	_ =	sdelay $0x2  }
0xae: {  	[dreg:$0xd] =	wrdreg s31;
	s9 =	sshra.s32 s3, $0x2;
	s10 =	sadd.s32 $0x200, s3  }
.LBB2_6:
0xaf: {  	p1 =	sne.s32 s10, $0xFE00;
	[tilespmem:s9+$0x1070] =	vst v0  }
0xb0: {  	[tilespmem:s9+$0x1000] =	vst v0  }
0xb1: {  	[tilespmem:s9+$0x1010] =	vst v0  }
.Ltmp3:
0xb2: {  	[tilespmem:s9+$0x1020] =	vst v0;
	(pc) =	sbr.rel @p1 .LBB2_6-.Ltmp3, $4  }
0xb3: {  	[tilespmem:s9+$0x1030] =	vst v0  }
0xb4: {  	[tilespmem:s9+$0x1040] =	vst v0  }
0xb5: {  	[tilespmem:s9+$0x1050] =	vst v0  }
0xb6: {  	[tilespmem:s9+$0x1060] =	vst v0;
	s9 =	sshra.s32 s10, $0x2;
	s10 =	sadd.s32 $0x200, s10  }
0xb7: {  	[tilespmem:s9+$0x1070] =	vst v0  }
0xb8: {  	[tilespmem:s9+$0x1000] =	vst v0  }
0xb9: {  	[tilespmem:s9+$0x1010] =	vst v0  }
0xba: {  	[tilespmem:s9+$0x1020] =	vst v0  }
0xbb: {  	[tilespmem:s9+$0x1030] =	vst v0  }
0xbc: {  	[tilespmem:s9+$0x1040] =	vst v0  }
0xbd: {  	[tilespmem:s9+$0x1050] =	vst v0  }
0xbe: {  	[tilespmem:s9+$0x1060] =	vst v0  }
0xbf: {  	[spmem:s12] =	stream.linear.scatter [tilespmem:s17], [sflag:$0x3], $0x4000, $0x38;
	[tilespmem:$0x1D000] =	vst v63  }
0xc0: {  	_ =	swait.ge [sflag:s18], $0x4000  }
0xc1: {  	[sflag:s18] =	ssyncset.done $0x0  }
0xc2: {  	s10 =	rddreg [dreg:$0x7];
	[sflag:s18] =	ssyncadd.s32 $0xFFFFC000  }
0xc3: {  	[spmem:s10] =	stream.linear.scatter [tilespmem:s17], [sflag:$0x3], $0x4000, $0x38;
	[tilespmem:$0x1D000] =	vst v63  }
0xc4: {  	_ =	swait.ge [sflag:s18], $0x4000  }
0xc5: {  	[sflag:s18] =	ssyncset.done $0x0  }
0xc6: {  	s12 =	rddreg [dreg:$0x8];
	[sflag:s18] =	ssyncadd.s32 $0xFFFFC000  }
0xc7: {  	[spmem:s12] =	stream.linear.scatter [tilespmem:s17], [sflag:$0x3], $0x4000, $0x38;
	[tilespmem:$0x1D000] =	vst v63  }
0xc8: {  	_ =	swait.ge [sflag:s18], $0x4000  }
0xc9: {  	[sflag:s18] =	ssyncset.done $0x0  }
0xca: {  	s10 =	rddreg [dreg:$0x9];
	[sflag:s18] =	ssyncadd.s32 $0xFFFFC000  }
0xcb: {  	[spmem:s10] =	stream.linear.scatter [tilespmem:s17], [sflag:$0x3], $0x4000, $0x38;
	[tilespmem:$0x1D000] =	vst v63  }
0xcc: {  	_ =	swait.ge [sflag:s18], $0x4000  }
0xcd: {  	[sflag:s18] =	ssyncset.done $0x0  }
0xce: {  	s12 =	rddreg [dreg:$0xa];
	[sflag:s18] =	ssyncadd.s32 $0xFFFFC000  }
0xcf: {  	[spmem:s12] =	stream.linear.scatter [tilespmem:s17], [sflag:$0x3], $0x4000, $0x38;
	[tilespmem:$0x1D000] =	vst v63  }
0xd0: {  	_ =	swait.ge [sflag:s18], $0x4000  }
0xd1: {  	[sflag:s18] =	ssyncset.done $0x0  }
0xd2: {  	[sflag:s18] =	ssyncadd.s32 $0xFFFFC000  }
0xd3: {  	s10 =	sadd.s32 $0x0, s15;
	[bflag:$0x0] =	sbarrier.arrive $0xFFFF  }
0xd4: {  	[tilespmem:s3], [sflag:$0x3] =	stream.linear.gather [hbm4b:s10+s3], $0x800, $0x38;
	[tilespmem:$0x1D000] =	vst v63  }
0xd5: {  	_ =	swait.ge [sflag:s18], $0x800  }
0xd6: {  	[sflag:s18] =	ssyncset.done $0x0  }
0xd7: {  	s12 =	sadd.s32 $0x0, s16;
	[sflag:s18] =	ssyncadd.s32 $0xFFFFF800  }
0xd8: {  	[tilespmem:s19], [sflag:$0x3] =	stream.linear.gather [hbm4b:s12+s3], $0x800, $0x38;
	[tilespmem:$0x1D000] =	vst v63  }
0xd9: {  	_ =	swait.ge [sflag:s18], $0x800  }
0xda: {  	[sflag:s18] =	ssyncset.done $0x0  }
0xdb: {  	[sflag:s18] =	ssyncadd.s32 $0xFFFFF800  }
0xdc: {  	[tilespmem:s17], [sflag:$0x1] =	stream.indirect.gather [hbm4b:s5+s20], $0x80, s3, s20, $0xb8;
	[tilespmem:$0x1D000] =	vst v63  }
0xdd: {  	_ = 	snop  }
0xde: {  	[tilespmem:s21], [sflag:$0x2] =	stream.indirect.gather [hbm4b:s5+s20], $0x80, s20, s20, $0xb8;
	[tilespmem:$0x1D000] =	vst v63  }
0xdf: {  	_ =	swait.ge [sflag:s22], $0x4000  }
0xe0: {  	[sflag:s22] =	ssyncset.done $0x0  }
0xe1: {  	[sflag:s22] =	ssyncadd.s32 $0xFFFFC000  }
0xe2: {  	[spmem:s1] =	stream.indirect.scatter.add.f32 [tilespmem:s17], [sflag:$0x3], $0x80, s19, s20, $0xb8;
	[tilespmem:$0x1D000] =	vst v63  }
0xe3: {  	_ =	swait.ge [sflag:s18], $0x4000  }
0xe4: {  	[sflag:s18] =	ssyncset.done $0x0  }
0xe5: {  	[sflag:s18] =	ssyncadd.s32 $0xFFFFC000  }
0xe6: {  	[tilespmem:s17], [sflag:$0x1] =	stream.indirect.gather [hbm4b:s5+s20], $0x80, s13, s20, $0xb8;
	[tilespmem:$0x1D000] =	vst v63  }
0xe7: {  	_ =	swait.ge [sflag:s24], $0x4000  }
0xe8: {  	[sflag:s24] =	ssyncset.done $0x0  }
0xe9: {  	s13 =	simm.s32 $0x880;
	[sflag:s24] =	ssyncadd.s32 $0xFFFFC000  }
0xea: {  	[spmem:s1] =	stream.indirect.scatter.add.f32 [tilespmem:s21], [sflag:$0x3], $0x80, s13, s20, $0xb8;
	[tilespmem:$0x1D000] =	vst v63  }
0xeb: {  	_ =	swait.ge [sflag:s18], $0x4000  }
0xec: {  	[sflag:s18] =	ssyncset.done $0x0  }
0xed: {  	[sflag:s18] =	ssyncadd.s32 $0xFFFFC000  }
0xee: {  	[tilespmem:s21], [sflag:$0x2] =	stream.indirect.gather [hbm4b:s5+s20], $0x80, s11, s20, $0xb8;
	[tilespmem:$0x1D000] =	vst v63  }
0xef: {  	_ =	swait.ge [sflag:s22], $0x4000  }
0xf0: {  	[sflag:s22] =	ssyncset.done $0x0  }
0xf1: {  	[sflag:s22] =	ssyncadd.s32 $0xFFFFC000  }
0xf2: {  	[spmem:s1] =	stream.indirect.scatter.add.f32 [tilespmem:s17], [sflag:$0x3], $0x80, s8, s20, $0xb8;
	[tilespmem:$0x1D000] =	vst v63  }
0xf3: {  	_ =	swait.ge [sflag:s18], $0x4000  }
0xf4: {  	[sflag:s18] =	ssyncset.done $0x0  }
0xf5: {  	[sflag:s18] =	ssyncadd.s32 $0xFFFFC000  }
0xf6: {  	[tilespmem:s17], [sflag:$0x1] =	stream.indirect.gather [hbm4b:s5+s20], $0x80, s14, s20, $0xb8;
	[tilespmem:$0x1D000] =	vst v63  }
0xf7: {  	_ =	swait.ge [sflag:s24], $0x4000  }
0xf8: {  	[sflag:s24] =	ssyncset.done $0x0  }
0xf9: {  	[sflag:s24] =	ssyncadd.s32 $0xFFFFC000  }
0xfa: {  	[spmem:s1] =	stream.indirect.scatter.add.f32 [tilespmem:s21], [sflag:$0x3], $0x80, s23, s20, $0xb8;
	[tilespmem:$0x1D000] =	vst v63  }
0xfb: {  	_ =	swait.ge [sflag:s18], $0x4000  }
0xfc: {  	[sflag:s18] =	ssyncset.done $0x0  }
0xfd: {  	[sflag:s18] =	ssyncadd.s32 $0xFFFFC000  }
0xfe: {  	[tilespmem:s21], [sflag:$0x2] =	stream.indirect.gather [hbm4b:s5+s20], $0x80, s25, s20, $0xb8;
	[tilespmem:$0x1D000] =	vst v63  }
0xff: {  	_ =	swait.ge [sflag:s22], $0x4000  }
0x100: {  	[sflag:s22] =	ssyncset.done $0x0  }
0x101: {  	[sflag:s22] =	ssyncadd.s32 $0xFFFFC000  }
0x102: {  	[spmem:s1] =	stream.indirect.scatter.add.f32 [tilespmem:s17], [sflag:$0x3], $0x80, s26, s20, $0xb8;
	[tilespmem:$0x1D000] =	vst v63  }
0x103: {  	_ =	swait.ge [sflag:s18], $0x4000  }
0x104: {  	[sflag:s18] =	ssyncset.done $0x0  }
0x105: {  	[sflag:s18] =	ssyncadd.s32 $0xFFFFC000  }
0x106: {  	[tilespmem:s17], [sflag:$0x1] =	stream.indirect.gather [hbm4b:s5+s20], $0x80, s28, s20, $0xb8;
	[tilespmem:$0x1D000] =	vst v63  }
0x107: {  	_ =	swait.ge [sflag:s24], $0x4000  }
0x108: {  	[sflag:s24] =	ssyncset.done $0x0  }
0x109: {  	[sflag:s24] =	ssyncadd.s32 $0xFFFFC000  }
0x10a: {  	[spmem:s1] =	stream.indirect.scatter.add.f32 [tilespmem:s21], [sflag:$0x3], $0x80, s29, s20, $0xb8;
	[tilespmem:$0x1D000] =	vst v63  }
0x10b: {  	_ =	swait.ge [sflag:s18], $0x4000  }
0x10c: {  	[sflag:s18] =	ssyncset.done $0x0  }
0x10d: {  	[sflag:s18] =	ssyncadd.s32 $0xFFFFC000  }
0x10e: {  	[tilespmem:s21], [sflag:$0x2] =	stream.indirect.gather [hbm4b:s5+s20], $0x80, s30, s20, $0xb8;
	[tilespmem:$0x1D000] =	vst v63  }
0x10f: {  	_ =	swait.ge [sflag:s22], $0x4000  }
0x110: {  	[sflag:s22] =	ssyncset.done $0x0  }
0x111: {  	[sflag:s22] =	ssyncadd.s32 $0xFFFFC000  }
0x112: {  	[spmem:s1] =	stream.indirect.scatter.add.f32 [tilespmem:s17], [sflag:$0x3], $0x80, s0, s20, $0xb8;
	[tilespmem:$0x1D000] =	vst v63  }
0x113: {  	_ =	swait.ge [sflag:s18], $0x4000  }
0x114: {  	[sflag:s18] =	ssyncset.done $0x0  }
0x115: {  	[sflag:s18] =	ssyncadd.s32 $0xFFFFC000  }
0x116: {  	[tilespmem:s17], [sflag:$0x1] =	stream.indirect.gather [hbm4b:s5+s20], $0x80, s6, s20, $0xb8;
	[tilespmem:$0x1D000] =	vst v63  }
0x117: {  	_ =	swait.ge [sflag:s24], $0x4000  }
0x118: {  	[sflag:s24] =	ssyncset.done $0x0  }
0x119: {  	[sflag:s24] =	ssyncadd.s32 $0xFFFFC000  }
0x11a: {  	[spmem:s1] =	stream.indirect.scatter.add.f32 [tilespmem:s21], [sflag:$0x3], $0x80, s7, s20, $0xb8;
	[tilespmem:$0x1D000] =	vst v63  }
0x11b: {  	_ =	swait.ge [sflag:s18], $0x4000  }
0x11c: {  	[sflag:s18] =	ssyncset.done $0x0  }
0x11d: {  	[sflag:s18] =	ssyncadd.s32 $0xFFFFC000  }
0x11e: {  	[tilespmem:s21], [sflag:$0x2] =	stream.indirect.gather [hbm4b:s5+s20], $0x80, s2, s20, $0xb8;
	[tilespmem:$0x1D000] =	vst v63  }
0x11f: {  	_ =	swait.ge [sflag:s22], $0x4000  }
0x120: {  	[sflag:s22] =	ssyncset.done $0x0  }
0x121: {  	s26 =	simm.s32 $0xC00;
	[sflag:s22] =	ssyncadd.s32 $0xFFFFC000  }
0x122: {  	[spmem:s1] =	stream.indirect.scatter.add.f32 [tilespmem:s17], [sflag:$0x3], $0x80, s26, s20, $0xb8;
	[tilespmem:$0x1D000] =	vst v63  }
0x123: {  	_ =	swait.ge [sflag:s18], $0x4000  }
0x124: {  	[sflag:s18] =	ssyncset.done $0x0  }
0x125: {  	s2 =	simm.s32 $0x500;
	[sflag:s18] =	ssyncadd.s32 $0xFFFFC000  }
0x126: {  	[tilespmem:s17], [sflag:$0x1] =	stream.indirect.gather [hbm4b:s5+s20], $0x80, s2, s20, $0xb8;
	[tilespmem:$0x1D000] =	vst v63  }
0x127: {  	_ =	swait.ge [sflag:s24], $0x4000  }
0x128: {  	[sflag:s24] =	ssyncset.done $0x0  }
0x129: {  	s6 =	simm.s32 $0xC80;
	[sflag:s24] =	ssyncadd.s32 $0xFFFFC000  }
0x12a: {  	[spmem:s1] =	stream.indirect.scatter.add.f32 [tilespmem:s21], [sflag:$0x3], $0x80, s6, s20, $0xb8;
	[tilespmem:$0x1D000] =	vst v63  }
0x12b: {  	_ =	swait.ge [sflag:s18], $0x4000  }
0x12c: {  	[sflag:s18] =	ssyncset.done $0x0  }
0x12d: {  	s7 =	simm.s32 $0x580;
	[sflag:s18] =	ssyncadd.s32 $0xFFFFC000  }
0x12e: {  	[tilespmem:s21], [sflag:$0x2] =	stream.indirect.gather [hbm4b:s5+s20], $0x80, s7, s20, $0xb8;
	[tilespmem:$0x1D000] =	vst v63  }
0x12f: {  	_ =	swait.ge [sflag:s22], $0x4000  }
0x130: {  	[sflag:s22] =	ssyncset.done $0x0  }
0x131: {  	s8 =	simm.s32 $0xD00;
	[sflag:s22] =	ssyncadd.s32 $0xFFFFC000  }
0x132: {  	[spmem:s1] =	stream.indirect.scatter.add.f32 [tilespmem:s17], [sflag:$0x3], $0x80, s8, s20, $0xb8;
	[tilespmem:$0x1D000] =	vst v63  }
0x133: {  	_ =	swait.ge [sflag:s18], $0x4000  }
0x134: {  	[sflag:s18] =	ssyncset.done $0x0  }
0x135: {  	s9 =	simm.s32 $0x600;
	[sflag:s18] =	ssyncadd.s32 $0xFFFFC000  }
0x136: {  	[tilespmem:s17], [sflag:$0x1] =	stream.indirect.gather [hbm4b:s5+s20], $0x80, s9, s20, $0xb8;
	[tilespmem:$0x1D000] =	vst v63  }
0x137: {  	_ =	swait.ge [sflag:s24], $0x4000  }
0x138: {  	[sflag:s24] =	ssyncset.done $0x0  }
0x139: {  	s10 =	simm.s32 $0xD80;
	[sflag:s24] =	ssyncadd.s32 $0xFFFFC000  }
0x13a: {  	[spmem:s1] =	stream.indirect.scatter.add.f32 [tilespmem:s21], [sflag:$0x3], $0x80, s10, s20, $0xb8;
	[tilespmem:$0x1D000] =	vst v63  }
0x13b: {  	_ =	swait.ge [sflag:s18], $0x4000  }
0x13c: {  	[sflag:s18] =	ssyncset.done $0x0  }
0x13d: {  	s11 =	simm.s32 $0x680;
	[sflag:s18] =	ssyncadd.s32 $0xFFFFC000  }
0x13e: {  	[tilespmem:s21], [sflag:$0x2] =	stream.indirect.gather [hbm4b:s5+s20], $0x80, s11, s20, $0xb8;
	[tilespmem:$0x1D000] =	vst v63  }
0x13f: {  	_ =	swait.ge [sflag:s22], $0x4000  }
0x140: {  	[sflag:s22] =	ssyncset.done $0x0  }
0x141: {  	s12 =	simm.s32 $0xE00;
	[sflag:s22] =	ssyncadd.s32 $0xFFFFC000  }
0x142: {  	[spmem:s1] =	stream.indirect.scatter.add.f32 [tilespmem:s17], [sflag:$0x3], $0x80, s12, s20, $0xb8;
	[tilespmem:$0x1D000] =	vst v63  }
0x143: {  	_ =	swait.ge [sflag:s18], $0x4000  }
0x144: {  	[sflag:s18] =	ssyncset.done $0x0  }
0x145: {  	s13 =	simm.s32 $0x700;
	[sflag:s18] =	ssyncadd.s32 $0xFFFFC000  }
0x146: {  	[tilespmem:s17], [sflag:$0x1] =	stream.indirect.gather [hbm4b:s5+s20], $0x80, s13, s20, $0xb8;
	[tilespmem:$0x1D000] =	vst v63  }
0x147: {  	_ =	swait.ge [sflag:s24], $0x4000  }
0x148: {  	[sflag:s24] =	ssyncset.done $0x0  }
0x149: {  	s14 =	simm.s32 $0xE80;
	[sflag:s24] =	ssyncadd.s32 $0xFFFFC000  }
0x14a: {  	[spmem:s1] =	stream.indirect.scatter.add.f32 [tilespmem:s21], [sflag:$0x3], $0x80, s14, s20, $0xb8;
	[tilespmem:$0x1D000] =	vst v63  }
0x14b: {  	_ =	swait.ge [sflag:s18], $0x4000  }
0x14c: {  	[sflag:s18] =	ssyncset.done $0x0  }
0x14d: {  	s23 =	simm.s32 $0x780;
	[sflag:s18] =	ssyncadd.s32 $0xFFFFC000  }
0x14e: {  	[tilespmem:s21], [sflag:$0x2] =	stream.indirect.gather [hbm4b:s5+s20], $0x80, s23, s20, $0xb8;
	[tilespmem:$0x1D000] =	vst v63  }
0x14f: {  	_ =	swait.ge [sflag:s22], $0x4000  }
0x150: {  	[sflag:s22] =	ssyncset.done $0x0  }
0x151: {  	s25 =	simm.s32 $0xF00;
	[sflag:s22] =	ssyncadd.s32 $0xFFFFC000  }
0x152: {  	[spmem:s1] =	stream.indirect.scatter.add.f32 [tilespmem:s17], [sflag:$0x3], $0x80, s25, s20, $0xb8;
	[tilespmem:$0x1D000] =	vst v63  }
0x153: {  	s31 =	simm.s32 $0x380;
	s28 =	simm.s32 $0xA00;
	_ =	swait.ge [sflag:s18], $0x4000  }
0x154: {  	s29 =	simm.s32 $0x300;
	s30 =	simm.s32 $0xA80;
	[sflag:s18] =	ssyncset.done $0x0  }
0x155: {  	s0 =	simm.s32 $0xB00;
	s26 =	simm.s32 $0xF80;
	[sflag:s18] =	ssyncadd.s32 $0xFFFFC000  }
0x156: {  	s2 =	simm.s32 $0x480;
	s6 =	simm.s32 $0x400;
	_ =	swait.ge [sflag:s24], $0x4000  }
0x157: {  	s7 =	simm.s32 $0xB80;
	s8 =	simm.s32 $0x900;
	[sflag:s24] =	ssyncset.done $0x0  }
0x158: {  	s9 =	simm.s32 $0x100;
	s11 =	simm.s32 $0x200;
	[sflag:s24] =	ssyncadd.s32 $0xFFFFC000  }
0x159: {  	[spmem:s1] =	stream.indirect.scatter.add.f32 [tilespmem:s21], [sflag:$0x3], $0x80, s26, s20, $0xb8;
	[tilespmem:$0x1D000] =	vst v63  }
0x15a: {  	s14 =	simm.s32 $0x180;
	s23 =	simm.s32 $0x200;
	_ =	swait.ge [sflag:s18], $0x4000  }
0x15b: {  	s25 =	simm.s32 $0x980;
	s26 =	simm.s32 $0x280;
	[sflag:s18] =	ssyncset.done $0x0  }
.LBB2_8:
0x15c: {  	s12 =	sadd.s32 s9, s15  }
0x15d: {  	[sflag:s18] =	ssyncadd.s32 $0xFFFFC000;
	s13 =	smov.u32 s11;
	s10 =	sadd.s32 $0x100, s11  }
0x15e: {  	[tilespmem:s3], [sflag:$0x3] =	stream.linear.gather [hbm4b:s12+s3], $0x800, $0x38;
	[tilespmem:$0x1D000] =	vst v63  }
0x15f: {  	s12 =	simm.s32 $0x880  }
0x160: {  	p1 =	sne.s32 s11, $0x900;
	_ =	swait.ge [sflag:s18], $0x800  }
0x161: {  	s11 =	sadd.s32 s9, s16;
	[sflag:s18] =	ssyncset.done $0x0  }
0x162: {  	s9 =	smov.u32 s13;
	s13 =	simm.s32 $0x100;
	[sflag:s18] =	ssyncadd.s32 $0xFFFFF800  }
0x163: {  	[tilespmem:s19], [sflag:$0x3] =	stream.linear.gather [hbm4b:s11+s3], $0x800, $0x38;
	[tilespmem:$0x1D000] =	vst v63  }
0x164: {  	_ =	swait.ge [sflag:s18], $0x800  }
0x165: {  	[sflag:s18] =	ssyncset.done $0x0  }
0x166: {  	[sflag:s18] =	ssyncadd.s32 $0xFFFFF800  }
0x167: {  	[tilespmem:s17], [sflag:$0x1] =	stream.indirect.gather [hbm4b:s5+s20], $0x80, s3, s20, $0xb8;
	[tilespmem:$0x1D000] =	vst v63  }
0x168: {  	_ = 	snop  }
0x169: {  	[tilespmem:s21], [sflag:$0x2] =	stream.indirect.gather [hbm4b:s5+s20], $0x80, s20, s20, $0xb8;
	[tilespmem:$0x1D000] =	vst v63  }
0x16a: {  	_ =	swait.ge [sflag:s22], $0x4000  }
0x16b: {  	[sflag:s22] =	ssyncset.done $0x0  }
0x16c: {  	[sflag:s22] =	ssyncadd.s32 $0xFFFFC000  }
0x16d: {  	[spmem:s1] =	stream.indirect.scatter.add.f32 [tilespmem:s17], [sflag:$0x3], $0x80, s19, s20, $0xb8;
	[tilespmem:$0x1D000] =	vst v63  }
0x16e: {  	_ =	swait.ge [sflag:s18], $0x4000  }
0x16f: {  	[sflag:s18] =	ssyncset.done $0x0  }
0x170: {  	[sflag:s18] =	ssyncadd.s32 $0xFFFFC000  }
0x171: {  	[tilespmem:s17], [sflag:$0x1] =	stream.indirect.gather [hbm4b:s5+s20], $0x80, s13, s20, $0xb8;
	[tilespmem:$0x1D000] =	vst v63  }
0x172: {  	_ =	swait.ge [sflag:s24], $0x4000  }
0x173: {  	[sflag:s24] =	ssyncset.done $0x0  }
0x174: {  	[sflag:s24] =	ssyncadd.s32 $0xFFFFC000  }
0x175: {  	[spmem:s1] =	stream.indirect.scatter.add.f32 [tilespmem:s21], [sflag:$0x3], $0x80, s12, s20, $0xb8;
	[tilespmem:$0x1D000] =	vst v63  }
0x176: {  	_ =	swait.ge [sflag:s18], $0x4000  }
0x177: {  	[sflag:s18] =	ssyncset.done $0x0  }
0x178: {  	[sflag:s18] =	ssyncadd.s32 $0xFFFFC000  }
0x179: {  	[tilespmem:s21], [sflag:$0x2] =	stream.indirect.gather [hbm4b:s5+s20], $0x80, s14, s20, $0xb8;
	[tilespmem:$0x1D000] =	vst v63  }
0x17a: {  	_ =	swait.ge [sflag:s22], $0x4000  }
0x17b: {  	[sflag:s22] =	ssyncset.done $0x0  }
0x17c: {  	[sflag:s22] =	ssyncadd.s32 $0xFFFFC000  }
0x17d: {  	[spmem:s1] =	stream.indirect.scatter.add.f32 [tilespmem:s17], [sflag:$0x3], $0x80, s8, s20, $0xb8;
	[tilespmem:$0x1D000] =	vst v63  }
0x17e: {  	_ =	swait.ge [sflag:s18], $0x4000  }
0x17f: {  	[sflag:s18] =	ssyncset.done $0x0  }
0x180: {  	[sflag:s18] =	ssyncadd.s32 $0xFFFFC000  }
0x181: {  	[tilespmem:s17], [sflag:$0x1] =	stream.indirect.gather [hbm4b:s5+s20], $0x80, s23, s20, $0xb8;
	[tilespmem:$0x1D000] =	vst v63  }
0x182: {  	_ =	swait.ge [sflag:s24], $0x4000  }
0x183: {  	[sflag:s24] =	ssyncset.done $0x0  }
0x184: {  	[sflag:s24] =	ssyncadd.s32 $0xFFFFC000  }
0x185: {  	[spmem:s1] =	stream.indirect.scatter.add.f32 [tilespmem:s21], [sflag:$0x3], $0x80, s25, s20, $0xb8;
	[tilespmem:$0x1D000] =	vst v63  }
0x186: {  	_ =	swait.ge [sflag:s18], $0x4000  }
0x187: {  	[sflag:s18] =	ssyncset.done $0x0  }
0x188: {  	[sflag:s18] =	ssyncadd.s32 $0xFFFFC000  }
0x189: {  	[tilespmem:s21], [sflag:$0x2] =	stream.indirect.gather [hbm4b:s5+s20], $0x80, s26, s20, $0xb8;
	[tilespmem:$0x1D000] =	vst v63  }
0x18a: {  	_ =	swait.ge [sflag:s22], $0x4000  }
0x18b: {  	[sflag:s22] =	ssyncset.done $0x0  }
0x18c: {  	[sflag:s22] =	ssyncadd.s32 $0xFFFFC000  }
0x18d: {  	[spmem:s1] =	stream.indirect.scatter.add.f32 [tilespmem:s17], [sflag:$0x3], $0x80, s28, s20, $0xb8;
	[tilespmem:$0x1D000] =	vst v63  }
0x18e: {  	_ =	swait.ge [sflag:s18], $0x4000  }
0x18f: {  	[sflag:s18] =	ssyncset.done $0x0  }
0x190: {  	[sflag:s18] =	ssyncadd.s32 $0xFFFFC000  }
0x191: {  	[tilespmem:s17], [sflag:$0x1] =	stream.indirect.gather [hbm4b:s5+s20], $0x80, s29, s20, $0xb8;
	[tilespmem:$0x1D000] =	vst v63  }
0x192: {  	_ =	swait.ge [sflag:s24], $0x4000  }
0x193: {  	[sflag:s24] =	ssyncset.done $0x0  }
0x194: {  	[sflag:s24] =	ssyncadd.s32 $0xFFFFC000  }
0x195: {  	[spmem:s1] =	stream.indirect.scatter.add.f32 [tilespmem:s21], [sflag:$0x3], $0x80, s30, s20, $0xb8;
	[tilespmem:$0x1D000] =	vst v63  }
0x196: {  	_ =	swait.ge [sflag:s18], $0x4000  }
0x197: {  	[sflag:s18] =	ssyncset.done $0x0  }
0x198: {  	[sflag:s18] =	ssyncadd.s32 $0xFFFFC000  }
0x199: {  	[tilespmem:s21], [sflag:$0x2] =	stream.indirect.gather [hbm4b:s5+s20], $0x80, s31, s20, $0xb8;
	[tilespmem:$0x1D000] =	vst v63  }
0x19a: {  	_ =	swait.ge [sflag:s22], $0x4000  }
0x19b: {  	[sflag:s22] =	ssyncset.done $0x0  }
0x19c: {  	[sflag:s22] =	ssyncadd.s32 $0xFFFFC000  }
0x19d: {  	[spmem:s1] =	stream.indirect.scatter.add.f32 [tilespmem:s17], [sflag:$0x3], $0x80, s0, s20, $0xb8;
	[tilespmem:$0x1D000] =	vst v63  }
0x19e: {  	_ =	swait.ge [sflag:s18], $0x4000  }
0x19f: {  	[sflag:s18] =	ssyncset.done $0x0  }
0x1a0: {  	[sflag:s18] =	ssyncadd.s32 $0xFFFFC000  }
0x1a1: {  	[tilespmem:s17], [sflag:$0x1] =	stream.indirect.gather [hbm4b:s5+s20], $0x80, s6, s20, $0xb8;
	[tilespmem:$0x1D000] =	vst v63  }
0x1a2: {  	_ =	swait.ge [sflag:s24], $0x4000  }
0x1a3: {  	[sflag:s24] =	ssyncset.done $0x0  }
0x1a4: {  	[sflag:s24] =	ssyncadd.s32 $0xFFFFC000  }
0x1a5: {  	[spmem:s1] =	stream.indirect.scatter.add.f32 [tilespmem:s21], [sflag:$0x3], $0x80, s7, s20, $0xb8;
	[tilespmem:$0x1D000] =	vst v63  }
0x1a6: {  	_ =	swait.ge [sflag:s18], $0x4000  }
0x1a7: {  	[sflag:s18] =	ssyncset.done $0x0  }
0x1a8: {  	[sflag:s18] =	ssyncadd.s32 $0xFFFFC000  }
0x1a9: {  	[tilespmem:s21], [sflag:$0x2] =	stream.indirect.gather [hbm4b:s5+s20], $0x80, s2, s20, $0xb8;
	[tilespmem:$0x1D000] =	vst v63  }
0x1aa: {  	_ =	swait.ge [sflag:s22], $0x4000  }
0x1ab: {  	[sflag:s22] =	ssyncset.done $0x0  }
0x1ac: {  	s11 =	simm.s32 $0xC00;
	[sflag:s22] =	ssyncadd.s32 $0xFFFFC000  }
0x1ad: {  	[spmem:s1] =	stream.indirect.scatter.add.f32 [tilespmem:s17], [sflag:$0x3], $0x80, s11, s20, $0xb8;
	[tilespmem:$0x1D000] =	vst v63  }
0x1ae: {  	_ =	swait.ge [sflag:s18], $0x4000  }
0x1af: {  	[sflag:s18] =	ssyncset.done $0x0  }
0x1b0: {  	s11 =	simm.s32 $0x500;
	[sflag:s18] =	ssyncadd.s32 $0xFFFFC000  }
0x1b1: {  	[tilespmem:s17], [sflag:$0x1] =	stream.indirect.gather [hbm4b:s5+s20], $0x80, s11, s20, $0xb8;
	[tilespmem:$0x1D000] =	vst v63  }
0x1b2: {  	_ =	swait.ge [sflag:s24], $0x4000  }
0x1b3: {  	[sflag:s24] =	ssyncset.done $0x0  }
0x1b4: {  	s11 =	simm.s32 $0xC80;
	[sflag:s24] =	ssyncadd.s32 $0xFFFFC000  }
0x1b5: {  	[spmem:s1] =	stream.indirect.scatter.add.f32 [tilespmem:s21], [sflag:$0x3], $0x80, s11, s20, $0xb8;
	[tilespmem:$0x1D000] =	vst v63  }
0x1b6: {  	_ =	swait.ge [sflag:s18], $0x4000  }
0x1b7: {  	[sflag:s18] =	ssyncset.done $0x0  }
0x1b8: {  	s11 =	simm.s32 $0x580;
	[sflag:s18] =	ssyncadd.s32 $0xFFFFC000  }
0x1b9: {  	[tilespmem:s21], [sflag:$0x2] =	stream.indirect.gather [hbm4b:s5+s20], $0x80, s11, s20, $0xb8;
	[tilespmem:$0x1D000] =	vst v63  }
0x1ba: {  	_ =	swait.ge [sflag:s22], $0x4000  }
0x1bb: {  	[sflag:s22] =	ssyncset.done $0x0  }
0x1bc: {  	s11 =	simm.s32 $0xD00;
	[sflag:s22] =	ssyncadd.s32 $0xFFFFC000  }
0x1bd: {  	[spmem:s1] =	stream.indirect.scatter.add.f32 [tilespmem:s17], [sflag:$0x3], $0x80, s11, s20, $0xb8;
	[tilespmem:$0x1D000] =	vst v63  }
0x1be: {  	_ =	swait.ge [sflag:s18], $0x4000  }
0x1bf: {  	[sflag:s18] =	ssyncset.done $0x0  }
0x1c0: {  	s11 =	simm.s32 $0x600;
	[sflag:s18] =	ssyncadd.s32 $0xFFFFC000  }
0x1c1: {  	[tilespmem:s17], [sflag:$0x1] =	stream.indirect.gather [hbm4b:s5+s20], $0x80, s11, s20, $0xb8;
	[tilespmem:$0x1D000] =	vst v63  }
0x1c2: {  	_ =	swait.ge [sflag:s24], $0x4000  }
0x1c3: {  	[sflag:s24] =	ssyncset.done $0x0  }
0x1c4: {  	s11 =	simm.s32 $0xD80;
	[sflag:s24] =	ssyncadd.s32 $0xFFFFC000  }
0x1c5: {  	[spmem:s1] =	stream.indirect.scatter.add.f32 [tilespmem:s21], [sflag:$0x3], $0x80, s11, s20, $0xb8;
	[tilespmem:$0x1D000] =	vst v63  }
0x1c6: {  	_ =	swait.ge [sflag:s18], $0x4000  }
0x1c7: {  	[sflag:s18] =	ssyncset.done $0x0  }
0x1c8: {  	s11 =	simm.s32 $0x680;
	[sflag:s18] =	ssyncadd.s32 $0xFFFFC000  }
0x1c9: {  	[tilespmem:s21], [sflag:$0x2] =	stream.indirect.gather [hbm4b:s5+s20], $0x80, s11, s20, $0xb8;
	[tilespmem:$0x1D000] =	vst v63  }
0x1ca: {  	_ =	swait.ge [sflag:s22], $0x4000  }
0x1cb: {  	[sflag:s22] =	ssyncset.done $0x0  }
0x1cc: {  	s11 =	simm.s32 $0xE00;
	[sflag:s22] =	ssyncadd.s32 $0xFFFFC000  }
0x1cd: {  	[spmem:s1] =	stream.indirect.scatter.add.f32 [tilespmem:s17], [sflag:$0x3], $0x80, s11, s20, $0xb8;
	[tilespmem:$0x1D000] =	vst v63  }
0x1ce: {  	_ =	swait.ge [sflag:s18], $0x4000  }
0x1cf: {  	[sflag:s18] =	ssyncset.done $0x0  }
0x1d0: {  	s11 =	simm.s32 $0x700;
	[sflag:s18] =	ssyncadd.s32 $0xFFFFC000  }
0x1d1: {  	[tilespmem:s17], [sflag:$0x1] =	stream.indirect.gather [hbm4b:s5+s20], $0x80, s11, s20, $0xb8;
	[tilespmem:$0x1D000] =	vst v63  }
0x1d2: {  	_ =	swait.ge [sflag:s24], $0x4000  }
0x1d3: {  	[sflag:s24] =	ssyncset.done $0x0  }
0x1d4: {  	s11 =	simm.s32 $0xE80;
	[sflag:s24] =	ssyncadd.s32 $0xFFFFC000  }
0x1d5: {  	[spmem:s1] =	stream.indirect.scatter.add.f32 [tilespmem:s21], [sflag:$0x3], $0x80, s11, s20, $0xb8;
	[tilespmem:$0x1D000] =	vst v63  }
0x1d6: {  	_ =	swait.ge [sflag:s18], $0x4000  }
0x1d7: {  	[sflag:s18] =	ssyncset.done $0x0  }
0x1d8: {  	s11 =	simm.s32 $0x780;
	[sflag:s18] =	ssyncadd.s32 $0xFFFFC000  }
0x1d9: {  	[tilespmem:s21], [sflag:$0x2] =	stream.indirect.gather [hbm4b:s5+s20], $0x80, s11, s20, $0xb8;
	[tilespmem:$0x1D000] =	vst v63  }
0x1da: {  	_ =	swait.ge [sflag:s22], $0x4000  }
0x1db: {  	[sflag:s22] =	ssyncset.done $0x0  }
0x1dc: {  	s11 =	simm.s32 $0xF00;
	[sflag:s22] =	ssyncadd.s32 $0xFFFFC000  }
0x1dd: {  	[spmem:s1] =	stream.indirect.scatter.add.f32 [tilespmem:s17], [sflag:$0x3], $0x80, s11, s20, $0xb8;
	[tilespmem:$0x1D000] =	vst v63  }
0x1de: {  	_ =	swait.ge [sflag:s18], $0x4000  }
0x1df: {  	[sflag:s18] =	ssyncset.done $0x0  }
0x1e0: {  	[sflag:s18] =	ssyncadd.s32 $0xFFFFC000  }
0x1e1: {  	_ =	swait.ge [sflag:s24], $0x4000  }
.Ltmp4:
0x1e2: {  	[sflag:s24] =	ssyncset.done $0x0;
	(pc) =	sbr.rel @p1 .LBB2_8-.Ltmp4, $4  }
0x1e3: {  	s11 =	simm.s32 $0xF80;
	[sflag:s24] =	ssyncadd.s32 $0xFFFFC000  }
0x1e4: {  	[spmem:s1] =	stream.indirect.scatter.add.f32 [tilespmem:s21], [sflag:$0x3], $0x80, s11, s20, $0xb8;
	[tilespmem:$0x1D000] =	vst v63  }
0x1e5: {  	_ =	swait.ge [sflag:s18], $0x4000  }
0x1e6: {  	s11 =	smov.u32 s10;
	[sflag:s18] =	ssyncset.done $0x0  }
.Ltmp5:
0x1e7: {  	_ = 	snop;
	(pc) =	sbr.rel .LBB2_9-.Ltmp5, $1  }
0x1e8: {  	_ =	sdelay $0x3  }
.LBB2_2:
0x1e9: {  	p1 =	sne.s32 s10, $0xFE00;
	[tilespmem:s9+$0x1070] =	vst v0  }
0x1ea: {  	[tilespmem:s9+$0x1000] =	vst v0  }
0x1eb: {  	[tilespmem:s9+$0x1010] =	vst v0  }
.Ltmp6:
0x1ec: {  	[tilespmem:s9+$0x1020] =	vst v0;
	(pc) =	sbr.rel @p1 .LBB2_2-.Ltmp6, $4  }
0x1ed: {  	[tilespmem:s9+$0x1030] =	vst v0  }
0x1ee: {  	[tilespmem:s9+$0x1040] =	vst v0  }
0x1ef: {  	[tilespmem:s9+$0x1050] =	vst v0  }
0x1f0: {  	[tilespmem:s9+$0x1060] =	vst v0;
	s9 =	sshra.s32 s10, $0x2;
	s10 =	sadd.s32 $0x200, s10  }
0x1f1: {  	[tilespmem:s9+$0x1070] =	vst v0  }
0x1f2: {  	[tilespmem:s9+$0x1000] =	vst v0  }
0x1f3: {  	[tilespmem:s9+$0x1010] =	vst v0  }
0x1f4: {  	[tilespmem:s9+$0x1020] =	vst v0  }
0x1f5: {  	[tilespmem:s9+$0x1030] =	vst v0  }
0x1f6: {  	[tilespmem:s9+$0x1040] =	vst v0  }
0x1f7: {  	[tilespmem:s9+$0x1050] =	vst v0  }
0x1f8: {  	[tilespmem:s9+$0x1060] =	vst v0  }
0x1f9: {  	[spmem:s12] =	stream.linear.scatter [tilespmem:s17], [sflag:$0x3], $0x4000, $0x38;
	[tilespmem:$0x1D000] =	vst v63  }
0x1fa: {  	_ =	swait.ge [sflag:s18], $0x4000  }
0x1fb: {  	[sflag:s18] =	ssyncset.done $0x0  }
0x1fc: {  	s10 =	rddreg [dreg:$0x7];
	[sflag:s18] =	ssyncadd.s32 $0xFFFFC000  }
0x1fd: {  	[spmem:s10] =	stream.linear.scatter [tilespmem:s17], [sflag:$0x3], $0x4000, $0x38;
	[tilespmem:$0x1D000] =	vst v63  }
0x1fe: {  	_ =	swait.ge [sflag:s18], $0x4000  }
0x1ff: {  	[sflag:s18] =	ssyncset.done $0x0  }
0x200: {  	s12 =	rddreg [dreg:$0x8];
	[sflag:s18] =	ssyncadd.s32 $0xFFFFC000  }
0x201: {  	[spmem:s12] =	stream.linear.scatter [tilespmem:s17], [sflag:$0x3], $0x4000, $0x38;
	[tilespmem:$0x1D000] =	vst v63  }
0x202: {  	_ =	swait.ge [sflag:s18], $0x4000  }
0x203: {  	[sflag:s18] =	ssyncset.done $0x0  }
0x204: {  	s10 =	rddreg [dreg:$0x9];
	[sflag:s18] =	ssyncadd.s32 $0xFFFFC000  }
0x205: {  	[spmem:s10] =	stream.linear.scatter [tilespmem:s17], [sflag:$0x3], $0x4000, $0x38;
	[tilespmem:$0x1D000] =	vst v63  }
0x206: {  	_ =	swait.ge [sflag:s18], $0x4000  }
0x207: {  	[sflag:s18] =	ssyncset.done $0x0  }
0x208: {  	s12 =	rddreg [dreg:$0xa];
	[sflag:s18] =	ssyncadd.s32 $0xFFFFC000  }
0x209: {  	[spmem:s12] =	stream.linear.scatter [tilespmem:s17], [sflag:$0x3], $0x4000, $0x38;
	[tilespmem:$0x1D000] =	vst v63  }
0x20a: {  	_ =	swait.ge [sflag:s18], $0x4000  }
0x20b: {  	[sflag:s18] =	ssyncset.done $0x0  }
0x20c: {  	[sflag:s18] =	ssyncadd.s32 $0xFFFFC000  }
0x20d: {  	s10 =	sadd.s32 $0x0, s16;
	[bflag:$0x0] =	sbarrier.arrive $0xFFFF  }
0x20e: {  	[tilespmem:s3], [sflag:$0x3] =	stream.linear.gather [hbm4b:s10+s3], $0x800, $0x38;
	[tilespmem:$0x1D000] =	vst v63  }
0x20f: {  	_ =	swait.ge [sflag:s18], $0x800  }
0x210: {  	[sflag:s18] =	ssyncset.done $0x0  }
0x211: {  	s12 =	sadd.s32 $0x0, s15;
	[sflag:s18] =	ssyncadd.s32 $0xFFFFF800  }
0x212: {  	[tilespmem:s19], [sflag:$0x3] =	stream.linear.gather [hbm4b:s12+s3], $0x800, $0x38;
	[tilespmem:$0x1D000] =	vst v63  }
0x213: {  	_ =	swait.ge [sflag:s18], $0x800  }
0x214: {  	[sflag:s18] =	ssyncset.done $0x0  }
0x215: {  	[sflag:s18] =	ssyncadd.s32 $0xFFFFF800  }
0x216: {  	[tilespmem:s17], [sflag:$0x1] =	stream.indirect.gather [hbm4b:s4+s20], $0x80, s3, s20, $0xb8;
	[tilespmem:$0x1D000] =	vst v63  }
0x217: {  	_ = 	snop  }
0x218: {  	[tilespmem:s21], [sflag:$0x2] =	stream.indirect.gather [hbm4b:s4+s20], $0x80, s20, s20, $0xb8;
	[tilespmem:$0x1D000] =	vst v63  }
0x219: {  	_ =	swait.ge [sflag:s22], $0x4000  }
0x21a: {  	[sflag:s22] =	ssyncset.done $0x0  }
0x21b: {  	[sflag:s22] =	ssyncadd.s32 $0xFFFFC000  }
0x21c: {  	[spmem:s1] =	stream.indirect.scatter.add.f32 [tilespmem:s17], [sflag:$0x3], $0x80, s19, s20, $0xb8;
	[tilespmem:$0x1D000] =	vst v63  }
0x21d: {  	_ =	swait.ge [sflag:s18], $0x4000  }
0x21e: {  	[sflag:s18] =	ssyncset.done $0x0  }
0x21f: {  	[sflag:s18] =	ssyncadd.s32 $0xFFFFC000  }
0x220: {  	[tilespmem:s17], [sflag:$0x1] =	stream.indirect.gather [hbm4b:s4+s20], $0x80, s13, s20, $0xb8;
	[tilespmem:$0x1D000] =	vst v63  }
0x221: {  	_ =	swait.ge [sflag:s24], $0x4000  }
0x222: {  	[sflag:s24] =	ssyncset.done $0x0  }
0x223: {  	s13 =	simm.s32 $0x880;
	[sflag:s24] =	ssyncadd.s32 $0xFFFFC000  }
0x224: {  	[spmem:s1] =	stream.indirect.scatter.add.f32 [tilespmem:s21], [sflag:$0x3], $0x80, s13, s20, $0xb8;
	[tilespmem:$0x1D000] =	vst v63  }
0x225: {  	_ =	swait.ge [sflag:s18], $0x4000  }
0x226: {  	[sflag:s18] =	ssyncset.done $0x0  }
0x227: {  	[sflag:s18] =	ssyncadd.s32 $0xFFFFC000  }
0x228: {  	[tilespmem:s21], [sflag:$0x2] =	stream.indirect.gather [hbm4b:s4+s20], $0x80, s11, s20, $0xb8;
	[tilespmem:$0x1D000] =	vst v63  }
0x229: {  	_ =	swait.ge [sflag:s22], $0x4000  }
0x22a: {  	[sflag:s22] =	ssyncset.done $0x0  }
0x22b: {  	[sflag:s22] =	ssyncadd.s32 $0xFFFFC000  }
0x22c: {  	[spmem:s1] =	stream.indirect.scatter.add.f32 [tilespmem:s17], [sflag:$0x3], $0x80, s8, s20, $0xb8;
	[tilespmem:$0x1D000] =	vst v63  }
0x22d: {  	_ =	swait.ge [sflag:s18], $0x4000  }
0x22e: {  	[sflag:s18] =	ssyncset.done $0x0  }
0x22f: {  	[sflag:s18] =	ssyncadd.s32 $0xFFFFC000  }
0x230: {  	[tilespmem:s17], [sflag:$0x1] =	stream.indirect.gather [hbm4b:s4+s20], $0x80, s14, s20, $0xb8;
	[tilespmem:$0x1D000] =	vst v63  }
0x231: {  	_ =	swait.ge [sflag:s24], $0x4000  }
0x232: {  	[sflag:s24] =	ssyncset.done $0x0  }
0x233: {  	[sflag:s24] =	ssyncadd.s32 $0xFFFFC000  }
0x234: {  	[spmem:s1] =	stream.indirect.scatter.add.f32 [tilespmem:s21], [sflag:$0x3], $0x80, s23, s20, $0xb8;
	[tilespmem:$0x1D000] =	vst v63  }
0x235: {  	_ =	swait.ge [sflag:s18], $0x4000  }
0x236: {  	[sflag:s18] =	ssyncset.done $0x0  }
0x237: {  	[sflag:s18] =	ssyncadd.s32 $0xFFFFC000  }
0x238: {  	[tilespmem:s21], [sflag:$0x2] =	stream.indirect.gather [hbm4b:s4+s20], $0x80, s25, s20, $0xb8;
	[tilespmem:$0x1D000] =	vst v63  }
0x239: {  	_ =	swait.ge [sflag:s22], $0x4000  }
0x23a: {  	[sflag:s22] =	ssyncset.done $0x0  }
0x23b: {  	[sflag:s22] =	ssyncadd.s32 $0xFFFFC000  }
0x23c: {  	[spmem:s1] =	stream.indirect.scatter.add.f32 [tilespmem:s17], [sflag:$0x3], $0x80, s26, s20, $0xb8;
	[tilespmem:$0x1D000] =	vst v63  }
0x23d: {  	_ =	swait.ge [sflag:s18], $0x4000  }
0x23e: {  	[sflag:s18] =	ssyncset.done $0x0  }
0x23f: {  	[sflag:s18] =	ssyncadd.s32 $0xFFFFC000  }
0x240: {  	[tilespmem:s17], [sflag:$0x1] =	stream.indirect.gather [hbm4b:s4+s20], $0x80, s28, s20, $0xb8;
	[tilespmem:$0x1D000] =	vst v63  }
0x241: {  	_ =	swait.ge [sflag:s24], $0x4000  }
0x242: {  	[sflag:s24] =	ssyncset.done $0x0  }
0x243: {  	[sflag:s24] =	ssyncadd.s32 $0xFFFFC000  }
0x244: {  	[spmem:s1] =	stream.indirect.scatter.add.f32 [tilespmem:s21], [sflag:$0x3], $0x80, s29, s20, $0xb8;
	[tilespmem:$0x1D000] =	vst v63  }
0x245: {  	_ =	swait.ge [sflag:s18], $0x4000  }
0x246: {  	[sflag:s18] =	ssyncset.done $0x0  }
0x247: {  	[sflag:s18] =	ssyncadd.s32 $0xFFFFC000  }
0x248: {  	[tilespmem:s21], [sflag:$0x2] =	stream.indirect.gather [hbm4b:s4+s20], $0x80, s30, s20, $0xb8;
	[tilespmem:$0x1D000] =	vst v63  }
0x249: {  	_ =	swait.ge [sflag:s22], $0x4000  }
0x24a: {  	[sflag:s22] =	ssyncset.done $0x0  }
0x24b: {  	[sflag:s22] =	ssyncadd.s32 $0xFFFFC000  }
0x24c: {  	[spmem:s1] =	stream.indirect.scatter.add.f32 [tilespmem:s17], [sflag:$0x3], $0x80, s0, s20, $0xb8;
	[tilespmem:$0x1D000] =	vst v63  }
0x24d: {  	_ =	swait.ge [sflag:s18], $0x4000  }
0x24e: {  	[sflag:s18] =	ssyncset.done $0x0  }
0x24f: {  	[sflag:s18] =	ssyncadd.s32 $0xFFFFC000  }
0x250: {  	[tilespmem:s17], [sflag:$0x1] =	stream.indirect.gather [hbm4b:s4+s20], $0x80, s6, s20, $0xb8;
	[tilespmem:$0x1D000] =	vst v63  }
0x251: {  	_ =	swait.ge [sflag:s24], $0x4000  }
0x252: {  	[sflag:s24] =	ssyncset.done $0x0  }
0x253: {  	[sflag:s24] =	ssyncadd.s32 $0xFFFFC000  }
0x254: {  	[spmem:s1] =	stream.indirect.scatter.add.f32 [tilespmem:s21], [sflag:$0x3], $0x80, s7, s20, $0xb8;
	[tilespmem:$0x1D000] =	vst v63  }
0x255: {  	_ =	swait.ge [sflag:s18], $0x4000  }
0x256: {  	[sflag:s18] =	ssyncset.done $0x0  }
0x257: {  	[sflag:s18] =	ssyncadd.s32 $0xFFFFC000  }
0x258: {  	[tilespmem:s21], [sflag:$0x2] =	stream.indirect.gather [hbm4b:s4+s20], $0x80, s2, s20, $0xb8;
	[tilespmem:$0x1D000] =	vst v63  }
0x259: {  	_ =	swait.ge [sflag:s22], $0x4000  }
0x25a: {  	[sflag:s22] =	ssyncset.done $0x0  }
0x25b: {  	s26 =	simm.s32 $0xC00;
	[sflag:s22] =	ssyncadd.s32 $0xFFFFC000  }
0x25c: {  	[spmem:s1] =	stream.indirect.scatter.add.f32 [tilespmem:s17], [sflag:$0x3], $0x80, s26, s20, $0xb8;
	[tilespmem:$0x1D000] =	vst v63  }
0x25d: {  	_ =	swait.ge [sflag:s18], $0x4000  }
0x25e: {  	[sflag:s18] =	ssyncset.done $0x0  }
0x25f: {  	s2 =	simm.s32 $0x500;
	[sflag:s18] =	ssyncadd.s32 $0xFFFFC000  }
0x260: {  	[tilespmem:s17], [sflag:$0x1] =	stream.indirect.gather [hbm4b:s4+s20], $0x80, s2, s20, $0xb8;
	[tilespmem:$0x1D000] =	vst v63  }
0x261: {  	_ =	swait.ge [sflag:s24], $0x4000  }
0x262: {  	[sflag:s24] =	ssyncset.done $0x0  }
0x263: {  	s6 =	simm.s32 $0xC80;
	[sflag:s24] =	ssyncadd.s32 $0xFFFFC000  }
0x264: {  	[spmem:s1] =	stream.indirect.scatter.add.f32 [tilespmem:s21], [sflag:$0x3], $0x80, s6, s20, $0xb8;
	[tilespmem:$0x1D000] =	vst v63  }
0x265: {  	_ =	swait.ge [sflag:s18], $0x4000  }
0x266: {  	[sflag:s18] =	ssyncset.done $0x0  }
0x267: {  	s7 =	simm.s32 $0x580;
	[sflag:s18] =	ssyncadd.s32 $0xFFFFC000  }
0x268: {  	[tilespmem:s21], [sflag:$0x2] =	stream.indirect.gather [hbm4b:s4+s20], $0x80, s7, s20, $0xb8;
	[tilespmem:$0x1D000] =	vst v63  }
0x269: {  	_ =	swait.ge [sflag:s22], $0x4000  }
0x26a: {  	[sflag:s22] =	ssyncset.done $0x0  }
0x26b: {  	s8 =	simm.s32 $0xD00;
	[sflag:s22] =	ssyncadd.s32 $0xFFFFC000  }
0x26c: {  	[spmem:s1] =	stream.indirect.scatter.add.f32 [tilespmem:s17], [sflag:$0x3], $0x80, s8, s20, $0xb8;
	[tilespmem:$0x1D000] =	vst v63  }
0x26d: {  	_ =	swait.ge [sflag:s18], $0x4000  }
0x26e: {  	[sflag:s18] =	ssyncset.done $0x0  }
0x26f: {  	s9 =	simm.s32 $0x600;
	[sflag:s18] =	ssyncadd.s32 $0xFFFFC000  }
0x270: {  	[tilespmem:s17], [sflag:$0x1] =	stream.indirect.gather [hbm4b:s4+s20], $0x80, s9, s20, $0xb8;
	[tilespmem:$0x1D000] =	vst v63  }
0x271: {  	_ =	swait.ge [sflag:s24], $0x4000  }
0x272: {  	[sflag:s24] =	ssyncset.done $0x0  }
0x273: {  	s10 =	simm.s32 $0xD80;
	[sflag:s24] =	ssyncadd.s32 $0xFFFFC000  }
0x274: {  	[spmem:s1] =	stream.indirect.scatter.add.f32 [tilespmem:s21], [sflag:$0x3], $0x80, s10, s20, $0xb8;
	[tilespmem:$0x1D000] =	vst v63  }
0x275: {  	_ =	swait.ge [sflag:s18], $0x4000  }
0x276: {  	[sflag:s18] =	ssyncset.done $0x0  }
0x277: {  	s11 =	simm.s32 $0x680;
	[sflag:s18] =	ssyncadd.s32 $0xFFFFC000  }
0x278: {  	[tilespmem:s21], [sflag:$0x2] =	stream.indirect.gather [hbm4b:s4+s20], $0x80, s11, s20, $0xb8;
	[tilespmem:$0x1D000] =	vst v63  }
0x279: {  	_ =	swait.ge [sflag:s22], $0x4000  }
0x27a: {  	[sflag:s22] =	ssyncset.done $0x0  }
0x27b: {  	s12 =	simm.s32 $0xE00;
	[sflag:s22] =	ssyncadd.s32 $0xFFFFC000  }
0x27c: {  	[spmem:s1] =	stream.indirect.scatter.add.f32 [tilespmem:s17], [sflag:$0x3], $0x80, s12, s20, $0xb8;
	[tilespmem:$0x1D000] =	vst v63  }
0x27d: {  	_ =	swait.ge [sflag:s18], $0x4000  }
0x27e: {  	[sflag:s18] =	ssyncset.done $0x0  }
0x27f: {  	s13 =	simm.s32 $0x700;
	[sflag:s18] =	ssyncadd.s32 $0xFFFFC000  }
0x280: {  	[tilespmem:s17], [sflag:$0x1] =	stream.indirect.gather [hbm4b:s4+s20], $0x80, s13, s20, $0xb8;
	[tilespmem:$0x1D000] =	vst v63  }
0x281: {  	_ =	swait.ge [sflag:s24], $0x4000  }
0x282: {  	[sflag:s24] =	ssyncset.done $0x0  }
0x283: {  	s14 =	simm.s32 $0xE80;
	[sflag:s24] =	ssyncadd.s32 $0xFFFFC000  }
0x284: {  	[spmem:s1] =	stream.indirect.scatter.add.f32 [tilespmem:s21], [sflag:$0x3], $0x80, s14, s20, $0xb8;
	[tilespmem:$0x1D000] =	vst v63  }
0x285: {  	_ =	swait.ge [sflag:s18], $0x4000  }
0x286: {  	[sflag:s18] =	ssyncset.done $0x0  }
0x287: {  	s23 =	simm.s32 $0x780;
	[sflag:s18] =	ssyncadd.s32 $0xFFFFC000  }
0x288: {  	[tilespmem:s21], [sflag:$0x2] =	stream.indirect.gather [hbm4b:s4+s20], $0x80, s23, s20, $0xb8;
	[tilespmem:$0x1D000] =	vst v63  }
0x289: {  	_ =	swait.ge [sflag:s22], $0x4000  }
0x28a: {  	[sflag:s22] =	ssyncset.done $0x0  }
0x28b: {  	s25 =	simm.s32 $0xF00;
	[sflag:s22] =	ssyncadd.s32 $0xFFFFC000  }
0x28c: {  	[spmem:s1] =	stream.indirect.scatter.add.f32 [tilespmem:s17], [sflag:$0x3], $0x80, s25, s20, $0xb8;
	[tilespmem:$0x1D000] =	vst v63  }
0x28d: {  	s31 =	simm.s32 $0x380;
	s28 =	simm.s32 $0xA00;
	_ =	swait.ge [sflag:s18], $0x4000  }
0x28e: {  	s29 =	simm.s32 $0x300;
	s30 =	simm.s32 $0xA80;
	[sflag:s18] =	ssyncset.done $0x0  }
0x28f: {  	s0 =	simm.s32 $0xB00;
	s26 =	simm.s32 $0xF80;
	[sflag:s18] =	ssyncadd.s32 $0xFFFFC000  }
0x290: {  	s2 =	simm.s32 $0x480;
	s6 =	simm.s32 $0x400;
	_ =	swait.ge [sflag:s24], $0x4000  }
0x291: {  	s7 =	simm.s32 $0xB80;
	s8 =	simm.s32 $0x900;
	[sflag:s24] =	ssyncset.done $0x0  }
0x292: {  	s9 =	simm.s32 $0x100;
	s10 =	simm.s32 $0x200;
	[sflag:s24] =	ssyncadd.s32 $0xFFFFC000  }
0x293: {  	[spmem:s1] =	stream.indirect.scatter.add.f32 [tilespmem:s21], [sflag:$0x3], $0x80, s26, s20, $0xb8;
	[tilespmem:$0x1D000] =	vst v63  }
0x294: {  	s14 =	simm.s32 $0x180;
	s23 =	simm.s32 $0x200;
	_ =	swait.ge [sflag:s18], $0x4000  }
0x295: {  	s25 =	simm.s32 $0x980;
	s26 =	simm.s32 $0x280;
	[sflag:s18] =	ssyncset.done $0x0  }
.LBB2_4:
0x296: {  	s12 =	sadd.s32 s9, s16  }
0x297: {  	[sflag:s18] =	ssyncadd.s32 $0xFFFFC000;
	s13 =	smov.u32 s10;
	s11 =	sadd.s32 $0x100, s10  }
0x298: {  	[tilespmem:s3], [sflag:$0x3] =	stream.linear.gather [hbm4b:s12+s3], $0x800, $0x38;
	[tilespmem:$0x1D000] =	vst v63  }
0x299: {  	s12 =	simm.s32 $0x880  }
0x29a: {  	p1 =	seq.s32 s10, $0x900;
	_ =	swait.ge [sflag:s18], $0x800  }
0x29b: {  	s10 =	sadd.s32 s9, s15;
	[sflag:s18] =	ssyncset.done $0x0  }
0x29c: {  	s9 =	smov.u32 s13;
	s13 =	simm.s32 $0x100;
	[sflag:s18] =	ssyncadd.s32 $0xFFFFF800  }
0x29d: {  	[tilespmem:s19], [sflag:$0x3] =	stream.linear.gather [hbm4b:s10+s3], $0x800, $0x38;
	[tilespmem:$0x1D000] =	vst v63  }
0x29e: {  	_ =	swait.ge [sflag:s18], $0x800  }
0x29f: {  	[sflag:s18] =	ssyncset.done $0x0  }
0x2a0: {  	[sflag:s18] =	ssyncadd.s32 $0xFFFFF800  }
0x2a1: {  	[tilespmem:s17], [sflag:$0x1] =	stream.indirect.gather [hbm4b:s4+s20], $0x80, s3, s20, $0xb8;
	[tilespmem:$0x1D000] =	vst v63  }
0x2a2: {  	_ = 	snop  }
0x2a3: {  	[tilespmem:s21], [sflag:$0x2] =	stream.indirect.gather [hbm4b:s4+s20], $0x80, s20, s20, $0xb8;
	[tilespmem:$0x1D000] =	vst v63  }
0x2a4: {  	_ =	swait.ge [sflag:s22], $0x4000  }
0x2a5: {  	[sflag:s22] =	ssyncset.done $0x0  }
0x2a6: {  	[sflag:s22] =	ssyncadd.s32 $0xFFFFC000  }
0x2a7: {  	[spmem:s1] =	stream.indirect.scatter.add.f32 [tilespmem:s17], [sflag:$0x3], $0x80, s19, s20, $0xb8;
	[tilespmem:$0x1D000] =	vst v63  }
0x2a8: {  	_ =	swait.ge [sflag:s18], $0x4000  }
0x2a9: {  	[sflag:s18] =	ssyncset.done $0x0  }
0x2aa: {  	[sflag:s18] =	ssyncadd.s32 $0xFFFFC000  }
0x2ab: {  	[tilespmem:s17], [sflag:$0x1] =	stream.indirect.gather [hbm4b:s4+s20], $0x80, s13, s20, $0xb8;
	[tilespmem:$0x1D000] =	vst v63  }
0x2ac: {  	_ =	swait.ge [sflag:s24], $0x4000  }
0x2ad: {  	[sflag:s24] =	ssyncset.done $0x0  }
0x2ae: {  	[sflag:s24] =	ssyncadd.s32 $0xFFFFC000  }
0x2af: {  	[spmem:s1] =	stream.indirect.scatter.add.f32 [tilespmem:s21], [sflag:$0x3], $0x80, s12, s20, $0xb8;
	[tilespmem:$0x1D000] =	vst v63  }
0x2b0: {  	_ =	swait.ge [sflag:s18], $0x4000  }
0x2b1: {  	[sflag:s18] =	ssyncset.done $0x0  }
0x2b2: {  	[sflag:s18] =	ssyncadd.s32 $0xFFFFC000  }
0x2b3: {  	[tilespmem:s21], [sflag:$0x2] =	stream.indirect.gather [hbm4b:s4+s20], $0x80, s14, s20, $0xb8;
	[tilespmem:$0x1D000] =	vst v63  }
0x2b4: {  	_ =	swait.ge [sflag:s22], $0x4000  }
0x2b5: {  	[sflag:s22] =	ssyncset.done $0x0  }
0x2b6: {  	[sflag:s22] =	ssyncadd.s32 $0xFFFFC000  }
0x2b7: {  	[spmem:s1] =	stream.indirect.scatter.add.f32 [tilespmem:s17], [sflag:$0x3], $0x80, s8, s20, $0xb8;
	[tilespmem:$0x1D000] =	vst v63  }
0x2b8: {  	_ =	swait.ge [sflag:s18], $0x4000  }
0x2b9: {  	[sflag:s18] =	ssyncset.done $0x0  }
0x2ba: {  	[sflag:s18] =	ssyncadd.s32 $0xFFFFC000  }
0x2bb: {  	[tilespmem:s17], [sflag:$0x1] =	stream.indirect.gather [hbm4b:s4+s20], $0x80, s23, s20, $0xb8;
	[tilespmem:$0x1D000] =	vst v63  }
0x2bc: {  	_ =	swait.ge [sflag:s24], $0x4000  }
0x2bd: {  	[sflag:s24] =	ssyncset.done $0x0  }
0x2be: {  	[sflag:s24] =	ssyncadd.s32 $0xFFFFC000  }
0x2bf: {  	[spmem:s1] =	stream.indirect.scatter.add.f32 [tilespmem:s21], [sflag:$0x3], $0x80, s25, s20, $0xb8;
	[tilespmem:$0x1D000] =	vst v63  }
0x2c0: {  	_ =	swait.ge [sflag:s18], $0x4000  }
0x2c1: {  	[sflag:s18] =	ssyncset.done $0x0  }
0x2c2: {  	[sflag:s18] =	ssyncadd.s32 $0xFFFFC000  }
0x2c3: {  	[tilespmem:s21], [sflag:$0x2] =	stream.indirect.gather [hbm4b:s4+s20], $0x80, s26, s20, $0xb8;
	[tilespmem:$0x1D000] =	vst v63  }
0x2c4: {  	_ =	swait.ge [sflag:s22], $0x4000  }
0x2c5: {  	[sflag:s22] =	ssyncset.done $0x0  }
0x2c6: {  	[sflag:s22] =	ssyncadd.s32 $0xFFFFC000  }
0x2c7: {  	[spmem:s1] =	stream.indirect.scatter.add.f32 [tilespmem:s17], [sflag:$0x3], $0x80, s28, s20, $0xb8;
	[tilespmem:$0x1D000] =	vst v63  }
0x2c8: {  	_ =	swait.ge [sflag:s18], $0x4000  }
0x2c9: {  	[sflag:s18] =	ssyncset.done $0x0  }
0x2ca: {  	[sflag:s18] =	ssyncadd.s32 $0xFFFFC000  }
0x2cb: {  	[tilespmem:s17], [sflag:$0x1] =	stream.indirect.gather [hbm4b:s4+s20], $0x80, s29, s20, $0xb8;
	[tilespmem:$0x1D000] =	vst v63  }
0x2cc: {  	_ =	swait.ge [sflag:s24], $0x4000  }
0x2cd: {  	[sflag:s24] =	ssyncset.done $0x0  }
0x2ce: {  	[sflag:s24] =	ssyncadd.s32 $0xFFFFC000  }
0x2cf: {  	[spmem:s1] =	stream.indirect.scatter.add.f32 [tilespmem:s21], [sflag:$0x3], $0x80, s30, s20, $0xb8;
	[tilespmem:$0x1D000] =	vst v63  }
0x2d0: {  	_ =	swait.ge [sflag:s18], $0x4000  }
0x2d1: {  	[sflag:s18] =	ssyncset.done $0x0  }
0x2d2: {  	[sflag:s18] =	ssyncadd.s32 $0xFFFFC000  }
0x2d3: {  	[tilespmem:s21], [sflag:$0x2] =	stream.indirect.gather [hbm4b:s4+s20], $0x80, s31, s20, $0xb8;
	[tilespmem:$0x1D000] =	vst v63  }
0x2d4: {  	_ =	swait.ge [sflag:s22], $0x4000  }
0x2d5: {  	[sflag:s22] =	ssyncset.done $0x0  }
0x2d6: {  	[sflag:s22] =	ssyncadd.s32 $0xFFFFC000  }
0x2d7: {  	[spmem:s1] =	stream.indirect.scatter.add.f32 [tilespmem:s17], [sflag:$0x3], $0x80, s0, s20, $0xb8;
	[tilespmem:$0x1D000] =	vst v63  }
0x2d8: {  	_ =	swait.ge [sflag:s18], $0x4000  }
0x2d9: {  	[sflag:s18] =	ssyncset.done $0x0  }
0x2da: {  	[sflag:s18] =	ssyncadd.s32 $0xFFFFC000  }
0x2db: {  	[tilespmem:s17], [sflag:$0x1] =	stream.indirect.gather [hbm4b:s4+s20], $0x80, s6, s20, $0xb8;
	[tilespmem:$0x1D000] =	vst v63  }
0x2dc: {  	_ =	swait.ge [sflag:s24], $0x4000  }
0x2dd: {  	[sflag:s24] =	ssyncset.done $0x0  }
0x2de: {  	[sflag:s24] =	ssyncadd.s32 $0xFFFFC000  }
0x2df: {  	[spmem:s1] =	stream.indirect.scatter.add.f32 [tilespmem:s21], [sflag:$0x3], $0x80, s7, s20, $0xb8;
	[tilespmem:$0x1D000] =	vst v63  }
0x2e0: {  	_ =	swait.ge [sflag:s18], $0x4000  }
0x2e1: {  	[sflag:s18] =	ssyncset.done $0x0  }
0x2e2: {  	[sflag:s18] =	ssyncadd.s32 $0xFFFFC000  }
0x2e3: {  	[tilespmem:s21], [sflag:$0x2] =	stream.indirect.gather [hbm4b:s4+s20], $0x80, s2, s20, $0xb8;
	[tilespmem:$0x1D000] =	vst v63  }
0x2e4: {  	_ =	swait.ge [sflag:s22], $0x4000  }
0x2e5: {  	[sflag:s22] =	ssyncset.done $0x0  }
0x2e6: {  	s10 =	simm.s32 $0xC00;
	[sflag:s22] =	ssyncadd.s32 $0xFFFFC000  }
0x2e7: {  	[spmem:s1] =	stream.indirect.scatter.add.f32 [tilespmem:s17], [sflag:$0x3], $0x80, s10, s20, $0xb8;
	[tilespmem:$0x1D000] =	vst v63  }
0x2e8: {  	_ =	swait.ge [sflag:s18], $0x4000  }
0x2e9: {  	[sflag:s18] =	ssyncset.done $0x0  }
0x2ea: {  	s10 =	simm.s32 $0x500;
	[sflag:s18] =	ssyncadd.s32 $0xFFFFC000  }
0x2eb: {  	[tilespmem:s17], [sflag:$0x1] =	stream.indirect.gather [hbm4b:s4+s20], $0x80, s10, s20, $0xb8;
	[tilespmem:$0x1D000] =	vst v63  }
0x2ec: {  	_ =	swait.ge [sflag:s24], $0x4000  }
0x2ed: {  	[sflag:s24] =	ssyncset.done $0x0  }
0x2ee: {  	s10 =	simm.s32 $0xC80;
	[sflag:s24] =	ssyncadd.s32 $0xFFFFC000  }
0x2ef: {  	[spmem:s1] =	stream.indirect.scatter.add.f32 [tilespmem:s21], [sflag:$0x3], $0x80, s10, s20, $0xb8;
	[tilespmem:$0x1D000] =	vst v63  }
0x2f0: {  	_ =	swait.ge [sflag:s18], $0x4000  }
0x2f1: {  	[sflag:s18] =	ssyncset.done $0x0  }
0x2f2: {  	s10 =	simm.s32 $0x580;
	[sflag:s18] =	ssyncadd.s32 $0xFFFFC000  }
0x2f3: {  	[tilespmem:s21], [sflag:$0x2] =	stream.indirect.gather [hbm4b:s4+s20], $0x80, s10, s20, $0xb8;
	[tilespmem:$0x1D000] =	vst v63  }
0x2f4: {  	_ =	swait.ge [sflag:s22], $0x4000  }
0x2f5: {  	[sflag:s22] =	ssyncset.done $0x0  }
0x2f6: {  	s10 =	simm.s32 $0xD00;
	[sflag:s22] =	ssyncadd.s32 $0xFFFFC000  }
0x2f7: {  	[spmem:s1] =	stream.indirect.scatter.add.f32 [tilespmem:s17], [sflag:$0x3], $0x80, s10, s20, $0xb8;
	[tilespmem:$0x1D000] =	vst v63  }
0x2f8: {  	_ =	swait.ge [sflag:s18], $0x4000  }
0x2f9: {  	[sflag:s18] =	ssyncset.done $0x0  }
0x2fa: {  	s10 =	simm.s32 $0x600;
	[sflag:s18] =	ssyncadd.s32 $0xFFFFC000  }
0x2fb: {  	[tilespmem:s17], [sflag:$0x1] =	stream.indirect.gather [hbm4b:s4+s20], $0x80, s10, s20, $0xb8;
	[tilespmem:$0x1D000] =	vst v63  }
0x2fc: {  	_ =	swait.ge [sflag:s24], $0x4000  }
0x2fd: {  	[sflag:s24] =	ssyncset.done $0x0  }
0x2fe: {  	s10 =	simm.s32 $0xD80;
	[sflag:s24] =	ssyncadd.s32 $0xFFFFC000  }
0x2ff: {  	[spmem:s1] =	stream.indirect.scatter.add.f32 [tilespmem:s21], [sflag:$0x3], $0x80, s10, s20, $0xb8;
	[tilespmem:$0x1D000] =	vst v63  }
0x300: {  	_ =	swait.ge [sflag:s18], $0x4000  }
0x301: {  	[sflag:s18] =	ssyncset.done $0x0  }
0x302: {  	s10 =	simm.s32 $0x680;
	[sflag:s18] =	ssyncadd.s32 $0xFFFFC000  }
0x303: {  	[tilespmem:s21], [sflag:$0x2] =	stream.indirect.gather [hbm4b:s4+s20], $0x80, s10, s20, $0xb8;
	[tilespmem:$0x1D000] =	vst v63  }
0x304: {  	_ =	swait.ge [sflag:s22], $0x4000  }
0x305: {  	[sflag:s22] =	ssyncset.done $0x0  }
0x306: {  	s10 =	simm.s32 $0xE00;
	[sflag:s22] =	ssyncadd.s32 $0xFFFFC000  }
0x307: {  	[spmem:s1] =	stream.indirect.scatter.add.f32 [tilespmem:s17], [sflag:$0x3], $0x80, s10, s20, $0xb8;
	[tilespmem:$0x1D000] =	vst v63  }
0x308: {  	_ =	swait.ge [sflag:s18], $0x4000  }
0x309: {  	[sflag:s18] =	ssyncset.done $0x0  }
0x30a: {  	s10 =	simm.s32 $0x700;
	[sflag:s18] =	ssyncadd.s32 $0xFFFFC000  }
0x30b: {  	[tilespmem:s17], [sflag:$0x1] =	stream.indirect.gather [hbm4b:s4+s20], $0x80, s10, s20, $0xb8;
	[tilespmem:$0x1D000] =	vst v63  }
0x30c: {  	_ =	swait.ge [sflag:s24], $0x4000  }
0x30d: {  	[sflag:s24] =	ssyncset.done $0x0  }
0x30e: {  	s10 =	simm.s32 $0xE80;
	[sflag:s24] =	ssyncadd.s32 $0xFFFFC000  }
0x30f: {  	[spmem:s1] =	stream.indirect.scatter.add.f32 [tilespmem:s21], [sflag:$0x3], $0x80, s10, s20, $0xb8;
	[tilespmem:$0x1D000] =	vst v63  }
0x310: {  	_ =	swait.ge [sflag:s18], $0x4000  }
0x311: {  	[sflag:s18] =	ssyncset.done $0x0  }
0x312: {  	s10 =	simm.s32 $0x780;
	[sflag:s18] =	ssyncadd.s32 $0xFFFFC000  }
0x313: {  	[tilespmem:s21], [sflag:$0x2] =	stream.indirect.gather [hbm4b:s4+s20], $0x80, s10, s20, $0xb8;
	[tilespmem:$0x1D000] =	vst v63  }
0x314: {  	_ =	swait.ge [sflag:s22], $0x4000  }
0x315: {  	[sflag:s22] =	ssyncset.done $0x0  }
0x316: {  	s10 =	simm.s32 $0xF00;
	[sflag:s22] =	ssyncadd.s32 $0xFFFFC000  }
0x317: {  	[spmem:s1] =	stream.indirect.scatter.add.f32 [tilespmem:s17], [sflag:$0x3], $0x80, s10, s20, $0xb8;
	[tilespmem:$0x1D000] =	vst v63  }
0x318: {  	_ =	swait.ge [sflag:s18], $0x4000  }
0x319: {  	[sflag:s18] =	ssyncset.done $0x0  }
0x31a: {  	[sflag:s18] =	ssyncadd.s32 $0xFFFFC000  }
0x31b: {  	_ =	swait.ge [sflag:s24], $0x4000  }
.Ltmp7:
0x31c: {  	[sflag:s24] =	ssyncset.done $0x0;
	(pc) =	sbr.rel @!p1 .LBB2_4-.Ltmp7, $4  }
0x31d: {  	s10 =	simm.s32 $0xF80;
	[sflag:s24] =	ssyncadd.s32 $0xFFFFC000  }
0x31e: {  	[spmem:s1] =	stream.indirect.scatter.add.f32 [tilespmem:s21], [sflag:$0x3], $0x80, s10, s20, $0xb8;
	[tilespmem:$0x1D000] =	vst v63  }
0x31f: {  	_ =	swait.ge [sflag:s18], $0x4000  }
0x320: {  	s10 =	smov.u32 s11;
	[sflag:s18] =	ssyncset.done $0x0  }
0x321: {  	s10 =	sadd.s32 s9, s16;
	[sflag:s18] =	ssyncadd.s32 $0xFFFFC000  }
0x322: {  	[tilespmem:s3], [sflag:$0x3] =	stream.linear.gather [hbm4b:s10+s3], $0x800, $0x38;
	[tilespmem:$0x1D000] =	vst v63  }
0x323: {  	_ =	swait.ge [sflag:s18], $0x800  }
0x324: {  	[sflag:s18] =	ssyncset.done $0x0  }
0x325: {  	s11 =	sadd.s32 s9, s15;
	[sflag:s18] =	ssyncadd.s32 $0xFFFFF800  }
0x326: {  	[tilespmem:s19], [sflag:$0x3] =	stream.linear.gather [hbm4b:s11+s3], $0x800, $0x38;
	[tilespmem:$0x1D000] =	vst v63  }
0x327: {  	_ =	swait.ge [sflag:s18], $0x800  }
0x328: {  	[sflag:s18] =	ssyncset.done $0x0  }
0x329: {  	[sflag:s18] =	ssyncadd.s32 $0xFFFFF800  }
0x32a: {  	[tilespmem:s17], [sflag:$0x1] =	stream.indirect.gather [hbm4b:s4+s20], $0x80, s3, s20, $0xb8;
	[tilespmem:$0x1D000] =	vst v63  }
0x32b: {  	_ = 	snop  }
0x32c: {  	[tilespmem:s21], [sflag:$0x2] =	stream.indirect.gather [hbm4b:s4+s20], $0x80, s20, s20, $0xb8;
	[tilespmem:$0x1D000] =	vst v63  }
0x32d: {  	_ =	swait.ge [sflag:s22], $0x4000  }
0x32e: {  	[sflag:s22] =	ssyncset.done $0x0  }
0x32f: {  	[sflag:s22] =	ssyncadd.s32 $0xFFFFC000  }
0x330: {  	[spmem:s1] =	stream.indirect.scatter.add.f32 [tilespmem:s17], [sflag:$0x3], $0x80, s19, s20, $0xb8;
	[tilespmem:$0x1D000] =	vst v63  }
0x331: {  	_ =	swait.ge [sflag:s18], $0x4000  }
0x332: {  	[sflag:s18] =	ssyncset.done $0x0  }
0x333: {  	[sflag:s18] =	ssyncadd.s32 $0xFFFFC000  }
0x334: {  	[tilespmem:s17], [sflag:$0x1] =	stream.indirect.gather [hbm4b:s4+s20], $0x80, s13, s20, $0xb8;
	[tilespmem:$0x1D000] =	vst v63  }
0x335: {  	_ =	swait.ge [sflag:s24], $0x4000  }
0x336: {  	[sflag:s24] =	ssyncset.done $0x0  }
0x337: {  	[sflag:s24] =	ssyncadd.s32 $0xFFFFC000  }
0x338: {  	[spmem:s1] =	stream.indirect.scatter.add.f32 [tilespmem:s21], [sflag:$0x3], $0x80, s12, s20, $0xb8;
	[tilespmem:$0x1D000] =	vst v63  }
0x339: {  	_ =	swait.ge [sflag:s18], $0x4000  }
0x33a: {  	[sflag:s18] =	ssyncset.done $0x0  }
0x33b: {  	[sflag:s18] =	ssyncadd.s32 $0xFFFFC000  }
0x33c: {  	[tilespmem:s21], [sflag:$0x2] =	stream.indirect.gather [hbm4b:s4+s20], $0x80, s14, s20, $0xb8;
	[tilespmem:$0x1D000] =	vst v63  }
0x33d: {  	_ =	swait.ge [sflag:s22], $0x4000  }
0x33e: {  	[sflag:s22] =	ssyncset.done $0x0  }
0x33f: {  	[sflag:s22] =	ssyncadd.s32 $0xFFFFC000  }
0x340: {  	[spmem:s1] =	stream.indirect.scatter.add.f32 [tilespmem:s17], [sflag:$0x3], $0x80, s8, s20, $0xb8;
	[tilespmem:$0x1D000] =	vst v63  }
0x341: {  	_ =	swait.ge [sflag:s18], $0x4000  }
0x342: {  	[sflag:s18] =	ssyncset.done $0x0  }
0x343: {  	[sflag:s18] =	ssyncadd.s32 $0xFFFFC000  }
0x344: {  	[tilespmem:s17], [sflag:$0x1] =	stream.indirect.gather [hbm4b:s4+s20], $0x80, s23, s20, $0xb8;
	[tilespmem:$0x1D000] =	vst v63  }
0x345: {  	_ =	swait.ge [sflag:s24], $0x4000  }
0x346: {  	[sflag:s24] =	ssyncset.done $0x0  }
0x347: {  	[sflag:s24] =	ssyncadd.s32 $0xFFFFC000  }
0x348: {  	[spmem:s1] =	stream.indirect.scatter.add.f32 [tilespmem:s21], [sflag:$0x3], $0x80, s25, s20, $0xb8;
	[tilespmem:$0x1D000] =	vst v63  }
0x349: {  	_ =	swait.ge [sflag:s18], $0x4000  }
0x34a: {  	[sflag:s18] =	ssyncset.done $0x0  }
0x34b: {  	[sflag:s18] =	ssyncadd.s32 $0xFFFFC000  }
0x34c: {  	[tilespmem:s21], [sflag:$0x2] =	stream.indirect.gather [hbm4b:s4+s20], $0x80, s26, s20, $0xb8;
	[tilespmem:$0x1D000] =	vst v63  }
0x34d: {  	_ =	swait.ge [sflag:s22], $0x4000  }
0x34e: {  	[sflag:s22] =	ssyncset.done $0x0  }
0x34f: {  	[sflag:s22] =	ssyncadd.s32 $0xFFFFC000  }
0x350: {  	[spmem:s1] =	stream.indirect.scatter.add.f32 [tilespmem:s17], [sflag:$0x3], $0x80, s28, s20, $0xb8;
	[tilespmem:$0x1D000] =	vst v63  }
0x351: {  	_ =	swait.ge [sflag:s18], $0x4000  }
0x352: {  	[sflag:s18] =	ssyncset.done $0x0  }
0x353: {  	[sflag:s18] =	ssyncadd.s32 $0xFFFFC000  }
0x354: {  	[tilespmem:s17], [sflag:$0x1] =	stream.indirect.gather [hbm4b:s4+s20], $0x80, s29, s20, $0xb8;
	[tilespmem:$0x1D000] =	vst v63  }
0x355: {  	_ =	swait.ge [sflag:s24], $0x4000  }
0x356: {  	[sflag:s24] =	ssyncset.done $0x0  }
0x357: {  	[sflag:s24] =	ssyncadd.s32 $0xFFFFC000  }
0x358: {  	[spmem:s1] =	stream.indirect.scatter.add.f32 [tilespmem:s21], [sflag:$0x3], $0x80, s30, s20, $0xb8;
	[tilespmem:$0x1D000] =	vst v63  }
0x359: {  	_ =	swait.ge [sflag:s18], $0x4000  }
0x35a: {  	[sflag:s18] =	ssyncset.done $0x0  }
0x35b: {  	[sflag:s18] =	ssyncadd.s32 $0xFFFFC000  }
0x35c: {  	[tilespmem:s21], [sflag:$0x2] =	stream.indirect.gather [hbm4b:s4+s20], $0x80, s31, s20, $0xb8;
	[tilespmem:$0x1D000] =	vst v63  }
0x35d: {  	_ =	swait.ge [sflag:s22], $0x4000  }
0x35e: {  	[sflag:s22] =	ssyncset.done $0x0  }
0x35f: {  	[sflag:s22] =	ssyncadd.s32 $0xFFFFC000  }
0x360: {  	[spmem:s1] =	stream.indirect.scatter.add.f32 [tilespmem:s17], [sflag:$0x3], $0x80, s0, s20, $0xb8;
	[tilespmem:$0x1D000] =	vst v63  }
0x361: {  	_ =	swait.ge [sflag:s18], $0x4000  }
0x362: {  	[sflag:s18] =	ssyncset.done $0x0  }
0x363: {  	[sflag:s18] =	ssyncadd.s32 $0xFFFFC000  }
0x364: {  	[tilespmem:s17], [sflag:$0x1] =	stream.indirect.gather [hbm4b:s4+s20], $0x80, s6, s20, $0xb8;
	[tilespmem:$0x1D000] =	vst v63  }
0x365: {  	_ =	swait.ge [sflag:s24], $0x4000  }
0x366: {  	[sflag:s24] =	ssyncset.done $0x0  }
0x367: {  	[sflag:s24] =	ssyncadd.s32 $0xFFFFC000  }
0x368: {  	[spmem:s1] =	stream.indirect.scatter.add.f32 [tilespmem:s21], [sflag:$0x3], $0x80, s7, s20, $0xb8;
	[tilespmem:$0x1D000] =	vst v63  }
0x369: {  	_ =	swait.ge [sflag:s18], $0x4000  }
0x36a: {  	[sflag:s18] =	ssyncset.done $0x0  }
0x36b: {  	[sflag:s18] =	ssyncadd.s32 $0xFFFFC000  }
0x36c: {  	[tilespmem:s21], [sflag:$0x2] =	stream.indirect.gather [hbm4b:s4+s20], $0x80, s2, s20, $0xb8;
	[tilespmem:$0x1D000] =	vst v63  }
0x36d: {  	_ =	swait.ge [sflag:s22], $0x4000  }
0x36e: {  	[sflag:s22] =	ssyncset.done $0x0  }
0x36f: {  	s25 =	simm.s32 $0xC00;
	[sflag:s22] =	ssyncadd.s32 $0xFFFFC000  }
0x370: {  	[spmem:s1] =	stream.indirect.scatter.add.f32 [tilespmem:s17], [sflag:$0x3], $0x80, s25, s20, $0xb8;
	[tilespmem:$0x1D000] =	vst v63  }
0x371: {  	_ =	swait.ge [sflag:s18], $0x4000  }
0x372: {  	[sflag:s18] =	ssyncset.done $0x0  }
0x373: {  	s26 =	simm.s32 $0x500;
	[sflag:s18] =	ssyncadd.s32 $0xFFFFC000  }
0x374: {  	[tilespmem:s17], [sflag:$0x1] =	stream.indirect.gather [hbm4b:s4+s20], $0x80, s26, s20, $0xb8;
	[tilespmem:$0x1D000] =	vst v63  }
0x375: {  	_ =	swait.ge [sflag:s24], $0x4000  }
0x376: {  	[sflag:s24] =	ssyncset.done $0x0  }
0x377: {  	s2 =	simm.s32 $0xC80;
	[sflag:s24] =	ssyncadd.s32 $0xFFFFC000  }
0x378: {  	[spmem:s1] =	stream.indirect.scatter.add.f32 [tilespmem:s21], [sflag:$0x3], $0x80, s2, s20, $0xb8;
	[tilespmem:$0x1D000] =	vst v63  }
0x379: {  	_ =	swait.ge [sflag:s18], $0x4000  }
0x37a: {  	[sflag:s18] =	ssyncset.done $0x0  }
0x37b: {  	s6 =	simm.s32 $0x580;
	[sflag:s18] =	ssyncadd.s32 $0xFFFFC000  }
0x37c: {  	[tilespmem:s21], [sflag:$0x2] =	stream.indirect.gather [hbm4b:s4+s20], $0x80, s6, s20, $0xb8;
	[tilespmem:$0x1D000] =	vst v63  }
0x37d: {  	_ =	swait.ge [sflag:s22], $0x4000  }
0x37e: {  	[sflag:s22] =	ssyncset.done $0x0  }
0x37f: {  	s7 =	simm.s32 $0xD00;
	[sflag:s22] =	ssyncadd.s32 $0xFFFFC000  }
0x380: {  	[spmem:s1] =	stream.indirect.scatter.add.f32 [tilespmem:s17], [sflag:$0x3], $0x80, s7, s20, $0xb8;
	[tilespmem:$0x1D000] =	vst v63  }
0x381: {  	_ =	swait.ge [sflag:s18], $0x4000  }
0x382: {  	[sflag:s18] =	ssyncset.done $0x0  }
0x383: {  	s8 =	simm.s32 $0x600;
	[sflag:s18] =	ssyncadd.s32 $0xFFFFC000  }
0x384: {  	[tilespmem:s17], [sflag:$0x1] =	stream.indirect.gather [hbm4b:s4+s20], $0x80, s8, s20, $0xb8;
	[tilespmem:$0x1D000] =	vst v63  }
0x385: {  	_ =	swait.ge [sflag:s24], $0x4000  }
0x386: {  	[sflag:s24] =	ssyncset.done $0x0  }
0x387: {  	s9 =	simm.s32 $0xD80;
	[sflag:s24] =	ssyncadd.s32 $0xFFFFC000  }
0x388: {  	[spmem:s1] =	stream.indirect.scatter.add.f32 [tilespmem:s21], [sflag:$0x3], $0x80, s9, s20, $0xb8;
	[tilespmem:$0x1D000] =	vst v63  }
0x389: {  	_ =	swait.ge [sflag:s18], $0x4000  }
0x38a: {  	[sflag:s18] =	ssyncset.done $0x0  }
0x38b: {  	s10 =	simm.s32 $0x680;
	[sflag:s18] =	ssyncadd.s32 $0xFFFFC000  }
0x38c: {  	[tilespmem:s21], [sflag:$0x2] =	stream.indirect.gather [hbm4b:s4+s20], $0x80, s10, s20, $0xb8;
	[tilespmem:$0x1D000] =	vst v63  }
0x38d: {  	_ =	swait.ge [sflag:s22], $0x4000  }
0x38e: {  	[sflag:s22] =	ssyncset.done $0x0  }
0x38f: {  	s11 =	simm.s32 $0xE00;
	[sflag:s22] =	ssyncadd.s32 $0xFFFFC000  }
0x390: {  	[spmem:s1] =	stream.indirect.scatter.add.f32 [tilespmem:s17], [sflag:$0x3], $0x80, s11, s20, $0xb8;
	[tilespmem:$0x1D000] =	vst v63  }
0x391: {  	_ =	swait.ge [sflag:s18], $0x4000  }
0x392: {  	[sflag:s18] =	ssyncset.done $0x0  }
0x393: {  	s12 =	simm.s32 $0x700;
	[sflag:s18] =	ssyncadd.s32 $0xFFFFC000  }
0x394: {  	[tilespmem:s17], [sflag:$0x1] =	stream.indirect.gather [hbm4b:s4+s20], $0x80, s12, s20, $0xb8;
	[tilespmem:$0x1D000] =	vst v63  }
0x395: {  	_ =	swait.ge [sflag:s24], $0x4000  }
0x396: {  	[sflag:s24] =	ssyncset.done $0x0  }
0x397: {  	s14 =	simm.s32 $0xE80;
	[sflag:s24] =	ssyncadd.s32 $0xFFFFC000  }
0x398: {  	[spmem:s1] =	stream.indirect.scatter.add.f32 [tilespmem:s21], [sflag:$0x3], $0x80, s14, s20, $0xb8;
	[tilespmem:$0x1D000] =	vst v63  }
0x399: {  	_ =	swait.ge [sflag:s18], $0x4000  }
0x39a: {  	[sflag:s18] =	ssyncset.done $0x0  }
0x39b: {  	s23 =	simm.s32 $0x780;
	[sflag:s18] =	ssyncadd.s32 $0xFFFFC000  }
0x39c: {  	[tilespmem:s21], [sflag:$0x2] =	stream.indirect.gather [hbm4b:s4+s20], $0x80, s23, s20, $0xb8;
	[tilespmem:$0x1D000] =	vst v63  }
0x39d: {  	_ =	swait.ge [sflag:s22], $0x4000  }
0x39e: {  	[sflag:s22] =	ssyncset.done $0x0  }
0x39f: {  	s25 =	simm.s32 $0xF00;
	[sflag:s22] =	ssyncadd.s32 $0xFFFFC000  }
0x3a0: {  	[spmem:s1] =	stream.indirect.scatter.add.f32 [tilespmem:s17], [sflag:$0x3], $0x80, s25, s20, $0xb8;
	[tilespmem:$0x1D000] =	vst v63  }
0x3a1: {  	_ =	swait.ge [sflag:s18], $0x4000  }
0x3a2: {  	s28 =	simm.s32 $0x300;
	s29 =	simm.s32 $0xA80;
	[sflag:s18] =	ssyncset.done $0x0  }
0x3a3: {  	s30 =	simm.s32 $0x380;
	s0 =	simm.s32 $0xB00;
	[sflag:s18] =	ssyncadd.s32 $0xFFFFC000  }
0x3a4: {  	s26 =	simm.s32 $0xF80;
	s2 =	simm.s32 $0x480;
	_ =	swait.ge [sflag:s24], $0x4000  }
0x3a5: {  	s6 =	simm.s32 $0x400;
	s7 =	simm.s32 $0xB80;
	[sflag:s24] =	ssyncset.done $0x0  }
.Ltmp8:
0x3a6: {  	s8 =	simm.s32 $0x900;
	[sflag:s24] =	ssyncadd.s32 $0xFFFFC000;
	(pc) =	sbr.rel .LBB2_10-.Ltmp8, $4  }
0x3a7: {  	[spmem:s1] =	stream.indirect.scatter.add.f32 [tilespmem:s21], [sflag:$0x3], $0x80, s26, s20, $0xb8;
	[tilespmem:$0x1D000] =	vst v63  }
0x3a8: {  	s14 =	simm.s32 $0x200;
	s23 =	simm.s32 $0x980;
	_ =	swait.ge [sflag:s18], $0x4000  }
0x3a9: {  	s25 =	simm.s32 $0x280;
	[sflag:s18] =	ssyncset.done $0x0;
	s9 =	rddreg [dreg:$0x4]  }
0x3aa: {  	s26 =	simm.s32 $0xA00;
	s31 =	rddreg [dreg:$0xd];
	[sflag:s18] =	ssyncadd.s32 $0xFFFFC000  }
.LBB2_11:
0x3ab: {  	_ =	sfence.sel $0x180000  }
0x3ac: {  	[bflag:$0x0] =	sbarrier.arrive $0xFFFF  }
0x3ad: {  	_ =	strace $0x9000004A  }
0x3ae: {  	s0 =	stileid.u32;
	[bflag:$0x2] =	sbarrier.arrive $0xFFFF  }
0x3af: {  	p0 =	sne.s32 s0, $0x0;
	s0 =	rddreg [dreg:$0x3]  }
0x3b0: {  	s0 =	sadd.s32 @!p0 $0x100000, s0  }
0x3b1: {  	[sflag:s0] =	ssyncadd.tile.s32 @!p0 $0x1;
	_ =	shalt  }
.Lfunc_end2:
_tile_overlayer_lowered:
.L_overlay_start_2:
0x3b2: {  	(tag) =	ssettag $0x2  }
0x3b3: {  	s0 =	rddreg [dreg:$0x0];
	s2 =	stileid.u32  }
0x3b4: {  	s1 =	rddreg [dreg:$0x1];
	p0 =	sne.s32 s2, $0x0  }
0x3b5: {  	s3 =	rddreg [dreg:$0x2];
	[bflag:$0x3] =	sbarrier.arrive $0xFFFF;
	s2 =	simm.s32 @!p0 $0x1C03  }
0x3b6: {  	[timem:s3], [sflag:s2] =	dma.local @!p0 [hbm:s0], s1  }
0x3b7: {  	s0 =	simm.s32 @!p0 $0x3  }
0x3b8: {  	_ =	swait.ge @!p0 [sflag:s0], s1  }
0x3b9: {  	s1 =	ssub.s32 @!p0 $0x0, s1;
	[sflag:s0] =	ssyncset.done @!p0 $0x0  }
0x3ba: {  	[sflag:s0] =	ssyncadd.s32 @!p0 s1  }
0x3bb: {  	[bflag:$0x3] =	sbarrier.arrive $0xFFFF  }
0x3bc: {  	_ =	shalt  }

// kernel: kernel.14.cloned.1.call-start
scs
__scs_entry_jumppad:
0x0: {  	(pc) =	sbr.rel $0x88, $3  }
0x1: {  	(tag) =	ssettag $0x0;
	lr =	simm.s32 $0x1  }
0x2: {  	[smem:$0x3F9D] =	sst lr;
	_ =	strace $0xD0000000  }
0x3: {  	_ = 	snop  }
0x4: {  	_ = 	snop  }
0x5: {  	_ = 	snop  }
0x6: {  	_ = 	snop  }
0x7: {  	_ = 	snop  }
__scs_overlays_trampoline_lowered:
0x8: {  	[smem:$0x3FAC] =	sst s0  }
0x9: {  	[smem:$0x3FAD] =	sst s1  }
0xa: {  	[smem:$0x3FAE] =	sst s2  }
0xb: {  	[smem:$0x3FAF] =	sst s3  }
0xc: {  	[smem:$0x3FB0] =	sst s4  }
0xd: {  	[smem:$0x3FB1] =	sst s5  }
0xe: {  	[smem:$0x3FB2] =	sst s6  }
0xf: {  	[smem:$0x3FB3] =	sst s7  }
0x10: {  	[smem:$0x3FB4] =	sst s8  }
0x11: {  	[smem:$0x3FB5] =	sst s9;
	s0 =	simm.s32 @!p0 $0x0  }
0x12: {  	s1 =	sld [smem:$0x3F9B];
	s0 =	simm.s32 @p0 $0x1  }
0x13: {  	[smem:$0x3FB6] =	sst s0;
	s0 =	simm.s32 @!p1 $0x0  }
0x14: {  	s2 =	sld [smem:$0x3F9A];
	s0 =	simm.s32 @p1 $0x1  }
0x15: {  	[smem:$0x3FB7] =	sst s0;
	s0 =	simm.s32 @!p2 $0x0  }
0x16: {  	s3 =	sld [smem:$0x3FDB];
	s0 =	simm.s32 @p2 $0x1  }
0x17: {  	s4 =	simm.s32 $0x1BF5;
	[smem:$0x3FB9] =	sst s0  }
0x18: {  	s0 =	sld [smem:$0x3F9C];
	_ =	swait.ge [sflag:s4], $0x0  }
0x19: {  	s7 =	sld [smem:$0x3F9D]  }
0x1a: {  	s8 =	sadd.s32 $0xFFFFE003, lr  }
0x1b: {  	s9 =	sadd.s32 $0xFFFFFEF7, lr;
	s5 =	simm.s32 $0xFFFFFFFF;
	p2 =	slt.u32 s8, $0xFFFFF086  }
0x1c: {  	p1 =	slt.u32 s9, $0xF7A;
	s5 =	simm.s32 @!p2 $0x0  }
0x1d: {  	s5 =	simm.s32 @p1 $0x1;
	p0 =	seq.s32 s7, s2  }
0x1e: {  	s7 =	smul.u32 @!p0 $0xF7A, s2;
	p2 =	seq.s32 @!p0 s5, $0x0  }
0x1f: {  	s9 =	smul.u32 $0xF7A, s1;
	s8 =	simm.s32 @!p0 $0x1BF5;
	p2 =	por !p2, p0  }
0x20: {  	[sflag:s8] =	ssyncset.s32 @!p0 $0xFFFFF086;
	s6 =	sadd.s32 @!p0 s3, s7;
	s7 =	simm.s32 @!p0 $0x108  }
0x21: {  	s3 =	sadd.s32 s3, s9;
	s6 =	sadd.s32 @!p0 $0x88, s6;
	s7 =	simm.s32 @p2 $0x1082  }
0x22: {  	[simem:s7], [sflag:s8] =	dma.local @!p0 [hbm:s6], $0xF7A  }
0x23: {  	s9 =	sor.u32 $0xD0000000, s2;
	s6 =	simm.s32 $0x108;
	_ =	swait.ge @!p0 [sflag:s8], $0x0  }
0x24: {  	s3 =	sadd.s32 $0x88, s3;
	s6 =	simm.s32 @!p1 $0x1082;
	[sflag:s4] =	ssyncset.s32 $0xFFFFF086  }
0x25: {  	[simem:s6], [sflag:s4] =	dma.local [hbm:s3], $0xF7A  }
0x26: {  	[smem:$0x3F9D] =	sst s1;
	(tag) =	ssettag s2;
	_ =	strace s9  }
0x27: {  	s1 =	sld [smem:$0x3FAD]  }
0x28: {  	s2 =	sld [smem:$0x3FAE]  }
0x29: {  	s4 =	sld [smem:$0x3FB0]  }
0x2a: {  	p0 =	seq.s32 s5, $0x0;
	s5 =	sld [smem:$0x3FB1]  }
0x2b: {  	s6 =	sld [smem:$0x3FB2]  }
0x2c: {  	s7 =	sld [smem:$0x3FB3]  }
0x2d: {  	s3 =	simm.s32 $0x108;
	s8 =	sld [smem:$0x3FB4]  }
0x2e: {  	s3 =	simm.s32 @!p0 $0x1082;
	s9 =	sld [smem:$0x3FB5]  }
0x2f: {  	lr =	sadd.s32 s0, s3;
	s0 =	sld [smem:$0x3FAC]  }
0x30: {  	s3 =	sld [smem:$0x3FAF]  }
0x31: {  	[smem:$0x3FB8] =	sst s10  }
0x32: {  	s10 =	sld [smem:$0x3FB6];
	_ =	sdelay $0x3  }
0x33: {  	p0 =	seq.s32 s10, $0x1;
	s10 =	sld [smem:$0x3FB8];
	_ =	sdelay $0x3  }
0x34: {  	[smem:$0x3FB8] =	sst s10  }
0x35: {  	s10 =	sld [smem:$0x3FB7];
	_ =	sdelay $0x3  }
0x36: {  	p1 =	seq.s32 s10, $0x1;
	s10 =	sld [smem:$0x3FB8];
	_ =	sdelay $0x3  }
0x37: {  	[smem:$0x3FB8] =	sst s10  }
0x38: {  	s10 =	sld [smem:$0x3FB9]  }
0x39: {  	_ = 	snop;
	(pc) =	sbr.ind lr, $3  }
0x3a: {  	_ = 	snop  }
0x3b: {  	_ = 	snop  }
0x3c: {  	p2 =	seq.s32 s10, $0x1;
	s10 =	sld [smem:$0x3FB8]  }
0x3d: {  	_ =	shalt  }
0x3e: {  	_ =	shalt  }
0x3f: {  	_ =	shalt  }
0x40: {  	_ =	shalt  }
0x41: {  	_ =	shalt  }
0x42: {  	_ =	shalt  }
0x43: {  	_ =	shalt  }
0x44: {  	_ =	shalt  }
0x45: {  	_ =	shalt  }
0x46: {  	_ =	shalt  }
0x47: {  	_ =	shalt  }
0x48: {  	_ =	shalt  }
0x49: {  	_ =	shalt  }
0x4a: {  	_ =	shalt  }
0x4b: {  	_ =	shalt  }
0x4c: {  	_ =	shalt  }
0x4d: {  	_ =	shalt  }
0x4e: {  	_ =	shalt  }
0x4f: {  	_ =	shalt  }
0x50: {  	_ =	shalt  }
0x51: {  	_ =	shalt  }
0x52: {  	_ =	shalt  }
0x53: {  	_ =	shalt  }
0x54: {  	_ =	shalt  }
0x55: {  	_ =	shalt  }
0x56: {  	_ =	shalt  }
0x57: {  	_ =	shalt  }
0x58: {  	_ =	shalt  }
0x59: {  	_ =	shalt  }
0x5a: {  	_ =	shalt  }
0x5b: {  	_ =	shalt  }
0x5c: {  	_ =	shalt  }
0x5d: {  	_ =	shalt  }
0x5e: {  	_ =	shalt  }
0x5f: {  	_ =	shalt  }
0x60: {  	_ =	shalt  }
0x61: {  	_ =	shalt  }
0x62: {  	_ =	shalt  }
0x63: {  	_ =	shalt  }
0x64: {  	_ =	shalt  }
0x65: {  	_ =	shalt  }
0x66: {  	_ =	shalt  }
0x67: {  	_ =	shalt  }
0x68: {  	_ =	shalt  }
0x69: {  	_ =	shalt  }
0x6a: {  	_ =	shalt  }
0x6b: {  	_ =	shalt  }
0x6c: {  	_ =	shalt  }
0x6d: {  	_ =	shalt  }
0x6e: {  	_ =	shalt  }
0x6f: {  	_ =	shalt  }
0x70: {  	_ =	shalt  }
0x71: {  	_ =	shalt  }
0x72: {  	_ =	shalt  }
0x73: {  	_ =	shalt  }
0x74: {  	_ =	shalt  }
0x75: {  	_ =	shalt  }
0x76: {  	_ =	shalt  }
0x77: {  	_ =	shalt  }
0x78: {  	_ =	shalt  }
0x79: {  	_ =	shalt  }
0x7a: {  	_ =	shalt  }
0x7b: {  	_ =	shalt  }
0x7c: {  	_ =	shalt  }
0x7d: {  	_ =	shalt  }
0x7e: {  	_ =	shalt  }
0x7f: {  	_ =	shalt  }
0x80: {  	_ =	shalt  }
0x81: {  	_ =	shalt  }
0x82: {  	_ =	shalt  }
0x83: {  	_ =	shalt  }
0x84: {  	_ =	shalt  }
0x85: {  	_ =	shalt  }
0x86: {  	_ =	shalt  }
0x87: {  	_ =	shalt  }
.Lfunc_end0:
.L_simem_size_0:
called_computation.2_lowered:
.L_overlay_start_0:
0x88: {  	s2 =	sld [smem:$0x3FD9]  }
0x89: {  	s3 =	sld [smem:$0x3FFE];
	_ =	sdelay $0x1  }
0x8a: {  	s1 =	srdreg.scid  }
0x8b: {  	s0 =	sand.u32 $0x1, s1  }
0x8c: {  	s17 =	sshll.u32 s0, $0xA;
	s2 =	sadd.s32 s3, s2  }
0x8d: {  	s2 =	sadd.s32 s2, s17  }
0x8e: {  	[smem:$0x3FC4] =	sst s2  }
0x8f: {  	_ = 	snop  }
0x90: {  	s2 =	sld [smem:$0x3FD0];
	(tm) =	ssettm $0x1  }
0x91: {  	s18 =	sld [smem:$0x3FFB];
	_ =	sdelay $0x3  }
0x92: {  	_ =	strace s18  }
0x93: {  	s3 =	sld [smem:$0x3FFC];
	_ =	sdelay $0x3  }
0x94: {  	_ =	strace s3  }
0x95: {  	s3 =	sld [smem:$0x3FFD];
	_ =	sdelay $0x3  }
0x96: {  	_ =	strace s3  }
0x97: {  	_ =	strace $0x8FFFFFFF  }
0x98: {  	s19 =	sld [smem:$0x3FDB];
	_ =	sdelay $0x1  }
0x99: {  	s4 =	simm.s32 $_scs_section_size  }
0x9a: {  	s5 =	simm.s32 $_size__tile_overlayer_lowered;
	s6 =	simm.s32 $_tile_overlayer_lowered  }
0x9b: {  	s22 =	simm.s32 $0x1BFF;
	s21 =	sshll.u32 s6, $0x1;
	s3 =	sadd.s32 s4, s19  }
0x9c: {  	s7 =	simm.s32 $0x0;
	s20 =	sshll.u32 s5, $0x1;
	s5 =	sadd.s32 s21, s3  }
0x9d: {  	[timem:s7], [sflag:s22] =	dma.local [hbm:s5], s20  }
0x9e: {  	_ =	swait.ge [sflag:s22], s20  }
0x9f: {  	s4 =	ssub.s32 $0x0, s20;
	[sflag:s22] =	ssyncset.done $0x0  }
0xa0: {  	[sflag:s22] =	ssyncadd.s32 s4;
	_ =	sdelay $0x1  }
0xa1: {  	s23 =	simm.s32 $0x1B8B  }
0xa2: {  	_ =	swait.ge [sflag:s23], $0x1  }
0xa3: {  	[sflag:s23] =	ssyncset.done $0x0  }
0xa4: {  	s25 =	simm.s32 $0x1B8E;
	s24 =	sld [smem:$0x3FFE];
	[sflag:s23] =	ssyncadd.s32 $0xFFFFFFFF  }
0xa5: {  	s26 =	simm.s32 $execute0_lowered;
	[smem:$0x3FD2] =	sst s25  }
0xa6: {  	s5 =	sshll.u32 s26, $0x1;
	_ =	strace $0x8000004C;
	[dreg:$0x1] =	wrdreg $0xFFFFFFFF  }
0xa7: {  	s28 =	simm.s32 $_size_execute0_lowered;
	s3 =	sadd.s32 s3, s5;
	[dreg:$0x0] =	wrdreg $0x0  }
0xa8: {  	s5 =	sshll.u32 s28, $0x1;
	[dreg:$0x2] =	wrdreg s3  }
0xa9: {  	[dreg:$0x3] =	wrdreg s5  }
0xaa: {  	[dreg:$0x4] =	wrdreg $0xC0  }
0xab: {  	_ =	task [dreg:s7], $0x5FFFF  }
0xac: {  	[dreg:$0x1] =	wrdreg $0xFFFFFFFF  }
0xad: {  	[dreg:$0x0] =	wrdreg $0x60  }
0xae: {  	[dreg:$0x2] =	wrdreg s24  }
0xaf: {  	[dreg:$0x3] =	wrdreg s2  }
0xb0: {  	[dreg:$0x4] =	wrdreg $0x90000  }
0xb1: {  	[dreg:$0x5] =	wrdreg $0x9  }
0xb2: {  	_ =	task.clear_ibuf [dreg:s7], $0x6FFFF;
	_ =	strace $0x9000004C  }
0xb3: {  	s29 =	simm.s32 $0x9;
	_ =	strace $0x8000004E  }
0xb4: {  	_ =	swait.ge [sflag:s29], $0x1  }
0xb5: {  	[sflag:s29] =	ssyncadd.s32 $0xFFFFFFFF  }
0xb6: {  	_ =	strace $0x9000004E  }
0xb7: {  	_ =	sfence  }
0xb8: {  	s30 =	sld [smem:$0x0];
	_ =	sdelay $0x2  }
0xb9: {  	s31 =	sshll.u32 s1, $0xD;
	s1 =	sshrl.u32 s1, $0x2  }
0xba: {  	s3 =	sand.u32 $0x4000, s31;
	s1 =	sadd.s32 s1, s30  }
0xbb: {  	s0 =	sor.u32 s3, s0;
	s1 =	sshll.u32 s1, $0x11  }
0xbc: {  	s0 =	sor.u32 s1, s0  }
0xbd: {  	s0 =	sadd.s32 $0x8F2B, s0  }
0xbe: {  	[sflag:s0] =	ssyncadd.remote.s32 $0x1  }
0xbf: {  	_ =	sfence.sel $0xFFFF  }
0xc0: {  	[dreg:$0x0] =	wrdreg $0xFFFFFFFF;
	(pc) =	sbr.abs _section_cstart, $3  }
0xc1: {  	[dreg:$0x1] =	wrdreg $0xFFFFFFFF  }
0xc2: {  	_ =	task.clear_ibuf [dreg:s7], $0x2FFFF;
	_ =	strace $0x9FFFFFFF  }
0xc3: {  	(tm) =	ssettm $0x7FFFFFFF  }
tec
execute0_lowered:
.L_overlay_start_1:
0x0: {  	(tag) =	ssettag $0x1  }
0x1: {  	s0 =	rddreg [dreg:$0x0]  }
0x2: {  	s2 =	rddreg [dreg:$0x1]  }
0x3: {  	s1 =	rddreg [dreg:$0x2];
	s3 =	simm.s32 $0x0;
	s11 =	stileid.u32  }
0x4: {  	s7 =	srdreg.scid;
	s17 =	simm.s32 $0x1000;
	s18 =	simm.s32 $0x3  }
0x5: {  	s19 =	simm.s32 $0x800;
	s13 =	simm.s32 $0x100;
	s14 =	simm.s32 $0x200  }
0x6: {  	s28 =	simm.s32 $0x300;
	s29 =	simm.s32 $0xA80;
	s30 =	simm.s32 $0x380  }
0x7: {  	s31 =	simm.s32 $0x0;
	[smem:$0x7FF] =	sst s3;
	s6 =	smul.u32 $0xA00, s11  }
0x8: {  	s4 =	sadd.s32 $0x5DE00, s0;
	s5 =	sadd.s32 $0x85E00, s0;
	s8 =	smul.u32 $0x50000, s11  }
0x9: {  	s7 =	sand.u32 $0x1, s7;
	s10 =	sadd.s32 $0xADE00, s0;
	s26 =	smul.u32 $0x2800, s11  }
0xa: {  	s11 =	simm.s32 $0x180;
	_ =	strace $0x8000004D;
	[dreg:$0x4] =	wrdreg s10  }
0xb: {  	s20 =	ssub.s32 $0x2, s7;
	p0 =	seq.s32 s7, $0x1;
	s7 =	simm.s32 $0xB80  }
0xc: {  	s9 =	sadd.s32 s6, s0;
	s0 =	sadd.s32 $0xFDE00, s0;
	s21 =	sshrl.u32 s20, $0x1  }
0xd: {  	s8 =	sshrl.u32 s8, $0x2;
	[dreg:$0xb] =	wrdreg s26;
	s16 =	sadd.s32 s6, s2  }
0xe: {  	s26 =	simm.s32 $0xA00;
	s6 =	simm.s32 $0x400;
	s2 =	simm.s32 $0x480  }
0xf: {  	[dreg:$0x5] =	wrdreg s0;
	s0 =	ssub.s32 s20, s21;
	s12 =	sadd.s32 s8, s1  }
0x10: {  	s15 =	sadd.s32 $0x3200, s9;
	s22 =	sadd.s32 $0x4000, s12;
	[dreg:$0x6] =	wrdreg s12  }
0x11: {  	s20 =	simm.s32 $0x80;
	s23 =	sadd.s32 $0x8000, s12;
	[dreg:$0x7] =	wrdreg s22  }
.Ltmp0:
0x12: {  	s24 =	sadd.s32 $0xC000, s12;
	[dreg:$0x8] =	wrdreg s23;
	(pc) =	sbr.rel .LBB2_1-.Ltmp0, $4  }
0x13: {  	s21 =	simm.s32 $0x5000;
	s25 =	sadd.s32 $0x10000, s12;
	[dreg:$0x9] =	wrdreg s24  }
0x14: {  	s8 =	simm.s32 $0x900;
	s0 =	smax.u32 s0, $0x1;
	[dreg:$0xa] =	wrdreg s25  }
0x15: {  	[dreg:$0xc] =	wrdreg s0;
	s22 =	simm.s32 $0x1;
	s24 =	simm.s32 $0x2  }
0x16: {  	v0 =	vimm.f32 $0.0e+00;
	s23 =	simm.s32 $0x980;
	s25 =	simm.s32 $0x280;
	s0 =	simm.s32 $0xB00  }
.LBB2_9:
0x17: {  	s10 =	sadd.s32 s9, s15;
	[sflag:s18] =	ssyncadd.s32 $0xFFFFC000  }
0x18: {  	[tilespmem:s3], [sflag:$0x3] =	stream.linear.gather [hbm4b:s10+s3], $0x800, $0x38;
	[tilespmem:$0x1D000] =	vst v63  }
0x19: {  	_ =	swait.ge [sflag:s18], $0x800  }
0x1a: {  	[sflag:s18] =	ssyncset.done $0x0  }
0x1b: {  	s11 =	sadd.s32 s9, s16;
	[sflag:s18] =	ssyncadd.s32 $0xFFFFF800  }
0x1c: {  	[tilespmem:s19], [sflag:$0x3] =	stream.linear.gather [hbm4b:s11+s3], $0x800, $0x38;
	[tilespmem:$0x1D000] =	vst v63  }
0x1d: {  	_ =	swait.ge [sflag:s18], $0x800  }
0x1e: {  	[sflag:s18] =	ssyncset.done $0x0  }
0x1f: {  	[sflag:s18] =	ssyncadd.s32 $0xFFFFF800  }
0x20: {  	[tilespmem:s17], [sflag:$0x1] =	stream.indirect.gather [hbm4b:s5+s20], $0x80, s3, s20, $0xb8;
	[tilespmem:$0x1D000] =	vst v63  }
0x21: {  	_ = 	snop  }
0x22: {  	[tilespmem:s21], [sflag:$0x2] =	stream.indirect.gather [hbm4b:s5+s20], $0x80, s20, s20, $0xb8;
	[tilespmem:$0x1D000] =	vst v63  }
0x23: {  	_ =	swait.ge [sflag:s22], $0x4000  }
0x24: {  	[sflag:s22] =	ssyncset.done $0x0  }
0x25: {  	[sflag:s22] =	ssyncadd.s32 $0xFFFFC000  }
0x26: {  	[spmem:s1] =	stream.indirect.scatter.add.f32 [tilespmem:s17], [sflag:$0x3], $0x80, s19, s20, $0xb8;
	[tilespmem:$0x1D000] =	vst v63  }
0x27: {  	_ =	swait.ge [sflag:s18], $0x4000  }
0x28: {  	[sflag:s18] =	ssyncset.done $0x0  }
0x29: {  	[sflag:s18] =	ssyncadd.s32 $0xFFFFC000  }
0x2a: {  	[tilespmem:s17], [sflag:$0x1] =	stream.indirect.gather [hbm4b:s5+s20], $0x80, s13, s20, $0xb8;
	[tilespmem:$0x1D000] =	vst v63  }
0x2b: {  	_ =	swait.ge [sflag:s24], $0x4000  }
0x2c: {  	[sflag:s24] =	ssyncset.done $0x0  }
0x2d: {  	[sflag:s24] =	ssyncadd.s32 $0xFFFFC000  }
0x2e: {  	[spmem:s1] =	stream.indirect.scatter.add.f32 [tilespmem:s21], [sflag:$0x3], $0x80, s12, s20, $0xb8;
	[tilespmem:$0x1D000] =	vst v63  }
0x2f: {  	_ =	swait.ge [sflag:s18], $0x4000  }
0x30: {  	[sflag:s18] =	ssyncset.done $0x0  }
0x31: {  	[sflag:s18] =	ssyncadd.s32 $0xFFFFC000  }
0x32: {  	[tilespmem:s21], [sflag:$0x2] =	stream.indirect.gather [hbm4b:s5+s20], $0x80, s14, s20, $0xb8;
	[tilespmem:$0x1D000] =	vst v63  }
0x33: {  	_ =	swait.ge [sflag:s22], $0x4000  }
0x34: {  	[sflag:s22] =	ssyncset.done $0x0  }
0x35: {  	[sflag:s22] =	ssyncadd.s32 $0xFFFFC000  }
0x36: {  	[spmem:s1] =	stream.indirect.scatter.add.f32 [tilespmem:s17], [sflag:$0x3], $0x80, s8, s20, $0xb8;
	[tilespmem:$0x1D000] =	vst v63  }
0x37: {  	_ =	swait.ge [sflag:s18], $0x4000  }
0x38: {  	[sflag:s18] =	ssyncset.done $0x0  }
0x39: {  	[sflag:s18] =	ssyncadd.s32 $0xFFFFC000  }
0x3a: {  	[tilespmem:s17], [sflag:$0x1] =	stream.indirect.gather [hbm4b:s5+s20], $0x80, s23, s20, $0xb8;
	[tilespmem:$0x1D000] =	vst v63  }
0x3b: {  	_ =	swait.ge [sflag:s24], $0x4000  }
0x3c: {  	[sflag:s24] =	ssyncset.done $0x0  }
0x3d: {  	[sflag:s24] =	ssyncadd.s32 $0xFFFFC000  }
0x3e: {  	[spmem:s1] =	stream.indirect.scatter.add.f32 [tilespmem:s21], [sflag:$0x3], $0x80, s25, s20, $0xb8;
	[tilespmem:$0x1D000] =	vst v63  }
0x3f: {  	_ =	swait.ge [sflag:s18], $0x4000  }
0x40: {  	[sflag:s18] =	ssyncset.done $0x0  }
0x41: {  	[sflag:s18] =	ssyncadd.s32 $0xFFFFC000  }
0x42: {  	[tilespmem:s21], [sflag:$0x2] =	stream.indirect.gather [hbm4b:s5+s20], $0x80, s26, s20, $0xb8;
	[tilespmem:$0x1D000] =	vst v63  }
0x43: {  	_ =	swait.ge [sflag:s22], $0x4000  }
0x44: {  	[sflag:s22] =	ssyncset.done $0x0  }
0x45: {  	[sflag:s22] =	ssyncadd.s32 $0xFFFFC000  }
0x46: {  	[spmem:s1] =	stream.indirect.scatter.add.f32 [tilespmem:s17], [sflag:$0x3], $0x80, s28, s20, $0xb8;
	[tilespmem:$0x1D000] =	vst v63  }
0x47: {  	_ =	swait.ge [sflag:s18], $0x4000  }
0x48: {  	[sflag:s18] =	ssyncset.done $0x0  }
0x49: {  	[sflag:s18] =	ssyncadd.s32 $0xFFFFC000  }
0x4a: {  	[tilespmem:s17], [sflag:$0x1] =	stream.indirect.gather [hbm4b:s5+s20], $0x80, s29, s20, $0xb8;
	[tilespmem:$0x1D000] =	vst v63  }
0x4b: {  	_ =	swait.ge [sflag:s24], $0x4000  }
0x4c: {  	[sflag:s24] =	ssyncset.done $0x0  }
0x4d: {  	[sflag:s24] =	ssyncadd.s32 $0xFFFFC000  }
0x4e: {  	[spmem:s1] =	stream.indirect.scatter.add.f32 [tilespmem:s21], [sflag:$0x3], $0x80, s30, s20, $0xb8;
	[tilespmem:$0x1D000] =	vst v63  }
0x4f: {  	_ =	swait.ge [sflag:s18], $0x4000  }
0x50: {  	[sflag:s18] =	ssyncset.done $0x0  }
0x51: {  	[sflag:s18] =	ssyncadd.s32 $0xFFFFC000  }
0x52: {  	[tilespmem:s21], [sflag:$0x2] =	stream.indirect.gather [hbm4b:s5+s20], $0x80, s31, s20, $0xb8;
	[tilespmem:$0x1D000] =	vst v63  }
0x53: {  	_ =	swait.ge [sflag:s22], $0x4000  }
0x54: {  	[sflag:s22] =	ssyncset.done $0x0  }
0x55: {  	[sflag:s22] =	ssyncadd.s32 $0xFFFFC000  }
0x56: {  	[spmem:s1] =	stream.indirect.scatter.add.f32 [tilespmem:s17], [sflag:$0x3], $0x80, s0, s20, $0xb8;
	[tilespmem:$0x1D000] =	vst v63  }
0x57: {  	_ =	swait.ge [sflag:s18], $0x4000  }
0x58: {  	[sflag:s18] =	ssyncset.done $0x0  }
0x59: {  	[sflag:s18] =	ssyncadd.s32 $0xFFFFC000  }
0x5a: {  	[tilespmem:s17], [sflag:$0x1] =	stream.indirect.gather [hbm4b:s5+s20], $0x80, s6, s20, $0xb8;
	[tilespmem:$0x1D000] =	vst v63  }
0x5b: {  	_ =	swait.ge [sflag:s24], $0x4000  }
0x5c: {  	[sflag:s24] =	ssyncset.done $0x0  }
0x5d: {  	[sflag:s24] =	ssyncadd.s32 $0xFFFFC000  }
0x5e: {  	[spmem:s1] =	stream.indirect.scatter.add.f32 [tilespmem:s21], [sflag:$0x3], $0x80, s7, s20, $0xb8;
	[tilespmem:$0x1D000] =	vst v63  }
0x5f: {  	_ =	swait.ge [sflag:s18], $0x4000  }
0x60: {  	[sflag:s18] =	ssyncset.done $0x0  }
0x61: {  	[sflag:s18] =	ssyncadd.s32 $0xFFFFC000  }
0x62: {  	[tilespmem:s21], [sflag:$0x2] =	stream.indirect.gather [hbm4b:s5+s20], $0x80, s2, s20, $0xb8;
	[tilespmem:$0x1D000] =	vst v63  }
0x63: {  	_ =	swait.ge [sflag:s22], $0x4000  }
0x64: {  	[sflag:s22] =	ssyncset.done $0x0  }
0x65: {  	s25 =	simm.s32 $0xC00;
	[sflag:s22] =	ssyncadd.s32 $0xFFFFC000  }
0x66: {  	[spmem:s1] =	stream.indirect.scatter.add.f32 [tilespmem:s17], [sflag:$0x3], $0x80, s25, s20, $0xb8;
	[tilespmem:$0x1D000] =	vst v63  }
0x67: {  	_ =	swait.ge [sflag:s18], $0x4000  }
0x68: {  	[sflag:s18] =	ssyncset.done $0x0  }
0x69: {  	s26 =	simm.s32 $0x500;
	[sflag:s18] =	ssyncadd.s32 $0xFFFFC000  }
0x6a: {  	[tilespmem:s17], [sflag:$0x1] =	stream.indirect.gather [hbm4b:s5+s20], $0x80, s26, s20, $0xb8;
	[tilespmem:$0x1D000] =	vst v63  }
0x6b: {  	_ =	swait.ge [sflag:s24], $0x4000  }
0x6c: {  	[sflag:s24] =	ssyncset.done $0x0  }
0x6d: {  	s2 =	simm.s32 $0xC80;
	[sflag:s24] =	ssyncadd.s32 $0xFFFFC000  }
0x6e: {  	[spmem:s1] =	stream.indirect.scatter.add.f32 [tilespmem:s21], [sflag:$0x3], $0x80, s2, s20, $0xb8;
	[tilespmem:$0x1D000] =	vst v63  }
0x6f: {  	_ =	swait.ge [sflag:s18], $0x4000  }
0x70: {  	[sflag:s18] =	ssyncset.done $0x0  }
0x71: {  	s6 =	simm.s32 $0x580;
	[sflag:s18] =	ssyncadd.s32 $0xFFFFC000  }
0x72: {  	[tilespmem:s21], [sflag:$0x2] =	stream.indirect.gather [hbm4b:s5+s20], $0x80, s6, s20, $0xb8;
	[tilespmem:$0x1D000] =	vst v63  }
0x73: {  	_ =	swait.ge [sflag:s22], $0x4000  }
0x74: {  	[sflag:s22] =	ssyncset.done $0x0  }
0x75: {  	s7 =	simm.s32 $0xD00;
	[sflag:s22] =	ssyncadd.s32 $0xFFFFC000  }
0x76: {  	[spmem:s1] =	stream.indirect.scatter.add.f32 [tilespmem:s17], [sflag:$0x3], $0x80, s7, s20, $0xb8;
	[tilespmem:$0x1D000] =	vst v63  }
0x77: {  	_ =	swait.ge [sflag:s18], $0x4000  }
0x78: {  	[sflag:s18] =	ssyncset.done $0x0  }
0x79: {  	s8 =	simm.s32 $0x600;
	[sflag:s18] =	ssyncadd.s32 $0xFFFFC000  }
0x7a: {  	[tilespmem:s17], [sflag:$0x1] =	stream.indirect.gather [hbm4b:s5+s20], $0x80, s8, s20, $0xb8;
	[tilespmem:$0x1D000] =	vst v63  }
0x7b: {  	_ =	swait.ge [sflag:s24], $0x4000  }
0x7c: {  	[sflag:s24] =	ssyncset.done $0x0  }
0x7d: {  	s9 =	simm.s32 $0xD80;
	[sflag:s24] =	ssyncadd.s32 $0xFFFFC000  }
0x7e: {  	[spmem:s1] =	stream.indirect.scatter.add.f32 [tilespmem:s21], [sflag:$0x3], $0x80, s9, s20, $0xb8;
	[tilespmem:$0x1D000] =	vst v63  }
0x7f: {  	_ =	swait.ge [sflag:s18], $0x4000  }
0x80: {  	[sflag:s18] =	ssyncset.done $0x0  }
0x81: {  	s10 =	simm.s32 $0x680;
	[sflag:s18] =	ssyncadd.s32 $0xFFFFC000  }
0x82: {  	[tilespmem:s21], [sflag:$0x2] =	stream.indirect.gather [hbm4b:s5+s20], $0x80, s10, s20, $0xb8;
	[tilespmem:$0x1D000] =	vst v63  }
0x83: {  	_ =	swait.ge [sflag:s22], $0x4000  }
0x84: {  	[sflag:s22] =	ssyncset.done $0x0  }
0x85: {  	s11 =	simm.s32 $0xE00;
	[sflag:s22] =	ssyncadd.s32 $0xFFFFC000  }
0x86: {  	[spmem:s1] =	stream.indirect.scatter.add.f32 [tilespmem:s17], [sflag:$0x3], $0x80, s11, s20, $0xb8;
	[tilespmem:$0x1D000] =	vst v63  }
0x87: {  	_ =	swait.ge [sflag:s18], $0x4000  }
0x88: {  	[sflag:s18] =	ssyncset.done $0x0  }
0x89: {  	s12 =	simm.s32 $0x700;
	[sflag:s18] =	ssyncadd.s32 $0xFFFFC000  }
0x8a: {  	[tilespmem:s17], [sflag:$0x1] =	stream.indirect.gather [hbm4b:s5+s20], $0x80, s12, s20, $0xb8;
	[tilespmem:$0x1D000] =	vst v63  }
0x8b: {  	_ =	swait.ge [sflag:s24], $0x4000  }
0x8c: {  	[sflag:s24] =	ssyncset.done $0x0  }
0x8d: {  	s14 =	simm.s32 $0xE80;
	[sflag:s24] =	ssyncadd.s32 $0xFFFFC000  }
0x8e: {  	[spmem:s1] =	stream.indirect.scatter.add.f32 [tilespmem:s21], [sflag:$0x3], $0x80, s14, s20, $0xb8;
	[tilespmem:$0x1D000] =	vst v63  }
0x8f: {  	_ =	swait.ge [sflag:s18], $0x4000  }
0x90: {  	[sflag:s18] =	ssyncset.done $0x0  }
0x91: {  	s23 =	simm.s32 $0x780;
	[sflag:s18] =	ssyncadd.s32 $0xFFFFC000  }
0x92: {  	[tilespmem:s21], [sflag:$0x2] =	stream.indirect.gather [hbm4b:s5+s20], $0x80, s23, s20, $0xb8;
	[tilespmem:$0x1D000] =	vst v63  }
0x93: {  	_ =	swait.ge [sflag:s22], $0x4000  }
0x94: {  	[sflag:s22] =	ssyncset.done $0x0  }
0x95: {  	s25 =	simm.s32 $0xF00;
	[sflag:s22] =	ssyncadd.s32 $0xFFFFC000  }
0x96: {  	[spmem:s1] =	stream.indirect.scatter.add.f32 [tilespmem:s17], [sflag:$0x3], $0x80, s25, s20, $0xb8;
	[tilespmem:$0x1D000] =	vst v63  }
0x97: {  	_ =	swait.ge [sflag:s18], $0x4000  }
0x98: {  	s28 =	simm.s32 $0x300;
	[sflag:s18] =	ssyncset.done $0x0  }
0x99: {  	s29 =	simm.s32 $0xA80;
	s30 =	simm.s32 $0x380;
	[sflag:s18] =	ssyncadd.s32 $0xFFFFC000  }
0x9a: {  	s0 =	simm.s32 $0xB00;
	s26 =	simm.s32 $0xF80;
	_ =	swait.ge [sflag:s24], $0x4000  }
0x9b: {  	s2 =	simm.s32 $0x480;
	s6 =	simm.s32 $0x400;
	[sflag:s24] =	ssyncset.done $0x0  }
0x9c: {  	s7 =	simm.s32 $0xB80;
	s8 =	simm.s32 $0x900;
	[sflag:s24] =	ssyncadd.s32 $0xFFFFC000  }
0x9d: {  	[spmem:s1] =	stream.indirect.scatter.add.f32 [tilespmem:s21], [sflag:$0x3], $0x80, s26, s20, $0xb8;
	[tilespmem:$0x1D000] =	vst v63  }
0x9e: {  	s14 =	simm.s32 $0x200;
	s23 =	simm.s32 $0x980;
	_ =	swait.ge [sflag:s18], $0x4000  }
0x9f: {  	s25 =	simm.s32 $0x280;
	[sflag:s18] =	ssyncset.done $0x0;
	s9 =	rddreg [dreg:$0x5]  }
0xa0: {  	s26 =	simm.s32 $0xA00;
	s31 =	rddreg [dreg:$0xd];
	[sflag:s18] =	ssyncadd.s32 $0xFFFFC000  }
.LBB2_10:
0xa1: {  	s10 =	rddreg [dreg:$0xb];
	s12 =	stileid.u32;
	[bflag:$0x0] =	sbarrier.arrive $0xFFFF  }
0xa2: {  	s9 =	sadd.s32 s9, s10;
	s10 =	sshll.u32 s12, $0x6;
	s12 =	rddreg [dreg:$0x6]  }
0xa3: {  	s10 =	sor.u32 $0x1C03, s10;
	s11 =	sshrl.u32 s12, $0x3  }
0xa4: {  	[hbm:s9], [sflag:s10] =	dma.local [spmem:s11], $0x2800  }
0xa5: {  	_ =	swait.ge [sflag:s18], $0x2800  }
0xa6: {  	s31 =	sadd.s32 $0x1, s31;
	s11 =	rddreg [dreg:$0xc]  }
0xa7: {  	p1 =	sne.s32 s31, s11  }
.Ltmp1:
0xa8: {  	_ = 	snop;
	(pc) =	sbr.rel @!p1 .LBB2_11-.Ltmp1, $3  }
0xa9: {  	_ =	sdelay $0x1  }
0xaa: {  	[sflag:s18] =	ssyncset.done $0x0  }
0xab: {  	[sflag:s18] =	ssyncadd.s32 $0xFFFFD800;
	s11 =	simm.s32 $0x180  }
.LBB2_1:
.Ltmp2:
0xac: {  	(pc) =	sbr.rel @!p0 .LBB2_2-.Ltmp2, $2  }
0xad: {  	_ =	sdelay $0x2  }
0xae: {  	[dreg:$0xd] =	wrdreg s31;
	s9 =	sshra.s32 s3, $0x2;
	s10 =	sadd.s32 $0x200, s3  }
.LBB2_6:
0xaf: {  	p1 =	sne.s32 s10, $0xFE00;
	[tilespmem:s9+$0x1070] =	vst v0  }
0xb0: {  	[tilespmem:s9+$0x1000] =	vst v0  }
0xb1: {  	[tilespmem:s9+$0x1010] =	vst v0  }
.Ltmp3:
0xb2: {  	[tilespmem:s9+$0x1020] =	vst v0;
	(pc) =	sbr.rel @p1 .LBB2_6-.Ltmp3, $4  }
0xb3: {  	[tilespmem:s9+$0x1030] =	vst v0  }
0xb4: {  	[tilespmem:s9+$0x1040] =	vst v0  }
0xb5: {  	[tilespmem:s9+$0x1050] =	vst v0  }
0xb6: {  	[tilespmem:s9+$0x1060] =	vst v0;
	s9 =	sshra.s32 s10, $0x2;
	s10 =	sadd.s32 $0x200, s10  }
0xb7: {  	[tilespmem:s9+$0x1070] =	vst v0  }
0xb8: {  	[tilespmem:s9+$0x1000] =	vst v0  }
0xb9: {  	[tilespmem:s9+$0x1010] =	vst v0  }
0xba: {  	[tilespmem:s9+$0x1020] =	vst v0  }
0xbb: {  	[tilespmem:s9+$0x1030] =	vst v0  }
0xbc: {  	[tilespmem:s9+$0x1040] =	vst v0  }
0xbd: {  	[tilespmem:s9+$0x1050] =	vst v0  }
0xbe: {  	[tilespmem:s9+$0x1060] =	vst v0  }
0xbf: {  	[spmem:s12] =	stream.linear.scatter [tilespmem:s17], [sflag:$0x3], $0x4000, $0x38;
	[tilespmem:$0x1D000] =	vst v63  }
0xc0: {  	_ =	swait.ge [sflag:s18], $0x4000  }
0xc1: {  	[sflag:s18] =	ssyncset.done $0x0  }
0xc2: {  	s10 =	rddreg [dreg:$0x7];
	[sflag:s18] =	ssyncadd.s32 $0xFFFFC000  }
0xc3: {  	[spmem:s10] =	stream.linear.scatter [tilespmem:s17], [sflag:$0x3], $0x4000, $0x38;
	[tilespmem:$0x1D000] =	vst v63  }
0xc4: {  	_ =	swait.ge [sflag:s18], $0x4000  }
0xc5: {  	[sflag:s18] =	ssyncset.done $0x0  }
0xc6: {  	s12 =	rddreg [dreg:$0x8];
	[sflag:s18] =	ssyncadd.s32 $0xFFFFC000  }
0xc7: {  	[spmem:s12] =	stream.linear.scatter [tilespmem:s17], [sflag:$0x3], $0x4000, $0x38;
	[tilespmem:$0x1D000] =	vst v63  }
0xc8: {  	_ =	swait.ge [sflag:s18], $0x4000  }
0xc9: {  	[sflag:s18] =	ssyncset.done $0x0  }
0xca: {  	s10 =	rddreg [dreg:$0x9];
	[sflag:s18] =	ssyncadd.s32 $0xFFFFC000  }
0xcb: {  	[spmem:s10] =	stream.linear.scatter [tilespmem:s17], [sflag:$0x3], $0x4000, $0x38;
	[tilespmem:$0x1D000] =	vst v63  }
0xcc: {  	_ =	swait.ge [sflag:s18], $0x4000  }
0xcd: {  	[sflag:s18] =	ssyncset.done $0x0  }
0xce: {  	s12 =	rddreg [dreg:$0xa];
	[sflag:s18] =	ssyncadd.s32 $0xFFFFC000  }
0xcf: {  	[spmem:s12] =	stream.linear.scatter [tilespmem:s17], [sflag:$0x3], $0x4000, $0x38;
	[tilespmem:$0x1D000] =	vst v63  }
0xd0: {  	_ =	swait.ge [sflag:s18], $0x4000  }
0xd1: {  	[sflag:s18] =	ssyncset.done $0x0  }
0xd2: {  	[sflag:s18] =	ssyncadd.s32 $0xFFFFC000  }
0xd3: {  	s10 =	sadd.s32 $0x0, s15;
	[bflag:$0x0] =	sbarrier.arrive $0xFFFF  }
0xd4: {  	[tilespmem:s3], [sflag:$0x3] =	stream.linear.gather [hbm4b:s10+s3], $0x800, $0x38;
	[tilespmem:$0x1D000] =	vst v63  }
0xd5: {  	_ =	swait.ge [sflag:s18], $0x800  }
0xd6: {  	[sflag:s18] =	ssyncset.done $0x0  }
0xd7: {  	s12 =	sadd.s32 $0x0, s16;
	[sflag:s18] =	ssyncadd.s32 $0xFFFFF800  }
0xd8: {  	[tilespmem:s19], [sflag:$0x3] =	stream.linear.gather [hbm4b:s12+s3], $0x800, $0x38;
	[tilespmem:$0x1D000] =	vst v63  }
0xd9: {  	_ =	swait.ge [sflag:s18], $0x800  }
0xda: {  	[sflag:s18] =	ssyncset.done $0x0  }
0xdb: {  	[sflag:s18] =	ssyncadd.s32 $0xFFFFF800  }
0xdc: {  	[tilespmem:s17], [sflag:$0x1] =	stream.indirect.gather [hbm4b:s5+s20], $0x80, s3, s20, $0xb8;
	[tilespmem:$0x1D000] =	vst v63  }
0xdd: {  	_ = 	snop  }
0xde: {  	[tilespmem:s21], [sflag:$0x2] =	stream.indirect.gather [hbm4b:s5+s20], $0x80, s20, s20, $0xb8;
	[tilespmem:$0x1D000] =	vst v63  }
0xdf: {  	_ =	swait.ge [sflag:s22], $0x4000  }
0xe0: {  	[sflag:s22] =	ssyncset.done $0x0  }
0xe1: {  	[sflag:s22] =	ssyncadd.s32 $0xFFFFC000  }
0xe2: {  	[spmem:s1] =	stream.indirect.scatter.add.f32 [tilespmem:s17], [sflag:$0x3], $0x80, s19, s20, $0xb8;
	[tilespmem:$0x1D000] =	vst v63  }
0xe3: {  	_ =	swait.ge [sflag:s18], $0x4000  }
0xe4: {  	[sflag:s18] =	ssyncset.done $0x0  }
0xe5: {  	[sflag:s18] =	ssyncadd.s32 $0xFFFFC000  }
0xe6: {  	[tilespmem:s17], [sflag:$0x1] =	stream.indirect.gather [hbm4b:s5+s20], $0x80, s13, s20, $0xb8;
	[tilespmem:$0x1D000] =	vst v63  }
0xe7: {  	_ =	swait.ge [sflag:s24], $0x4000  }
0xe8: {  	[sflag:s24] =	ssyncset.done $0x0  }
0xe9: {  	s13 =	simm.s32 $0x880;
	[sflag:s24] =	ssyncadd.s32 $0xFFFFC000  }
0xea: {  	[spmem:s1] =	stream.indirect.scatter.add.f32 [tilespmem:s21], [sflag:$0x3], $0x80, s13, s20, $0xb8;
	[tilespmem:$0x1D000] =	vst v63  }
0xeb: {  	_ =	swait.ge [sflag:s18], $0x4000  }
0xec: {  	[sflag:s18] =	ssyncset.done $0x0  }
0xed: {  	[sflag:s18] =	ssyncadd.s32 $0xFFFFC000  }
0xee: {  	[tilespmem:s21], [sflag:$0x2] =	stream.indirect.gather [hbm4b:s5+s20], $0x80, s11, s20, $0xb8;
	[tilespmem:$0x1D000] =	vst v63  }
0xef: {  	_ =	swait.ge [sflag:s22], $0x4000  }
0xf0: {  	[sflag:s22] =	ssyncset.done $0x0  }
0xf1: {  	[sflag:s22] =	ssyncadd.s32 $0xFFFFC000  }
0xf2: {  	[spmem:s1] =	stream.indirect.scatter.add.f32 [tilespmem:s17], [sflag:$0x3], $0x80, s8, s20, $0xb8;
	[tilespmem:$0x1D000] =	vst v63  }
0xf3: {  	_ =	swait.ge [sflag:s18], $0x4000  }
0xf4: {  	[sflag:s18] =	ssyncset.done $0x0  }
0xf5: {  	[sflag:s18] =	ssyncadd.s32 $0xFFFFC000  }
0xf6: {  	[tilespmem:s17], [sflag:$0x1] =	stream.indirect.gather [hbm4b:s5+s20], $0x80, s14, s20, $0xb8;
	[tilespmem:$0x1D000] =	vst v63  }
0xf7: {  	_ =	swait.ge [sflag:s24], $0x4000  }
0xf8: {  	[sflag:s24] =	ssyncset.done $0x0  }
0xf9: {  	[sflag:s24] =	ssyncadd.s32 $0xFFFFC000  }
0xfa: {  	[spmem:s1] =	stream.indirect.scatter.add.f32 [tilespmem:s21], [sflag:$0x3], $0x80, s23, s20, $0xb8;
	[tilespmem:$0x1D000] =	vst v63  }
0xfb: {  	_ =	swait.ge [sflag:s18], $0x4000  }
0xfc: {  	[sflag:s18] =	ssyncset.done $0x0  }
0xfd: {  	[sflag:s18] =	ssyncadd.s32 $0xFFFFC000  }
0xfe: {  	[tilespmem:s21], [sflag:$0x2] =	stream.indirect.gather [hbm4b:s5+s20], $0x80, s25, s20, $0xb8;
	[tilespmem:$0x1D000] =	vst v63  }
0xff: {  	_ =	swait.ge [sflag:s22], $0x4000  }
0x100: {  	[sflag:s22] =	ssyncset.done $0x0  }
0x101: {  	[sflag:s22] =	ssyncadd.s32 $0xFFFFC000  }
0x102: {  	[spmem:s1] =	stream.indirect.scatter.add.f32 [tilespmem:s17], [sflag:$0x3], $0x80, s26, s20, $0xb8;
	[tilespmem:$0x1D000] =	vst v63  }
0x103: {  	_ =	swait.ge [sflag:s18], $0x4000  }
0x104: {  	[sflag:s18] =	ssyncset.done $0x0  }
0x105: {  	[sflag:s18] =	ssyncadd.s32 $0xFFFFC000  }
0x106: {  	[tilespmem:s17], [sflag:$0x1] =	stream.indirect.gather [hbm4b:s5+s20], $0x80, s28, s20, $0xb8;
	[tilespmem:$0x1D000] =	vst v63  }
0x107: {  	_ =	swait.ge [sflag:s24], $0x4000  }
0x108: {  	[sflag:s24] =	ssyncset.done $0x0  }
0x109: {  	[sflag:s24] =	ssyncadd.s32 $0xFFFFC000  }
0x10a: {  	[spmem:s1] =	stream.indirect.scatter.add.f32 [tilespmem:s21], [sflag:$0x3], $0x80, s29, s20, $0xb8;
	[tilespmem:$0x1D000] =	vst v63  }
0x10b: {  	_ =	swait.ge [sflag:s18], $0x4000  }
0x10c: {  	[sflag:s18] =	ssyncset.done $0x0  }
0x10d: {  	[sflag:s18] =	ssyncadd.s32 $0xFFFFC000  }
0x10e: {  	[tilespmem:s21], [sflag:$0x2] =	stream.indirect.gather [hbm4b:s5+s20], $0x80, s30, s20, $0xb8;
	[tilespmem:$0x1D000] =	vst v63  }
0x10f: {  	_ =	swait.ge [sflag:s22], $0x4000  }
0x110: {  	[sflag:s22] =	ssyncset.done $0x0  }
0x111: {  	[sflag:s22] =	ssyncadd.s32 $0xFFFFC000  }
0x112: {  	[spmem:s1] =	stream.indirect.scatter.add.f32 [tilespmem:s17], [sflag:$0x3], $0x80, s0, s20, $0xb8;
	[tilespmem:$0x1D000] =	vst v63  }
0x113: {  	_ =	swait.ge [sflag:s18], $0x4000  }
0x114: {  	[sflag:s18] =	ssyncset.done $0x0  }
0x115: {  	[sflag:s18] =	ssyncadd.s32 $0xFFFFC000  }
0x116: {  	[tilespmem:s17], [sflag:$0x1] =	stream.indirect.gather [hbm4b:s5+s20], $0x80, s6, s20, $0xb8;
	[tilespmem:$0x1D000] =	vst v63  }
0x117: {  	_ =	swait.ge [sflag:s24], $0x4000  }
0x118: {  	[sflag:s24] =	ssyncset.done $0x0  }
0x119: {  	[sflag:s24] =	ssyncadd.s32 $0xFFFFC000  }
0x11a: {  	[spmem:s1] =	stream.indirect.scatter.add.f32 [tilespmem:s21], [sflag:$0x3], $0x80, s7, s20, $0xb8;
	[tilespmem:$0x1D000] =	vst v63  }
0x11b: {  	_ =	swait.ge [sflag:s18], $0x4000  }
0x11c: {  	[sflag:s18] =	ssyncset.done $0x0  }
0x11d: {  	[sflag:s18] =	ssyncadd.s32 $0xFFFFC000  }
0x11e: {  	[tilespmem:s21], [sflag:$0x2] =	stream.indirect.gather [hbm4b:s5+s20], $0x80, s2, s20, $0xb8;
	[tilespmem:$0x1D000] =	vst v63  }
0x11f: {  	_ =	swait.ge [sflag:s22], $0x4000  }
0x120: {  	[sflag:s22] =	ssyncset.done $0x0  }
0x121: {  	s26 =	simm.s32 $0xC00;
	[sflag:s22] =	ssyncadd.s32 $0xFFFFC000  }
0x122: {  	[spmem:s1] =	stream.indirect.scatter.add.f32 [tilespmem:s17], [sflag:$0x3], $0x80, s26, s20, $0xb8;
	[tilespmem:$0x1D000] =	vst v63  }
0x123: {  	_ =	swait.ge [sflag:s18], $0x4000  }
0x124: {  	[sflag:s18] =	ssyncset.done $0x0  }
0x125: {  	s2 =	simm.s32 $0x500;
	[sflag:s18] =	ssyncadd.s32 $0xFFFFC000  }
0x126: {  	[tilespmem:s17], [sflag:$0x1] =	stream.indirect.gather [hbm4b:s5+s20], $0x80, s2, s20, $0xb8;
	[tilespmem:$0x1D000] =	vst v63  }
0x127: {  	_ =	swait.ge [sflag:s24], $0x4000  }
0x128: {  	[sflag:s24] =	ssyncset.done $0x0  }
0x129: {  	s6 =	simm.s32 $0xC80;
	[sflag:s24] =	ssyncadd.s32 $0xFFFFC000  }
0x12a: {  	[spmem:s1] =	stream.indirect.scatter.add.f32 [tilespmem:s21], [sflag:$0x3], $0x80, s6, s20, $0xb8;
	[tilespmem:$0x1D000] =	vst v63  }
0x12b: {  	_ =	swait.ge [sflag:s18], $0x4000  }
0x12c: {  	[sflag:s18] =	ssyncset.done $0x0  }
0x12d: {  	s7 =	simm.s32 $0x580;
	[sflag:s18] =	ssyncadd.s32 $0xFFFFC000  }
0x12e: {  	[tilespmem:s21], [sflag:$0x2] =	stream.indirect.gather [hbm4b:s5+s20], $0x80, s7, s20, $0xb8;
	[tilespmem:$0x1D000] =	vst v63  }
0x12f: {  	_ =	swait.ge [sflag:s22], $0x4000  }
0x130: {  	[sflag:s22] =	ssyncset.done $0x0  }
0x131: {  	s8 =	simm.s32 $0xD00;
	[sflag:s22] =	ssyncadd.s32 $0xFFFFC000  }
0x132: {  	[spmem:s1] =	stream.indirect.scatter.add.f32 [tilespmem:s17], [sflag:$0x3], $0x80, s8, s20, $0xb8;
	[tilespmem:$0x1D000] =	vst v63  }
0x133: {  	_ =	swait.ge [sflag:s18], $0x4000  }
0x134: {  	[sflag:s18] =	ssyncset.done $0x0  }
0x135: {  	s9 =	simm.s32 $0x600;
	[sflag:s18] =	ssyncadd.s32 $0xFFFFC000  }
0x136: {  	[tilespmem:s17], [sflag:$0x1] =	stream.indirect.gather [hbm4b:s5+s20], $0x80, s9, s20, $0xb8;
	[tilespmem:$0x1D000] =	vst v63  }
0x137: {  	_ =	swait.ge [sflag:s24], $0x4000  }
0x138: {  	[sflag:s24] =	ssyncset.done $0x0  }
0x139: {  	s10 =	simm.s32 $0xD80;
	[sflag:s24] =	ssyncadd.s32 $0xFFFFC000  }
0x13a: {  	[spmem:s1] =	stream.indirect.scatter.add.f32 [tilespmem:s21], [sflag:$0x3], $0x80, s10, s20, $0xb8;
	[tilespmem:$0x1D000] =	vst v63  }
0x13b: {  	_ =	swait.ge [sflag:s18], $0x4000  }
0x13c: {  	[sflag:s18] =	ssyncset.done $0x0  }
0x13d: {  	s11 =	simm.s32 $0x680;
	[sflag:s18] =	ssyncadd.s32 $0xFFFFC000  }
0x13e: {  	[tilespmem:s21], [sflag:$0x2] =	stream.indirect.gather [hbm4b:s5+s20], $0x80, s11, s20, $0xb8;
	[tilespmem:$0x1D000] =	vst v63  }
0x13f: {  	_ =	swait.ge [sflag:s22], $0x4000  }
0x140: {  	[sflag:s22] =	ssyncset.done $0x0  }
0x141: {  	s12 =	simm.s32 $0xE00;
	[sflag:s22] =	ssyncadd.s32 $0xFFFFC000  }
0x142: {  	[spmem:s1] =	stream.indirect.scatter.add.f32 [tilespmem:s17], [sflag:$0x3], $0x80, s12, s20, $0xb8;
	[tilespmem:$0x1D000] =	vst v63  }
0x143: {  	_ =	swait.ge [sflag:s18], $0x4000  }
0x144: {  	[sflag:s18] =	ssyncset.done $0x0  }
0x145: {  	s13 =	simm.s32 $0x700;
	[sflag:s18] =	ssyncadd.s32 $0xFFFFC000  }
0x146: {  	[tilespmem:s17], [sflag:$0x1] =	stream.indirect.gather [hbm4b:s5+s20], $0x80, s13, s20, $0xb8;
	[tilespmem:$0x1D000] =	vst v63  }
0x147: {  	_ =	swait.ge [sflag:s24], $0x4000  }
0x148: {  	[sflag:s24] =	ssyncset.done $0x0  }
0x149: {  	s14 =	simm.s32 $0xE80;
	[sflag:s24] =	ssyncadd.s32 $0xFFFFC000  }
0x14a: {  	[spmem:s1] =	stream.indirect.scatter.add.f32 [tilespmem:s21], [sflag:$0x3], $0x80, s14, s20, $0xb8;
	[tilespmem:$0x1D000] =	vst v63  }
0x14b: {  	_ =	swait.ge [sflag:s18], $0x4000  }
0x14c: {  	[sflag:s18] =	ssyncset.done $0x0  }
0x14d: {  	s23 =	simm.s32 $0x780;
	[sflag:s18] =	ssyncadd.s32 $0xFFFFC000  }
0x14e: {  	[tilespmem:s21], [sflag:$0x2] =	stream.indirect.gather [hbm4b:s5+s20], $0x80, s23, s20, $0xb8;
	[tilespmem:$0x1D000] =	vst v63  }
0x14f: {  	_ =	swait.ge [sflag:s22], $0x4000  }
0x150: {  	[sflag:s22] =	ssyncset.done $0x0  }
0x151: {  	s25 =	simm.s32 $0xF00;
	[sflag:s22] =	ssyncadd.s32 $0xFFFFC000  }
0x152: {  	[spmem:s1] =	stream.indirect.scatter.add.f32 [tilespmem:s17], [sflag:$0x3], $0x80, s25, s20, $0xb8;
	[tilespmem:$0x1D000] =	vst v63  }
0x153: {  	s31 =	simm.s32 $0x380;
	s28 =	simm.s32 $0xA00;
	_ =	swait.ge [sflag:s18], $0x4000  }
0x154: {  	s29 =	simm.s32 $0x300;
	s30 =	simm.s32 $0xA80;
	[sflag:s18] =	ssyncset.done $0x0  }
0x155: {  	s0 =	simm.s32 $0xB00;
	s26 =	simm.s32 $0xF80;
	[sflag:s18] =	ssyncadd.s32 $0xFFFFC000  }
0x156: {  	s2 =	simm.s32 $0x480;
	s6 =	simm.s32 $0x400;
	_ =	swait.ge [sflag:s24], $0x4000  }
0x157: {  	s7 =	simm.s32 $0xB80;
	s8 =	simm.s32 $0x900;
	[sflag:s24] =	ssyncset.done $0x0  }
0x158: {  	s9 =	simm.s32 $0x100;
	s11 =	simm.s32 $0x200;
	[sflag:s24] =	ssyncadd.s32 $0xFFFFC000  }
0x159: {  	[spmem:s1] =	stream.indirect.scatter.add.f32 [tilespmem:s21], [sflag:$0x3], $0x80, s26, s20, $0xb8;
	[tilespmem:$0x1D000] =	vst v63  }
0x15a: {  	s14 =	simm.s32 $0x180;
	s23 =	simm.s32 $0x200;
	_ =	swait.ge [sflag:s18], $0x4000  }
0x15b: {  	s25 =	simm.s32 $0x980;
	s26 =	simm.s32 $0x280;
	[sflag:s18] =	ssyncset.done $0x0  }
.LBB2_8:
0x15c: {  	s12 =	sadd.s32 s9, s15  }
0x15d: {  	[sflag:s18] =	ssyncadd.s32 $0xFFFFC000;
	s13 =	smov.u32 s11;
	s10 =	sadd.s32 $0x100, s11  }
0x15e: {  	[tilespmem:s3], [sflag:$0x3] =	stream.linear.gather [hbm4b:s12+s3], $0x800, $0x38;
	[tilespmem:$0x1D000] =	vst v63  }
0x15f: {  	s12 =	simm.s32 $0x880  }
0x160: {  	p1 =	sne.s32 s11, $0x900;
	_ =	swait.ge [sflag:s18], $0x800  }
0x161: {  	s11 =	sadd.s32 s9, s16;
	[sflag:s18] =	ssyncset.done $0x0  }
0x162: {  	s9 =	smov.u32 s13;
	s13 =	simm.s32 $0x100;
	[sflag:s18] =	ssyncadd.s32 $0xFFFFF800  }
0x163: {  	[tilespmem:s19], [sflag:$0x3] =	stream.linear.gather [hbm4b:s11+s3], $0x800, $0x38;
	[tilespmem:$0x1D000] =	vst v63  }
0x164: {  	_ =	swait.ge [sflag:s18], $0x800  }
0x165: {  	[sflag:s18] =	ssyncset.done $0x0  }
0x166: {  	[sflag:s18] =	ssyncadd.s32 $0xFFFFF800  }
0x167: {  	[tilespmem:s17], [sflag:$0x1] =	stream.indirect.gather [hbm4b:s5+s20], $0x80, s3, s20, $0xb8;
	[tilespmem:$0x1D000] =	vst v63  }
0x168: {  	_ = 	snop  }
0x169: {  	[tilespmem:s21], [sflag:$0x2] =	stream.indirect.gather [hbm4b:s5+s20], $0x80, s20, s20, $0xb8;
	[tilespmem:$0x1D000] =	vst v63  }
0x16a: {  	_ =	swait.ge [sflag:s22], $0x4000  }
0x16b: {  	[sflag:s22] =	ssyncset.done $0x0  }
0x16c: {  	[sflag:s22] =	ssyncadd.s32 $0xFFFFC000  }
0x16d: {  	[spmem:s1] =	stream.indirect.scatter.add.f32 [tilespmem:s17], [sflag:$0x3], $0x80, s19, s20, $0xb8;
	[tilespmem:$0x1D000] =	vst v63  }
0x16e: {  	_ =	swait.ge [sflag:s18], $0x4000  }
0x16f: {  	[sflag:s18] =	ssyncset.done $0x0  }
0x170: {  	[sflag:s18] =	ssyncadd.s32 $0xFFFFC000  }
0x171: {  	[tilespmem:s17], [sflag:$0x1] =	stream.indirect.gather [hbm4b:s5+s20], $0x80, s13, s20, $0xb8;
	[tilespmem:$0x1D000] =	vst v63  }
0x172: {  	_ =	swait.ge [sflag:s24], $0x4000  }
0x173: {  	[sflag:s24] =	ssyncset.done $0x0  }
0x174: {  	[sflag:s24] =	ssyncadd.s32 $0xFFFFC000  }
0x175: {  	[spmem:s1] =	stream.indirect.scatter.add.f32 [tilespmem:s21], [sflag:$0x3], $0x80, s12, s20, $0xb8;
	[tilespmem:$0x1D000] =	vst v63  }
0x176: {  	_ =	swait.ge [sflag:s18], $0x4000  }
0x177: {  	[sflag:s18] =	ssyncset.done $0x0  }
0x178: {  	[sflag:s18] =	ssyncadd.s32 $0xFFFFC000  }
0x179: {  	[tilespmem:s21], [sflag:$0x2] =	stream.indirect.gather [hbm4b:s5+s20], $0x80, s14, s20, $0xb8;
	[tilespmem:$0x1D000] =	vst v63  }
0x17a: {  	_ =	swait.ge [sflag:s22], $0x4000  }
0x17b: {  	[sflag:s22] =	ssyncset.done $0x0  }
0x17c: {  	[sflag:s22] =	ssyncadd.s32 $0xFFFFC000  }
0x17d: {  	[spmem:s1] =	stream.indirect.scatter.add.f32 [tilespmem:s17], [sflag:$0x3], $0x80, s8, s20, $0xb8;
	[tilespmem:$0x1D000] =	vst v63  }
0x17e: {  	_ =	swait.ge [sflag:s18], $0x4000  }
0x17f: {  	[sflag:s18] =	ssyncset.done $0x0  }
0x180: {  	[sflag:s18] =	ssyncadd.s32 $0xFFFFC000  }
0x181: {  	[tilespmem:s17], [sflag:$0x1] =	stream.indirect.gather [hbm4b:s5+s20], $0x80, s23, s20, $0xb8;
	[tilespmem:$0x1D000] =	vst v63  }
0x182: {  	_ =	swait.ge [sflag:s24], $0x4000  }
0x183: {  	[sflag:s24] =	ssyncset.done $0x0  }
0x184: {  	[sflag:s24] =	ssyncadd.s32 $0xFFFFC000  }
0x185: {  	[spmem:s1] =	stream.indirect.scatter.add.f32 [tilespmem:s21], [sflag:$0x3], $0x80, s25, s20, $0xb8;
	[tilespmem:$0x1D000] =	vst v63  }
0x186: {  	_ =	swait.ge [sflag:s18], $0x4000  }
0x187: {  	[sflag:s18] =	ssyncset.done $0x0  }
0x188: {  	[sflag:s18] =	ssyncadd.s32 $0xFFFFC000  }
0x189: {  	[tilespmem:s21], [sflag:$0x2] =	stream.indirect.gather [hbm4b:s5+s20], $0x80, s26, s20, $0xb8;
	[tilespmem:$0x1D000] =	vst v63  }
0x18a: {  	_ =	swait.ge [sflag:s22], $0x4000  }
0x18b: {  	[sflag:s22] =	ssyncset.done $0x0  }
0x18c: {  	[sflag:s22] =	ssyncadd.s32 $0xFFFFC000  }
0x18d: {  	[spmem:s1] =	stream.indirect.scatter.add.f32 [tilespmem:s17], [sflag:$0x3], $0x80, s28, s20, $0xb8;
	[tilespmem:$0x1D000] =	vst v63  }
0x18e: {  	_ =	swait.ge [sflag:s18], $0x4000  }
0x18f: {  	[sflag:s18] =	ssyncset.done $0x0  }
0x190: {  	[sflag:s18] =	ssyncadd.s32 $0xFFFFC000  }
0x191: {  	[tilespmem:s17], [sflag:$0x1] =	stream.indirect.gather [hbm4b:s5+s20], $0x80, s29, s20, $0xb8;
	[tilespmem:$0x1D000] =	vst v63  }
0x192: {  	_ =	swait.ge [sflag:s24], $0x4000  }
0x193: {  	[sflag:s24] =	ssyncset.done $0x0  }
0x194: {  	[sflag:s24] =	ssyncadd.s32 $0xFFFFC000  }
0x195: {  	[spmem:s1] =	stream.indirect.scatter.add.f32 [tilespmem:s21], [sflag:$0x3], $0x80, s30, s20, $0xb8;
	[tilespmem:$0x1D000] =	vst v63  }
0x196: {  	_ =	swait.ge [sflag:s18], $0x4000  }
0x197: {  	[sflag:s18] =	ssyncset.done $0x0  }
0x198: {  	[sflag:s18] =	ssyncadd.s32 $0xFFFFC000  }
0x199: {  	[tilespmem:s21], [sflag:$0x2] =	stream.indirect.gather [hbm4b:s5+s20], $0x80, s31, s20, $0xb8;
	[tilespmem:$0x1D000] =	vst v63  }
0x19a: {  	_ =	swait.ge [sflag:s22], $0x4000  }
0x19b: {  	[sflag:s22] =	ssyncset.done $0x0  }
0x19c: {  	[sflag:s22] =	ssyncadd.s32 $0xFFFFC000  }
0x19d: {  	[spmem:s1] =	stream.indirect.scatter.add.f32 [tilespmem:s17], [sflag:$0x3], $0x80, s0, s20, $0xb8;
	[tilespmem:$0x1D000] =	vst v63  }
0x19e: {  	_ =	swait.ge [sflag:s18], $0x4000  }
0x19f: {  	[sflag:s18] =	ssyncset.done $0x0  }
0x1a0: {  	[sflag:s18] =	ssyncadd.s32 $0xFFFFC000  }
0x1a1: {  	[tilespmem:s17], [sflag:$0x1] =	stream.indirect.gather [hbm4b:s5+s20], $0x80, s6, s20, $0xb8;
	[tilespmem:$0x1D000] =	vst v63  }
0x1a2: {  	_ =	swait.ge [sflag:s24], $0x4000  }
0x1a3: {  	[sflag:s24] =	ssyncset.done $0x0  }
0x1a4: {  	[sflag:s24] =	ssyncadd.s32 $0xFFFFC000  }
0x1a5: {  	[spmem:s1] =	stream.indirect.scatter.add.f32 [tilespmem:s21], [sflag:$0x3], $0x80, s7, s20, $0xb8;
	[tilespmem:$0x1D000] =	vst v63  }
0x1a6: {  	_ =	swait.ge [sflag:s18], $0x4000  }
0x1a7: {  	[sflag:s18] =	ssyncset.done $0x0  }
0x1a8: {  	[sflag:s18] =	ssyncadd.s32 $0xFFFFC000  }
0x1a9: {  	[tilespmem:s21], [sflag:$0x2] =	stream.indirect.gather [hbm4b:s5+s20], $0x80, s2, s20, $0xb8;
	[tilespmem:$0x1D000] =	vst v63  }
0x1aa: {  	_ =	swait.ge [sflag:s22], $0x4000  }
0x1ab: {  	[sflag:s22] =	ssyncset.done $0x0  }
0x1ac: {  	s11 =	simm.s32 $0xC00;
	[sflag:s22] =	ssyncadd.s32 $0xFFFFC000  }
0x1ad: {  	[spmem:s1] =	stream.indirect.scatter.add.f32 [tilespmem:s17], [sflag:$0x3], $0x80, s11, s20, $0xb8;
	[tilespmem:$0x1D000] =	vst v63  }
0x1ae: {  	_ =	swait.ge [sflag:s18], $0x4000  }
0x1af: {  	[sflag:s18] =	ssyncset.done $0x0  }
0x1b0: {  	s11 =	simm.s32 $0x500;
	[sflag:s18] =	ssyncadd.s32 $0xFFFFC000  }
0x1b1: {  	[tilespmem:s17], [sflag:$0x1] =	stream.indirect.gather [hbm4b:s5+s20], $0x80, s11, s20, $0xb8;
	[tilespmem:$0x1D000] =	vst v63  }
0x1b2: {  	_ =	swait.ge [sflag:s24], $0x4000  }
0x1b3: {  	[sflag:s24] =	ssyncset.done $0x0  }
0x1b4: {  	s11 =	simm.s32 $0xC80;
	[sflag:s24] =	ssyncadd.s32 $0xFFFFC000  }
0x1b5: {  	[spmem:s1] =	stream.indirect.scatter.add.f32 [tilespmem:s21], [sflag:$0x3], $0x80, s11, s20, $0xb8;
	[tilespmem:$0x1D000] =	vst v63  }
0x1b6: {  	_ =	swait.ge [sflag:s18], $0x4000  }
0x1b7: {  	[sflag:s18] =	ssyncset.done $0x0  }
0x1b8: {  	s11 =	simm.s32 $0x580;
	[sflag:s18] =	ssyncadd.s32 $0xFFFFC000  }
0x1b9: {  	[tilespmem:s21], [sflag:$0x2] =	stream.indirect.gather [hbm4b:s5+s20], $0x80, s11, s20, $0xb8;
	[tilespmem:$0x1D000] =	vst v63  }
0x1ba: {  	_ =	swait.ge [sflag:s22], $0x4000  }
0x1bb: {  	[sflag:s22] =	ssyncset.done $0x0  }
0x1bc: {  	s11 =	simm.s32 $0xD00;
	[sflag:s22] =	ssyncadd.s32 $0xFFFFC000  }
0x1bd: {  	[spmem:s1] =	stream.indirect.scatter.add.f32 [tilespmem:s17], [sflag:$0x3], $0x80, s11, s20, $0xb8;
	[tilespmem:$0x1D000] =	vst v63  }
0x1be: {  	_ =	swait.ge [sflag:s18], $0x4000  }
0x1bf: {  	[sflag:s18] =	ssyncset.done $0x0  }
0x1c0: {  	s11 =	simm.s32 $0x600;
	[sflag:s18] =	ssyncadd.s32 $0xFFFFC000  }
0x1c1: {  	[tilespmem:s17], [sflag:$0x1] =	stream.indirect.gather [hbm4b:s5+s20], $0x80, s11, s20, $0xb8;
	[tilespmem:$0x1D000] =	vst v63  }
0x1c2: {  	_ =	swait.ge [sflag:s24], $0x4000  }
0x1c3: {  	[sflag:s24] =	ssyncset.done $0x0  }
0x1c4: {  	s11 =	simm.s32 $0xD80;
	[sflag:s24] =	ssyncadd.s32 $0xFFFFC000  }
0x1c5: {  	[spmem:s1] =	stream.indirect.scatter.add.f32 [tilespmem:s21], [sflag:$0x3], $0x80, s11, s20, $0xb8;
	[tilespmem:$0x1D000] =	vst v63  }
0x1c6: {  	_ =	swait.ge [sflag:s18], $0x4000  }
0x1c7: {  	[sflag:s18] =	ssyncset.done $0x0  }
0x1c8: {  	s11 =	simm.s32 $0x680;
	[sflag:s18] =	ssyncadd.s32 $0xFFFFC000  }
0x1c9: {  	[tilespmem:s21], [sflag:$0x2] =	stream.indirect.gather [hbm4b:s5+s20], $0x80, s11, s20, $0xb8;
	[tilespmem:$0x1D000] =	vst v63  }
0x1ca: {  	_ =	swait.ge [sflag:s22], $0x4000  }
0x1cb: {  	[sflag:s22] =	ssyncset.done $0x0  }
0x1cc: {  	s11 =	simm.s32 $0xE00;
	[sflag:s22] =	ssyncadd.s32 $0xFFFFC000  }
0x1cd: {  	[spmem:s1] =	stream.indirect.scatter.add.f32 [tilespmem:s17], [sflag:$0x3], $0x80, s11, s20, $0xb8;
	[tilespmem:$0x1D000] =	vst v63  }
0x1ce: {  	_ =	swait.ge [sflag:s18], $0x4000  }
0x1cf: {  	[sflag:s18] =	ssyncset.done $0x0  }
0x1d0: {  	s11 =	simm.s32 $0x700;
	[sflag:s18] =	ssyncadd.s32 $0xFFFFC000  }
0x1d1: {  	[tilespmem:s17], [sflag:$0x1] =	stream.indirect.gather [hbm4b:s5+s20], $0x80, s11, s20, $0xb8;
	[tilespmem:$0x1D000] =	vst v63  }
0x1d2: {  	_ =	swait.ge [sflag:s24], $0x4000  }
0x1d3: {  	[sflag:s24] =	ssyncset.done $0x0  }
0x1d4: {  	s11 =	simm.s32 $0xE80;
	[sflag:s24] =	ssyncadd.s32 $0xFFFFC000  }
0x1d5: {  	[spmem:s1] =	stream.indirect.scatter.add.f32 [tilespmem:s21], [sflag:$0x3], $0x80, s11, s20, $0xb8;
	[tilespmem:$0x1D000] =	vst v63  }
0x1d6: {  	_ =	swait.ge [sflag:s18], $0x4000  }
0x1d7: {  	[sflag:s18] =	ssyncset.done $0x0  }
0x1d8: {  	s11 =	simm.s32 $0x780;
	[sflag:s18] =	ssyncadd.s32 $0xFFFFC000  }
0x1d9: {  	[tilespmem:s21], [sflag:$0x2] =	stream.indirect.gather [hbm4b:s5+s20], $0x80, s11, s20, $0xb8;
	[tilespmem:$0x1D000] =	vst v63  }
0x1da: {  	_ =	swait.ge [sflag:s22], $0x4000  }
0x1db: {  	[sflag:s22] =	ssyncset.done $0x0  }
0x1dc: {  	s11 =	simm.s32 $0xF00;
	[sflag:s22] =	ssyncadd.s32 $0xFFFFC000  }
0x1dd: {  	[spmem:s1] =	stream.indirect.scatter.add.f32 [tilespmem:s17], [sflag:$0x3], $0x80, s11, s20, $0xb8;
	[tilespmem:$0x1D000] =	vst v63  }
0x1de: {  	_ =	swait.ge [sflag:s18], $0x4000  }
0x1df: {  	[sflag:s18] =	ssyncset.done $0x0  }
0x1e0: {  	[sflag:s18] =	ssyncadd.s32 $0xFFFFC000  }
0x1e1: {  	_ =	swait.ge [sflag:s24], $0x4000  }
.Ltmp4:
0x1e2: {  	[sflag:s24] =	ssyncset.done $0x0;
	(pc) =	sbr.rel @p1 .LBB2_8-.Ltmp4, $4  }
0x1e3: {  	s11 =	simm.s32 $0xF80;
	[sflag:s24] =	ssyncadd.s32 $0xFFFFC000  }
0x1e4: {  	[spmem:s1] =	stream.indirect.scatter.add.f32 [tilespmem:s21], [sflag:$0x3], $0x80, s11, s20, $0xb8;
	[tilespmem:$0x1D000] =	vst v63  }
0x1e5: {  	_ =	swait.ge [sflag:s18], $0x4000  }
0x1e6: {  	s11 =	smov.u32 s10;
	[sflag:s18] =	ssyncset.done $0x0  }
.Ltmp5:
0x1e7: {  	_ = 	snop;
	(pc) =	sbr.rel .LBB2_9-.Ltmp5, $1  }
0x1e8: {  	_ =	sdelay $0x3  }
.LBB2_2:
0x1e9: {  	p1 =	sne.s32 s10, $0xFE00;
	[tilespmem:s9+$0x1070] =	vst v0  }
0x1ea: {  	[tilespmem:s9+$0x1000] =	vst v0  }
0x1eb: {  	[tilespmem:s9+$0x1010] =	vst v0  }
.Ltmp6:
0x1ec: {  	[tilespmem:s9+$0x1020] =	vst v0;
	(pc) =	sbr.rel @p1 .LBB2_2-.Ltmp6, $4  }
0x1ed: {  	[tilespmem:s9+$0x1030] =	vst v0  }
0x1ee: {  	[tilespmem:s9+$0x1040] =	vst v0  }
0x1ef: {  	[tilespmem:s9+$0x1050] =	vst v0  }
0x1f0: {  	[tilespmem:s9+$0x1060] =	vst v0;
	s9 =	sshra.s32 s10, $0x2;
	s10 =	sadd.s32 $0x200, s10  }
0x1f1: {  	[tilespmem:s9+$0x1070] =	vst v0  }
0x1f2: {  	[tilespmem:s9+$0x1000] =	vst v0  }
0x1f3: {  	[tilespmem:s9+$0x1010] =	vst v0  }
0x1f4: {  	[tilespmem:s9+$0x1020] =	vst v0  }
0x1f5: {  	[tilespmem:s9+$0x1030] =	vst v0  }
0x1f6: {  	[tilespmem:s9+$0x1040] =	vst v0  }
0x1f7: {  	[tilespmem:s9+$0x1050] =	vst v0  }
0x1f8: {  	[tilespmem:s9+$0x1060] =	vst v0  }
0x1f9: {  	[spmem:s12] =	stream.linear.scatter [tilespmem:s17], [sflag:$0x3], $0x4000, $0x38;
	[tilespmem:$0x1D000] =	vst v63  }
0x1fa: {  	_ =	swait.ge [sflag:s18], $0x4000  }
0x1fb: {  	[sflag:s18] =	ssyncset.done $0x0  }
0x1fc: {  	s10 =	rddreg [dreg:$0x7];
	[sflag:s18] =	ssyncadd.s32 $0xFFFFC000  }
0x1fd: {  	[spmem:s10] =	stream.linear.scatter [tilespmem:s17], [sflag:$0x3], $0x4000, $0x38;
	[tilespmem:$0x1D000] =	vst v63  }
0x1fe: {  	_ =	swait.ge [sflag:s18], $0x4000  }
0x1ff: {  	[sflag:s18] =	ssyncset.done $0x0  }
0x200: {  	s12 =	rddreg [dreg:$0x8];
	[sflag:s18] =	ssyncadd.s32 $0xFFFFC000  }
0x201: {  	[spmem:s12] =	stream.linear.scatter [tilespmem:s17], [sflag:$0x3], $0x4000, $0x38;
	[tilespmem:$0x1D000] =	vst v63  }
0x202: {  	_ =	swait.ge [sflag:s18], $0x4000  }
0x203: {  	[sflag:s18] =	ssyncset.done $0x0  }
0x204: {  	s10 =	rddreg [dreg:$0x9];
	[sflag:s18] =	ssyncadd.s32 $0xFFFFC000  }
0x205: {  	[spmem:s10] =	stream.linear.scatter [tilespmem:s17], [sflag:$0x3], $0x4000, $0x38;
	[tilespmem:$0x1D000] =	vst v63  }
0x206: {  	_ =	swait.ge [sflag:s18], $0x4000  }
0x207: {  	[sflag:s18] =	ssyncset.done $0x0  }
0x208: {  	s12 =	rddreg [dreg:$0xa];
	[sflag:s18] =	ssyncadd.s32 $0xFFFFC000  }
0x209: {  	[spmem:s12] =	stream.linear.scatter [tilespmem:s17], [sflag:$0x3], $0x4000, $0x38;
	[tilespmem:$0x1D000] =	vst v63  }
0x20a: {  	_ =	swait.ge [sflag:s18], $0x4000  }
0x20b: {  	[sflag:s18] =	ssyncset.done $0x0  }
0x20c: {  	[sflag:s18] =	ssyncadd.s32 $0xFFFFC000  }
0x20d: {  	s10 =	sadd.s32 $0x0, s16;
	[bflag:$0x0] =	sbarrier.arrive $0xFFFF  }
0x20e: {  	[tilespmem:s3], [sflag:$0x3] =	stream.linear.gather [hbm4b:s10+s3], $0x800, $0x38;
	[tilespmem:$0x1D000] =	vst v63  }
0x20f: {  	_ =	swait.ge [sflag:s18], $0x800  }
0x210: {  	[sflag:s18] =	ssyncset.done $0x0  }
0x211: {  	s12 =	sadd.s32 $0x0, s15;
	[sflag:s18] =	ssyncadd.s32 $0xFFFFF800  }
0x212: {  	[tilespmem:s19], [sflag:$0x3] =	stream.linear.gather [hbm4b:s12+s3], $0x800, $0x38;
	[tilespmem:$0x1D000] =	vst v63  }
0x213: {  	_ =	swait.ge [sflag:s18], $0x800  }
0x214: {  	[sflag:s18] =	ssyncset.done $0x0  }
0x215: {  	[sflag:s18] =	ssyncadd.s32 $0xFFFFF800  }
0x216: {  	[tilespmem:s17], [sflag:$0x1] =	stream.indirect.gather [hbm4b:s4+s20], $0x80, s3, s20, $0xb8;
	[tilespmem:$0x1D000] =	vst v63  }
0x217: {  	_ = 	snop  }
0x218: {  	[tilespmem:s21], [sflag:$0x2] =	stream.indirect.gather [hbm4b:s4+s20], $0x80, s20, s20, $0xb8;
	[tilespmem:$0x1D000] =	vst v63  }
0x219: {  	_ =	swait.ge [sflag:s22], $0x4000  }
0x21a: {  	[sflag:s22] =	ssyncset.done $0x0  }
0x21b: {  	[sflag:s22] =	ssyncadd.s32 $0xFFFFC000  }
0x21c: {  	[spmem:s1] =	stream.indirect.scatter.add.f32 [tilespmem:s17], [sflag:$0x3], $0x80, s19, s20, $0xb8;
	[tilespmem:$0x1D000] =	vst v63  }
0x21d: {  	_ =	swait.ge [sflag:s18], $0x4000  }
0x21e: {  	[sflag:s18] =	ssyncset.done $0x0  }
0x21f: {  	[sflag:s18] =	ssyncadd.s32 $0xFFFFC000  }
0x220: {  	[tilespmem:s17], [sflag:$0x1] =	stream.indirect.gather [hbm4b:s4+s20], $0x80, s13, s20, $0xb8;
	[tilespmem:$0x1D000] =	vst v63  }
0x221: {  	_ =	swait.ge [sflag:s24], $0x4000  }
0x222: {  	[sflag:s24] =	ssyncset.done $0x0  }
0x223: {  	s13 =	simm.s32 $0x880;
	[sflag:s24] =	ssyncadd.s32 $0xFFFFC000  }
0x224: {  	[spmem:s1] =	stream.indirect.scatter.add.f32 [tilespmem:s21], [sflag:$0x3], $0x80, s13, s20, $0xb8;
	[tilespmem:$0x1D000] =	vst v63  }
0x225: {  	_ =	swait.ge [sflag:s18], $0x4000  }
0x226: {  	[sflag:s18] =	ssyncset.done $0x0  }
0x227: {  	[sflag:s18] =	ssyncadd.s32 $0xFFFFC000  }
0x228: {  	[tilespmem:s21], [sflag:$0x2] =	stream.indirect.gather [hbm4b:s4+s20], $0x80, s11, s20, $0xb8;
	[tilespmem:$0x1D000] =	vst v63  }
0x229: {  	_ =	swait.ge [sflag:s22], $0x4000  }
0x22a: {  	[sflag:s22] =	ssyncset.done $0x0  }
0x22b: {  	[sflag:s22] =	ssyncadd.s32 $0xFFFFC000  }
0x22c: {  	[spmem:s1] =	stream.indirect.scatter.add.f32 [tilespmem:s17], [sflag:$0x3], $0x80, s8, s20, $0xb8;
	[tilespmem:$0x1D000] =	vst v63  }
0x22d: {  	_ =	swait.ge [sflag:s18], $0x4000  }
0x22e: {  	[sflag:s18] =	ssyncset.done $0x0  }
0x22f: {  	[sflag:s18] =	ssyncadd.s32 $0xFFFFC000  }
0x230: {  	[tilespmem:s17], [sflag:$0x1] =	stream.indirect.gather [hbm4b:s4+s20], $0x80, s14, s20, $0xb8;
	[tilespmem:$0x1D000] =	vst v63  }
0x231: {  	_ =	swait.ge [sflag:s24], $0x4000  }
0x232: {  	[sflag:s24] =	ssyncset.done $0x0  }
0x233: {  	[sflag:s24] =	ssyncadd.s32 $0xFFFFC000  }
0x234: {  	[spmem:s1] =	stream.indirect.scatter.add.f32 [tilespmem:s21], [sflag:$0x3], $0x80, s23, s20, $0xb8;
	[tilespmem:$0x1D000] =	vst v63  }
0x235: {  	_ =	swait.ge [sflag:s18], $0x4000  }
0x236: {  	[sflag:s18] =	ssyncset.done $0x0  }
0x237: {  	[sflag:s18] =	ssyncadd.s32 $0xFFFFC000  }
0x238: {  	[tilespmem:s21], [sflag:$0x2] =	stream.indirect.gather [hbm4b:s4+s20], $0x80, s25, s20, $0xb8;
	[tilespmem:$0x1D000] =	vst v63  }
0x239: {  	_ =	swait.ge [sflag:s22], $0x4000  }
0x23a: {  	[sflag:s22] =	ssyncset.done $0x0  }
0x23b: {  	[sflag:s22] =	ssyncadd.s32 $0xFFFFC000  }
0x23c: {  	[spmem:s1] =	stream.indirect.scatter.add.f32 [tilespmem:s17], [sflag:$0x3], $0x80, s26, s20, $0xb8;
	[tilespmem:$0x1D000] =	vst v63  }
0x23d: {  	_ =	swait.ge [sflag:s18], $0x4000  }
0x23e: {  	[sflag:s18] =	ssyncset.done $0x0  }
0x23f: {  	[sflag:s18] =	ssyncadd.s32 $0xFFFFC000  }
0x240: {  	[tilespmem:s17], [sflag:$0x1] =	stream.indirect.gather [hbm4b:s4+s20], $0x80, s28, s20, $0xb8;
	[tilespmem:$0x1D000] =	vst v63  }
0x241: {  	_ =	swait.ge [sflag:s24], $0x4000  }
0x242: {  	[sflag:s24] =	ssyncset.done $0x0  }
0x243: {  	[sflag:s24] =	ssyncadd.s32 $0xFFFFC000  }
0x244: {  	[spmem:s1] =	stream.indirect.scatter.add.f32 [tilespmem:s21], [sflag:$0x3], $0x80, s29, s20, $0xb8;
	[tilespmem:$0x1D000] =	vst v63  }
0x245: {  	_ =	swait.ge [sflag:s18], $0x4000  }
0x246: {  	[sflag:s18] =	ssyncset.done $0x0  }
0x247: {  	[sflag:s18] =	ssyncadd.s32 $0xFFFFC000  }
0x248: {  	[tilespmem:s21], [sflag:$0x2] =	stream.indirect.gather [hbm4b:s4+s20], $0x80, s30, s20, $0xb8;
	[tilespmem:$0x1D000] =	vst v63  }
0x249: {  	_ =	swait.ge [sflag:s22], $0x4000  }
0x24a: {  	[sflag:s22] =	ssyncset.done $0x0  }
0x24b: {  	[sflag:s22] =	ssyncadd.s32 $0xFFFFC000  }
0x24c: {  	[spmem:s1] =	stream.indirect.scatter.add.f32 [tilespmem:s17], [sflag:$0x3], $0x80, s0, s20, $0xb8;
	[tilespmem:$0x1D000] =	vst v63  }
0x24d: {  	_ =	swait.ge [sflag:s18], $0x4000  }
0x24e: {  	[sflag:s18] =	ssyncset.done $0x0  }
0x24f: {  	[sflag:s18] =	ssyncadd.s32 $0xFFFFC000  }
0x250: {  	[tilespmem:s17], [sflag:$0x1] =	stream.indirect.gather [hbm4b:s4+s20], $0x80, s6, s20, $0xb8;
	[tilespmem:$0x1D000] =	vst v63  }
0x251: {  	_ =	swait.ge [sflag:s24], $0x4000  }
0x252: {  	[sflag:s24] =	ssyncset.done $0x0  }
0x253: {  	[sflag:s24] =	ssyncadd.s32 $0xFFFFC000  }
0x254: {  	[spmem:s1] =	stream.indirect.scatter.add.f32 [tilespmem:s21], [sflag:$0x3], $0x80, s7, s20, $0xb8;
	[tilespmem:$0x1D000] =	vst v63  }
0x255: {  	_ =	swait.ge [sflag:s18], $0x4000  }
0x256: {  	[sflag:s18] =	ssyncset.done $0x0  }
0x257: {  	[sflag:s18] =	ssyncadd.s32 $0xFFFFC000  }
0x258: {  	[tilespmem:s21], [sflag:$0x2] =	stream.indirect.gather [hbm4b:s4+s20], $0x80, s2, s20, $0xb8;
	[tilespmem:$0x1D000] =	vst v63  }
0x259: {  	_ =	swait.ge [sflag:s22], $0x4000  }
0x25a: {  	[sflag:s22] =	ssyncset.done $0x0  }
0x25b: {  	s26 =	simm.s32 $0xC00;
	[sflag:s22] =	ssyncadd.s32 $0xFFFFC000  }
0x25c: {  	[spmem:s1] =	stream.indirect.scatter.add.f32 [tilespmem:s17], [sflag:$0x3], $0x80, s26, s20, $0xb8;
	[tilespmem:$0x1D000] =	vst v63  }
0x25d: {  	_ =	swait.ge [sflag:s18], $0x4000  }
0x25e: {  	[sflag:s18] =	ssyncset.done $0x0  }
0x25f: {  	s2 =	simm.s32 $0x500;
	[sflag:s18] =	ssyncadd.s32 $0xFFFFC000  }
0x260: {  	[tilespmem:s17], [sflag:$0x1] =	stream.indirect.gather [hbm4b:s4+s20], $0x80, s2, s20, $0xb8;
	[tilespmem:$0x1D000] =	vst v63  }
0x261: {  	_ =	swait.ge [sflag:s24], $0x4000  }
0x262: {  	[sflag:s24] =	ssyncset.done $0x0  }
0x263: {  	s6 =	simm.s32 $0xC80;
	[sflag:s24] =	ssyncadd.s32 $0xFFFFC000  }
0x264: {  	[spmem:s1] =	stream.indirect.scatter.add.f32 [tilespmem:s21], [sflag:$0x3], $0x80, s6, s20, $0xb8;
	[tilespmem:$0x1D000] =	vst v63  }
0x265: {  	_ =	swait.ge [sflag:s18], $0x4000  }
0x266: {  	[sflag:s18] =	ssyncset.done $0x0  }
0x267: {  	s7 =	simm.s32 $0x580;
	[sflag:s18] =	ssyncadd.s32 $0xFFFFC000  }
0x268: {  	[tilespmem:s21], [sflag:$0x2] =	stream.indirect.gather [hbm4b:s4+s20], $0x80, s7, s20, $0xb8;
	[tilespmem:$0x1D000] =	vst v63  }
0x269: {  	_ =	swait.ge [sflag:s22], $0x4000  }
0x26a: {  	[sflag:s22] =	ssyncset.done $0x0  }
0x26b: {  	s8 =	simm.s32 $0xD00;
	[sflag:s22] =	ssyncadd.s32 $0xFFFFC000  }
0x26c: {  	[spmem:s1] =	stream.indirect.scatter.add.f32 [tilespmem:s17], [sflag:$0x3], $0x80, s8, s20, $0xb8;
	[tilespmem:$0x1D000] =	vst v63  }
0x26d: {  	_ =	swait.ge [sflag:s18], $0x4000  }
0x26e: {  	[sflag:s18] =	ssyncset.done $0x0  }
0x26f: {  	s9 =	simm.s32 $0x600;
	[sflag:s18] =	ssyncadd.s32 $0xFFFFC000  }
0x270: {  	[tilespmem:s17], [sflag:$0x1] =	stream.indirect.gather [hbm4b:s4+s20], $0x80, s9, s20, $0xb8;
	[tilespmem:$0x1D000] =	vst v63  }
0x271: {  	_ =	swait.ge [sflag:s24], $0x4000  }
0x272: {  	[sflag:s24] =	ssyncset.done $0x0  }
0x273: {  	s10 =	simm.s32 $0xD80;
	[sflag:s24] =	ssyncadd.s32 $0xFFFFC000  }
0x274: {  	[spmem:s1] =	stream.indirect.scatter.add.f32 [tilespmem:s21], [sflag:$0x3], $0x80, s10, s20, $0xb8;
	[tilespmem:$0x1D000] =	vst v63  }
0x275: {  	_ =	swait.ge [sflag:s18], $0x4000  }
0x276: {  	[sflag:s18] =	ssyncset.done $0x0  }
0x277: {  	s11 =	simm.s32 $0x680;
	[sflag:s18] =	ssyncadd.s32 $0xFFFFC000  }
0x278: {  	[tilespmem:s21], [sflag:$0x2] =	stream.indirect.gather [hbm4b:s4+s20], $0x80, s11, s20, $0xb8;
	[tilespmem:$0x1D000] =	vst v63  }
0x279: {  	_ =	swait.ge [sflag:s22], $0x4000  }
0x27a: {  	[sflag:s22] =	ssyncset.done $0x0  }
0x27b: {  	s12 =	simm.s32 $0xE00;
	[sflag:s22] =	ssyncadd.s32 $0xFFFFC000  }
0x27c: {  	[spmem:s1] =	stream.indirect.scatter.add.f32 [tilespmem:s17], [sflag:$0x3], $0x80, s12, s20, $0xb8;
	[tilespmem:$0x1D000] =	vst v63  }
0x27d: {  	_ =	swait.ge [sflag:s18], $0x4000  }
0x27e: {  	[sflag:s18] =	ssyncset.done $0x0  }
0x27f: {  	s13 =	simm.s32 $0x700;
	[sflag:s18] =	ssyncadd.s32 $0xFFFFC000  }
0x280: {  	[tilespmem:s17], [sflag:$0x1] =	stream.indirect.gather [hbm4b:s4+s20], $0x80, s13, s20, $0xb8;
	[tilespmem:$0x1D000] =	vst v63  }
0x281: {  	_ =	swait.ge [sflag:s24], $0x4000  }
0x282: {  	[sflag:s24] =	ssyncset.done $0x0  }
0x283: {  	s14 =	simm.s32 $0xE80;
	[sflag:s24] =	ssyncadd.s32 $0xFFFFC000  }
0x284: {  	[spmem:s1] =	stream.indirect.scatter.add.f32 [tilespmem:s21], [sflag:$0x3], $0x80, s14, s20, $0xb8;
	[tilespmem:$0x1D000] =	vst v63  }
0x285: {  	_ =	swait.ge [sflag:s18], $0x4000  }
0x286: {  	[sflag:s18] =	ssyncset.done $0x0  }
0x287: {  	s23 =	simm.s32 $0x780;
	[sflag:s18] =	ssyncadd.s32 $0xFFFFC000  }
0x288: {  	[tilespmem:s21], [sflag:$0x2] =	stream.indirect.gather [hbm4b:s4+s20], $0x80, s23, s20, $0xb8;
	[tilespmem:$0x1D000] =	vst v63  }
0x289: {  	_ =	swait.ge [sflag:s22], $0x4000  }
0x28a: {  	[sflag:s22] =	ssyncset.done $0x0  }
0x28b: {  	s25 =	simm.s32 $0xF00;
	[sflag:s22] =	ssyncadd.s32 $0xFFFFC000  }
0x28c: {  	[spmem:s1] =	stream.indirect.scatter.add.f32 [tilespmem:s17], [sflag:$0x3], $0x80, s25, s20, $0xb8;
	[tilespmem:$0x1D000] =	vst v63  }
0x28d: {  	s31 =	simm.s32 $0x380;
	s28 =	simm.s32 $0xA00;
	_ =	swait.ge [sflag:s18], $0x4000  }
0x28e: {  	s29 =	simm.s32 $0x300;
	s30 =	simm.s32 $0xA80;
	[sflag:s18] =	ssyncset.done $0x0  }
0x28f: {  	s0 =	simm.s32 $0xB00;
	s26 =	simm.s32 $0xF80;
	[sflag:s18] =	ssyncadd.s32 $0xFFFFC000  }
0x290: {  	s2 =	simm.s32 $0x480;
	s6 =	simm.s32 $0x400;
	_ =	swait.ge [sflag:s24], $0x4000  }
0x291: {  	s7 =	simm.s32 $0xB80;
	s8 =	simm.s32 $0x900;
	[sflag:s24] =	ssyncset.done $0x0  }
0x292: {  	s9 =	simm.s32 $0x100;
	s10 =	simm.s32 $0x200;
	[sflag:s24] =	ssyncadd.s32 $0xFFFFC000  }
0x293: {  	[spmem:s1] =	stream.indirect.scatter.add.f32 [tilespmem:s21], [sflag:$0x3], $0x80, s26, s20, $0xb8;
	[tilespmem:$0x1D000] =	vst v63  }
0x294: {  	s14 =	simm.s32 $0x180;
	s23 =	simm.s32 $0x200;
	_ =	swait.ge [sflag:s18], $0x4000  }
0x295: {  	s25 =	simm.s32 $0x980;
	s26 =	simm.s32 $0x280;
	[sflag:s18] =	ssyncset.done $0x0  }
.LBB2_4:
0x296: {  	s12 =	sadd.s32 s9, s16  }
0x297: {  	[sflag:s18] =	ssyncadd.s32 $0xFFFFC000;
	s13 =	smov.u32 s10;
	s11 =	sadd.s32 $0x100, s10  }
0x298: {  	[tilespmem:s3], [sflag:$0x3] =	stream.linear.gather [hbm4b:s12+s3], $0x800, $0x38;
	[tilespmem:$0x1D000] =	vst v63  }
0x299: {  	s12 =	simm.s32 $0x880  }
0x29a: {  	p1 =	seq.s32 s10, $0x900;
	_ =	swait.ge [sflag:s18], $0x800  }
0x29b: {  	s10 =	sadd.s32 s9, s15;
	[sflag:s18] =	ssyncset.done $0x0  }
0x29c: {  	s9 =	smov.u32 s13;
	s13 =	simm.s32 $0x100;
	[sflag:s18] =	ssyncadd.s32 $0xFFFFF800  }
0x29d: {  	[tilespmem:s19], [sflag:$0x3] =	stream.linear.gather [hbm4b:s10+s3], $0x800, $0x38;
	[tilespmem:$0x1D000] =	vst v63  }
0x29e: {  	_ =	swait.ge [sflag:s18], $0x800  }
0x29f: {  	[sflag:s18] =	ssyncset.done $0x0  }
0x2a0: {  	[sflag:s18] =	ssyncadd.s32 $0xFFFFF800  }
0x2a1: {  	[tilespmem:s17], [sflag:$0x1] =	stream.indirect.gather [hbm4b:s4+s20], $0x80, s3, s20, $0xb8;
	[tilespmem:$0x1D000] =	vst v63  }
0x2a2: {  	_ = 	snop  }
0x2a3: {  	[tilespmem:s21], [sflag:$0x2] =	stream.indirect.gather [hbm4b:s4+s20], $0x80, s20, s20, $0xb8;
	[tilespmem:$0x1D000] =	vst v63  }
0x2a4: {  	_ =	swait.ge [sflag:s22], $0x4000  }
0x2a5: {  	[sflag:s22] =	ssyncset.done $0x0  }
0x2a6: {  	[sflag:s22] =	ssyncadd.s32 $0xFFFFC000  }
0x2a7: {  	[spmem:s1] =	stream.indirect.scatter.add.f32 [tilespmem:s17], [sflag:$0x3], $0x80, s19, s20, $0xb8;
	[tilespmem:$0x1D000] =	vst v63  }
0x2a8: {  	_ =	swait.ge [sflag:s18], $0x4000  }
0x2a9: {  	[sflag:s18] =	ssyncset.done $0x0  }
0x2aa: {  	[sflag:s18] =	ssyncadd.s32 $0xFFFFC000  }
0x2ab: {  	[tilespmem:s17], [sflag:$0x1] =	stream.indirect.gather [hbm4b:s4+s20], $0x80, s13, s20, $0xb8;
	[tilespmem:$0x1D000] =	vst v63  }
0x2ac: {  	_ =	swait.ge [sflag:s24], $0x4000  }
0x2ad: {  	[sflag:s24] =	ssyncset.done $0x0  }
0x2ae: {  	[sflag:s24] =	ssyncadd.s32 $0xFFFFC000  }
0x2af: {  	[spmem:s1] =	stream.indirect.scatter.add.f32 [tilespmem:s21], [sflag:$0x3], $0x80, s12, s20, $0xb8;
	[tilespmem:$0x1D000] =	vst v63  }
0x2b0: {  	_ =	swait.ge [sflag:s18], $0x4000  }
0x2b1: {  	[sflag:s18] =	ssyncset.done $0x0  }
0x2b2: {  	[sflag:s18] =	ssyncadd.s32 $0xFFFFC000  }
0x2b3: {  	[tilespmem:s21], [sflag:$0x2] =	stream.indirect.gather [hbm4b:s4+s20], $0x80, s14, s20, $0xb8;
	[tilespmem:$0x1D000] =	vst v63  }
0x2b4: {  	_ =	swait.ge [sflag:s22], $0x4000  }
0x2b5: {  	[sflag:s22] =	ssyncset.done $0x0  }
0x2b6: {  	[sflag:s22] =	ssyncadd.s32 $0xFFFFC000  }
0x2b7: {  	[spmem:s1] =	stream.indirect.scatter.add.f32 [tilespmem:s17], [sflag:$0x3], $0x80, s8, s20, $0xb8;
	[tilespmem:$0x1D000] =	vst v63  }
0x2b8: {  	_ =	swait.ge [sflag:s18], $0x4000  }
0x2b9: {  	[sflag:s18] =	ssyncset.done $0x0  }
0x2ba: {  	[sflag:s18] =	ssyncadd.s32 $0xFFFFC000  }
0x2bb: {  	[tilespmem:s17], [sflag:$0x1] =	stream.indirect.gather [hbm4b:s4+s20], $0x80, s23, s20, $0xb8;
	[tilespmem:$0x1D000] =	vst v63  }
0x2bc: {  	_ =	swait.ge [sflag:s24], $0x4000  }
0x2bd: {  	[sflag:s24] =	ssyncset.done $0x0  }
0x2be: {  	[sflag:s24] =	ssyncadd.s32 $0xFFFFC000  }
0x2bf: {  	[spmem:s1] =	stream.indirect.scatter.add.f32 [tilespmem:s21], [sflag:$0x3], $0x80, s25, s20, $0xb8;
	[tilespmem:$0x1D000] =	vst v63  }
0x2c0: {  	_ =	swait.ge [sflag:s18], $0x4000  }
0x2c1: {  	[sflag:s18] =	ssyncset.done $0x0  }
0x2c2: {  	[sflag:s18] =	ssyncadd.s32 $0xFFFFC000  }
0x2c3: {  	[tilespmem:s21], [sflag:$0x2] =	stream.indirect.gather [hbm4b:s4+s20], $0x80, s26, s20, $0xb8;
	[tilespmem:$0x1D000] =	vst v63  }
0x2c4: {  	_ =	swait.ge [sflag:s22], $0x4000  }
0x2c5: {  	[sflag:s22] =	ssyncset.done $0x0  }
0x2c6: {  	[sflag:s22] =	ssyncadd.s32 $0xFFFFC000  }
0x2c7: {  	[spmem:s1] =	stream.indirect.scatter.add.f32 [tilespmem:s17], [sflag:$0x3], $0x80, s28, s20, $0xb8;
	[tilespmem:$0x1D000] =	vst v63  }
0x2c8: {  	_ =	swait.ge [sflag:s18], $0x4000  }
0x2c9: {  	[sflag:s18] =	ssyncset.done $0x0  }
0x2ca: {  	[sflag:s18] =	ssyncadd.s32 $0xFFFFC000  }
0x2cb: {  	[tilespmem:s17], [sflag:$0x1] =	stream.indirect.gather [hbm4b:s4+s20], $0x80, s29, s20, $0xb8;
	[tilespmem:$0x1D000] =	vst v63  }
0x2cc: {  	_ =	swait.ge [sflag:s24], $0x4000  }
0x2cd: {  	[sflag:s24] =	ssyncset.done $0x0  }
0x2ce: {  	[sflag:s24] =	ssyncadd.s32 $0xFFFFC000  }
0x2cf: {  	[spmem:s1] =	stream.indirect.scatter.add.f32 [tilespmem:s21], [sflag:$0x3], $0x80, s30, s20, $0xb8;
	[tilespmem:$0x1D000] =	vst v63  }
0x2d0: {  	_ =	swait.ge [sflag:s18], $0x4000  }
0x2d1: {  	[sflag:s18] =	ssyncset.done $0x0  }
0x2d2: {  	[sflag:s18] =	ssyncadd.s32 $0xFFFFC000  }
0x2d3: {  	[tilespmem:s21], [sflag:$0x2] =	stream.indirect.gather [hbm4b:s4+s20], $0x80, s31, s20, $0xb8;
	[tilespmem:$0x1D000] =	vst v63  }
0x2d4: {  	_ =	swait.ge [sflag:s22], $0x4000  }
0x2d5: {  	[sflag:s22] =	ssyncset.done $0x0  }
0x2d6: {  	[sflag:s22] =	ssyncadd.s32 $0xFFFFC000  }
0x2d7: {  	[spmem:s1] =	stream.indirect.scatter.add.f32 [tilespmem:s17], [sflag:$0x3], $0x80, s0, s20, $0xb8;
	[tilespmem:$0x1D000] =	vst v63  }
0x2d8: {  	_ =	swait.ge [sflag:s18], $0x4000  }
0x2d9: {  	[sflag:s18] =	ssyncset.done $0x0  }
0x2da: {  	[sflag:s18] =	ssyncadd.s32 $0xFFFFC000  }
0x2db: {  	[tilespmem:s17], [sflag:$0x1] =	stream.indirect.gather [hbm4b:s4+s20], $0x80, s6, s20, $0xb8;
	[tilespmem:$0x1D000] =	vst v63  }
0x2dc: {  	_ =	swait.ge [sflag:s24], $0x4000  }
0x2dd: {  	[sflag:s24] =	ssyncset.done $0x0  }
0x2de: {  	[sflag:s24] =	ssyncadd.s32 $0xFFFFC000  }
0x2df: {  	[spmem:s1] =	stream.indirect.scatter.add.f32 [tilespmem:s21], [sflag:$0x3], $0x80, s7, s20, $0xb8;
	[tilespmem:$0x1D000] =	vst v63  }
0x2e0: {  	_ =	swait.ge [sflag:s18], $0x4000  }
0x2e1: {  	[sflag:s18] =	ssyncset.done $0x0  }
0x2e2: {  	[sflag:s18] =	ssyncadd.s32 $0xFFFFC000  }
0x2e3: {  	[tilespmem:s21], [sflag:$0x2] =	stream.indirect.gather [hbm4b:s4+s20], $0x80, s2, s20, $0xb8;
	[tilespmem:$0x1D000] =	vst v63  }
0x2e4: {  	_ =	swait.ge [sflag:s22], $0x4000  }
0x2e5: {  	[sflag:s22] =	ssyncset.done $0x0  }
0x2e6: {  	s10 =	simm.s32 $0xC00;
	[sflag:s22] =	ssyncadd.s32 $0xFFFFC000  }
0x2e7: {  	[spmem:s1] =	stream.indirect.scatter.add.f32 [tilespmem:s17], [sflag:$0x3], $0x80, s10, s20, $0xb8;
	[tilespmem:$0x1D000] =	vst v63  }
0x2e8: {  	_ =	swait.ge [sflag:s18], $0x4000  }
0x2e9: {  	[sflag:s18] =	ssyncset.done $0x0  }
0x2ea: {  	s10 =	simm.s32 $0x500;
	[sflag:s18] =	ssyncadd.s32 $0xFFFFC000  }
0x2eb: {  	[tilespmem:s17], [sflag:$0x1] =	stream.indirect.gather [hbm4b:s4+s20], $0x80, s10, s20, $0xb8;
	[tilespmem:$0x1D000] =	vst v63  }
0x2ec: {  	_ =	swait.ge [sflag:s24], $0x4000  }
0x2ed: {  	[sflag:s24] =	ssyncset.done $0x0  }
0x2ee: {  	s10 =	simm.s32 $0xC80;
	[sflag:s24] =	ssyncadd.s32 $0xFFFFC000  }
0x2ef: {  	[spmem:s1] =	stream.indirect.scatter.add.f32 [tilespmem:s21], [sflag:$0x3], $0x80, s10, s20, $0xb8;
	[tilespmem:$0x1D000] =	vst v63  }
0x2f0: {  	_ =	swait.ge [sflag:s18], $0x4000  }
0x2f1: {  	[sflag:s18] =	ssyncset.done $0x0  }
0x2f2: {  	s10 =	simm.s32 $0x580;
	[sflag:s18] =	ssyncadd.s32 $0xFFFFC000  }
0x2f3: {  	[tilespmem:s21], [sflag:$0x2] =	stream.indirect.gather [hbm4b:s4+s20], $0x80, s10, s20, $0xb8;
	[tilespmem:$0x1D000] =	vst v63  }
0x2f4: {  	_ =	swait.ge [sflag:s22], $0x4000  }
0x2f5: {  	[sflag:s22] =	ssyncset.done $0x0  }
0x2f6: {  	s10 =	simm.s32 $0xD00;
	[sflag:s22] =	ssyncadd.s32 $0xFFFFC000  }
0x2f7: {  	[spmem:s1] =	stream.indirect.scatter.add.f32 [tilespmem:s17], [sflag:$0x3], $0x80, s10, s20, $0xb8;
	[tilespmem:$0x1D000] =	vst v63  }
0x2f8: {  	_ =	swait.ge [sflag:s18], $0x4000  }
0x2f9: {  	[sflag:s18] =	ssyncset.done $0x0  }
0x2fa: {  	s10 =	simm.s32 $0x600;
	[sflag:s18] =	ssyncadd.s32 $0xFFFFC000  }
0x2fb: {  	[tilespmem:s17], [sflag:$0x1] =	stream.indirect.gather [hbm4b:s4+s20], $0x80, s10, s20, $0xb8;
	[tilespmem:$0x1D000] =	vst v63  }
0x2fc: {  	_ =	swait.ge [sflag:s24], $0x4000  }
0x2fd: {  	[sflag:s24] =	ssyncset.done $0x0  }
0x2fe: {  	s10 =	simm.s32 $0xD80;
	[sflag:s24] =	ssyncadd.s32 $0xFFFFC000  }
0x2ff: {  	[spmem:s1] =	stream.indirect.scatter.add.f32 [tilespmem:s21], [sflag:$0x3], $0x80, s10, s20, $0xb8;
	[tilespmem:$0x1D000] =	vst v63  }
0x300: {  	_ =	swait.ge [sflag:s18], $0x4000  }
0x301: {  	[sflag:s18] =	ssyncset.done $0x0  }
0x302: {  	s10 =	simm.s32 $0x680;
	[sflag:s18] =	ssyncadd.s32 $0xFFFFC000  }
0x303: {  	[tilespmem:s21], [sflag:$0x2] =	stream.indirect.gather [hbm4b:s4+s20], $0x80, s10, s20, $0xb8;
	[tilespmem:$0x1D000] =	vst v63  }
0x304: {  	_ =	swait.ge [sflag:s22], $0x4000  }
0x305: {  	[sflag:s22] =	ssyncset.done $0x0  }
0x306: {  	s10 =	simm.s32 $0xE00;
	[sflag:s22] =	ssyncadd.s32 $0xFFFFC000  }
0x307: {  	[spmem:s1] =	stream.indirect.scatter.add.f32 [tilespmem:s17], [sflag:$0x3], $0x80, s10, s20, $0xb8;
	[tilespmem:$0x1D000] =	vst v63  }
0x308: {  	_ =	swait.ge [sflag:s18], $0x4000  }
0x309: {  	[sflag:s18] =	ssyncset.done $0x0  }
0x30a: {  	s10 =	simm.s32 $0x700;
	[sflag:s18] =	ssyncadd.s32 $0xFFFFC000  }
0x30b: {  	[tilespmem:s17], [sflag:$0x1] =	stream.indirect.gather [hbm4b:s4+s20], $0x80, s10, s20, $0xb8;
	[tilespmem:$0x1D000] =	vst v63  }
0x30c: {  	_ =	swait.ge [sflag:s24], $0x4000  }
0x30d: {  	[sflag:s24] =	ssyncset.done $0x0  }
0x30e: {  	s10 =	simm.s32 $0xE80;
	[sflag:s24] =	ssyncadd.s32 $0xFFFFC000  }
0x30f: {  	[spmem:s1] =	stream.indirect.scatter.add.f32 [tilespmem:s21], [sflag:$0x3], $0x80, s10, s20, $0xb8;
	[tilespmem:$0x1D000] =	vst v63  }
0x310: {  	_ =	swait.ge [sflag:s18], $0x4000  }
0x311: {  	[sflag:s18] =	ssyncset.done $0x0  }
0x312: {  	s10 =	simm.s32 $0x780;
	[sflag:s18] =	ssyncadd.s32 $0xFFFFC000  }
0x313: {  	[tilespmem:s21], [sflag:$0x2] =	stream.indirect.gather [hbm4b:s4+s20], $0x80, s10, s20, $0xb8;
	[tilespmem:$0x1D000] =	vst v63  }
0x314: {  	_ =	swait.ge [sflag:s22], $0x4000  }
0x315: {  	[sflag:s22] =	ssyncset.done $0x0  }
0x316: {  	s10 =	simm.s32 $0xF00;
	[sflag:s22] =	ssyncadd.s32 $0xFFFFC000  }
0x317: {  	[spmem:s1] =	stream.indirect.scatter.add.f32 [tilespmem:s17], [sflag:$0x3], $0x80, s10, s20, $0xb8;
	[tilespmem:$0x1D000] =	vst v63  }
0x318: {  	_ =	swait.ge [sflag:s18], $0x4000  }
0x319: {  	[sflag:s18] =	ssyncset.done $0x0  }
0x31a: {  	[sflag:s18] =	ssyncadd.s32 $0xFFFFC000  }
0x31b: {  	_ =	swait.ge [sflag:s24], $0x4000  }
.Ltmp7:
0x31c: {  	[sflag:s24] =	ssyncset.done $0x0;
	(pc) =	sbr.rel @!p1 .LBB2_4-.Ltmp7, $4  }
0x31d: {  	s10 =	simm.s32 $0xF80;
	[sflag:s24] =	ssyncadd.s32 $0xFFFFC000  }
0x31e: {  	[spmem:s1] =	stream.indirect.scatter.add.f32 [tilespmem:s21], [sflag:$0x3], $0x80, s10, s20, $0xb8;
	[tilespmem:$0x1D000] =	vst v63  }
0x31f: {  	_ =	swait.ge [sflag:s18], $0x4000  }
0x320: {  	s10 =	smov.u32 s11;
	[sflag:s18] =	ssyncset.done $0x0  }
0x321: {  	s10 =	sadd.s32 s9, s16;
	[sflag:s18] =	ssyncadd.s32 $0xFFFFC000  }
0x322: {  	[tilespmem:s3], [sflag:$0x3] =	stream.linear.gather [hbm4b:s10+s3], $0x800, $0x38;
	[tilespmem:$0x1D000] =	vst v63  }
0x323: {  	_ =	swait.ge [sflag:s18], $0x800  }
0x324: {  	[sflag:s18] =	ssyncset.done $0x0  }
0x325: {  	s11 =	sadd.s32 s9, s15;
	[sflag:s18] =	ssyncadd.s32 $0xFFFFF800  }
0x326: {  	[tilespmem:s19], [sflag:$0x3] =	stream.linear.gather [hbm4b:s11+s3], $0x800, $0x38;
	[tilespmem:$0x1D000] =	vst v63  }
0x327: {  	_ =	swait.ge [sflag:s18], $0x800  }
0x328: {  	[sflag:s18] =	ssyncset.done $0x0  }
0x329: {  	[sflag:s18] =	ssyncadd.s32 $0xFFFFF800  }
0x32a: {  	[tilespmem:s17], [sflag:$0x1] =	stream.indirect.gather [hbm4b:s4+s20], $0x80, s3, s20, $0xb8;
	[tilespmem:$0x1D000] =	vst v63  }
0x32b: {  	_ = 	snop  }
0x32c: {  	[tilespmem:s21], [sflag:$0x2] =	stream.indirect.gather [hbm4b:s4+s20], $0x80, s20, s20, $0xb8;
	[tilespmem:$0x1D000] =	vst v63  }
0x32d: {  	_ =	swait.ge [sflag:s22], $0x4000  }
0x32e: {  	[sflag:s22] =	ssyncset.done $0x0  }
0x32f: {  	[sflag:s22] =	ssyncadd.s32 $0xFFFFC000  }
0x330: {  	[spmem:s1] =	stream.indirect.scatter.add.f32 [tilespmem:s17], [sflag:$0x3], $0x80, s19, s20, $0xb8;
	[tilespmem:$0x1D000] =	vst v63  }
0x331: {  	_ =	swait.ge [sflag:s18], $0x4000  }
0x332: {  	[sflag:s18] =	ssyncset.done $0x0  }
0x333: {  	[sflag:s18] =	ssyncadd.s32 $0xFFFFC000  }
0x334: {  	[tilespmem:s17], [sflag:$0x1] =	stream.indirect.gather [hbm4b:s4+s20], $0x80, s13, s20, $0xb8;
	[tilespmem:$0x1D000] =	vst v63  }
0x335: {  	_ =	swait.ge [sflag:s24], $0x4000  }
0x336: {  	[sflag:s24] =	ssyncset.done $0x0  }
0x337: {  	[sflag:s24] =	ssyncadd.s32 $0xFFFFC000  }
0x338: {  	[spmem:s1] =	stream.indirect.scatter.add.f32 [tilespmem:s21], [sflag:$0x3], $0x80, s12, s20, $0xb8;
	[tilespmem:$0x1D000] =	vst v63  }
0x339: {  	_ =	swait.ge [sflag:s18], $0x4000  }
0x33a: {  	[sflag:s18] =	ssyncset.done $0x0  }
0x33b: {  	[sflag:s18] =	ssyncadd.s32 $0xFFFFC000  }
0x33c: {  	[tilespmem:s21], [sflag:$0x2] =	stream.indirect.gather [hbm4b:s4+s20], $0x80, s14, s20, $0xb8;
	[tilespmem:$0x1D000] =	vst v63  }
0x33d: {  	_ =	swait.ge [sflag:s22], $0x4000  }
0x33e: {  	[sflag:s22] =	ssyncset.done $0x0  }
0x33f: {  	[sflag:s22] =	ssyncadd.s32 $0xFFFFC000  }
0x340: {  	[spmem:s1] =	stream.indirect.scatter.add.f32 [tilespmem:s17], [sflag:$0x3], $0x80, s8, s20, $0xb8;
	[tilespmem:$0x1D000] =	vst v63  }
0x341: {  	_ =	swait.ge [sflag:s18], $0x4000  }
0x342: {  	[sflag:s18] =	ssyncset.done $0x0  }
0x343: {  	[sflag:s18] =	ssyncadd.s32 $0xFFFFC000  }
0x344: {  	[tilespmem:s17], [sflag:$0x1] =	stream.indirect.gather [hbm4b:s4+s20], $0x80, s23, s20, $0xb8;
	[tilespmem:$0x1D000] =	vst v63  }
0x345: {  	_ =	swait.ge [sflag:s24], $0x4000  }
0x346: {  	[sflag:s24] =	ssyncset.done $0x0  }
0x347: {  	[sflag:s24] =	ssyncadd.s32 $0xFFFFC000  }
0x348: {  	[spmem:s1] =	stream.indirect.scatter.add.f32 [tilespmem:s21], [sflag:$0x3], $0x80, s25, s20, $0xb8;
	[tilespmem:$0x1D000] =	vst v63  }
0x349: {  	_ =	swait.ge [sflag:s18], $0x4000  }
0x34a: {  	[sflag:s18] =	ssyncset.done $0x0  }
0x34b: {  	[sflag:s18] =	ssyncadd.s32 $0xFFFFC000  }
0x34c: {  	[tilespmem:s21], [sflag:$0x2] =	stream.indirect.gather [hbm4b:s4+s20], $0x80, s26, s20, $0xb8;
	[tilespmem:$0x1D000] =	vst v63  }
0x34d: {  	_ =	swait.ge [sflag:s22], $0x4000  }
0x34e: {  	[sflag:s22] =	ssyncset.done $0x0  }
0x34f: {  	[sflag:s22] =	ssyncadd.s32 $0xFFFFC000  }
0x350: {  	[spmem:s1] =	stream.indirect.scatter.add.f32 [tilespmem:s17], [sflag:$0x3], $0x80, s28, s20, $0xb8;
	[tilespmem:$0x1D000] =	vst v63  }
0x351: {  	_ =	swait.ge [sflag:s18], $0x4000  }
0x352: {  	[sflag:s18] =	ssyncset.done $0x0  }
0x353: {  	[sflag:s18] =	ssyncadd.s32 $0xFFFFC000  }
0x354: {  	[tilespmem:s17], [sflag:$0x1] =	stream.indirect.gather [hbm4b:s4+s20], $0x80, s29, s20, $0xb8;
	[tilespmem:$0x1D000] =	vst v63  }
0x355: {  	_ =	swait.ge [sflag:s24], $0x4000  }
0x356: {  	[sflag:s24] =	ssyncset.done $0x0  }
0x357: {  	[sflag:s24] =	ssyncadd.s32 $0xFFFFC000  }
0x358: {  	[spmem:s1] =	stream.indirect.scatter.add.f32 [tilespmem:s21], [sflag:$0x3], $0x80, s30, s20, $0xb8;
	[tilespmem:$0x1D000] =	vst v63  }
0x359: {  	_ =	swait.ge [sflag:s18], $0x4000  }
0x35a: {  	[sflag:s18] =	ssyncset.done $0x0  }
0x35b: {  	[sflag:s18] =	ssyncadd.s32 $0xFFFFC000  }
0x35c: {  	[tilespmem:s21], [sflag:$0x2] =	stream.indirect.gather [hbm4b:s4+s20], $0x80, s31, s20, $0xb8;
	[tilespmem:$0x1D000] =	vst v63  }
0x35d: {  	_ =	swait.ge [sflag:s22], $0x4000  }
0x35e: {  	[sflag:s22] =	ssyncset.done $0x0  }
0x35f: {  	[sflag:s22] =	ssyncadd.s32 $0xFFFFC000  }
0x360: {  	[spmem:s1] =	stream.indirect.scatter.add.f32 [tilespmem:s17], [sflag:$0x3], $0x80, s0, s20, $0xb8;
	[tilespmem:$0x1D000] =	vst v63  }
0x361: {  	_ =	swait.ge [sflag:s18], $0x4000  }
0x362: {  	[sflag:s18] =	ssyncset.done $0x0  }
0x363: {  	[sflag:s18] =	ssyncadd.s32 $0xFFFFC000  }
0x364: {  	[tilespmem:s17], [sflag:$0x1] =	stream.indirect.gather [hbm4b:s4+s20], $0x80, s6, s20, $0xb8;
	[tilespmem:$0x1D000] =	vst v63  }
0x365: {  	_ =	swait.ge [sflag:s24], $0x4000  }
0x366: {  	[sflag:s24] =	ssyncset.done $0x0  }
0x367: {  	[sflag:s24] =	ssyncadd.s32 $0xFFFFC000  }
0x368: {  	[spmem:s1] =	stream.indirect.scatter.add.f32 [tilespmem:s21], [sflag:$0x3], $0x80, s7, s20, $0xb8;
	[tilespmem:$0x1D000] =	vst v63  }
0x369: {  	_ =	swait.ge [sflag:s18], $0x4000  }
0x36a: {  	[sflag:s18] =	ssyncset.done $0x0  }
0x36b: {  	[sflag:s18] =	ssyncadd.s32 $0xFFFFC000  }
0x36c: {  	[tilespmem:s21], [sflag:$0x2] =	stream.indirect.gather [hbm4b:s4+s20], $0x80, s2, s20, $0xb8;
	[tilespmem:$0x1D000] =	vst v63  }
0x36d: {  	_ =	swait.ge [sflag:s22], $0x4000  }
0x36e: {  	[sflag:s22] =	ssyncset.done $0x0  }
0x36f: {  	s25 =	simm.s32 $0xC00;
	[sflag:s22] =	ssyncadd.s32 $0xFFFFC000  }
0x370: {  	[spmem:s1] =	stream.indirect.scatter.add.f32 [tilespmem:s17], [sflag:$0x3], $0x80, s25, s20, $0xb8;
	[tilespmem:$0x1D000] =	vst v63  }
0x371: {  	_ =	swait.ge [sflag:s18], $0x4000  }
0x372: {  	[sflag:s18] =	ssyncset.done $0x0  }
0x373: {  	s26 =	simm.s32 $0x500;
	[sflag:s18] =	ssyncadd.s32 $0xFFFFC000  }
0x374: {  	[tilespmem:s17], [sflag:$0x1] =	stream.indirect.gather [hbm4b:s4+s20], $0x80, s26, s20, $0xb8;
	[tilespmem:$0x1D000] =	vst v63  }
0x375: {  	_ =	swait.ge [sflag:s24], $0x4000  }
0x376: {  	[sflag:s24] =	ssyncset.done $0x0  }
0x377: {  	s2 =	simm.s32 $0xC80;
	[sflag:s24] =	ssyncadd.s32 $0xFFFFC000  }
0x378: {  	[spmem:s1] =	stream.indirect.scatter.add.f32 [tilespmem:s21], [sflag:$0x3], $0x80, s2, s20, $0xb8;
	[tilespmem:$0x1D000] =	vst v63  }
0x379: {  	_ =	swait.ge [sflag:s18], $0x4000  }
0x37a: {  	[sflag:s18] =	ssyncset.done $0x0  }
0x37b: {  	s6 =	simm.s32 $0x580;
	[sflag:s18] =	ssyncadd.s32 $0xFFFFC000  }
0x37c: {  	[tilespmem:s21], [sflag:$0x2] =	stream.indirect.gather [hbm4b:s4+s20], $0x80, s6, s20, $0xb8;
	[tilespmem:$0x1D000] =	vst v63  }
0x37d: {  	_ =	swait.ge [sflag:s22], $0x4000  }
0x37e: {  	[sflag:s22] =	ssyncset.done $0x0  }
0x37f: {  	s7 =	simm.s32 $0xD00;
	[sflag:s22] =	ssyncadd.s32 $0xFFFFC000  }
0x380: {  	[spmem:s1] =	stream.indirect.scatter.add.f32 [tilespmem:s17], [sflag:$0x3], $0x80, s7, s20, $0xb8;
	[tilespmem:$0x1D000] =	vst v63  }
0x381: {  	_ =	swait.ge [sflag:s18], $0x4000  }
0x382: {  	[sflag:s18] =	ssyncset.done $0x0  }
0x383: {  	s8 =	simm.s32 $0x600;
	[sflag:s18] =	ssyncadd.s32 $0xFFFFC000  }
0x384: {  	[tilespmem:s17], [sflag:$0x1] =	stream.indirect.gather [hbm4b:s4+s20], $0x80, s8, s20, $0xb8;
	[tilespmem:$0x1D000] =	vst v63  }
0x385: {  	_ =	swait.ge [sflag:s24], $0x4000  }
0x386: {  	[sflag:s24] =	ssyncset.done $0x0  }
0x387: {  	s9 =	simm.s32 $0xD80;
	[sflag:s24] =	ssyncadd.s32 $0xFFFFC000  }
0x388: {  	[spmem:s1] =	stream.indirect.scatter.add.f32 [tilespmem:s21], [sflag:$0x3], $0x80, s9, s20, $0xb8;
	[tilespmem:$0x1D000] =	vst v63  }
0x389: {  	_ =	swait.ge [sflag:s18], $0x4000  }
0x38a: {  	[sflag:s18] =	ssyncset.done $0x0  }
0x38b: {  	s10 =	simm.s32 $0x680;
	[sflag:s18] =	ssyncadd.s32 $0xFFFFC000  }
0x38c: {  	[tilespmem:s21], [sflag:$0x2] =	stream.indirect.gather [hbm4b:s4+s20], $0x80, s10, s20, $0xb8;
	[tilespmem:$0x1D000] =	vst v63  }
0x38d: {  	_ =	swait.ge [sflag:s22], $0x4000  }
0x38e: {  	[sflag:s22] =	ssyncset.done $0x0  }
0x38f: {  	s11 =	simm.s32 $0xE00;
	[sflag:s22] =	ssyncadd.s32 $0xFFFFC000  }
0x390: {  	[spmem:s1] =	stream.indirect.scatter.add.f32 [tilespmem:s17], [sflag:$0x3], $0x80, s11, s20, $0xb8;
	[tilespmem:$0x1D000] =	vst v63  }
0x391: {  	_ =	swait.ge [sflag:s18], $0x4000  }
0x392: {  	[sflag:s18] =	ssyncset.done $0x0  }
0x393: {  	s12 =	simm.s32 $0x700;
	[sflag:s18] =	ssyncadd.s32 $0xFFFFC000  }
0x394: {  	[tilespmem:s17], [sflag:$0x1] =	stream.indirect.gather [hbm4b:s4+s20], $0x80, s12, s20, $0xb8;
	[tilespmem:$0x1D000] =	vst v63  }
0x395: {  	_ =	swait.ge [sflag:s24], $0x4000  }
0x396: {  	[sflag:s24] =	ssyncset.done $0x0  }
0x397: {  	s14 =	simm.s32 $0xE80;
	[sflag:s24] =	ssyncadd.s32 $0xFFFFC000  }
0x398: {  	[spmem:s1] =	stream.indirect.scatter.add.f32 [tilespmem:s21], [sflag:$0x3], $0x80, s14, s20, $0xb8;
	[tilespmem:$0x1D000] =	vst v63  }
0x399: {  	_ =	swait.ge [sflag:s18], $0x4000  }
0x39a: {  	[sflag:s18] =	ssyncset.done $0x0  }
0x39b: {  	s23 =	simm.s32 $0x780;
	[sflag:s18] =	ssyncadd.s32 $0xFFFFC000  }
0x39c: {  	[tilespmem:s21], [sflag:$0x2] =	stream.indirect.gather [hbm4b:s4+s20], $0x80, s23, s20, $0xb8;
	[tilespmem:$0x1D000] =	vst v63  }
0x39d: {  	_ =	swait.ge [sflag:s22], $0x4000  }
0x39e: {  	[sflag:s22] =	ssyncset.done $0x0  }
0x39f: {  	s25 =	simm.s32 $0xF00;
	[sflag:s22] =	ssyncadd.s32 $0xFFFFC000  }
0x3a0: {  	[spmem:s1] =	stream.indirect.scatter.add.f32 [tilespmem:s17], [sflag:$0x3], $0x80, s25, s20, $0xb8;
	[tilespmem:$0x1D000] =	vst v63  }
0x3a1: {  	_ =	swait.ge [sflag:s18], $0x4000  }
0x3a2: {  	s28 =	simm.s32 $0x300;
	s29 =	simm.s32 $0xA80;
	[sflag:s18] =	ssyncset.done $0x0  }
0x3a3: {  	s30 =	simm.s32 $0x380;
	s0 =	simm.s32 $0xB00;
	[sflag:s18] =	ssyncadd.s32 $0xFFFFC000  }
0x3a4: {  	s26 =	simm.s32 $0xF80;
	s2 =	simm.s32 $0x480;
	_ =	swait.ge [sflag:s24], $0x4000  }
0x3a5: {  	s6 =	simm.s32 $0x400;
	s7 =	simm.s32 $0xB80;
	[sflag:s24] =	ssyncset.done $0x0  }
.Ltmp8:
0x3a6: {  	s8 =	simm.s32 $0x900;
	[sflag:s24] =	ssyncadd.s32 $0xFFFFC000;
	(pc) =	sbr.rel .LBB2_10-.Ltmp8, $4  }
0x3a7: {  	[spmem:s1] =	stream.indirect.scatter.add.f32 [tilespmem:s21], [sflag:$0x3], $0x80, s26, s20, $0xb8;
	[tilespmem:$0x1D000] =	vst v63  }
0x3a8: {  	s14 =	simm.s32 $0x200;
	s23 =	simm.s32 $0x980;
	_ =	swait.ge [sflag:s18], $0x4000  }
0x3a9: {  	s25 =	simm.s32 $0x280;
	[sflag:s18] =	ssyncset.done $0x0;
	s9 =	rddreg [dreg:$0x4]  }
0x3aa: {  	s26 =	simm.s32 $0xA00;
	s31 =	rddreg [dreg:$0xd];
	[sflag:s18] =	ssyncadd.s32 $0xFFFFC000  }
.LBB2_11:
0x3ab: {  	_ =	sfence.sel $0x180000  }
0x3ac: {  	[bflag:$0x0] =	sbarrier.arrive $0xFFFF  }
0x3ad: {  	_ =	strace $0x9000004D  }
0x3ae: {  	s0 =	stileid.u32;
	[bflag:$0x2] =	sbarrier.arrive $0xFFFF  }
0x3af: {  	p0 =	sne.s32 s0, $0x0;
	s0 =	rddreg [dreg:$0x3]  }
0x3b0: {  	s0 =	sadd.s32 @!p0 $0x100000, s0  }
0x3b1: {  	[sflag:s0] =	ssyncadd.tile.s32 @!p0 $0x1;
	_ =	shalt  }
.Lfunc_end2:
_tile_overlayer_lowered:
.L_overlay_start_2:
0x3b2: {  	(tag) =	ssettag $0x2  }
0x3b3: {  	s0 =	rddreg [dreg:$0x0];
	s2 =	stileid.u32  }
0x3b4: {  	s1 =	rddreg [dreg:$0x1];
	p0 =	sne.s32 s2, $0x0  }
0x3b5: {  	s3 =	rddreg [dreg:$0x2];
	[bflag:$0x3] =	sbarrier.arrive $0xFFFF;
	s2 =	simm.s32 @!p0 $0x1C03  }
0x3b6: {  	[timem:s3], [sflag:s2] =	dma.local @!p0 [hbm:s0], s1  }
0x3b7: {  	s0 =	simm.s32 @!p0 $0x3  }
0x3b8: {  	_ =	swait.ge @!p0 [sflag:s0], s1  }
0x3b9: {  	s1 =	ssub.s32 @!p0 $0x0, s1;
	[sflag:s0] =	ssyncset.done @!p0 $0x0  }
0x3ba: {  	[sflag:s0] =	ssyncadd.s32 @!p0 s1  }
0x3bb: {  	[bflag:$0x3] =	sbarrier.arrive $0xFFFF  }
0x3bc: {  	_ =	shalt  }

// kernel: kernel.8.cloned.1.call-start
scs
__scs_entry_jumppad:
0x0: {  	(pc) =	sbr.rel $0x88, $3  }
0x1: {  	(tag) =	ssettag $0x0;
	lr =	simm.s32 $0x1  }
0x2: {  	[smem:$0x3F9D] =	sst lr;
	_ =	strace $0xD0000000  }
0x3: {  	_ = 	snop  }
0x4: {  	_ = 	snop  }
0x5: {  	_ = 	snop  }
0x6: {  	_ = 	snop  }
0x7: {  	_ = 	snop  }
__scs_overlays_trampoline_lowered:
0x8: {  	[smem:$0x3FAC] =	sst s0  }
0x9: {  	[smem:$0x3FAD] =	sst s1  }
0xa: {  	[smem:$0x3FAE] =	sst s2  }
0xb: {  	[smem:$0x3FAF] =	sst s3  }
0xc: {  	[smem:$0x3FB0] =	sst s4  }
0xd: {  	[smem:$0x3FB1] =	sst s5  }
0xe: {  	[smem:$0x3FB2] =	sst s6  }
0xf: {  	[smem:$0x3FB3] =	sst s7  }
0x10: {  	[smem:$0x3FB4] =	sst s8  }
0x11: {  	[smem:$0x3FB5] =	sst s9;
	s0 =	simm.s32 @!p0 $0x0  }
0x12: {  	s1 =	sld [smem:$0x3F9B];
	s0 =	simm.s32 @p0 $0x1  }
0x13: {  	[smem:$0x3FB6] =	sst s0;
	s0 =	simm.s32 @!p1 $0x0  }
0x14: {  	s2 =	sld [smem:$0x3F9A];
	s0 =	simm.s32 @p1 $0x1  }
0x15: {  	[smem:$0x3FB7] =	sst s0;
	s0 =	simm.s32 @!p2 $0x0  }
0x16: {  	s3 =	sld [smem:$0x3FDB];
	s0 =	simm.s32 @p2 $0x1  }
0x17: {  	s4 =	simm.s32 $0x1BF5;
	[smem:$0x3FB9] =	sst s0  }
0x18: {  	s0 =	sld [smem:$0x3F9C];
	_ =	swait.ge [sflag:s4], $0x0  }
0x19: {  	s7 =	sld [smem:$0x3F9D]  }
0x1a: {  	s8 =	sadd.s32 $0xFFFFE003, lr  }
0x1b: {  	s9 =	sadd.s32 $0xFFFFFEF7, lr;
	s5 =	simm.s32 $0xFFFFFFFF;
	p2 =	slt.u32 s8, $0xFFFFF086  }
0x1c: {  	p1 =	slt.u32 s9, $0xF7A;
	s5 =	simm.s32 @!p2 $0x0  }
0x1d: {  	s5 =	simm.s32 @p1 $0x1;
	p0 =	seq.s32 s7, s2  }
0x1e: {  	s7 =	smul.u32 @!p0 $0xF7A, s2;
	p2 =	seq.s32 @!p0 s5, $0x0  }
0x1f: {  	s9 =	smul.u32 $0xF7A, s1;
	s8 =	simm.s32 @!p0 $0x1BF5;
	p2 =	por !p2, p0  }
0x20: {  	[sflag:s8] =	ssyncset.s32 @!p0 $0xFFFFF086;
	s6 =	sadd.s32 @!p0 s3, s7;
	s7 =	simm.s32 @!p0 $0x108  }
0x21: {  	s3 =	sadd.s32 s3, s9;
	s6 =	sadd.s32 @!p0 $0x88, s6;
	s7 =	simm.s32 @p2 $0x1082  }
0x22: {  	[simem:s7], [sflag:s8] =	dma.local @!p0 [hbm:s6], $0xF7A  }
0x23: {  	s9 =	sor.u32 $0xD0000000, s2;
	s6 =	simm.s32 $0x108;
	_ =	swait.ge @!p0 [sflag:s8], $0x0  }
0x24: {  	s3 =	sadd.s32 $0x88, s3;
	s6 =	simm.s32 @!p1 $0x1082;
	[sflag:s4] =	ssyncset.s32 $0xFFFFF086  }
0x25: {  	[simem:s6], [sflag:s4] =	dma.local [hbm:s3], $0xF7A  }
0x26: {  	[smem:$0x3F9D] =	sst s1;
	(tag) =	ssettag s2;
	_ =	strace s9  }
0x27: {  	s1 =	sld [smem:$0x3FAD]  }
0x28: {  	s2 =	sld [smem:$0x3FAE]  }
0x29: {  	s4 =	sld [smem:$0x3FB0]  }
0x2a: {  	p0 =	seq.s32 s5, $0x0;
	s5 =	sld [smem:$0x3FB1]  }
0x2b: {  	s6 =	sld [smem:$0x3FB2]  }
0x2c: {  	s7 =	sld [smem:$0x3FB3]  }
0x2d: {  	s3 =	simm.s32 $0x108;
	s8 =	sld [smem:$0x3FB4]  }
0x2e: {  	s3 =	simm.s32 @!p0 $0x1082;
	s9 =	sld [smem:$0x3FB5]  }
0x2f: {  	lr =	sadd.s32 s0, s3;
	s0 =	sld [smem:$0x3FAC]  }
0x30: {  	s3 =	sld [smem:$0x3FAF]  }
0x31: {  	[smem:$0x3FB8] =	sst s10  }
0x32: {  	s10 =	sld [smem:$0x3FB6];
	_ =	sdelay $0x3  }
0x33: {  	p0 =	seq.s32 s10, $0x1;
	s10 =	sld [smem:$0x3FB8];
	_ =	sdelay $0x3  }
0x34: {  	[smem:$0x3FB8] =	sst s10  }
0x35: {  	s10 =	sld [smem:$0x3FB7];
	_ =	sdelay $0x3  }
0x36: {  	p1 =	seq.s32 s10, $0x1;
	s10 =	sld [smem:$0x3FB8];
	_ =	sdelay $0x3  }
0x37: {  	[smem:$0x3FB8] =	sst s10  }
0x38: {  	s10 =	sld [smem:$0x3FB9]  }
0x39: {  	_ = 	snop;
	(pc) =	sbr.ind lr, $3  }
0x3a: {  	_ = 	snop  }
0x3b: {  	_ = 	snop  }
0x3c: {  	p2 =	seq.s32 s10, $0x1;
	s10 =	sld [smem:$0x3FB8]  }
0x3d: {  	_ =	shalt  }
0x3e: {  	_ =	shalt  }
0x3f: {  	_ =	shalt  }
0x40: {  	_ =	shalt  }
0x41: {  	_ =	shalt  }
0x42: {  	_ =	shalt  }
0x43: {  	_ =	shalt  }
0x44: {  	_ =	shalt  }
0x45: {  	_ =	shalt  }
0x46: {  	_ =	shalt  }
0x47: {  	_ =	shalt  }
0x48: {  	_ =	shalt  }
0x49: {  	_ =	shalt  }
0x4a: {  	_ =	shalt  }
0x4b: {  	_ =	shalt  }
0x4c: {  	_ =	shalt  }
0x4d: {  	_ =	shalt  }
0x4e: {  	_ =	shalt  }
0x4f: {  	_ =	shalt  }
0x50: {  	_ =	shalt  }
0x51: {  	_ =	shalt  }
0x52: {  	_ =	shalt  }
0x53: {  	_ =	shalt  }
0x54: {  	_ =	shalt  }
0x55: {  	_ =	shalt  }
0x56: {  	_ =	shalt  }
0x57: {  	_ =	shalt  }
0x58: {  	_ =	shalt  }
0x59: {  	_ =	shalt  }
0x5a: {  	_ =	shalt  }
0x5b: {  	_ =	shalt  }
0x5c: {  	_ =	shalt  }
0x5d: {  	_ =	shalt  }
0x5e: {  	_ =	shalt  }
0x5f: {  	_ =	shalt  }
0x60: {  	_ =	shalt  }
0x61: {  	_ =	shalt  }
0x62: {  	_ =	shalt  }
0x63: {  	_ =	shalt  }
0x64: {  	_ =	shalt  }
0x65: {  	_ =	shalt  }
0x66: {  	_ =	shalt  }
0x67: {  	_ =	shalt  }
0x68: {  	_ =	shalt  }
0x69: {  	_ =	shalt  }
0x6a: {  	_ =	shalt  }
0x6b: {  	_ =	shalt  }
0x6c: {  	_ =	shalt  }
0x6d: {  	_ =	shalt  }
0x6e: {  	_ =	shalt  }
0x6f: {  	_ =	shalt  }
0x70: {  	_ =	shalt  }
0x71: {  	_ =	shalt  }
0x72: {  	_ =	shalt  }
0x73: {  	_ =	shalt  }
0x74: {  	_ =	shalt  }
0x75: {  	_ =	shalt  }
0x76: {  	_ =	shalt  }
0x77: {  	_ =	shalt  }
0x78: {  	_ =	shalt  }
0x79: {  	_ =	shalt  }
0x7a: {  	_ =	shalt  }
0x7b: {  	_ =	shalt  }
0x7c: {  	_ =	shalt  }
0x7d: {  	_ =	shalt  }
0x7e: {  	_ =	shalt  }
0x7f: {  	_ =	shalt  }
0x80: {  	_ =	shalt  }
0x81: {  	_ =	shalt  }
0x82: {  	_ =	shalt  }
0x83: {  	_ =	shalt  }
0x84: {  	_ =	shalt  }
0x85: {  	_ =	shalt  }
0x86: {  	_ =	shalt  }
0x87: {  	_ =	shalt  }
.Lfunc_end0:
.L_simem_size_0:
called_computation_lowered:
.L_overlay_start_0:
0x88: {  	s2 =	sld [smem:$0x3FD9]  }
0x89: {  	s3 =	sld [smem:$0x3FFE];
	_ =	sdelay $0x1  }
0x8a: {  	s1 =	srdreg.scid  }
0x8b: {  	s0 =	sand.u32 $0x1, s1  }
0x8c: {  	s17 =	sshll.u32 s0, $0xA;
	s2 =	sadd.s32 s3, s2  }
0x8d: {  	s2 =	sadd.s32 s2, s17  }
0x8e: {  	[smem:$0x3FC4] =	sst s2  }
0x8f: {  	_ = 	snop  }
0x90: {  	s2 =	sld [smem:$0x3FD0];
	(tm) =	ssettm $0x1  }
0x91: {  	s18 =	sld [smem:$0x3FFB];
	_ =	sdelay $0x3  }
0x92: {  	_ =	strace s18  }
0x93: {  	s3 =	sld [smem:$0x3FFC];
	_ =	sdelay $0x3  }
0x94: {  	_ =	strace s3  }
0x95: {  	s3 =	sld [smem:$0x3FFD];
	_ =	sdelay $0x3  }
0x96: {  	_ =	strace s3  }
0x97: {  	_ =	strace $0x8FFFFFFF  }
0x98: {  	s19 =	sld [smem:$0x3FDB];
	_ =	sdelay $0x1  }
0x99: {  	s4 =	simm.s32 $_scs_section_size  }
0x9a: {  	s5 =	simm.s32 $_size__tile_overlayer_lowered;
	s6 =	simm.s32 $_tile_overlayer_lowered  }
0x9b: {  	s22 =	simm.s32 $0x1BFF;
	s21 =	sshll.u32 s6, $0x1;
	s3 =	sadd.s32 s4, s19  }
0x9c: {  	s7 =	simm.s32 $0x0;
	s20 =	sshll.u32 s5, $0x1;
	s5 =	sadd.s32 s21, s3  }
0x9d: {  	[timem:s7], [sflag:s22] =	dma.local [hbm:s5], s20  }
0x9e: {  	_ =	swait.ge [sflag:s22], s20  }
0x9f: {  	s4 =	ssub.s32 $0x0, s20;
	[sflag:s22] =	ssyncset.done $0x0  }
0xa0: {  	[sflag:s22] =	ssyncadd.s32 s4;
	_ =	sdelay $0x1  }
0xa1: {  	s23 =	simm.s32 $0x1B8B  }
0xa2: {  	_ =	swait.ge [sflag:s23], $0x1  }
0xa3: {  	[sflag:s23] =	ssyncset.done $0x0  }
0xa4: {  	s25 =	simm.s32 $0x1B8E;
	s24 =	sld [smem:$0x3FFE];
	[sflag:s23] =	ssyncadd.s32 $0xFFFFFFFF  }
0xa5: {  	s26 =	simm.s32 $execute0_lowered;
	[smem:$0x3FD2] =	sst s25  }
0xa6: {  	s5 =	sshll.u32 s26, $0x1;
	_ =	strace $0x80000046;
	[dreg:$0x1] =	wrdreg $0xFFFFFFFF  }
0xa7: {  	s28 =	simm.s32 $_size_execute0_lowered;
	s3 =	sadd.s32 s3, s5;
	[dreg:$0x0] =	wrdreg $0x0  }
0xa8: {  	s5 =	sshll.u32 s28, $0x1;
	[dreg:$0x2] =	wrdreg s3  }
0xa9: {  	[dreg:$0x3] =	wrdreg s5  }
0xaa: {  	[dreg:$0x4] =	wrdreg $0xC0  }
0xab: {  	_ =	task [dreg:s7], $0x5FFFF  }
0xac: {  	[dreg:$0x1] =	wrdreg $0xFFFFFFFF  }
0xad: {  	[dreg:$0x0] =	wrdreg $0x60  }
0xae: {  	[dreg:$0x2] =	wrdreg s2  }
0xaf: {  	[dreg:$0x3] =	wrdreg s24  }
0xb0: {  	[dreg:$0x4] =	wrdreg $0x53000  }
0xb1: {  	[dreg:$0x5] =	wrdreg $0x9  }
0xb2: {  	_ =	task.clear_ibuf [dreg:s7], $0x6FFFF;
	_ =	strace $0x90000046  }
0xb3: {  	s29 =	simm.s32 $0x9;
	_ =	strace $0x80000048  }
0xb4: {  	_ =	swait.ge [sflag:s29], $0x1  }
0xb5: {  	[sflag:s29] =	ssyncadd.s32 $0xFFFFFFFF  }
0xb6: {  	_ =	strace $0x90000048  }
0xb7: {  	_ =	sfence  }
0xb8: {  	s30 =	sld [smem:$0x0];
	_ =	sdelay $0x2  }
0xb9: {  	s31 =	sshll.u32 s1, $0xD;
	s1 =	sshrl.u32 s1, $0x2  }
0xba: {  	s3 =	sand.u32 $0x4000, s31;
	s1 =	sadd.s32 s1, s30  }
0xbb: {  	s0 =	sor.u32 s3, s0;
	s1 =	sshll.u32 s1, $0x11  }
0xbc: {  	s0 =	sor.u32 s1, s0  }
0xbd: {  	s0 =	sadd.s32 $0x8F2B, s0  }
0xbe: {  	[sflag:s0] =	ssyncadd.remote.s32 $0x1  }
0xbf: {  	_ =	sfence.sel $0xFFFF  }
0xc0: {  	[dreg:$0x0] =	wrdreg $0xFFFFFFFF;
	(pc) =	sbr.abs _section_cstart, $3  }
0xc1: {  	[dreg:$0x1] =	wrdreg $0xFFFFFFFF  }
0xc2: {  	_ =	task.clear_ibuf [dreg:s7], $0x2FFFF;
	_ =	strace $0x9FFFFFFF  }
0xc3: {  	(tm) =	ssettm $0x7FFFFFFF  }
tec
execute0_lowered:
.L_overlay_start_1:
0x0: {  	(tag) =	ssettag $0x1  }
0x1: {  	s6 =	rddreg [dreg:$0x0]  }
0x2: {  	s5 =	rddreg [dreg:$0x1]  }
0x3: {  	s2 =	rddreg [dreg:$0x2]  }
0x4: {  	s0 =	rddreg [dreg:$0x3];
	s1 =	stileid.u32  }
0x5: {  	s3 =	simm.s32 $0x0;
	s4 =	srdreg.scid;
	s13 =	simm.s32 $0x80  }
0x6: {  	s14 =	simm.s32 $0x5000;
	s7 =	smul.u32 $0xA00, s1;
	[smem:$0x7FF] =	sst s3  }
0x7: {  	s8 =	sand.u32 $0x1, s4;
	s4 =	sadd.s32 $0xD200, s5;
	s12 =	smul.u32 $0x280, s1  }
0x8: {  	s15 =	sshll.u32 s1, $0x6;
	_ =	strace $0x80000047;
	s10 =	ssub.s32 $0x2, s8  }
.Ltmp0:
0x9: {  	p0 =	seq.s32 s8, $0x1;
	s15 =	sor.u32 $0x1C01, s15;
	(pc) =	sbr.rel .LBB2_1-.Ltmp0, $4  }
0xa: {  	s9 =	sadd.s32 s7, s5;
	s11 =	sshrl.u32 s10, $0x1;
	s5 =	sadd.s32 $0xD800, s5  }
0xb: {  	s6 =	sadd.s32 s6, s7;
	s7 =	sadd.s32 s12, s2;
	s8 =	sshrl.u32 s12, $0x3  }
0xc: {  	s12 =	simm.s32 $0x5080;
	s10 =	ssub.s32 s10, s11;
	s9 =	sadd.s32 $0x3200, s9  }
0xd: {  	v0 =	vimm.f32 $1.000000000e+00;
	v1 =	vimm.f32 $0.0e+00;
	s11 =	simm.s32 $0x1;
	s16 =	sshrl.u32 s7, $0x3;
	s10 =	smax.u32 s10, $0x1  }
.LBB2_7:
0xe: {  	[sflag:s11] =	ssyncadd.s32 $0xFFFFFF80;
	s17 =	smov.u32 s5  }
.LBB2_8:
0xf: {  	s3 =	sadd.s32 $0x1, s3  }
0x10: {  	p1 =	sne.s32 s3, s10  }
.Ltmp1:
0x11: {  	s17 =	sadd.s32 s17, s8;
	[bflag:$0x0] =	sbarrier.arrive $0xFFFF;
	(pc) =	sbr.rel @!p1 .LBB2_9-.Ltmp1, $4  }
0x12: {  	[hbm:s17], [sflag:s15] =	dma.local [spmem:s16], $0x50  }
0x13: {  	_ =	swait.ge [sflag:s11], $0x50  }
0x14: {  	[sflag:s11] =	ssyncset.done $0x0  }
0x15: {  	[sflag:s11] =	ssyncadd.s32 $0xFFFFFFB0  }
.LBB2_1:
0x16: {  	[tilespmem:$0x5000] =	vst v0  }
0x17: {  	[tilespmem:$0x5010] =	vst v0  }
0x18: {  	[tilespmem:$0x5020] =	vst v0  }
0x19: {  	[tilespmem:$0x5030] =	vst v0  }
0x1a: {  	[tilespmem:$0x5040] =	vst v0  }
0x1b: {  	[tilespmem:$0x5050] =	vst v0  }
0x1c: {  	[tilespmem:$0x5060] =	vst v0  }
0x1d: {  	[tilespmem:$0x5070] =	vst v0  }
0x1e: {  	[tilespmem:$0x5080] =	vst v1  }
0x1f: {  	[tilespmem:$0x5090] =	vst v1  }
0x20: {  	[tilespmem:$0x50A0] =	vst v1  }
0x21: {  	[tilespmem:$0x50B0] =	vst v1  }
0x22: {  	[tilespmem:$0x50C0] =	vst v1  }
0x23: {  	[tilespmem:$0x50D0] =	vst v1  }
0x24: {  	[tilespmem:$0x50E0] =	vst v1  }
0x25: {  	[tilespmem:$0x50F0] =	vst v1  }
0x26: {  	[tilespmem:$0x5100] =	vst v1  }
0x27: {  	[tilespmem:$0x5110] =	vst v1  }
0x28: {  	[tilespmem:$0x5120] =	vst v1  }
0x29: {  	[tilespmem:$0x5130] =	vst v1  }
0x2a: {  	[tilespmem:$0x5140] =	vst v1  }
0x2b: {  	[tilespmem:$0x5150] =	vst v1  }
0x2c: {  	[tilespmem:$0x5160] =	vst v1  }
0x2d: {  	[tilespmem:$0x5170] =	vst v1  }
0x2e: {  	[tilespmem:$0x5180] =	vst v1  }
0x2f: {  	[tilespmem:$0x5190] =	vst v1  }
0x30: {  	[tilespmem:$0x51A0] =	vst v1  }
0x31: {  	[tilespmem:$0x51B0] =	vst v1  }
0x32: {  	[tilespmem:$0x51C0] =	vst v1  }
0x33: {  	[tilespmem:$0x51D0] =	vst v1  }
0x34: {  	[tilespmem:$0x51E0] =	vst v1  }
0x35: {  	[tilespmem:$0x51F0] =	vst v1  }
0x36: {  	[tilespmem:$0x5200] =	vst v1  }
0x37: {  	[tilespmem:$0x5210] =	vst v1  }
0x38: {  	[tilespmem:$0x5220] =	vst v1  }
0x39: {  	[tilespmem:$0x5230] =	vst v1  }
0x3a: {  	[tilespmem:$0x5240] =	vst v1  }
0x3b: {  	[tilespmem:$0x5250] =	vst v1  }
0x3c: {  	[tilespmem:$0x5260] =	vst v1  }
0x3d: {  	[tilespmem:$0x5270] =	vst v1  }
0x3e: {  	[tilespmem:$0x5280] =	vst v1  }
0x3f: {  	[tilespmem:$0x5290] =	vst v1  }
0x40: {  	[tilespmem:$0x52A0] =	vst v1  }
.Ltmp2:
0x41: {  	[tilespmem:$0x52B0] =	vst v1;
	(pc) =	sbr.rel @!p0 .LBB2_2-.Ltmp2, $4  }
0x42: {  	[tilespmem:$0x52C0] =	vst v1  }
0x43: {  	[tilespmem:$0x52D0] =	vst v1  }
0x44: {  	[tilespmem:$0x52E0] =	vst v1  }
0x45: {  	[tilespmem:$0x52F0] =	vst v1;
	s17 =	simm.s32 $0x0  }
0x46: {  	[tilespmem:s17], [sflag:$0x1] =	stream.linear.gather [hbm4b:s9+s17], $0x5000, $0x38;
	[tilespmem:$0x5580] =	vst v63  }
0x47: {  	_ =	swait.ge [sflag:s11], $0x5000  }
0x48: {  	[sflag:s11] =	ssyncset.done $0x0  }
0x49: {  	[sflag:s11] =	ssyncadd.s32 $0xFFFFB000  }
0x4a: {  	[spmem:s7] =	stream.linear.scatter [tilespmem:s12], [sflag:$0x1], $0x280, $0x38;
	[tilespmem:$0x5580] =	vst v63  }
0x4b: {  	_ =	swait.ge [sflag:s11], $0x280  }
0x4c: {  	[sflag:s11] =	ssyncset.done $0x0  }
0x4d: {  	[sflag:s11] =	ssyncadd.s32 $0xFFFFFD80  }
0x4e: {  	s31 =	simm.s32 $0x0;
	[bflag:$0x0] =	sbarrier.arrive $0xFFFF  }
0x4f: {  	[spmem:s2] =	stream.indirect.scatter.add.f32 [tilespmem:s14], [sflag:$0x1], $0x1, s31, s13, $0xb8;
	[tilespmem:$0x5580] =	vst v63  }
0x50: {  	_ =	swait.ge [sflag:s11], $0x80  }
0x51: {  	s17 =	simm.s32 $0x200;
	[sflag:s11] =	ssyncset.done $0x0  }
.LBB2_6:
0x52: {  	s18 =	sshra.s32 s17, $0x2;
	[sflag:s11] =	ssyncadd.s32 $0xFFFFFF80;
	p1 =	sne.s32 s17, $0x13E00  }
0x53: {  	[spmem:s2] =	stream.indirect.scatter.add.f32 [tilespmem:s14], [sflag:$0x1], $0x1, s18, s13, $0xb8;
	[tilespmem:$0x5580] =	vst v63  }
.Ltmp3:
0x54: {  	_ = 	snop;
	(pc) =	sbr.rel @p1 .LBB2_6-.Ltmp3, $4  }
0x55: {  	_ = 	snop  }
0x56: {  	s17 =	sadd.s32 $0x200, s17  }
0x57: {  	_ =	swait.ge [sflag:s11], $0x80  }
0x58: {  	[sflag:s11] =	ssyncset.done $0x0  }
.Ltmp4:
0x59: {  	_ = 	snop;
	(pc) =	sbr.rel .LBB2_7-.Ltmp4, $1  }
0x5a: {  	_ =	sdelay $0x3  }
.LBB2_2:
0x5b: {  	[tilespmem:s17], [sflag:$0x1] =	stream.linear.gather [hbm4b:s6+s17], $0x5000, $0x38;
	[tilespmem:$0x5580] =	vst v63  }
0x5c: {  	_ =	swait.ge [sflag:s11], $0x5000  }
0x5d: {  	[sflag:s11] =	ssyncset.done $0x0  }
0x5e: {  	[sflag:s11] =	ssyncadd.s32 $0xFFFFB000  }
0x5f: {  	[spmem:s7] =	stream.linear.scatter [tilespmem:s12], [sflag:$0x1], $0x280, $0x38;
	[tilespmem:$0x5580] =	vst v63  }
0x60: {  	_ =	swait.ge [sflag:s11], $0x280  }
0x61: {  	[sflag:s11] =	ssyncset.done $0x0  }
0x62: {  	[sflag:s11] =	ssyncadd.s32 $0xFFFFFD80  }
0x63: {  	s31 =	simm.s32 $0x0;
	[bflag:$0x0] =	sbarrier.arrive $0xFFFF  }
0x64: {  	[spmem:s2] =	stream.indirect.scatter.add.f32 [tilespmem:s14], [sflag:$0x1], $0x1, s31, s13, $0xb8;
	[tilespmem:$0x5580] =	vst v63  }
0x65: {  	_ =	swait.ge [sflag:s11], $0x80  }
0x66: {  	s17 =	simm.s32 $0x200;
	[sflag:s11] =	ssyncset.done $0x0  }
.LBB2_3:
0x67: {  	s18 =	sshra.s32 s17, $0x2;
	[sflag:s11] =	ssyncadd.s32 $0xFFFFFF80;
	p1 =	seq.s32 s17, $0x13E00  }
0x68: {  	[spmem:s2] =	stream.indirect.scatter.add.f32 [tilespmem:s14], [sflag:$0x1], $0x1, s18, s13, $0xb8;
	[tilespmem:$0x5580] =	vst v63  }
.Ltmp5:
0x69: {  	_ = 	snop;
	(pc) =	sbr.rel @!p1 .LBB2_3-.Ltmp5, $4  }
0x6a: {  	_ = 	snop  }
0x6b: {  	s17 =	sadd.s32 $0x200, s17  }
0x6c: {  	_ =	swait.ge [sflag:s11], $0x80  }
0x6d: {  	[sflag:s11] =	ssyncset.done $0x0  }
.Ltmp6:
0x6e: {  	(pc) =	sbr.rel .LBB2_8-.Ltmp6, $2  }
0x6f: {  	_ =	sdelay $0x2  }
0x70: {  	[sflag:s11] =	ssyncadd.s32 $0xFFFFFF80;
	s17 =	smov.u32 s4  }
.LBB2_9:
0x71: {  	_ =	sfence.sel $0x180000  }
0x72: {  	[bflag:$0x0] =	sbarrier.arrive $0xFFFF  }
0x73: {  	p0 =	sne.s32 s1, $0x0;
	_ =	strace $0x90000047  }
0x74: {  	s0 =	sadd.s32 @!p0 $0x100000, s0;
	[bflag:$0x2] =	sbarrier.arrive $0xFFFF  }
0x75: {  	[sflag:s0] =	ssyncadd.tile.s32 @!p0 $0x1;
	_ =	shalt  }
.Lfunc_end2:
_tile_overlayer_lowered:
.L_overlay_start_2:
0x76: {  	(tag) =	ssettag $0x2  }
0x77: {  	s0 =	rddreg [dreg:$0x0];
	s2 =	stileid.u32  }
0x78: {  	s1 =	rddreg [dreg:$0x1];
	p0 =	sne.s32 s2, $0x0  }
0x79: {  	s3 =	rddreg [dreg:$0x2];
	[bflag:$0x3] =	sbarrier.arrive $0xFFFF;
	s2 =	simm.s32 @!p0 $0x1C01  }
0x7a: {  	[timem:s3], [sflag:s2] =	dma.local @!p0 [hbm:s0], s1  }
0x7b: {  	s0 =	simm.s32 @!p0 $0x1  }
0x7c: {  	_ =	swait.ge @!p0 [sflag:s0], s1  }
0x7d: {  	s1 =	ssub.s32 @!p0 $0x0, s1;
	[sflag:s0] =	ssyncset.done @!p0 $0x0  }
0x7e: {  	[sflag:s0] =	ssyncadd.s32 @!p0 s1  }
0x7f: {  	[bflag:$0x3] =	sbarrier.arrive $0xFFFF  }
0x80: {  	_ =	shalt  }

</sc_bundles>
